<compile_context>
chip_gen: v7x
topology: tpu7x:2x2x1
jax: 0.10.2.dev20260603
libtpu: 0.0.44.dev20260713+nightly
codegen_flags: <defaults>
</compile_context>

<pallas_src>
import functools

import jax
import jax.numpy as jnp
from jax import lax
from jax.experimental import pallas as pl
from jax.experimental.pallas import tpu as pltpu
from jax.experimental.pallas import tpu_sc as plsc

NC = 2
NS = 16
L = 16
NW = NC * NS
NBG = 8
NTG = 4


def _make_sc_kernel(batch, maxlen, embed_dim):
    assert batch % (NBG * 128) == 0 and maxlen % NTG == 0
    bspan = batch // NBG
    btiles = bspan // 128
    tspan = maxlen // NTG
    dt = embed_dim // 8
    assert tspan % 2 == 0 and tspan >= 4

    mesh = plsc.VectorSubcoreMesh(core_axis_name="c", subcore_axis_name="s")

    @functools.partial(
        pl.kernel,
        out_type=jax.ShapeDtypeStruct((maxlen, dt, batch // 128, 8, 128),
                                      jnp.float32),
        mesh=mesh,
        scratch_types=[
            pltpu.VMEM((tspan, bspan), jnp.int32),
            [pltpu.VMEM((bspan + 8, embed_dim), jnp.float32)
             for _ in range(2)],
            [pltpu.VMEM((btiles, dt, 8, 129), jnp.float32)
             for _ in range(2)],
            pltpu.VMEM((tspan, embed_dim), jnp.float32),
            [pltpu.SemaphoreType.DMA for _ in range(2)],
            [pltpu.SemaphoreType.DMA for _ in range(2)],
        ],
        compiler_params=pltpu.CompilerParams(use_tc_tiling_on_sc=False,
                                             needs_layout_passes=False),
    )
    def k(xt_hbm, tok_hbm, pos_hbm, out_hbm, xt_v, rows, obuf, pos_v,
          semg, sems):
        wid = lax.axis_index("s") * NC + lax.axis_index("c")
        bg = wid % NBG
        tg = wid // NBG
        b0 = bg * bspan
        bt0 = bg * btiles
        t0 = tg * tspan

        pltpu.sync_copy(xt_hbm.at[pl.ds(t0, tspan), pl.ds(b0, bspan)], xt_v)
        pltpu.sync_copy(pos_hbm.at[pl.ds(t0, tspan)], pos_v)

        ii = lax.iota(jnp.int32, 16)
        cdt = [jnp.full((16,), 2 * h, jnp.int32)
               + jnp.where(ii >= 8, 1, 0).astype(jnp.int32)
               for h in range(dt // 2)]
        cds = ii % 8
        zz = jnp.zeros((16,), jnp.int32)

        def issue_gather(t, rb):
            pltpu.async_copy(tok_hbm.at[xt_v.at[t]],
                             rows[rb].at[pl.ds(0, bspan)], semg[rb])

        def wait_gather(t, rb):
            pltpu.make_async_copy(
                tok_hbm.at[xt_v.at[t]],
                rows[rb].at[pl.ds(0, bspan)], semg[rb]).wait()

        def issue_stores(t, ob):
            for d in range(dt):
                pltpu.async_copy(
                    obuf[ob].at[:, d, :, pl.ds(0, 128)],
                    out_hbm.at[t0 + t, d, pl.ds(bt0, btiles)],
                    sems[ob])

        def wait_stores(t, ob):
            for d in range(dt):
                pltpu.make_async_copy(
                    obuf[ob].at[:, d, :, pl.ds(0, 128)],
                    out_hbm.at[t0 + t, d, pl.ds(bt0, btiles)],
                    sems[ob]).wait()

        def compute(t, rb, ob):
            rv = rows[rb]
            ov = obuf[ob]
            nh = dt // 2
            pvs = [pos_v[t, pl.ds(16 * h, 16)] for h in range(nh)]
            for bt in range(btiles):
                sbt = jnp.full((16,), bt, jnp.int32)
                c0 = [rv[bt * 128, pl.ds(16 * h, 16)] for h in range(nh)]

                @pl.loop(0, 128, init_carry=(zz, *c0), unroll=8)
                def _v_loop(v, carry, rv=rv, ov=ov, bt=bt, sbt=sbt):
                    vb = carry[0]
                    rr = carry[1:]
                    for h in range(nh):
                        plsc.store_scatter(
                            ov, [sbt, cdt[h], cds, vb], rr[h] + pvs[h])
                    bn = bt * 128 + v + 1
                    nr = tuple(rv[bn, pl.ds(16 * h, 16)] for h in range(nh))
                    return (vb + 1, *nr)

        issue_gather(0, 0)

        @pl.loop(0, tspan, step=2)
        def _t_loop(tc):
            for j in range(2):
                t = tc + j

                @pl.when(t + 1 < tspan)
                def _(t=t, j=j):
                    issue_gather(t + 1, 1 - j)

                wait_gather(t, j)

                @pl.when(t >= 2)
                def _(t=t, j=j):
                    wait_stores(t - 2, j)

                compute(t, j, j)
                issue_stores(t, j)

        wait_stores(tspan - 2, 0)
        wait_stores(tspan - 1, 1)

    return k


def kernel(x, token_table, pos_table):
    batch, maxlen = x.shape
    vocab, embed_dim = token_table.shape
    xt = jnp.transpose(x.astype(jnp.int32))
    k = _make_sc_kernel(batch, maxlen, embed_dim)
    op5 = k(xt, token_table, pos_table)
    out = jnp.transpose(op5, (2, 4, 0, 1, 3)).reshape(batch, maxlen, embed_dim)
    return out

# --- scband reference (transcript-rebuilt; emitter-appended) ---
"""Pipeline reference for scband-token-and-position-embedding-76527727280311 (READ-ONLY COPY).

The authoritative reference and input builder live on the scoring server;
editing this copy changes nothing except your own understanding.
"""

import jax, jax.numpy as jnp
import numpy as np

MAXLEN = 200
VOCAB_SIZE = 100000
EMBED_DIM = 32
BATCH = 4096

def setup_inputs(seed: int = 0) -> dict:
    key = jax.random.key(seed)
    k1, k2, k3 = jax.random.split(key, 3)
    x = jax.random.randint(k1, (BATCH, MAXLEN), 0, VOCAB_SIZE, dtype=jnp.int64 if jax.config.jax_enable_x64 else jnp.int32)
    token_table = jax.random.normal(k2, (VOCAB_SIZE, EMBED_DIM), dtype=jnp.float32) * 0.05
    pos_table = jax.random.normal(k3, (MAXLEN, EMBED_DIM), dtype=jnp.float32) * 0.05
    return {"x": x, "token_table": token_table, "pos_table": pos_table}

def reference(x, token_table, pos_table):
    maxlen = x.shape[-1]
    positions = jnp.arange(0, maxlen)
    pos_emb = jnp.take(pos_table, positions, axis=0)  # [maxlen, embed_dim]
    tok_emb = jnp.take(token_table, x, axis=0)        # [B, maxlen, embed_dim]
    return tok_emb + pos_emb

if __name__ == "__main__":
    import jax
    _d = setup_inputs()
    print(jax.jit(kernel)(*tuple(_d.values())))

</pallas_src>

<mosaic_0001>
#map = affine_map<(d0, d1) -> (0, 0)>
#map1 = affine_map<(d0, d1) -> (0, 0, 0, 0, 0)>
module attributes {stable_mosaic.version = 14 : i64} {
  func.func @k(%arg0: i32, %arg1: i32, %arg2: memref<200x4096xi32, #tpu.memory_space<hbm>>, %arg3: memref<100000x32xf32, #tpu.memory_space<hbm>>, %arg4: memref<200x32xf32, #tpu.memory_space<hbm>>, %arg5: memref<200x4x32x8x128xf32, #tpu.memory_space<hbm>>, %arg6: memref<50x512xi32, #tpu.memory_space<vmem>>, %arg7: memref<520x32xf32, #tpu.memory_space<vmem>>, %arg8: memref<520x32xf32, #tpu.memory_space<vmem>>, %arg9: memref<4x4x8x129xf32, #tpu.memory_space<vmem>>, %arg10: memref<4x4x8x129xf32, #tpu.memory_space<vmem>>, %arg11: memref<50x32xf32, #tpu.memory_space<vmem>>, %arg12: memref<!tpu.dma_semaphore, #tpu.memory_space<semaphore_mem>>, %arg13: memref<!tpu.dma_semaphore, #tpu.memory_space<semaphore_mem>>, %arg14: memref<!tpu.dma_semaphore, #tpu.memory_space<semaphore_mem>>, %arg15: memref<!tpu.dma_semaphore, #tpu.memory_space<semaphore_mem>>) attributes {dimension_semantics = [#tpu.dimension_semantics<core_parallel>, #tpu.dimension_semantics<subcore_parallel>], iteration_bounds = array<i64: 2, 16>, scalar_prefetch = 0 : i64, scratch_operands = 10 : i64, tpu.core_type = #tpu.core_type<sc_vector_subcore>, window_params = [{transform_indices = #map}, {transform_indices = #map}, {transform_indices = #map}, {transform_indices = #map1}]} {
    %mul3A = arith.constant 2 : i32
    %mul3A_0 = arith.muli %arg1, %mul3A : i32
    %add3A = arith.addi %mul3A_0, %arg0 : i32
    %jit3A = arith.constant 8 : i32
    %eq3A = arith.constant 0 : i32
    %eq3A_1 = arith.cmpi eq, %jit3A, %eq3A : i32
    %jit3A_2 = arith.constant 1 : i32
    %select_n3A = arith.select %eq3A_1, %jit3A_2, %jit3A : i32
    %rem3A = arith.remsi %add3A, %select_n3A : i32
    %ne3A = arith.constant 0 : i32
    %ne3A_3 = arith.cmpi ne, %rem3A, %ne3A : i32
    %lt3A = arith.constant 0 : i32
    %lt3A_4 = arith.cmpi slt, %rem3A, %lt3A : i32
    %lt3A_5 = arith.constant 0 : i32
    %lt3A_6 = arith.cmpi slt, %select_n3A, %lt3A_5 : i32
    %ne3A_7 = arith.xori %lt3A_4, %lt3A_6 : i1
    %and3A = arith.andi %ne3A_7, %ne3A_3 : i1
    %add3A_8 = arith.addi %rem3A, %select_n3A : i32
    %select_n3A_9 = arith.select %and3A, %add3A_8, %rem3A : i32
    %jit3A_10 = arith.constant 8 : i32
    %div3A = arith.divsi %add3A, %jit3A_10 : i32
    %sign3A = arith.constant 0 : i32
    %sign3A_11 = arith.cmpi sgt, %add3A, %sign3A : i32
    %sign3A_12 = arith.extui %sign3A_11 : i1 to i32
    %sign3A_13 = arith.constant 0 : i32
    %sign3A_14 = arith.cmpi slt, %add3A, %sign3A_13 : i32
    %sign3A_15 = arith.extui %sign3A_14 : i1 to i32
    %sign3A_16 = arith.subi %sign3A_12, %sign3A_15 : i32
    %sign3A_17 = arith.constant 0 : i32
    %sign3A_18 = arith.cmpi sgt, %jit3A_10, %sign3A_17 : i32
    %sign3A_19 = arith.extui %sign3A_18 : i1 to i32
    %sign3A_20 = arith.constant 0 : i32
    %sign3A_21 = arith.cmpi slt, %jit3A_10, %sign3A_20 : i32
    %sign3A_22 = arith.extui %sign3A_21 : i1 to i32
    %sign3A_23 = arith.subi %sign3A_19, %sign3A_22 : i32
    %ne3A_24 = arith.cmpi ne, %sign3A_16, %sign3A_23 : i32
    %rem3A_25 = arith.remsi %add3A, %jit3A_10 : i32
    %ne3A_26 = arith.constant 0 : i32
    %ne3A_27 = arith.cmpi ne, %rem3A_25, %ne3A_26 : i32
    %and3A_28 = arith.andi %ne3A_24, %ne3A_27 : i1
    %sub3A = arith.constant 1 : i32
    %sub3A_29 = arith.subi %div3A, %sub3A : i32
    %select_n3A_30 = arith.select %and3A_28, %sub3A_29, %div3A : i32
    %mul3A_31 = arith.constant 512 : i32
    %mul3A_32 = arith.muli %select_n3A_9, %mul3A_31 : i32
    %mul3A_33 = arith.constant 4 : i32
    %mul3A_34 = arith.muli %select_n3A_9, %mul3A_33 : i32
    %mul3A_35 = arith.constant 50 : i32
    %mul3A_36 = arith.muli %select_n3A_30, %mul3A_35 : i32
    "tpu.region"() ({
      %run_scoped3A = tpu.sem_alloc : memref<!tpu.dma_semaphore, #tpu.memory_space<semaphore_mem>>
      %dma_start3A_269 = tpu.memref_slice %arg2[%mul3A_36, %mul3A_32] : memref<200x4096xi32, #tpu.memory_space<hbm>> -> memref<50x512xi32, #tpu.memory_space<hbm>>
      %dma_start3A_270 = tpu.memref_slice %arg2[%mul3A_36, %mul3A_32] : memref<200x4096xi32, #tpu.memory_space<hbm>> -> memref<50x512xi32, #tpu.memory_space<hbm>>
      tpu.enqueue_dma source(%dma_start3A_270 : memref<50x512xi32, #tpu.memory_space<hbm>>) target(%arg6 : memref<50x512xi32, #tpu.memory_space<vmem>>) target_semaphore(%run_scoped3A : memref<!tpu.dma_semaphore, #tpu.memory_space<semaphore_mem>>)
      %dma_wait3A_271 = tpu.memref_slice %arg2[%mul3A_36, %mul3A_32] : memref<200x4096xi32, #tpu.memory_space<hbm>> -> memref<50x512xi32, #tpu.memory_space<hbm>>
      %dma_wait3A_272 = tpu.memref_slice %arg2[%mul3A_36, %mul3A_32] : memref<200x4096xi32, #tpu.memory_space<hbm>> -> memref<50x512xi32, #tpu.memory_space<hbm>>
      tpu.wait_dma2 semaphore(%run_scoped3A : memref<!tpu.dma_semaphore, #tpu.memory_space<semaphore_mem>>) src(%dma_wait3A_272 : memref<50x512xi32, #tpu.memory_space<hbm>>) dst(%arg6 : memref<50x512xi32, #tpu.memory_space<vmem>>)
      tpu.yield
    }) : () -> ()
    "tpu.region"() ({
      %run_scoped3A = tpu.sem_alloc : memref<!tpu.dma_semaphore, #tpu.memory_space<semaphore_mem>>
      %dma_start3A_269 = arith.constant 0 : i32
      %dma_start3A_270 = tpu.memref_slice %arg4[%mul3A_36, %dma_start3A_269] : memref<200x32xf32, #tpu.memory_space<hbm>> -> memref<50x32xf32, #tpu.memory_space<hbm>>
      %dma_start3A_271 = arith.constant 0 : i32
      %dma_start3A_272 = tpu.memref_slice %arg4[%mul3A_36, %dma_start3A_271] : memref<200x32xf32, #tpu.memory_space<hbm>> -> memref<50x32xf32, #tpu.memory_space<hbm>>
      tpu.enqueue_dma source(%dma_start3A_272 : memref<50x32xf32, #tpu.memory_space<hbm>>) target(%arg11 : memref<50x32xf32, #tpu.memory_space<vmem>>) target_semaphore(%run_scoped3A : memref<!tpu.dma_semaphore, #tpu.memory_space<semaphore_mem>>)
      %dma_wait3A_273 = arith.constant 0 : i32
      %dma_wait3A_274 = tpu.memref_slice %arg4[%mul3A_36, %dma_wait3A_273] : memref<200x32xf32, #tpu.memory_space<hbm>> -> memref<50x32xf32, #tpu.memory_space<hbm>>
      %dma_wait3A_275 = arith.constant 0 : i32
      %dma_wait3A_276 = tpu.memref_slice %arg4[%mul3A_36, %dma_wait3A_275] : memref<200x32xf32, #tpu.memory_space<hbm>> -> memref<50x32xf32, #tpu.memory_space<hbm>>
      tpu.wait_dma2 semaphore(%run_scoped3A : memref<!tpu.dma_semaphore, #tpu.memory_space<semaphore_mem>>) src(%dma_wait3A_276 : memref<50x32xf32, #tpu.memory_space<hbm>>) dst(%arg11 : memref<50x32xf32, #tpu.memory_space<vmem>>)
      tpu.yield
    }) : () -> ()
    %iota3A = tpu.iota {dimensions = array<i32: 0>} : vector<16xi32>
    %broadcast_in_dim3A = arith.constant 0 : i32
    %broadcast_in_dim3A_37 = vector.broadcast %broadcast_in_dim3A : i32 to vector<16xi32>
    %ge3A = arith.constant 8 : i32
    %ge3A_38 = vector.broadcast %ge3A : i32 to vector<16xi32>
    %ge3A_39 = arith.cmpi sge, %iota3A, %ge3A_38 : vector<16xi32>
    %jit3A_40 = arith.constant 1 : i32
    %jit3A_41 = arith.constant 0 : i32
    %broadcast_in_dim3A_42 = vector.broadcast %jit3A_40 : i32 to vector<16xi32>
    %broadcast_in_dim3A_43 = vector.broadcast %jit3A_41 : i32 to vector<16xi32>
    %select_n3A_44 = arith.select %ge3A_39, %broadcast_in_dim3A_42, %broadcast_in_dim3A_43 : vector<16xi1>, vector<16xi32>
    %add3A_45 = arith.addi %broadcast_in_dim3A_37, %select_n3A_44 : vector<16xi32>
    %broadcast_in_dim3A_46 = arith.constant 2 : i32
    %broadcast_in_dim3A_47 = vector.broadcast %broadcast_in_dim3A_46 : i32 to vector<16xi32>
    %ge3A_48 = arith.constant 8 : i32
    %ge3A_49 = vector.broadcast %ge3A_48 : i32 to vector<16xi32>
    %ge3A_50 = arith.cmpi sge, %iota3A, %ge3A_49 : vector<16xi32>
    %jit3A_51 = arith.constant 1 : i32
    %jit3A_52 = arith.constant 0 : i32
    %broadcast_in_dim3A_53 = vector.broadcast %jit3A_51 : i32 to vector<16xi32>
    %broadcast_in_dim3A_54 = vector.broadcast %jit3A_52 : i32 to vector<16xi32>
    %select_n3A_55 = arith.select %ge3A_50, %broadcast_in_dim3A_53, %broadcast_in_dim3A_54 : vector<16xi1>, vector<16xi32>
    %add3A_56 = arith.addi %broadcast_in_dim3A_47, %select_n3A_55 : vector<16xi32>
    %jit3A_57 = arith.constant 8 : i32
    %eq3A_58 = arith.constant 0 : i32
    %eq3A_59 = arith.cmpi eq, %jit3A_57, %eq3A_58 : i32
    %jit3A_60 = arith.constant 1 : i32
    %select_n3A_61 = arith.select %eq3A_59, %jit3A_60, %jit3A_57 : i32
    %rem3A_62 = vector.broadcast %select_n3A_61 : i32 to vector<16xi32>
    %rem3A_63 = arith.remsi %iota3A, %rem3A_62 : vector<16xi32>
    %ne3A_64 = arith.constant 0 : i32
    %ne3A_65 = vector.broadcast %ne3A_64 : i32 to vector<16xi32>
    %ne3A_66 = arith.cmpi ne, %rem3A_63, %ne3A_65 : vector<16xi32>
    %lt3A_67 = arith.constant 0 : i32
    %lt3A_68 = vector.broadcast %lt3A_67 : i32 to vector<16xi32>
    %lt3A_69 = arith.cmpi slt, %rem3A_63, %lt3A_68 : vector<16xi32>
    %lt3A_70 = arith.constant 0 : i32
    %lt3A_71 = arith.cmpi slt, %select_n3A_61, %lt3A_70 : i32
    %ne3A_72 = vector.broadcast %lt3A_71 : i1 to vector<16xi1>
    %ne3A_73 = vector.broadcast %ne3A_72 : vector<16xi1> to vector<16xi1>
    %ne3A_74 = arith.xori %lt3A_69, %ne3A_73 : vector<16xi1>
    %and3A_75 = arith.andi %ne3A_74, %ne3A_66 : vector<16xi1>
    %add3A_76 = vector.broadcast %select_n3A_61 : i32 to vector<16xi32>
    %add3A_77 = arith.addi %rem3A_63, %add3A_76 : vector<16xi32>
    %select_n3A_78 = arith.select %and3A_75, %add3A_77, %rem3A_63 : vector<16xi1>, vector<16xi32>
    %broadcast_in_dim3A_79 = arith.constant 0 : i32
    %broadcast_in_dim3A_80 = vector.broadcast %broadcast_in_dim3A_79 : i32 to vector<16xi32>
    %dma_start3A = arith.constant 0 : i32
    %dma_start3A_81 = arith.constant 0 : i32
    %dma_start3A_82 = arith.constant 0 : i32
    %dma_start3A_83 = tpu.memref_slice %arg7[%dma_start3A_81, %dma_start3A_82] : memref<520x32xf32, #tpu.memory_space<vmem>> -> memref<512x32xf32, #tpu.memory_space<vmem>>
    %dma_start3A_84 = arith.constant 0 : i32
    %dma_start3A_85 = tpu.memref_slice %arg6[%dma_start3A, %dma_start3A_84] : memref<50x512xi32, #tpu.memory_space<vmem>> -> memref<1x512xi32, #tpu.memory_space<vmem>>
    %dma_start3A_86 = tpu.memref_squeeze %dma_start3A_85 : memref<1x512xi32, #tpu.memory_space<vmem>> -> memref<512xi32, #tpu.memory_space<vmem>>
    %dma_start3A_87 = arith.constant 0 : i32
    %dma_start3A_88 = arith.constant 0 : i32
    %dma_start3A_89 = tpu.memref_slice %arg3[%dma_start3A_87, %dma_start3A_88] : memref<100000x32xf32, #tpu.memory_space<hbm>> -> memref<100000x32xf32, #tpu.memory_space<hbm>>
    tpu.enqueue_indirect_dma source(%dma_start3A_89 : memref<100000x32xf32, #tpu.memory_space<hbm>>) target(%dma_start3A_83 : memref<512x32xf32, #tpu.memory_space<vmem>>) offsets(%dma_start3A_86 : memref<512xi32, #tpu.memory_space<vmem>>) semaphore(%arg12 : memref<!tpu.dma_semaphore, #tpu.memory_space<semaphore_mem>>)
    %scan3A = arith.constant 0 : i32
    %scan3A_90 = arith.constant 25 : i32
    %scan3A_91 = arith.addi %scan3A, %scan3A_90 : i32
    %scan3A_92 = arith.constant 1 : i32
    scf.for %scan3A_269 = %scan3A to %scan3A_91 step %scan3A_92  : i32 {
      %mul3A_270 = arith.constant 2 : i32
      %mul3A_271 = arith.muli %scan3A_269, %mul3A_270 : i32
      %add3A_272 = arith.constant 0 : i32
      %add3A_273 = arith.addi %add3A_272, %mul3A_271 : i32
      %add3A_274 = arith.constant 0 : i32
      %add3A_275 = arith.addi %add3A_273, %add3A_274 : i32
      %add3A_276 = arith.constant 1 : i32
      %add3A_277 = arith.addi %add3A_275, %add3A_276 : i32
      %lt3A_278 = arith.constant 50 : i32
      %lt3A_279 = arith.cmpi slt, %add3A_277, %lt3A_278 : i32
      %convert_element_type3A = arith.extui %lt3A_279 : i1 to i32
      %cond3A = arith.constant 0 : i32
      %cond3A_280 = arith.cmpi ne, %convert_element_type3A, %cond3A : i32
      scf.if %cond3A_280 {
        %add3A_625 = arith.constant 1 : i32
        %add3A_626 = arith.addi %add3A_275, %add3A_625 : i32
        %dma_start3A_627 = arith.constant 0 : i32
        %dma_start3A_628 = arith.constant 0 : i32
        %dma_start3A_629 = tpu.memref_slice %arg8[%dma_start3A_627, %dma_start3A_628] : memref<520x32xf32, #tpu.memory_space<vmem>> -> memref<512x32xf32, #tpu.memory_space<vmem>>
        %dma_start3A_630 = arith.constant 0 : i32
        %dma_start3A_631 = tpu.memref_slice %arg6[%add3A_626, %dma_start3A_630] : memref<50x512xi32, #tpu.memory_space<vmem>> -> memref<1x512xi32, #tpu.memory_space<vmem>>
        %dma_start3A_632 = tpu.memref_squeeze %dma_start3A_631 : memref<1x512xi32, #tpu.memory_space<vmem>> -> memref<512xi32, #tpu.memory_space<vmem>>
        %dma_start3A_633 = arith.constant 0 : i32
        %dma_start3A_634 = arith.constant 0 : i32
        %dma_start3A_635 = tpu.memref_slice %arg3[%dma_start3A_633, %dma_start3A_634] : memref<100000x32xf32, #tpu.memory_space<hbm>> -> memref<100000x32xf32, #tpu.memory_space<hbm>>
        tpu.enqueue_indirect_dma source(%dma_start3A_635 : memref<100000x32xf32, #tpu.memory_space<hbm>>) target(%dma_start3A_629 : memref<512x32xf32, #tpu.memory_space<vmem>>) offsets(%dma_start3A_632 : memref<512xi32, #tpu.memory_space<vmem>>) semaphore(%arg13 : memref<!tpu.dma_semaphore, #tpu.memory_space<semaphore_mem>>)
      } else {
      }
      %dma_wait3A_281 = arith.constant 0 : i32
      %dma_wait3A_282 = arith.constant 0 : i32
      %dma_wait3A_283 = tpu.memref_slice %arg7[%dma_wait3A_281, %dma_wait3A_282] : memref<520x32xf32, #tpu.memory_space<vmem>> -> memref<512x32xf32, #tpu.memory_space<vmem>>
      %dma_wait3A_284 = arith.constant 0 : i32
      %dma_wait3A_285 = tpu.memref_slice %arg6[%add3A_275, %dma_wait3A_284] : memref<50x512xi32, #tpu.memory_space<vmem>> -> memref<1x512xi32, #tpu.memory_space<vmem>>
      %dma_wait3A_286 = tpu.memref_squeeze %dma_wait3A_285 : memref<1x512xi32, #tpu.memory_space<vmem>> -> memref<512xi32, #tpu.memory_space<vmem>>
      %dma_wait3A_287 = arith.constant 0 : i32
      %dma_wait3A_288 = arith.constant 0 : i32
      %dma_wait3A_289 = tpu.memref_slice %arg3[%dma_wait3A_287, %dma_wait3A_288] : memref<100000x32xf32, #tpu.memory_space<hbm>> -> memref<100000x32xf32, #tpu.memory_space<hbm>>
      tpu.wait_indirect_dma semaphore(%arg12 : memref<!tpu.dma_semaphore, #tpu.memory_space<semaphore_mem>>) src(%dma_wait3A_289 : memref<100000x32xf32, #tpu.memory_space<hbm>>) dst(%dma_wait3A_283 : memref<512x32xf32, #tpu.memory_space<vmem>>)
      %ge3A_290 = arith.constant 2 : i32
      %ge3A_291 = arith.cmpi sge, %add3A_275, %ge3A_290 : i32
      %convert_element_type3A_292 = arith.extui %ge3A_291 : i1 to i32
      %cond3A_293 = arith.constant 0 : i32
      %cond3A_294 = arith.cmpi ne, %convert_element_type3A_292, %cond3A_293 : i32
      scf.if %cond3A_294 {
        %sub3A_625 = arith.constant 2 : i32
        %sub3A_626 = arith.subi %add3A_275, %sub3A_625 : i32
        %add3A_627 = arith.addi %mul3A_36, %sub3A_626 : i32
        %dma_wait3A_628 = arith.constant 0 : i32
        %dma_wait3A_629 = arith.constant 0 : i32
        %dma_wait3A_630 = arith.constant 0 : i32
        %dma_wait3A_631 = arith.constant 0 : i32
        %dma_wait3A_632 = arith.constant 0 : i32
        %dma_wait3A_633 = tpu.memref_slice %arg9[%dma_wait3A_630, %dma_wait3A_628, %dma_wait3A_631, %dma_wait3A_632] : memref<4x4x8x129xf32, #tpu.memory_space<vmem>> -> memref<4x1x8x128xf32, #tpu.memory_space<vmem>>
        %dma_wait3A_634 = tpu.memref_squeeze %dma_wait3A_633 : memref<4x1x8x128xf32, #tpu.memory_space<vmem>> -> memref<4x8x128xf32, #tpu.memory_space<vmem>>
        %dma_wait3A_635 = arith.constant 0 : i32
        %dma_wait3A_636 = arith.constant 0 : i32
        %dma_wait3A_637 = tpu.memref_slice %arg5[%add3A_627, %dma_wait3A_629, %mul3A_34, %dma_wait3A_635, %dma_wait3A_636] : memref<200x4x32x8x128xf32, #tpu.memory_space<hbm>> -> memref<1x1x4x8x128xf32, #tpu.memory_space<hbm>>
        %dma_wait3A_638 = tpu.memref_squeeze %dma_wait3A_637 : memref<1x1x4x8x128xf32, #tpu.memory_space<hbm>> -> memref<4x8x128xf32, #tpu.memory_space<hbm>>
        %dma_wait3A_639 = arith.constant 0 : i32
        %dma_wait3A_640 = arith.constant 0 : i32
        %dma_wait3A_641 = tpu.memref_slice %arg5[%add3A_627, %dma_wait3A_629, %mul3A_34, %dma_wait3A_639, %dma_wait3A_640] : memref<200x4x32x8x128xf32, #tpu.memory_space<hbm>> -> memref<1x1x4x8x128xf32, #tpu.memory_space<hbm>>
        %dma_wait3A_642 = tpu.memref_squeeze %dma_wait3A_641 : memref<1x1x4x8x128xf32, #tpu.memory_space<hbm>> -> memref<4x8x128xf32, #tpu.memory_space<hbm>>
        %dma_wait3A_643 = arith.constant 0 : i32
        %dma_wait3A_644 = arith.constant 0 : i32
        %dma_wait3A_645 = arith.constant 0 : i32
        %dma_wait3A_646 = tpu.memref_slice %arg9[%dma_wait3A_643, %dma_wait3A_628, %dma_wait3A_644, %dma_wait3A_645] : memref<4x4x8x129xf32, #tpu.memory_space<vmem>> -> memref<4x1x8x128xf32, #tpu.memory_space<vmem>>
        %dma_wait3A_647 = tpu.memref_squeeze %dma_wait3A_646 : memref<4x1x8x128xf32, #tpu.memory_space<vmem>> -> memref<4x8x128xf32, #tpu.memory_space<vmem>>
        tpu.wait_dma2 semaphore(%arg14 : memref<!tpu.dma_semaphore, #tpu.memory_space<semaphore_mem>>) src(%dma_wait3A_647 : memref<4x8x128xf32, #tpu.memory_space<vmem>>) dst(%dma_wait3A_642 : memref<4x8x128xf32, #tpu.memory_space<hbm>>)
        %add3A_648 = arith.addi %mul3A_36, %sub3A_626 : i32
        %dma_wait3A_649 = arith.constant 1 : i32
        %dma_wait3A_650 = arith.constant 1 : i32
        %dma_wait3A_651 = arith.constant 0 : i32
        %dma_wait3A_652 = arith.constant 0 : i32
        %dma_wait3A_653 = arith.constant 0 : i32
        %dma_wait3A_654 = tpu.memref_slice %arg9[%dma_wait3A_651, %dma_wait3A_649, %dma_wait3A_652, %dma_wait3A_653] : memref<4x4x8x129xf32, #tpu.memory_space<vmem>> -> memref<4x1x8x128xf32, #tpu.memory_space<vmem>>
        %dma_wait3A_655 = tpu.memref_squeeze %dma_wait3A_654 : memref<4x1x8x128xf32, #tpu.memory_space<vmem>> -> memref<4x8x128xf32, #tpu.memory_space<vmem>>
        %dma_wait3A_656 = arith.constant 0 : i32
        %dma_wait3A_657 = arith.constant 0 : i32
        %dma_wait3A_658 = tpu.memref_slice %arg5[%add3A_648, %dma_wait3A_650, %mul3A_34, %dma_wait3A_656, %dma_wait3A_657] : memref<200x4x32x8x128xf32, #tpu.memory_space<hbm>> -> memref<1x1x4x8x128xf32, #tpu.memory_space<hbm>>
        %dma_wait3A_659 = tpu.memref_squeeze %dma_wait3A_658 : memref<1x1x4x8x128xf32, #tpu.memory_space<hbm>> -> memref<4x8x128xf32, #tpu.memory_space<hbm>>
        %dma_wait3A_660 = arith.constant 0 : i32
        %dma_wait3A_661 = arith.constant 0 : i32
        %dma_wait3A_662 = tpu.memref_slice %arg5[%add3A_648, %dma_wait3A_650, %mul3A_34, %dma_wait3A_660, %dma_wait3A_661] : memref<200x4x32x8x128xf32, #tpu.memory_space<hbm>> -> memref<1x1x4x8x128xf32, #tpu.memory_space<hbm>>
        %dma_wait3A_663 = tpu.memref_squeeze %dma_wait3A_662 : memref<1x1x4x8x128xf32, #tpu.memory_space<hbm>> -> memref<4x8x128xf32, #tpu.memory_space<hbm>>
        %dma_wait3A_664 = arith.constant 0 : i32
        %dma_wait3A_665 = arith.constant 0 : i32
        %dma_wait3A_666 = arith.constant 0 : i32
        %dma_wait3A_667 = tpu.memref_slice %arg9[%dma_wait3A_664, %dma_wait3A_649, %dma_wait3A_665, %dma_wait3A_666] : memref<4x4x8x129xf32, #tpu.memory_space<vmem>> -> memref<4x1x8x128xf32, #tpu.memory_space<vmem>>
        %dma_wait3A_668 = tpu.memref_squeeze %dma_wait3A_667 : memref<4x1x8x128xf32, #tpu.memory_space<vmem>> -> memref<4x8x128xf32, #tpu.memory_space<vmem>>
        tpu.wait_dma2 semaphore(%arg14 : memref<!tpu.dma_semaphore, #tpu.memory_space<semaphore_mem>>) src(%dma_wait3A_668 : memref<4x8x128xf32, #tpu.memory_space<vmem>>) dst(%dma_wait3A_663 : memref<4x8x128xf32, #tpu.memory_space<hbm>>)
        %add3A_669 = arith.addi %mul3A_36, %sub3A_626 : i32
        %dma_wait3A_670 = arith.constant 2 : i32
        %dma_wait3A_671 = arith.constant 2 : i32
        %dma_wait3A_672 = arith.constant 0 : i32
        %dma_wait3A_673 = arith.constant 0 : i32
        %dma_wait3A_674 = arith.constant 0 : i32
        %dma_wait3A_675 = tpu.memref_slice %arg9[%dma_wait3A_672, %dma_wait3A_670, %dma_wait3A_673, %dma_wait3A_674] : memref<4x4x8x129xf32, #tpu.memory_space<vmem>> -> memref<4x1x8x128xf32, #tpu.memory_space<vmem>>
        %dma_wait3A_676 = tpu.memref_squeeze %dma_wait3A_675 : memref<4x1x8x128xf32, #tpu.memory_space<vmem>> -> memref<4x8x128xf32, #tpu.memory_space<vmem>>
        %dma_wait3A_677 = arith.constant 0 : i32
        %dma_wait3A_678 = arith.constant 0 : i32
        %dma_wait3A_679 = tpu.memref_slice %arg5[%add3A_669, %dma_wait3A_671, %mul3A_34, %dma_wait3A_677, %dma_wait3A_678] : memref<200x4x32x8x128xf32, #tpu.memory_space<hbm>> -> memref<1x1x4x8x128xf32, #tpu.memory_space<hbm>>
        %dma_wait3A_680 = tpu.memref_squeeze %dma_wait3A_679 : memref<1x1x4x8x128xf32, #tpu.memory_space<hbm>> -> memref<4x8x128xf32, #tpu.memory_space<hbm>>
        %dma_wait3A_681 = arith.constant 0 : i32
        %dma_wait3A_682 = arith.constant 0 : i32
        %dma_wait3A_683 = tpu.memref_slice %arg5[%add3A_669, %dma_wait3A_671, %mul3A_34, %dma_wait3A_681, %dma_wait3A_682] : memref<200x4x32x8x128xf32, #tpu.memory_space<hbm>> -> memref<1x1x4x8x128xf32, #tpu.memory_space<hbm>>
        %dma_wait3A_684 = tpu.memref_squeeze %dma_wait3A_683 : memref<1x1x4x8x128xf32, #tpu.memory_space<hbm>> -> memref<4x8x128xf32, #tpu.memory_space<hbm>>
        %dma_wait3A_685 = arith.constant 0 : i32
        %dma_wait3A_686 = arith.constant 0 : i32
        %dma_wait3A_687 = arith.constant 0 : i32
        %dma_wait3A_688 = tpu.memref_slice %arg9[%dma_wait3A_685, %dma_wait3A_670, %dma_wait3A_686, %dma_wait3A_687] : memref<4x4x8x129xf32, #tpu.memory_space<vmem>> -> memref<4x1x8x128xf32, #tpu.memory_space<vmem>>
        %dma_wait3A_689 = tpu.memref_squeeze %dma_wait3A_688 : memref<4x1x8x128xf32, #tpu.memory_space<vmem>> -> memref<4x8x128xf32, #tpu.memory_space<vmem>>
        tpu.wait_dma2 semaphore(%arg14 : memref<!tpu.dma_semaphore, #tpu.memory_space<semaphore_mem>>) src(%dma_wait3A_689 : memref<4x8x128xf32, #tpu.memory_space<vmem>>) dst(%dma_wait3A_684 : memref<4x8x128xf32, #tpu.memory_space<hbm>>)
        %add3A_690 = arith.addi %mul3A_36, %sub3A_626 : i32
        %dma_wait3A_691 = arith.constant 3 : i32
        %dma_wait3A_692 = arith.constant 3 : i32
        %dma_wait3A_693 = arith.constant 0 : i32
        %dma_wait3A_694 = arith.constant 0 : i32
        %dma_wait3A_695 = arith.constant 0 : i32
        %dma_wait3A_696 = tpu.memref_slice %arg9[%dma_wait3A_693, %dma_wait3A_691, %dma_wait3A_694, %dma_wait3A_695] : memref<4x4x8x129xf32, #tpu.memory_space<vmem>> -> memref<4x1x8x128xf32, #tpu.memory_space<vmem>>
        %dma_wait3A_697 = tpu.memref_squeeze %dma_wait3A_696 : memref<4x1x8x128xf32, #tpu.memory_space<vmem>> -> memref<4x8x128xf32, #tpu.memory_space<vmem>>
        %dma_wait3A_698 = arith.constant 0 : i32
        %dma_wait3A_699 = arith.constant 0 : i32
        %dma_wait3A_700 = tpu.memref_slice %arg5[%add3A_690, %dma_wait3A_692, %mul3A_34, %dma_wait3A_698, %dma_wait3A_699] : memref<200x4x32x8x128xf32, #tpu.memory_space<hbm>> -> memref<1x1x4x8x128xf32, #tpu.memory_space<hbm>>
        %dma_wait3A_701 = tpu.memref_squeeze %dma_wait3A_700 : memref<1x1x4x8x128xf32, #tpu.memory_space<hbm>> -> memref<4x8x128xf32, #tpu.memory_space<hbm>>
        %dma_wait3A_702 = arith.constant 0 : i32
        %dma_wait3A_703 = arith.constant 0 : i32
        %dma_wait3A_704 = tpu.memref_slice %arg5[%add3A_690, %dma_wait3A_692, %mul3A_34, %dma_wait3A_702, %dma_wait3A_703] : memref<200x4x32x8x128xf32, #tpu.memory_space<hbm>> -> memref<1x1x4x8x128xf32, #tpu.memory_space<hbm>>
        %dma_wait3A_705 = tpu.memref_squeeze %dma_wait3A_704 : memref<1x1x4x8x128xf32, #tpu.memory_space<hbm>> -> memref<4x8x128xf32, #tpu.memory_space<hbm>>
        %dma_wait3A_706 = arith.constant 0 : i32
        %dma_wait3A_707 = arith.constant 0 : i32
        %dma_wait3A_708 = arith.constant 0 : i32
        %dma_wait3A_709 = tpu.memref_slice %arg9[%dma_wait3A_706, %dma_wait3A_691, %dma_wait3A_707, %dma_wait3A_708] : memref<4x4x8x129xf32, #tpu.memory_space<vmem>> -> memref<4x1x8x128xf32, #tpu.memory_space<vmem>>
        %dma_wait3A_710 = tpu.memref_squeeze %dma_wait3A_709 : memref<4x1x8x128xf32, #tpu.memory_space<vmem>> -> memref<4x8x128xf32, #tpu.memory_space<vmem>>
        tpu.wait_dma2 semaphore(%arg14 : memref<!tpu.dma_semaphore, #tpu.memory_space<semaphore_mem>>) src(%dma_wait3A_710 : memref<4x8x128xf32, #tpu.memory_space<vmem>>) dst(%dma_wait3A_705 : memref<4x8x128xf32, #tpu.memory_space<hbm>>)
      } else {
      }
      %get3A = arith.index_cast %add3A_275 : i32 to index
      %get3A_295 = arith.constant 0 : index
      %get3A_296 = tpu.vector_load %arg11[%get3A, %get3A_295] {strides = array<i32>} : memref<50x32xf32, #tpu.memory_space<vmem>>, vector<16xf32>,
      %get3A_297 = arith.index_cast %add3A_275 : i32 to index
      %get3A_298 = arith.constant 16 : index
      %get3A_299 = tpu.vector_load %arg11[%get3A_297, %get3A_298] {strides = array<i32>} : memref<50x32xf32, #tpu.memory_space<vmem>>, vector<16xf32>,
      %broadcast_in_dim3A_300 = arith.constant 0 : i32
      %broadcast_in_dim3A_301 = vector.broadcast %broadcast_in_dim3A_300 : i32 to vector<16xi32>
      %get3A_302 = arith.constant 0 : i32
      %get3A_303 = arith.index_cast %get3A_302 : i32 to index
      %get3A_304 = arith.constant 0 : index
      %get3A_305 = tpu.vector_load %arg7[%get3A_303, %get3A_304] {strides = array<i32>} : memref<520x32xf32, #tpu.memory_space<vmem>>, vector<16xf32>,
      %get3A_306 = arith.constant 0 : i32
      %get3A_307 = arith.index_cast %get3A_306 : i32 to index
      %get3A_308 = arith.constant 16 : index
      %get3A_309 = tpu.vector_load %arg7[%get3A_307, %get3A_308] {strides = array<i32>} : memref<520x32xf32, #tpu.memory_space<vmem>>, vector<16xf32>,
      %scan3A_310 = arith.constant 0 : i32
      %scan3A_311 = arith.constant 128 : i32
      %scan3A_312 = arith.addi %scan3A_310, %scan3A_311 : i32
      %scan3A_313 = arith.constant 8 : i32
      %scan3A_314:3 = scf.for %scan3A_625 = %scan3A_310 to %scan3A_312 step %scan3A_313 iter_args(%scan3A_626 = %broadcast_in_dim3A_80, %scan3A_627 = %get3A_305, %scan3A_628 = %get3A_309) -> (vector<16xi32>, vector<16xf32>, vector<16xf32>)  : i32 {
        %mul3A_629 = arith.constant 1 : i32
        %mul3A_630 = arith.muli %scan3A_625, %mul3A_629 : i32
        %add3A_631 = arith.constant 0 : i32
        %add3A_632 = arith.addi %add3A_631, %mul3A_630 : i32
        %add3A_633 = arith.addf %scan3A_627, %get3A_296 : vector<16xf32>
        tpu.vector_store_idx %arg9[%broadcast_in_dim3A_301, %add3A_45, %select_n3A_78, %scan3A_626], %add3A_633 : memref<4x4x8x129xf32, #tpu.memory_space<vmem>>[vector<16xi32>, vector<16xi32>, vector<16xi32>, vector<16xi32>], vector<16xf32>,
        %add3A_634 = arith.addf %scan3A_628, %get3A_299 : vector<16xf32>
        tpu.vector_store_idx %arg9[%broadcast_in_dim3A_301, %add3A_56, %select_n3A_78, %scan3A_626], %add3A_634 : memref<4x4x8x129xf32, #tpu.memory_space<vmem>>[vector<16xi32>, vector<16xi32>, vector<16xi32>, vector<16xi32>], vector<16xf32>,
        %add3A_635 = arith.constant 0 : i32
        %add3A_636 = arith.addi %add3A_635, %add3A_632 : i32
        %add3A_637 = arith.constant 1 : i32
        %add3A_638 = arith.addi %add3A_636, %add3A_637 : i32
        %get3A_639 = arith.index_cast %add3A_638 : i32 to index
        %get3A_640 = arith.constant 0 : index
        %get3A_641 = tpu.vector_load %arg7[%get3A_639, %get3A_640] {strides = array<i32>} : memref<520x32xf32, #tpu.memory_space<vmem>>, vector<16xf32>,
        %get3A_642 = arith.index_cast %add3A_638 : i32 to index
        %get3A_643 = arith.constant 16 : index
        %get3A_644 = tpu.vector_load %arg7[%get3A_642, %get3A_643] {strides = array<i32>} : memref<520x32xf32, #tpu.memory_space<vmem>>, vector<16xf32>,
        %add3A_645 = arith.constant 1 : i32
        %add3A_646 = vector.broadcast %add3A_645 : i32 to vector<16xi32>
        %add3A_647 = arith.addi %scan3A_626, %add3A_646 : vector<16xi32>
        %scan3A_648 = arith.constant 1 : i32
        %scan3A_649 = arith.addi %scan3A_625, %scan3A_648 : i32
        %mul3A_650 = arith.constant 1 : i32
        %mul3A_651 = arith.muli %scan3A_649, %mul3A_650 : i32
        %add3A_652 = arith.constant 0 : i32
        %add3A_653 = arith.addi %add3A_652, %mul3A_651 : i32
        %add3A_654 = arith.addf %get3A_641, %get3A_296 : vector<16xf32>
        tpu.vector_store_idx %arg9[%broadcast_in_dim3A_301, %add3A_45, %select_n3A_78, %add3A_647], %add3A_654 : memref<4x4x8x129xf32, #tpu.memory_space<vmem>>[vector<16xi32>, vector<16xi32>, vector<16xi32>, vector<16xi32>], vector<16xf32>,
        %add3A_655 = arith.addf %get3A_644, %get3A_299 : vector<16xf32>
        tpu.vector_store_idx %arg9[%broadcast_in_dim3A_301, %add3A_56, %select_n3A_78, %add3A_647], %add3A_655 : memref<4x4x8x129xf32, #tpu.memory_space<vmem>>[vector<16xi32>, vector<16xi32>, vector<16xi32>, vector<16xi32>], vector<16xf32>,
        %add3A_656 = arith.constant 0 : i32
        %add3A_657 = arith.addi %add3A_656, %add3A_653 : i32
        %add3A_658 = arith.constant 1 : i32
        %add3A_659 = arith.addi %add3A_657, %add3A_658 : i32
        %get3A_660 = arith.index_cast %add3A_659 : i32 to index
        %get3A_661 = arith.constant 0 : index
        %get3A_662 = tpu.vector_load %arg7[%get3A_660, %get3A_661] {strides = array<i32>} : memref<520x32xf32, #tpu.memory_space<vmem>>, vector<16xf32>,
        %get3A_663 = arith.index_cast %add3A_659 : i32 to index
        %get3A_664 = arith.constant 16 : index
        %get3A_665 = tpu.vector_load %arg7[%get3A_663, %get3A_664] {strides = array<i32>} : memref<520x32xf32, #tpu.memory_space<vmem>>, vector<16xf32>,
        %add3A_666 = arith.constant 1 : i32
        %add3A_667 = vector.broadcast %add3A_666 : i32 to vector<16xi32>
        %add3A_668 = arith.addi %add3A_647, %add3A_667 : vector<16xi32>
        %scan3A_669 = arith.constant 2 : i32
        %scan3A_670 = arith.addi %scan3A_625, %scan3A_669 : i32
        %mul3A_671 = arith.constant 1 : i32
        %mul3A_672 = arith.muli %scan3A_670, %mul3A_671 : i32
        %add3A_673 = arith.constant 0 : i32
        %add3A_674 = arith.addi %add3A_673, %mul3A_672 : i32
        %add3A_675 = arith.addf %get3A_662, %get3A_296 : vector<16xf32>
        tpu.vector_store_idx %arg9[%broadcast_in_dim3A_301, %add3A_45, %select_n3A_78, %add3A_668], %add3A_675 : memref<4x4x8x129xf32, #tpu.memory_space<vmem>>[vector<16xi32>, vector<16xi32>, vector<16xi32>, vector<16xi32>], vector<16xf32>,
        %add3A_676 = arith.addf %get3A_665, %get3A_299 : vector<16xf32>
        tpu.vector_store_idx %arg9[%broadcast_in_dim3A_301, %add3A_56, %select_n3A_78, %add3A_668], %add3A_676 : memref<4x4x8x129xf32, #tpu.memory_space<vmem>>[vector<16xi32>, vector<16xi32>, vector<16xi32>, vector<16xi32>], vector<16xf32>,
        %add3A_677 = arith.constant 0 : i32
        %add3A_678 = arith.addi %add3A_677, %add3A_674 : i32
        %add3A_679 = arith.constant 1 : i32
        %add3A_680 = arith.addi %add3A_678, %add3A_679 : i32
        %get3A_681 = arith.index_cast %add3A_680 : i32 to index
        %get3A_682 = arith.constant 0 : index
        %get3A_683 = tpu.vector_load %arg7[%get3A_681, %get3A_682] {strides = array<i32>} : memref<520x32xf32, #tpu.memory_space<vmem>>, vector<16xf32>,
        %get3A_684 = arith.index_cast %add3A_680 : i32 to index
        %get3A_685 = arith.constant 16 : index
        %get3A_686 = tpu.vector_load %arg7[%get3A_684, %get3A_685] {strides = array<i32>} : memref<520x32xf32, #tpu.memory_space<vmem>>, vector<16xf32>,
        %add3A_687 = arith.constant 1 : i32
        %add3A_688 = vector.broadcast %add3A_687 : i32 to vector<16xi32>
        %add3A_689 = arith.addi %add3A_668, %add3A_688 : vector<16xi32>
        %scan3A_690 = arith.constant 3 : i32
        %scan3A_691 = arith.addi %scan3A_625, %scan3A_690 : i32
        %mul3A_692 = arith.constant 1 : i32
        %mul3A_693 = arith.muli %scan3A_691, %mul3A_692 : i32
        %add3A_694 = arith.constant 0 : i32
        %add3A_695 = arith.addi %add3A_694, %mul3A_693 : i32
        %add3A_696 = arith.addf %get3A_683, %get3A_296 : vector<16xf32>
        tpu.vector_store_idx %arg9[%broadcast_in_dim3A_301, %add3A_45, %select_n3A_78, %add3A_689], %add3A_696 : memref<4x4x8x129xf32, #tpu.memory_space<vmem>>[vector<16xi32>, vector<16xi32>, vector<16xi32>, vector<16xi32>], vector<16xf32>,
        %add3A_697 = arith.addf %get3A_686, %get3A_299 : vector<16xf32>
        tpu.vector_store_idx %arg9[%broadcast_in_dim3A_301, %add3A_56, %select_n3A_78, %add3A_689], %add3A_697 : memref<4x4x8x129xf32, #tpu.memory_space<vmem>>[vector<16xi32>, vector<16xi32>, vector<16xi32>, vector<16xi32>], vector<16xf32>,
        %add3A_698 = arith.constant 0 : i32
        %add3A_699 = arith.addi %add3A_698, %add3A_695 : i32
        %add3A_700 = arith.constant 1 : i32
        %add3A_701 = arith.addi %add3A_699, %add3A_700 : i32
        %get3A_702 = arith.index_cast %add3A_701 : i32 to index
        %get3A_703 = arith.constant 0 : index
        %get3A_704 = tpu.vector_load %arg7[%get3A_702, %get3A_703] {strides = array<i32>} : memref<520x32xf32, #tpu.memory_space<vmem>>, vector<16xf32>,
        %get3A_705 = arith.index_cast %add3A_701 : i32 to index
        %get3A_706 = arith.constant 16 : index
        %get3A_707 = tpu.vector_load %arg7[%get3A_705, %get3A_706] {strides = array<i32>} : memref<520x32xf32, #tpu.memory_space<vmem>>, vector<16xf32>,
        %add3A_708 = arith.constant 1 : i32
        %add3A_709 = vector.broadcast %add3A_708 : i32 to vector<16xi32>
        %add3A_710 = arith.addi %add3A_689, %add3A_709 : vector<16xi32>
        %scan3A_711 = arith.constant 4 : i32
        %scan3A_712 = arith.addi %scan3A_625, %scan3A_711 : i32
        %mul3A_713 = arith.constant 1 : i32
        %mul3A_714 = arith.muli %scan3A_712, %mul3A_713 : i32
        %add3A_715 = arith.constant 0 : i32
        %add3A_716 = arith.addi %add3A_715, %mul3A_714 : i32
        %add3A_717 = arith.addf %get3A_704, %get3A_296 : vector<16xf32>
        tpu.vector_store_idx %arg9[%broadcast_in_dim3A_301, %add3A_45, %select_n3A_78, %add3A_710], %add3A_717 : memref<4x4x8x129xf32, #tpu.memory_space<vmem>>[vector<16xi32>, vector<16xi32>, vector<16xi32>, vector<16xi32>], vector<16xf32>,
        %add3A_718 = arith.addf %get3A_707, %get3A_299 : vector<16xf32>
        tpu.vector_store_idx %arg9[%broadcast_in_dim3A_301, %add3A_56, %select_n3A_78, %add3A_710], %add3A_718 : memref<4x4x8x129xf32, #tpu.memory_space<vmem>>[vector<16xi32>, vector<16xi32>, vector<16xi32>, vector<16xi32>], vector<16xf32>,
        %add3A_719 = arith.constant 0 : i32
        %add3A_720 = arith.addi %add3A_719, %add3A_716 : i32
        %add3A_721 = arith.constant 1 : i32
        %add3A_722 = arith.addi %add3A_720, %add3A_721 : i32
        %get3A_723 = arith.index_cast %add3A_722 : i32 to index
        %get3A_724 = arith.constant 0 : index
        %get3A_725 = tpu.vector_load %arg7[%get3A_723, %get3A_724] {strides = array<i32>} : memref<520x32xf32, #tpu.memory_space<vmem>>, vector<16xf32>,
        %get3A_726 = arith.index_cast %add3A_722 : i32 to index
        %get3A_727 = arith.constant 16 : index
        %get3A_728 = tpu.vector_load %arg7[%get3A_726, %get3A_727] {strides = array<i32>} : memref<520x32xf32, #tpu.memory_space<vmem>>, vector<16xf32>,
        %add3A_729 = arith.constant 1 : i32
        %add3A_730 = vector.broadcast %add3A_729 : i32 to vector<16xi32>
        %add3A_731 = arith.addi %add3A_710, %add3A_730 : vector<16xi32>
        %scan3A_732 = arith.constant 5 : i32
        %scan3A_733 = arith.addi %scan3A_625, %scan3A_732 : i32
        %mul3A_734 = arith.constant 1 : i32
        %mul3A_735 = arith.muli %scan3A_733, %mul3A_734 : i32
        %add3A_736 = arith.constant 0 : i32
        %add3A_737 = arith.addi %add3A_736, %mul3A_735 : i32
        %add3A_738 = arith.addf %get3A_725, %get3A_296 : vector<16xf32>
        tpu.vector_store_idx %arg9[%broadcast_in_dim3A_301, %add3A_45, %select_n3A_78, %add3A_731], %add3A_738 : memref<4x4x8x129xf32, #tpu.memory_space<vmem>>[vector<16xi32>, vector<16xi32>, vector<16xi32>, vector<16xi32>], vector<16xf32>,
        %add3A_739 = arith.addf %get3A_728, %get3A_299 : vector<16xf32>
        tpu.vector_store_idx %arg9[%broadcast_in_dim3A_301, %add3A_56, %select_n3A_78, %add3A_731], %add3A_739 : memref<4x4x8x129xf32, #tpu.memory_space<vmem>>[vector<16xi32>, vector<16xi32>, vector<16xi32>, vector<16xi32>], vector<16xf32>,
        %add3A_740 = arith.constant 0 : i32
        %add3A_741 = arith.addi %add3A_740, %add3A_737 : i32
        %add3A_742 = arith.constant 1 : i32
        %add3A_743 = arith.addi %add3A_741, %add3A_742 : i32
        %get3A_744 = arith.index_cast %add3A_743 : i32 to index
        %get3A_745 = arith.constant 0 : index
        %get3A_746 = tpu.vector_load %arg7[%get3A_744, %get3A_745] {strides = array<i32>} : memref<520x32xf32, #tpu.memory_space<vmem>>, vector<16xf32>,
        %get3A_747 = arith.index_cast %add3A_743 : i32 to index
        %get3A_748 = arith.constant 16 : index
        %get3A_749 = tpu.vector_load %arg7[%get3A_747, %get3A_748] {strides = array<i32>} : memref<520x32xf32, #tpu.memory_space<vmem>>, vector<16xf32>,
        %add3A_750 = arith.constant 1 : i32
        %add3A_751 = vector.broadcast %add3A_750 : i32 to vector<16xi32>
        %add3A_752 = arith.addi %add3A_731, %add3A_751 : vector<16xi32>
        %scan3A_753 = arith.constant 6 : i32
        %scan3A_754 = arith.addi %scan3A_625, %scan3A_753 : i32
        %mul3A_755 = arith.constant 1 : i32
        %mul3A_756 = arith.muli %scan3A_754, %mul3A_755 : i32
        %add3A_757 = arith.constant 0 : i32
        %add3A_758 = arith.addi %add3A_757, %mul3A_756 : i32
        %add3A_759 = arith.addf %get3A_746, %get3A_296 : vector<16xf32>
        tpu.vector_store_idx %arg9[%broadcast_in_dim3A_301, %add3A_45, %select_n3A_78, %add3A_752], %add3A_759 : memref<4x4x8x129xf32, #tpu.memory_space<vmem>>[vector<16xi32>, vector<16xi32>, vector<16xi32>, vector<16xi32>], vector<16xf32>,
        %add3A_760 = arith.addf %get3A_749, %get3A_299 : vector<16xf32>
        tpu.vector_store_idx %arg9[%broadcast_in_dim3A_301, %add3A_56, %select_n3A_78, %add3A_752], %add3A_760 : memref<4x4x8x129xf32, #tpu.memory_space<vmem>>[vector<16xi32>, vector<16xi32>, vector<16xi32>, vector<16xi32>], vector<16xf32>,
        %add3A_761 = arith.constant 0 : i32
        %add3A_762 = arith.addi %add3A_761, %add3A_758 : i32
        %add3A_763 = arith.constant 1 : i32
        %add3A_764 = arith.addi %add3A_762, %add3A_763 : i32
        %get3A_765 = arith.index_cast %add3A_764 : i32 to index
        %get3A_766 = arith.constant 0 : index
        %get3A_767 = tpu.vector_load %arg7[%get3A_765, %get3A_766] {strides = array<i32>} : memref<520x32xf32, #tpu.memory_space<vmem>>, vector<16xf32>,
        %get3A_768 = arith.index_cast %add3A_764 : i32 to index
        %get3A_769 = arith.constant 16 : index
        %get3A_770 = tpu.vector_load %arg7[%get3A_768, %get3A_769] {strides = array<i32>} : memref<520x32xf32, #tpu.memory_space<vmem>>, vector<16xf32>,
        %add3A_771 = arith.constant 1 : i32
        %add3A_772 = vector.broadcast %add3A_771 : i32 to vector<16xi32>
        %add3A_773 = arith.addi %add3A_752, %add3A_772 : vector<16xi32>
        %scan3A_774 = arith.constant 7 : i32
        %scan3A_775 = arith.addi %scan3A_625, %scan3A_774 : i32
        %mul3A_776 = arith.constant 1 : i32
        %mul3A_777 = arith.muli %scan3A_775, %mul3A_776 : i32
        %add3A_778 = arith.constant 0 : i32
        %add3A_779 = arith.addi %add3A_778, %mul3A_777 : i32
        %add3A_780 = arith.addf %get3A_767, %get3A_296 : vector<16xf32>
        tpu.vector_store_idx %arg9[%broadcast_in_dim3A_301, %add3A_45, %select_n3A_78, %add3A_773], %add3A_780 : memref<4x4x8x129xf32, #tpu.memory_space<vmem>>[vector<16xi32>, vector<16xi32>, vector<16xi32>, vector<16xi32>], vector<16xf32>,
        %add3A_781 = arith.addf %get3A_770, %get3A_299 : vector<16xf32>
        tpu.vector_store_idx %arg9[%broadcast_in_dim3A_301, %add3A_56, %select_n3A_78, %add3A_773], %add3A_781 : memref<4x4x8x129xf32, #tpu.memory_space<vmem>>[vector<16xi32>, vector<16xi32>, vector<16xi32>, vector<16xi32>], vector<16xf32>,
        %add3A_782 = arith.constant 0 : i32
        %add3A_783 = arith.addi %add3A_782, %add3A_779 : i32
        %add3A_784 = arith.constant 1 : i32
        %add3A_785 = arith.addi %add3A_783, %add3A_784 : i32
        %get3A_786 = arith.index_cast %add3A_785 : i32 to index
        %get3A_787 = arith.constant 0 : index
        %get3A_788 = tpu.vector_load %arg7[%get3A_786, %get3A_787] {strides = array<i32>} : memref<520x32xf32, #tpu.memory_space<vmem>>, vector<16xf32>,
        %get3A_789 = arith.index_cast %add3A_785 : i32 to index
        %get3A_790 = arith.constant 16 : index
        %get3A_791 = tpu.vector_load %arg7[%get3A_789, %get3A_790] {strides = array<i32>} : memref<520x32xf32, #tpu.memory_space<vmem>>, vector<16xf32>,
        %add3A_792 = arith.constant 1 : i32
        %add3A_793 = vector.broadcast %add3A_792 : i32 to vector<16xi32>
        %add3A_794 = arith.addi %add3A_773, %add3A_793 : vector<16xi32>
        scf.yield %add3A_794, %get3A_788, %get3A_791 : vector<16xi32>, vector<16xf32>, vector<16xf32>
      }
      %scan3A_315 = arith.constant 128 : i32
      %broadcast_in_dim3A_316 = arith.constant 1 : i32
      %broadcast_in_dim3A_317 = vector.broadcast %broadcast_in_dim3A_316 : i32 to vector<16xi32>
      %get3A_318 = arith.constant 128 : i32
      %get3A_319 = arith.index_cast %get3A_318 : i32 to index
      %get3A_320 = arith.constant 0 : index
      %get3A_321 = tpu.vector_load %arg7[%get3A_319, %get3A_320] {strides = array<i32>} : memref<520x32xf32, #tpu.memory_space<vmem>>, vector<16xf32>,
      %get3A_322 = arith.constant 128 : i32
      %get3A_323 = arith.index_cast %get3A_322 : i32 to index
      %get3A_324 = arith.constant 16 : index
      %get3A_325 = tpu.vector_load %arg7[%get3A_323, %get3A_324] {strides = array<i32>} : memref<520x32xf32, #tpu.memory_space<vmem>>, vector<16xf32>,
      %scan3A_326 = arith.constant 0 : i32
      %scan3A_327 = arith.constant 128 : i32
      %scan3A_328 = arith.addi %scan3A_326, %scan3A_327 : i32
      %scan3A_329 = arith.constant 8 : i32
      %scan3A_330:3 = scf.for %scan3A_625 = %scan3A_326 to %scan3A_328 step %scan3A_329 iter_args(%scan3A_626 = %broadcast_in_dim3A_80, %scan3A_627 = %get3A_321, %scan3A_628 = %get3A_325) -> (vector<16xi32>, vector<16xf32>, vector<16xf32>)  : i32 {
        %mul3A_629 = arith.constant 1 : i32
        %mul3A_630 = arith.muli %scan3A_625, %mul3A_629 : i32
        %add3A_631 = arith.constant 0 : i32
        %add3A_632 = arith.addi %add3A_631, %mul3A_630 : i32
        %add3A_633 = arith.addf %scan3A_627, %get3A_296 : vector<16xf32>
        tpu.vector_store_idx %arg9[%broadcast_in_dim3A_317, %add3A_45, %select_n3A_78, %scan3A_626], %add3A_633 : memref<4x4x8x129xf32, #tpu.memory_space<vmem>>[vector<16xi32>, vector<16xi32>, vector<16xi32>, vector<16xi32>], vector<16xf32>,
        %add3A_634 = arith.addf %scan3A_628, %get3A_299 : vector<16xf32>
        tpu.vector_store_idx %arg9[%broadcast_in_dim3A_317, %add3A_56, %select_n3A_78, %scan3A_626], %add3A_634 : memref<4x4x8x129xf32, #tpu.memory_space<vmem>>[vector<16xi32>, vector<16xi32>, vector<16xi32>, vector<16xi32>], vector<16xf32>,
        %add3A_635 = arith.constant 128 : i32
        %add3A_636 = arith.addi %add3A_635, %add3A_632 : i32
        %add3A_637 = arith.constant 1 : i32
        %add3A_638 = arith.addi %add3A_636, %add3A_637 : i32
        %get3A_639 = arith.index_cast %add3A_638 : i32 to index
        %get3A_640 = arith.constant 0 : index
        %get3A_641 = tpu.vector_load %arg7[%get3A_639, %get3A_640] {strides = array<i32>} : memref<520x32xf32, #tpu.memory_space<vmem>>, vector<16xf32>,
        %get3A_642 = arith.index_cast %add3A_638 : i32 to index
        %get3A_643 = arith.constant 16 : index
        %get3A_644 = tpu.vector_load %arg7[%get3A_642, %get3A_643] {strides = array<i32>} : memref<520x32xf32, #tpu.memory_space<vmem>>, vector<16xf32>,
        %add3A_645 = arith.constant 1 : i32
        %add3A_646 = vector.broadcast %add3A_645 : i32 to vector<16xi32>
        %add3A_647 = arith.addi %scan3A_626, %add3A_646 : vector<16xi32>
        %scan3A_648 = arith.constant 1 : i32
        %scan3A_649 = arith.addi %scan3A_625, %scan3A_648 : i32
        %mul3A_650 = arith.constant 1 : i32
        %mul3A_651 = arith.muli %scan3A_649, %mul3A_650 : i32
        %add3A_652 = arith.constant 0 : i32
        %add3A_653 = arith.addi %add3A_652, %mul3A_651 : i32
        %add3A_654 = arith.addf %get3A_641, %get3A_296 : vector<16xf32>
        tpu.vector_store_idx %arg9[%broadcast_in_dim3A_317, %add3A_45, %select_n3A_78, %add3A_647], %add3A_654 : memref<4x4x8x129xf32, #tpu.memory_space<vmem>>[vector<16xi32>, vector<16xi32>, vector<16xi32>, vector<16xi32>], vector<16xf32>,
        %add3A_655 = arith.addf %get3A_644, %get3A_299 : vector<16xf32>
        tpu.vector_store_idx %arg9[%broadcast_in_dim3A_317, %add3A_56, %select_n3A_78, %add3A_647], %add3A_655 : memref<4x4x8x129xf32, #tpu.memory_space<vmem>>[vector<16xi32>, vector<16xi32>, vector<16xi32>, vector<16xi32>], vector<16xf32>,
        %add3A_656 = arith.constant 128 : i32
        %add3A_657 = arith.addi %add3A_656, %add3A_653 : i32
        %add3A_658 = arith.constant 1 : i32
        %add3A_659 = arith.addi %add3A_657, %add3A_658 : i32
        %get3A_660 = arith.index_cast %add3A_659 : i32 to index
        %get3A_661 = arith.constant 0 : index
        %get3A_662 = tpu.vector_load %arg7[%get3A_660, %get3A_661] {strides = array<i32>} : memref<520x32xf32, #tpu.memory_space<vmem>>, vector<16xf32>,
        %get3A_663 = arith.index_cast %add3A_659 : i32 to index
        %get3A_664 = arith.constant 16 : index
        %get3A_665 = tpu.vector_load %arg7[%get3A_663, %get3A_664] {strides = array<i32>} : memref<520x32xf32, #tpu.memory_space<vmem>>, vector<16xf32>,
        %add3A_666 = arith.constant 1 : i32
        %add3A_667 = vector.broadcast %add3A_666 : i32 to vector<16xi32>
        %add3A_668 = arith.addi %add3A_647, %add3A_667 : vector<16xi32>
        %scan3A_669 = arith.constant 2 : i32
        %scan3A_670 = arith.addi %scan3A_625, %scan3A_669 : i32
        %mul3A_671 = arith.constant 1 : i32
        %mul3A_672 = arith.muli %scan3A_670, %mul3A_671 : i32
        %add3A_673 = arith.constant 0 : i32
        %add3A_674 = arith.addi %add3A_673, %mul3A_672 : i32
        %add3A_675 = arith.addf %get3A_662, %get3A_296 : vector<16xf32>
        tpu.vector_store_idx %arg9[%broadcast_in_dim3A_317, %add3A_45, %select_n3A_78, %add3A_668], %add3A_675 : memref<4x4x8x129xf32, #tpu.memory_space<vmem>>[vector<16xi32>, vector<16xi32>, vector<16xi32>, vector<16xi32>], vector<16xf32>,
        %add3A_676 = arith.addf %get3A_665, %get3A_299 : vector<16xf32>
        tpu.vector_store_idx %arg9[%broadcast_in_dim3A_317, %add3A_56, %select_n3A_78, %add3A_668], %add3A_676 : memref<4x4x8x129xf32, #tpu.memory_space<vmem>>[vector<16xi32>, vector<16xi32>, vector<16xi32>, vector<16xi32>], vector<16xf32>,
        %add3A_677 = arith.constant 128 : i32
        %add3A_678 = arith.addi %add3A_677, %add3A_674 : i32
        %add3A_679 = arith.constant 1 : i32
        %add3A_680 = arith.addi %add3A_678, %add3A_679 : i32
        %get3A_681 = arith.index_cast %add3A_680 : i32 to index
        %get3A_682 = arith.constant 0 : index
        %get3A_683 = tpu.vector_load %arg7[%get3A_681, %get3A_682] {strides = array<i32>} : memref<520x32xf32, #tpu.memory_space<vmem>>, vector<16xf32>,
        %get3A_684 = arith.index_cast %add3A_680 : i32 to index
        %get3A_685 = arith.constant 16 : index
        %get3A_686 = tpu.vector_load %arg7[%get3A_684, %get3A_685] {strides = array<i32>} : memref<520x32xf32, #tpu.memory_space<vmem>>, vector<16xf32>,
        %add3A_687 = arith.constant 1 : i32
        %add3A_688 = vector.broadcast %add3A_687 : i32 to vector<16xi32>
        %add3A_689 = arith.addi %add3A_668, %add3A_688 : vector<16xi32>
        %scan3A_690 = arith.constant 3 : i32
        %scan3A_691 = arith.addi %scan3A_625, %scan3A_690 : i32
        %mul3A_692 = arith.constant 1 : i32
        %mul3A_693 = arith.muli %scan3A_691, %mul3A_692 : i32
        %add3A_694 = arith.constant 0 : i32
        %add3A_695 = arith.addi %add3A_694, %mul3A_693 : i32
        %add3A_696 = arith.addf %get3A_683, %get3A_296 : vector<16xf32>
        tpu.vector_store_idx %arg9[%broadcast_in_dim3A_317, %add3A_45, %select_n3A_78, %add3A_689], %add3A_696 : memref<4x4x8x129xf32, #tpu.memory_space<vmem>>[vector<16xi32>, vector<16xi32>, vector<16xi32>, vector<16xi32>], vector<16xf32>,
        %add3A_697 = arith.addf %get3A_686, %get3A_299 : vector<16xf32>
        tpu.vector_store_idx %arg9[%broadcast_in_dim3A_317, %add3A_56, %select_n3A_78, %add3A_689], %add3A_697 : memref<4x4x8x129xf32, #tpu.memory_space<vmem>>[vector<16xi32>, vector<16xi32>, vector<16xi32>, vector<16xi32>], vector<16xf32>,
        %add3A_698 = arith.constant 128 : i32
        %add3A_699 = arith.addi %add3A_698, %add3A_695 : i32
        %add3A_700 = arith.constant 1 : i32
        %add3A_701 = arith.addi %add3A_699, %add3A_700 : i32
        %get3A_702 = arith.index_cast %add3A_701 : i32 to index
        %get3A_703 = arith.constant 0 : index
        %get3A_704 = tpu.vector_load %arg7[%get3A_702, %get3A_703] {strides = array<i32>} : memref<520x32xf32, #tpu.memory_space<vmem>>, vector<16xf32>,
        %get3A_705 = arith.index_cast %add3A_701 : i32 to index
        %get3A_706 = arith.constant 16 : index
        %get3A_707 = tpu.vector_load %arg7[%get3A_705, %get3A_706] {strides = array<i32>} : memref<520x32xf32, #tpu.memory_space<vmem>>, vector<16xf32>,
        %add3A_708 = arith.constant 1 : i32
        %add3A_709 = vector.broadcast %add3A_708 : i32 to vector<16xi32>
        %add3A_710 = arith.addi %add3A_689, %add3A_709 : vector<16xi32>
        %scan3A_711 = arith.constant 4 : i32
        %scan3A_712 = arith.addi %scan3A_625, %scan3A_711 : i32
        %mul3A_713 = arith.constant 1 : i32
        %mul3A_714 = arith.muli %scan3A_712, %mul3A_713 : i32
        %add3A_715 = arith.constant 0 : i32
        %add3A_716 = arith.addi %add3A_715, %mul3A_714 : i32
        %add3A_717 = arith.addf %get3A_704, %get3A_296 : vector<16xf32>
        tpu.vector_store_idx %arg9[%broadcast_in_dim3A_317, %add3A_45, %select_n3A_78, %add3A_710], %add3A_717 : memref<4x4x8x129xf32, #tpu.memory_space<vmem>>[vector<16xi32>, vector<16xi32>, vector<16xi32>, vector<16xi32>], vector<16xf32>,
        %add3A_718 = arith.addf %get3A_707, %get3A_299 : vector<16xf32>
        tpu.vector_store_idx %arg9[%broadcast_in_dim3A_317, %add3A_56, %select_n3A_78, %add3A_710], %add3A_718 : memref<4x4x8x129xf32, #tpu.memory_space<vmem>>[vector<16xi32>, vector<16xi32>, vector<16xi32>, vector<16xi32>], vector<16xf32>,
        %add3A_719 = arith.constant 128 : i32
        %add3A_720 = arith.addi %add3A_719, %add3A_716 : i32
        %add3A_721 = arith.constant 1 : i32
        %add3A_722 = arith.addi %add3A_720, %add3A_721 : i32
        %get3A_723 = arith.index_cast %add3A_722 : i32 to index
        %get3A_724 = arith.constant 0 : index
        %get3A_725 = tpu.vector_load %arg7[%get3A_723, %get3A_724] {strides = array<i32>} : memref<520x32xf32, #tpu.memory_space<vmem>>, vector<16xf32>,
        %get3A_726 = arith.index_cast %add3A_722 : i32 to index
        %get3A_727 = arith.constant 16 : index
        %get3A_728 = tpu.vector_load %arg7[%get3A_726, %get3A_727] {strides = array<i32>} : memref<520x32xf32, #tpu.memory_space<vmem>>, vector<16xf32>,
        %add3A_729 = arith.constant 1 : i32
        %add3A_730 = vector.broadcast %add3A_729 : i32 to vector<16xi32>
        %add3A_731 = arith.addi %add3A_710, %add3A_730 : vector<16xi32>
        %scan3A_732 = arith.constant 5 : i32
        %scan3A_733 = arith.addi %scan3A_625, %scan3A_732 : i32
        %mul3A_734 = arith.constant 1 : i32
        %mul3A_735 = arith.muli %scan3A_733, %mul3A_734 : i32
        %add3A_736 = arith.constant 0 : i32
        %add3A_737 = arith.addi %add3A_736, %mul3A_735 : i32
        %add3A_738 = arith.addf %get3A_725, %get3A_296 : vector<16xf32>
        tpu.vector_store_idx %arg9[%broadcast_in_dim3A_317, %add3A_45, %select_n3A_78, %add3A_731], %add3A_738 : memref<4x4x8x129xf32, #tpu.memory_space<vmem>>[vector<16xi32>, vector<16xi32>, vector<16xi32>, vector<16xi32>], vector<16xf32>,
        %add3A_739 = arith.addf %get3A_728, %get3A_299 : vector<16xf32>
        tpu.vector_store_idx %arg9[%broadcast_in_dim3A_317, %add3A_56, %select_n3A_78, %add3A_731], %add3A_739 : memref<4x4x8x129xf32, #tpu.memory_space<vmem>>[vector<16xi32>, vector<16xi32>, vector<16xi32>, vector<16xi32>], vector<16xf32>,
        %add3A_740 = arith.constant 128 : i32
        %add3A_741 = arith.addi %add3A_740, %add3A_737 : i32
        %add3A_742 = arith.constant 1 : i32
        %add3A_743 = arith.addi %add3A_741, %add3A_742 : i32
        %get3A_744 = arith.index_cast %add3A_743 : i32 to index
        %get3A_745 = arith.constant 0 : index
        %get3A_746 = tpu.vector_load %arg7[%get3A_744, %get3A_745] {strides = array<i32>} : memref<520x32xf32, #tpu.memory_space<vmem>>, vector<16xf32>,
        %get3A_747 = arith.index_cast %add3A_743 : i32 to index
        %get3A_748 = arith.constant 16 : index
        %get3A_749 = tpu.vector_load %arg7[%get3A_747, %get3A_748] {strides = array<i32>} : memref<520x32xf32, #tpu.memory_space<vmem>>, vector<16xf32>,
        %add3A_750 = arith.constant 1 : i32
        %add3A_751 = vector.broadcast %add3A_750 : i32 to vector<16xi32>
        %add3A_752 = arith.addi %add3A_731, %add3A_751 : vector<16xi32>
        %scan3A_753 = arith.constant 6 : i32
        %scan3A_754 = arith.addi %scan3A_625, %scan3A_753 : i32
        %mul3A_755 = arith.constant 1 : i32
        %mul3A_756 = arith.muli %scan3A_754, %mul3A_755 : i32
        %add3A_757 = arith.constant 0 : i32
        %add3A_758 = arith.addi %add3A_757, %mul3A_756 : i32
        %add3A_759 = arith.addf %get3A_746, %get3A_296 : vector<16xf32>
        tpu.vector_store_idx %arg9[%broadcast_in_dim3A_317, %add3A_45, %select_n3A_78, %add3A_752], %add3A_759 : memref<4x4x8x129xf32, #tpu.memory_space<vmem>>[vector<16xi32>, vector<16xi32>, vector<16xi32>, vector<16xi32>], vector<16xf32>,
        %add3A_760 = arith.addf %get3A_749, %get3A_299 : vector<16xf32>
        tpu.vector_store_idx %arg9[%broadcast_in_dim3A_317, %add3A_56, %select_n3A_78, %add3A_752], %add3A_760 : memref<4x4x8x129xf32, #tpu.memory_space<vmem>>[vector<16xi32>, vector<16xi32>, vector<16xi32>, vector<16xi32>], vector<16xf32>,
        %add3A_761 = arith.constant 128 : i32
        %add3A_762 = arith.addi %add3A_761, %add3A_758 : i32
        %add3A_763 = arith.constant 1 : i32
        %add3A_764 = arith.addi %add3A_762, %add3A_763 : i32
        %get3A_765 = arith.index_cast %add3A_764 : i32 to index
        %get3A_766 = arith.constant 0 : index
        %get3A_767 = tpu.vector_load %arg7[%get3A_765, %get3A_766] {strides = array<i32>} : memref<520x32xf32, #tpu.memory_space<vmem>>, vector<16xf32>,
        %get3A_768 = arith.index_cast %add3A_764 : i32 to index
        %get3A_769 = arith.constant 16 : index
        %get3A_770 = tpu.vector_load %arg7[%get3A_768, %get3A_769] {strides = array<i32>} : memref<520x32xf32, #tpu.memory_space<vmem>>, vector<16xf32>,
        %add3A_771 = arith.constant 1 : i32
        %add3A_772 = vector.broadcast %add3A_771 : i32 to vector<16xi32>
        %add3A_773 = arith.addi %add3A_752, %add3A_772 : vector<16xi32>
        %scan3A_774 = arith.constant 7 : i32
        %scan3A_775 = arith.addi %scan3A_625, %scan3A_774 : i32
        %mul3A_776 = arith.constant 1 : i32
        %mul3A_777 = arith.muli %scan3A_775, %mul3A_776 : i32
        %add3A_778 = arith.constant 0 : i32
        %add3A_779 = arith.addi %add3A_778, %mul3A_777 : i32
        %add3A_780 = arith.addf %get3A_767, %get3A_296 : vector<16xf32>
        tpu.vector_store_idx %arg9[%broadcast_in_dim3A_317, %add3A_45, %select_n3A_78, %add3A_773], %add3A_780 : memref<4x4x8x129xf32, #tpu.memory_space<vmem>>[vector<16xi32>, vector<16xi32>, vector<16xi32>, vector<16xi32>], vector<16xf32>,
        %add3A_781 = arith.addf %get3A_770, %get3A_299 : vector<16xf32>
        tpu.vector_store_idx %arg9[%broadcast_in_dim3A_317, %add3A_56, %select_n3A_78, %add3A_773], %add3A_781 : memref<4x4x8x129xf32, #tpu.memory_space<vmem>>[vector<16xi32>, vector<16xi32>, vector<16xi32>, vector<16xi32>], vector<16xf32>,
        %add3A_782 = arith.constant 128 : i32
        %add3A_783 = arith.addi %add3A_782, %add3A_779 : i32
        %add3A_784 = arith.constant 1 : i32
        %add3A_785 = arith.addi %add3A_783, %add3A_784 : i32
        %get3A_786 = arith.index_cast %add3A_785 : i32 to index
        %get3A_787 = arith.constant 0 : index
        %get3A_788 = tpu.vector_load %arg7[%get3A_786, %get3A_787] {strides = array<i32>} : memref<520x32xf32, #tpu.memory_space<vmem>>, vector<16xf32>,
        %get3A_789 = arith.index_cast %add3A_785 : i32 to index
        %get3A_790 = arith.constant 16 : index
        %get3A_791 = tpu.vector_load %arg7[%get3A_789, %get3A_790] {strides = array<i32>} : memref<520x32xf32, #tpu.memory_space<vmem>>, vector<16xf32>,
        %add3A_792 = arith.constant 1 : i32
        %add3A_793 = vector.broadcast %add3A_792 : i32 to vector<16xi32>
        %add3A_794 = arith.addi %add3A_773, %add3A_793 : vector<16xi32>
        scf.yield %add3A_794, %get3A_788, %get3A_791 : vector<16xi32>, vector<16xf32>, vector<16xf32>
      }
      %scan3A_331 = arith.constant 128 : i32
      %broadcast_in_dim3A_332 = arith.constant 2 : i32
      %broadcast_in_dim3A_333 = vector.broadcast %broadcast_in_dim3A_332 : i32 to vector<16xi32>
      %get3A_334 = arith.constant 256 : i32
      %get3A_335 = arith.index_cast %get3A_334 : i32 to index
      %get3A_336 = arith.constant 0 : index
      %get3A_337 = tpu.vector_load %arg7[%get3A_335, %get3A_336] {strides = array<i32>} : memref<520x32xf32, #tpu.memory_space<vmem>>, vector<16xf32>,
      %get3A_338 = arith.constant 256 : i32
      %get3A_339 = arith.index_cast %get3A_338 : i32 to index
      %get3A_340 = arith.constant 16 : index
      %get3A_341 = tpu.vector_load %arg7[%get3A_339, %get3A_340] {strides = array<i32>} : memref<520x32xf32, #tpu.memory_space<vmem>>, vector<16xf32>,
      %scan3A_342 = arith.constant 0 : i32
      %scan3A_343 = arith.constant 128 : i32
      %scan3A_344 = arith.addi %scan3A_342, %scan3A_343 : i32
      %scan3A_345 = arith.constant 8 : i32
      %scan3A_346:3 = scf.for %scan3A_625 = %scan3A_342 to %scan3A_344 step %scan3A_345 iter_args(%scan3A_626 = %broadcast_in_dim3A_80, %scan3A_627 = %get3A_337, %scan3A_628 = %get3A_341) -> (vector<16xi32>, vector<16xf32>, vector<16xf32>)  : i32 {
        %mul3A_629 = arith.constant 1 : i32
        %mul3A_630 = arith.muli %scan3A_625, %mul3A_629 : i32
        %add3A_631 = arith.constant 0 : i32
        %add3A_632 = arith.addi %add3A_631, %mul3A_630 : i32
        %add3A_633 = arith.addf %scan3A_627, %get3A_296 : vector<16xf32>
        tpu.vector_store_idx %arg9[%broadcast_in_dim3A_333, %add3A_45, %select_n3A_78, %scan3A_626], %add3A_633 : memref<4x4x8x129xf32, #tpu.memory_space<vmem>>[vector<16xi32>, vector<16xi32>, vector<16xi32>, vector<16xi32>], vector<16xf32>,
        %add3A_634 = arith.addf %scan3A_628, %get3A_299 : vector<16xf32>
        tpu.vector_store_idx %arg9[%broadcast_in_dim3A_333, %add3A_56, %select_n3A_78, %scan3A_626], %add3A_634 : memref<4x4x8x129xf32, #tpu.memory_space<vmem>>[vector<16xi32>, vector<16xi32>, vector<16xi32>, vector<16xi32>], vector<16xf32>,
        %add3A_635 = arith.constant 256 : i32
        %add3A_636 = arith.addi %add3A_635, %add3A_632 : i32
        %add3A_637 = arith.constant 1 : i32
        %add3A_638 = arith.addi %add3A_636, %add3A_637 : i32
        %get3A_639 = arith.index_cast %add3A_638 : i32 to index
        %get3A_640 = arith.constant 0 : index
        %get3A_641 = tpu.vector_load %arg7[%get3A_639, %get3A_640] {strides = array<i32>} : memref<520x32xf32, #tpu.memory_space<vmem>>, vector<16xf32>,
        %get3A_642 = arith.index_cast %add3A_638 : i32 to index
        %get3A_643 = arith.constant 16 : index
        %get3A_644 = tpu.vector_load %arg7[%get3A_642, %get3A_643] {strides = array<i32>} : memref<520x32xf32, #tpu.memory_space<vmem>>, vector<16xf32>,
        %add3A_645 = arith.constant 1 : i32
        %add3A_646 = vector.broadcast %add3A_645 : i32 to vector<16xi32>
        %add3A_647 = arith.addi %scan3A_626, %add3A_646 : vector<16xi32>
        %scan3A_648 = arith.constant 1 : i32
        %scan3A_649 = arith.addi %scan3A_625, %scan3A_648 : i32
        %mul3A_650 = arith.constant 1 : i32
        %mul3A_651 = arith.muli %scan3A_649, %mul3A_650 : i32
        %add3A_652 = arith.constant 0 : i32
        %add3A_653 = arith.addi %add3A_652, %mul3A_651 : i32
        %add3A_654 = arith.addf %get3A_641, %get3A_296 : vector<16xf32>
        tpu.vector_store_idx %arg9[%broadcast_in_dim3A_333, %add3A_45, %select_n3A_78, %add3A_647], %add3A_654 : memref<4x4x8x129xf32, #tpu.memory_space<vmem>>[vector<16xi32>, vector<16xi32>, vector<16xi32>, vector<16xi32>], vector<16xf32>,
        %add3A_655 = arith.addf %get3A_644, %get3A_299 : vector<16xf32>
        tpu.vector_store_idx %arg9[%broadcast_in_dim3A_333, %add3A_56, %select_n3A_78, %add3A_647], %add3A_655 : memref<4x4x8x129xf32, #tpu.memory_space<vmem>>[vector<16xi32>, vector<16xi32>, vector<16xi32>, vector<16xi32>], vector<16xf32>,
        %add3A_656 = arith.constant 256 : i32
        %add3A_657 = arith.addi %add3A_656, %add3A_653 : i32
        %add3A_658 = arith.constant 1 : i32
        %add3A_659 = arith.addi %add3A_657, %add3A_658 : i32
        %get3A_660 = arith.index_cast %add3A_659 : i32 to index
        %get3A_661 = arith.constant 0 : index
        %get3A_662 = tpu.vector_load %arg7[%get3A_660, %get3A_661] {strides = array<i32>} : memref<520x32xf32, #tpu.memory_space<vmem>>, vector<16xf32>,
        %get3A_663 = arith.index_cast %add3A_659 : i32 to index
        %get3A_664 = arith.constant 16 : index
        %get3A_665 = tpu.vector_load %arg7[%get3A_663, %get3A_664] {strides = array<i32>} : memref<520x32xf32, #tpu.memory_space<vmem>>, vector<16xf32>,
        %add3A_666 = arith.constant 1 : i32
        %add3A_667 = vector.broadcast %add3A_666 : i32 to vector<16xi32>
        %add3A_668 = arith.addi %add3A_647, %add3A_667 : vector<16xi32>
        %scan3A_669 = arith.constant 2 : i32
        %scan3A_670 = arith.addi %scan3A_625, %scan3A_669 : i32
        %mul3A_671 = arith.constant 1 : i32
        %mul3A_672 = arith.muli %scan3A_670, %mul3A_671 : i32
        %add3A_673 = arith.constant 0 : i32
        %add3A_674 = arith.addi %add3A_673, %mul3A_672 : i32
        %add3A_675 = arith.addf %get3A_662, %get3A_296 : vector<16xf32>
        tpu.vector_store_idx %arg9[%broadcast_in_dim3A_333, %add3A_45, %select_n3A_78, %add3A_668], %add3A_675 : memref<4x4x8x129xf32, #tpu.memory_space<vmem>>[vector<16xi32>, vector<16xi32>, vector<16xi32>, vector<16xi32>], vector<16xf32>,
        %add3A_676 = arith.addf %get3A_665, %get3A_299 : vector<16xf32>
        tpu.vector_store_idx %arg9[%broadcast_in_dim3A_333, %add3A_56, %select_n3A_78, %add3A_668], %add3A_676 : memref<4x4x8x129xf32, #tpu.memory_space<vmem>>[vector<16xi32>, vector<16xi32>, vector<16xi32>, vector<16xi32>], vector<16xf32>,
        %add3A_677 = arith.constant 256 : i32
        %add3A_678 = arith.addi %add3A_677, %add3A_674 : i32
        %add3A_679 = arith.constant 1 : i32
        %add3A_680 = arith.addi %add3A_678, %add3A_679 : i32
        %get3A_681 = arith.index_cast %add3A_680 : i32 to index
        %get3A_682 = arith.constant 0 : index
        %get3A_683 = tpu.vector_load %arg7[%get3A_681, %get3A_682] {strides = array<i32>} : memref<520x32xf32, #tpu.memory_space<vmem>>, vector<16xf32>,
        %get3A_684 = arith.index_cast %add3A_680 : i32 to index
        %get3A_685 = arith.constant 16 : index
        %get3A_686 = tpu.vector_load %arg7[%get3A_684, %get3A_685] {strides = array<i32>} : memref<520x32xf32, #tpu.memory_space<vmem>>, vector<16xf32>,
        %add3A_687 = arith.constant 1 : i32
        %add3A_688 = vector.broadcast %add3A_687 : i32 to vector<16xi32>
        %add3A_689 = arith.addi %add3A_668, %add3A_688 : vector<16xi32>
        %scan3A_690 = arith.constant 3 : i32
        %scan3A_691 = arith.addi %scan3A_625, %scan3A_690 : i32
        %mul3A_692 = arith.constant 1 : i32
        %mul3A_693 = arith.muli %scan3A_691, %mul3A_692 : i32
        %add3A_694 = arith.constant 0 : i32
        %add3A_695 = arith.addi %add3A_694, %mul3A_693 : i32
        %add3A_696 = arith.addf %get3A_683, %get3A_296 : vector<16xf32>
        tpu.vector_store_idx %arg9[%broadcast_in_dim3A_333, %add3A_45, %select_n3A_78, %add3A_689], %add3A_696 : memref<4x4x8x129xf32, #tpu.memory_space<vmem>>[vector<16xi32>, vector<16xi32>, vector<16xi32>, vector<16xi32>], vector<16xf32>,
        %add3A_697 = arith.addf %get3A_686, %get3A_299 : vector<16xf32>
        tpu.vector_store_idx %arg9[%broadcast_in_dim3A_333, %add3A_56, %select_n3A_78, %add3A_689], %add3A_697 : memref<4x4x8x129xf32, #tpu.memory_space<vmem>>[vector<16xi32>, vector<16xi32>, vector<16xi32>, vector<16xi32>], vector<16xf32>,
        %add3A_698 = arith.constant 256 : i32
        %add3A_699 = arith.addi %add3A_698, %add3A_695 : i32
        %add3A_700 = arith.constant 1 : i32
        %add3A_701 = arith.addi %add3A_699, %add3A_700 : i32
        %get3A_702 = arith.index_cast %add3A_701 : i32 to index
        %get3A_703 = arith.constant 0 : index
        %get3A_704 = tpu.vector_load %arg7[%get3A_702, %get3A_703] {strides = array<i32>} : memref<520x32xf32, #tpu.memory_space<vmem>>, vector<16xf32>,
        %get3A_705 = arith.index_cast %add3A_701 : i32 to index
        %get3A_706 = arith.constant 16 : index
        %get3A_707 = tpu.vector_load %arg7[%get3A_705, %get3A_706] {strides = array<i32>} : memref<520x32xf32, #tpu.memory_space<vmem>>, vector<16xf32>,
        %add3A_708 = arith.constant 1 : i32
        %add3A_709 = vector.broadcast %add3A_708 : i32 to vector<16xi32>
        %add3A_710 = arith.addi %add3A_689, %add3A_709 : vector<16xi32>
        %scan3A_711 = arith.constant 4 : i32
        %scan3A_712 = arith.addi %scan3A_625, %scan3A_711 : i32
        %mul3A_713 = arith.constant 1 : i32
        %mul3A_714 = arith.muli %scan3A_712, %mul3A_713 : i32
        %add3A_715 = arith.constant 0 : i32
        %add3A_716 = arith.addi %add3A_715, %mul3A_714 : i32
        %add3A_717 = arith.addf %get3A_704, %get3A_296 : vector<16xf32>
        tpu.vector_store_idx %arg9[%broadcast_in_dim3A_333, %add3A_45, %select_n3A_78, %add3A_710], %add3A_717 : memref<4x4x8x129xf32, #tpu.memory_space<vmem>>[vector<16xi32>, vector<16xi32>, vector<16xi32>, vector<16xi32>], vector<16xf32>,
        %add3A_718 = arith.addf %get3A_707, %get3A_299 : vector<16xf32>
        tpu.vector_store_idx %arg9[%broadcast_in_dim3A_333, %add3A_56, %select_n3A_78, %add3A_710], %add3A_718 : memref<4x4x8x129xf32, #tpu.memory_space<vmem>>[vector<16xi32>, vector<16xi32>, vector<16xi32>, vector<16xi32>], vector<16xf32>,
        %add3A_719 = arith.constant 256 : i32
        %add3A_720 = arith.addi %add3A_719, %add3A_716 : i32
        %add3A_721 = arith.constant 1 : i32
        %add3A_722 = arith.addi %add3A_720, %add3A_721 : i32
        %get3A_723 = arith.index_cast %add3A_722 : i32 to index
        %get3A_724 = arith.constant 0 : index
        %get3A_725 = tpu.vector_load %arg7[%get3A_723, %get3A_724] {strides = array<i32>} : memref<520x32xf32, #tpu.memory_space<vmem>>, vector<16xf32>,
        %get3A_726 = arith.index_cast %add3A_722 : i32 to index
        %get3A_727 = arith.constant 16 : index
        %get3A_728 = tpu.vector_load %arg7[%get3A_726, %get3A_727] {strides = array<i32>} : memref<520x32xf32, #tpu.memory_space<vmem>>, vector<16xf32>,
        %add3A_729 = arith.constant 1 : i32
        %add3A_730 = vector.broadcast %add3A_729 : i32 to vector<16xi32>
        %add3A_731 = arith.addi %add3A_710, %add3A_730 : vector<16xi32>
        %scan3A_732 = arith.constant 5 : i32
        %scan3A_733 = arith.addi %scan3A_625, %scan3A_732 : i32
        %mul3A_734 = arith.constant 1 : i32
        %mul3A_735 = arith.muli %scan3A_733, %mul3A_734 : i32
        %add3A_736 = arith.constant 0 : i32
        %add3A_737 = arith.addi %add3A_736, %mul3A_735 : i32
        %add3A_738 = arith.addf %get3A_725, %get3A_296 : vector<16xf32>
        tpu.vector_store_idx %arg9[%broadcast_in_dim3A_333, %add3A_45, %select_n3A_78, %add3A_731], %add3A_738 : memref<4x4x8x129xf32, #tpu.memory_space<vmem>>[vector<16xi32>, vector<16xi32>, vector<16xi32>, vector<16xi32>], vector<16xf32>,
        %add3A_739 = arith.addf %get3A_728, %get3A_299 : vector<16xf32>
        tpu.vector_store_idx %arg9[%broadcast_in_dim3A_333, %add3A_56, %select_n3A_78, %add3A_731], %add3A_739 : memref<4x4x8x129xf32, #tpu.memory_space<vmem>>[vector<16xi32>, vector<16xi32>, vector<16xi32>, vector<16xi32>], vector<16xf32>,
        %add3A_740 = arith.constant 256 : i32
        %add3A_741 = arith.addi %add3A_740, %add3A_737 : i32
        %add3A_742 = arith.constant 1 : i32
        %add3A_743 = arith.addi %add3A_741, %add3A_742 : i32
        %get3A_744 = arith.index_cast %add3A_743 : i32 to index
        %get3A_745 = arith.constant 0 : index
        %get3A_746 = tpu.vector_load %arg7[%get3A_744, %get3A_745] {strides = array<i32>} : memref<520x32xf32, #tpu.memory_space<vmem>>, vector<16xf32>,
        %get3A_747 = arith.index_cast %add3A_743 : i32 to index
        %get3A_748 = arith.constant 16 : index
        %get3A_749 = tpu.vector_load %arg7[%get3A_747, %get3A_748] {strides = array<i32>} : memref<520x32xf32, #tpu.memory_space<vmem>>, vector<16xf32>,
        %add3A_750 = arith.constant 1 : i32
        %add3A_751 = vector.broadcast %add3A_750 : i32 to vector<16xi32>
        %add3A_752 = arith.addi %add3A_731, %add3A_751 : vector<16xi32>
        %scan3A_753 = arith.constant 6 : i32
        %scan3A_754 = arith.addi %scan3A_625, %scan3A_753 : i32
        %mul3A_755 = arith.constant 1 : i32
        %mul3A_756 = arith.muli %scan3A_754, %mul3A_755 : i32
        %add3A_757 = arith.constant 0 : i32
        %add3A_758 = arith.addi %add3A_757, %mul3A_756 : i32
        %add3A_759 = arith.addf %get3A_746, %get3A_296 : vector<16xf32>
        tpu.vector_store_idx %arg9[%broadcast_in_dim3A_333, %add3A_45, %select_n3A_78, %add3A_752], %add3A_759 : memref<4x4x8x129xf32, #tpu.memory_space<vmem>>[vector<16xi32>, vector<16xi32>, vector<16xi32>, vector<16xi32>], vector<16xf32>,
        %add3A_760 = arith.addf %get3A_749, %get3A_299 : vector<16xf32>
        tpu.vector_store_idx %arg9[%broadcast_in_dim3A_333, %add3A_56, %select_n3A_78, %add3A_752], %add3A_760 : memref<4x4x8x129xf32, #tpu.memory_space<vmem>>[vector<16xi32>, vector<16xi32>, vector<16xi32>, vector<16xi32>], vector<16xf32>,
        %add3A_761 = arith.constant 256 : i32
        %add3A_762 = arith.addi %add3A_761, %add3A_758 : i32
        %add3A_763 = arith.constant 1 : i32
        %add3A_764 = arith.addi %add3A_762, %add3A_763 : i32
        %get3A_765 = arith.index_cast %add3A_764 : i32 to index
        %get3A_766 = arith.constant 0 : index
        %get3A_767 = tpu.vector_load %arg7[%get3A_765, %get3A_766] {strides = array<i32>} : memref<520x32xf32, #tpu.memory_space<vmem>>, vector<16xf32>,
        %get3A_768 = arith.index_cast %add3A_764 : i32 to index
        %get3A_769 = arith.constant 16 : index
        %get3A_770 = tpu.vector_load %arg7[%get3A_768, %get3A_769] {strides = array<i32>} : memref<520x32xf32, #tpu.memory_space<vmem>>, vector<16xf32>,
        %add3A_771 = arith.constant 1 : i32
        %add3A_772 = vector.broadcast %add3A_771 : i32 to vector<16xi32>
        %add3A_773 = arith.addi %add3A_752, %add3A_772 : vector<16xi32>
        %scan3A_774 = arith.constant 7 : i32
        %scan3A_775 = arith.addi %scan3A_625, %scan3A_774 : i32
        %mul3A_776 = arith.constant 1 : i32
        %mul3A_777 = arith.muli %scan3A_775, %mul3A_776 : i32
        %add3A_778 = arith.constant 0 : i32
        %add3A_779 = arith.addi %add3A_778, %mul3A_777 : i32
        %add3A_780 = arith.addf %get3A_767, %get3A_296 : vector<16xf32>
        tpu.vector_store_idx %arg9[%broadcast_in_dim3A_333, %add3A_45, %select_n3A_78, %add3A_773], %add3A_780 : memref<4x4x8x129xf32, #tpu.memory_space<vmem>>[vector<16xi32>, vector<16xi32>, vector<16xi32>, vector<16xi32>], vector<16xf32>,
        %add3A_781 = arith.addf %get3A_770, %get3A_299 : vector<16xf32>
        tpu.vector_store_idx %arg9[%broadcast_in_dim3A_333, %add3A_56, %select_n3A_78, %add3A_773], %add3A_781 : memref<4x4x8x129xf32, #tpu.memory_space<vmem>>[vector<16xi32>, vector<16xi32>, vector<16xi32>, vector<16xi32>], vector<16xf32>,
        %add3A_782 = arith.constant 256 : i32
        %add3A_783 = arith.addi %add3A_782, %add3A_779 : i32
        %add3A_784 = arith.constant 1 : i32
        %add3A_785 = arith.addi %add3A_783, %add3A_784 : i32
        %get3A_786 = arith.index_cast %add3A_785 : i32 to index
        %get3A_787 = arith.constant 0 : index
        %get3A_788 = tpu.vector_load %arg7[%get3A_786, %get3A_787] {strides = array<i32>} : memref<520x32xf32, #tpu.memory_space<vmem>>, vector<16xf32>,
        %get3A_789 = arith.index_cast %add3A_785 : i32 to index
        %get3A_790 = arith.constant 16 : index
        %get3A_791 = tpu.vector_load %arg7[%get3A_789, %get3A_790] {strides = array<i32>} : memref<520x32xf32, #tpu.memory_space<vmem>>, vector<16xf32>,
        %add3A_792 = arith.constant 1 : i32
        %add3A_793 = vector.broadcast %add3A_792 : i32 to vector<16xi32>
        %add3A_794 = arith.addi %add3A_773, %add3A_793 : vector<16xi32>
        scf.yield %add3A_794, %get3A_788, %get3A_791 : vector<16xi32>, vector<16xf32>, vector<16xf32>
      }
      %scan3A_347 = arith.constant 128 : i32
      %broadcast_in_dim3A_348 = arith.constant 3 : i32
      %broadcast_in_dim3A_349 = vector.broadcast %broadcast_in_dim3A_348 : i32 to vector<16xi32>
      %get3A_350 = arith.constant 384 : i32
      %get3A_351 = arith.index_cast %get3A_350 : i32 to index
      %get3A_352 = arith.constant 0 : index
      %get3A_353 = tpu.vector_load %arg7[%get3A_351, %get3A_352] {strides = array<i32>} : memref<520x32xf32, #tpu.memory_space<vmem>>, vector<16xf32>,
      %get3A_354 = arith.constant 384 : i32
      %get3A_355 = arith.index_cast %get3A_354 : i32 to index
      %get3A_356 = arith.constant 16 : index
      %get3A_357 = tpu.vector_load %arg7[%get3A_355, %get3A_356] {strides = array<i32>} : memref<520x32xf32, #tpu.memory_space<vmem>>, vector<16xf32>,
      %scan3A_358 = arith.constant 0 : i32
      %scan3A_359 = arith.constant 128 : i32
      %scan3A_360 = arith.addi %scan3A_358, %scan3A_359 : i32
      %scan3A_361 = arith.constant 8 : i32
      %scan3A_362:3 = scf.for %scan3A_625 = %scan3A_358 to %scan3A_360 step %scan3A_361 iter_args(%scan3A_626 = %broadcast_in_dim3A_80, %scan3A_627 = %get3A_353, %scan3A_628 = %get3A_357) -> (vector<16xi32>, vector<16xf32>, vector<16xf32>)  : i32 {
        %mul3A_629 = arith.constant 1 : i32
        %mul3A_630 = arith.muli %scan3A_625, %mul3A_629 : i32
        %add3A_631 = arith.constant 0 : i32
        %add3A_632 = arith.addi %add3A_631, %mul3A_630 : i32
        %add3A_633 = arith.addf %scan3A_627, %get3A_296 : vector<16xf32>
        tpu.vector_store_idx %arg9[%broadcast_in_dim3A_349, %add3A_45, %select_n3A_78, %scan3A_626], %add3A_633 : memref<4x4x8x129xf32, #tpu.memory_space<vmem>>[vector<16xi32>, vector<16xi32>, vector<16xi32>, vector<16xi32>], vector<16xf32>,
        %add3A_634 = arith.addf %scan3A_628, %get3A_299 : vector<16xf32>
        tpu.vector_store_idx %arg9[%broadcast_in_dim3A_349, %add3A_56, %select_n3A_78, %scan3A_626], %add3A_634 : memref<4x4x8x129xf32, #tpu.memory_space<vmem>>[vector<16xi32>, vector<16xi32>, vector<16xi32>, vector<16xi32>], vector<16xf32>,
        %add3A_635 = arith.constant 384 : i32
        %add3A_636 = arith.addi %add3A_635, %add3A_632 : i32
        %add3A_637 = arith.constant 1 : i32
        %add3A_638 = arith.addi %add3A_636, %add3A_637 : i32
        %get3A_639 = arith.index_cast %add3A_638 : i32 to index
        %get3A_640 = arith.constant 0 : index
        %get3A_641 = tpu.vector_load %arg7[%get3A_639, %get3A_640] {strides = array<i32>} : memref<520x32xf32, #tpu.memory_space<vmem>>, vector<16xf32>,
        %get3A_642 = arith.index_cast %add3A_638 : i32 to index
        %get3A_643 = arith.constant 16 : index
        %get3A_644 = tpu.vector_load %arg7[%get3A_642, %get3A_643] {strides = array<i32>} : memref<520x32xf32, #tpu.memory_space<vmem>>, vector<16xf32>,
        %add3A_645 = arith.constant 1 : i32
        %add3A_646 = vector.broadcast %add3A_645 : i32 to vector<16xi32>
        %add3A_647 = arith.addi %scan3A_626, %add3A_646 : vector<16xi32>
        %scan3A_648 = arith.constant 1 : i32
        %scan3A_649 = arith.addi %scan3A_625, %scan3A_648 : i32
        %mul3A_650 = arith.constant 1 : i32
        %mul3A_651 = arith.muli %scan3A_649, %mul3A_650 : i32
        %add3A_652 = arith.constant 0 : i32
        %add3A_653 = arith.addi %add3A_652, %mul3A_651 : i32
        %add3A_654 = arith.addf %get3A_641, %get3A_296 : vector<16xf32>
        tpu.vector_store_idx %arg9[%broadcast_in_dim3A_349, %add3A_45, %select_n3A_78, %add3A_647], %add3A_654 : memref<4x4x8x129xf32, #tpu.memory_space<vmem>>[vector<16xi32>, vector<16xi32>, vector<16xi32>, vector<16xi32>], vector<16xf32>,
        %add3A_655 = arith.addf %get3A_644, %get3A_299 : vector<16xf32>
        tpu.vector_store_idx %arg9[%broadcast_in_dim3A_349, %add3A_56, %select_n3A_78, %add3A_647], %add3A_655 : memref<4x4x8x129xf32, #tpu.memory_space<vmem>>[vector<16xi32>, vector<16xi32>, vector<16xi32>, vector<16xi32>], vector<16xf32>,
        %add3A_656 = arith.constant 384 : i32
        %add3A_657 = arith.addi %add3A_656, %add3A_653 : i32
        %add3A_658 = arith.constant 1 : i32
        %add3A_659 = arith.addi %add3A_657, %add3A_658 : i32
        %get3A_660 = arith.index_cast %add3A_659 : i32 to index
        %get3A_661 = arith.constant 0 : index
        %get3A_662 = tpu.vector_load %arg7[%get3A_660, %get3A_661] {strides = array<i32>} : memref<520x32xf32, #tpu.memory_space<vmem>>, vector<16xf32>,
        %get3A_663 = arith.index_cast %add3A_659 : i32 to index
        %get3A_664 = arith.constant 16 : index
        %get3A_665 = tpu.vector_load %arg7[%get3A_663, %get3A_664] {strides = array<i32>} : memref<520x32xf32, #tpu.memory_space<vmem>>, vector<16xf32>,
        %add3A_666 = arith.constant 1 : i32
        %add3A_667 = vector.broadcast %add3A_666 : i32 to vector<16xi32>
        %add3A_668 = arith.addi %add3A_647, %add3A_667 : vector<16xi32>
        %scan3A_669 = arith.constant 2 : i32
        %scan3A_670 = arith.addi %scan3A_625, %scan3A_669 : i32
        %mul3A_671 = arith.constant 1 : i32
        %mul3A_672 = arith.muli %scan3A_670, %mul3A_671 : i32
        %add3A_673 = arith.constant 0 : i32
        %add3A_674 = arith.addi %add3A_673, %mul3A_672 : i32
        %add3A_675 = arith.addf %get3A_662, %get3A_296 : vector<16xf32>
        tpu.vector_store_idx %arg9[%broadcast_in_dim3A_349, %add3A_45, %select_n3A_78, %add3A_668], %add3A_675 : memref<4x4x8x129xf32, #tpu.memory_space<vmem>>[vector<16xi32>, vector<16xi32>, vector<16xi32>, vector<16xi32>], vector<16xf32>,
        %add3A_676 = arith.addf %get3A_665, %get3A_299 : vector<16xf32>
        tpu.vector_store_idx %arg9[%broadcast_in_dim3A_349, %add3A_56, %select_n3A_78, %add3A_668], %add3A_676 : memref<4x4x8x129xf32, #tpu.memory_space<vmem>>[vector<16xi32>, vector<16xi32>, vector<16xi32>, vector<16xi32>], vector<16xf32>,
        %add3A_677 = arith.constant 384 : i32
        %add3A_678 = arith.addi %add3A_677, %add3A_674 : i32
        %add3A_679 = arith.constant 1 : i32
        %add3A_680 = arith.addi %add3A_678, %add3A_679 : i32
        %get3A_681 = arith.index_cast %add3A_680 : i32 to index
        %get3A_682 = arith.constant 0 : index
        %get3A_683 = tpu.vector_load %arg7[%get3A_681, %get3A_682] {strides = array<i32>} : memref<520x32xf32, #tpu.memory_space<vmem>>, vector<16xf32>,
        %get3A_684 = arith.index_cast %add3A_680 : i32 to index
        %get3A_685 = arith.constant 16 : index
        %get3A_686 = tpu.vector_load %arg7[%get3A_684, %get3A_685] {strides = array<i32>} : memref<520x32xf32, #tpu.memory_space<vmem>>, vector<16xf32>,
        %add3A_687 = arith.constant 1 : i32
        %add3A_688 = vector.broadcast %add3A_687 : i32 to vector<16xi32>
        %add3A_689 = arith.addi %add3A_668, %add3A_688 : vector<16xi32>
        %scan3A_690 = arith.constant 3 : i32
        %scan3A_691 = arith.addi %scan3A_625, %scan3A_690 : i32
        %mul3A_692 = arith.constant 1 : i32
        %mul3A_693 = arith.muli %scan3A_691, %mul3A_692 : i32
        %add3A_694 = arith.constant 0 : i32
        %add3A_695 = arith.addi %add3A_694, %mul3A_693 : i32
        %add3A_696 = arith.addf %get3A_683, %get3A_296 : vector<16xf32>
        tpu.vector_store_idx %arg9[%broadcast_in_dim3A_349, %add3A_45, %select_n3A_78, %add3A_689], %add3A_696 : memref<4x4x8x129xf32, #tpu.memory_space<vmem>>[vector<16xi32>, vector<16xi32>, vector<16xi32>, vector<16xi32>], vector<16xf32>,
        %add3A_697 = arith.addf %get3A_686, %get3A_299 : vector<16xf32>
        tpu.vector_store_idx %arg9[%broadcast_in_dim3A_349, %add3A_56, %select_n3A_78, %add3A_689], %add3A_697 : memref<4x4x8x129xf32, #tpu.memory_space<vmem>>[vector<16xi32>, vector<16xi32>, vector<16xi32>, vector<16xi32>], vector<16xf32>,
        %add3A_698 = arith.constant 384 : i32
        %add3A_699 = arith.addi %add3A_698, %add3A_695 : i32
        %add3A_700 = arith.constant 1 : i32
        %add3A_701 = arith.addi %add3A_699, %add3A_700 : i32
        %get3A_702 = arith.index_cast %add3A_701 : i32 to index
        %get3A_703 = arith.constant 0 : index
        %get3A_704 = tpu.vector_load %arg7[%get3A_702, %get3A_703] {strides = array<i32>} : memref<520x32xf32, #tpu.memory_space<vmem>>, vector<16xf32>,
        %get3A_705 = arith.index_cast %add3A_701 : i32 to index
        %get3A_706 = arith.constant 16 : index
        %get3A_707 = tpu.vector_load %arg7[%get3A_705, %get3A_706] {strides = array<i32>} : memref<520x32xf32, #tpu.memory_space<vmem>>, vector<16xf32>,
        %add3A_708 = arith.constant 1 : i32
        %add3A_709 = vector.broadcast %add3A_708 : i32 to vector<16xi32>
        %add3A_710 = arith.addi %add3A_689, %add3A_709 : vector<16xi32>
        %scan3A_711 = arith.constant 4 : i32
        %scan3A_712 = arith.addi %scan3A_625, %scan3A_711 : i32
        %mul3A_713 = arith.constant 1 : i32
        %mul3A_714 = arith.muli %scan3A_712, %mul3A_713 : i32
        %add3A_715 = arith.constant 0 : i32
        %add3A_716 = arith.addi %add3A_715, %mul3A_714 : i32
        %add3A_717 = arith.addf %get3A_704, %get3A_296 : vector<16xf32>
        tpu.vector_store_idx %arg9[%broadcast_in_dim3A_349, %add3A_45, %select_n3A_78, %add3A_710], %add3A_717 : memref<4x4x8x129xf32, #tpu.memory_space<vmem>>[vector<16xi32>, vector<16xi32>, vector<16xi32>, vector<16xi32>], vector<16xf32>,
        %add3A_718 = arith.addf %get3A_707, %get3A_299 : vector<16xf32>
        tpu.vector_store_idx %arg9[%broadcast_in_dim3A_349, %add3A_56, %select_n3A_78, %add3A_710], %add3A_718 : memref<4x4x8x129xf32, #tpu.memory_space<vmem>>[vector<16xi32>, vector<16xi32>, vector<16xi32>, vector<16xi32>], vector<16xf32>,
        %add3A_719 = arith.constant 384 : i32
        %add3A_720 = arith.addi %add3A_719, %add3A_716 : i32
        %add3A_721 = arith.constant 1 : i32
        %add3A_722 = arith.addi %add3A_720, %add3A_721 : i32
        %get3A_723 = arith.index_cast %add3A_722 : i32 to index
        %get3A_724 = arith.constant 0 : index
        %get3A_725 = tpu.vector_load %arg7[%get3A_723, %get3A_724] {strides = array<i32>} : memref<520x32xf32, #tpu.memory_space<vmem>>, vector<16xf32>,
        %get3A_726 = arith.index_cast %add3A_722 : i32 to index
        %get3A_727 = arith.constant 16 : index
        %get3A_728 = tpu.vector_load %arg7[%get3A_726, %get3A_727] {strides = array<i32>} : memref<520x32xf32, #tpu.memory_space<vmem>>, vector<16xf32>,
        %add3A_729 = arith.constant 1 : i32
        %add3A_730 = vector.broadcast %add3A_729 : i32 to vector<16xi32>
        %add3A_731 = arith.addi %add3A_710, %add3A_730 : vector<16xi32>
        %scan3A_732 = arith.constant 5 : i32
        %scan3A_733 = arith.addi %scan3A_625, %scan3A_732 : i32
        %mul3A_734 = arith.constant 1 : i32
        %mul3A_735 = arith.muli %scan3A_733, %mul3A_734 : i32
        %add3A_736 = arith.constant 0 : i32
        %add3A_737 = arith.addi %add3A_736, %mul3A_735 : i32
        %add3A_738 = arith.addf %get3A_725, %get3A_296 : vector<16xf32>
        tpu.vector_store_idx %arg9[%broadcast_in_dim3A_349, %add3A_45, %select_n3A_78, %add3A_731], %add3A_738 : memref<4x4x8x129xf32, #tpu.memory_space<vmem>>[vector<16xi32>, vector<16xi32>, vector<16xi32>, vector<16xi32>], vector<16xf32>,
        %add3A_739 = arith.addf %get3A_728, %get3A_299 : vector<16xf32>
        tpu.vector_store_idx %arg9[%broadcast_in_dim3A_349, %add3A_56, %select_n3A_78, %add3A_731], %add3A_739 : memref<4x4x8x129xf32, #tpu.memory_space<vmem>>[vector<16xi32>, vector<16xi32>, vector<16xi32>, vector<16xi32>], vector<16xf32>,
        %add3A_740 = arith.constant 384 : i32
        %add3A_741 = arith.addi %add3A_740, %add3A_737 : i32
        %add3A_742 = arith.constant 1 : i32
        %add3A_743 = arith.addi %add3A_741, %add3A_742 : i32
        %get3A_744 = arith.index_cast %add3A_743 : i32 to index
        %get3A_745 = arith.constant 0 : index
        %get3A_746 = tpu.vector_load %arg7[%get3A_744, %get3A_745] {strides = array<i32>} : memref<520x32xf32, #tpu.memory_space<vmem>>, vector<16xf32>,
        %get3A_747 = arith.index_cast %add3A_743 : i32 to index
        %get3A_748 = arith.constant 16 : index
        %get3A_749 = tpu.vector_load %arg7[%get3A_747, %get3A_748] {strides = array<i32>} : memref<520x32xf32, #tpu.memory_space<vmem>>, vector<16xf32>,
        %add3A_750 = arith.constant 1 : i32
        %add3A_751 = vector.broadcast %add3A_750 : i32 to vector<16xi32>
        %add3A_752 = arith.addi %add3A_731, %add3A_751 : vector<16xi32>
        %scan3A_753 = arith.constant 6 : i32
        %scan3A_754 = arith.addi %scan3A_625, %scan3A_753 : i32
        %mul3A_755 = arith.constant 1 : i32
        %mul3A_756 = arith.muli %scan3A_754, %mul3A_755 : i32
        %add3A_757 = arith.constant 0 : i32
        %add3A_758 = arith.addi %add3A_757, %mul3A_756 : i32
        %add3A_759 = arith.addf %get3A_746, %get3A_296 : vector<16xf32>
        tpu.vector_store_idx %arg9[%broadcast_in_dim3A_349, %add3A_45, %select_n3A_78, %add3A_752], %add3A_759 : memref<4x4x8x129xf32, #tpu.memory_space<vmem>>[vector<16xi32>, vector<16xi32>, vector<16xi32>, vector<16xi32>], vector<16xf32>,
        %add3A_760 = arith.addf %get3A_749, %get3A_299 : vector<16xf32>
        tpu.vector_store_idx %arg9[%broadcast_in_dim3A_349, %add3A_56, %select_n3A_78, %add3A_752], %add3A_760 : memref<4x4x8x129xf32, #tpu.memory_space<vmem>>[vector<16xi32>, vector<16xi32>, vector<16xi32>, vector<16xi32>], vector<16xf32>,
        %add3A_761 = arith.constant 384 : i32
        %add3A_762 = arith.addi %add3A_761, %add3A_758 : i32
        %add3A_763 = arith.constant 1 : i32
        %add3A_764 = arith.addi %add3A_762, %add3A_763 : i32
        %get3A_765 = arith.index_cast %add3A_764 : i32 to index
        %get3A_766 = arith.constant 0 : index
        %get3A_767 = tpu.vector_load %arg7[%get3A_765, %get3A_766] {strides = array<i32>} : memref<520x32xf32, #tpu.memory_space<vmem>>, vector<16xf32>,
        %get3A_768 = arith.index_cast %add3A_764 : i32 to index
        %get3A_769 = arith.constant 16 : index
        %get3A_770 = tpu.vector_load %arg7[%get3A_768, %get3A_769] {strides = array<i32>} : memref<520x32xf32, #tpu.memory_space<vmem>>, vector<16xf32>,
        %add3A_771 = arith.constant 1 : i32
        %add3A_772 = vector.broadcast %add3A_771 : i32 to vector<16xi32>
        %add3A_773 = arith.addi %add3A_752, %add3A_772 : vector<16xi32>
        %scan3A_774 = arith.constant 7 : i32
        %scan3A_775 = arith.addi %scan3A_625, %scan3A_774 : i32
        %mul3A_776 = arith.constant 1 : i32
        %mul3A_777 = arith.muli %scan3A_775, %mul3A_776 : i32
        %add3A_778 = arith.constant 0 : i32
        %add3A_779 = arith.addi %add3A_778, %mul3A_777 : i32
        %add3A_780 = arith.addf %get3A_767, %get3A_296 : vector<16xf32>
        tpu.vector_store_idx %arg9[%broadcast_in_dim3A_349, %add3A_45, %select_n3A_78, %add3A_773], %add3A_780 : memref<4x4x8x129xf32, #tpu.memory_space<vmem>>[vector<16xi32>, vector<16xi32>, vector<16xi32>, vector<16xi32>], vector<16xf32>,
        %add3A_781 = arith.addf %get3A_770, %get3A_299 : vector<16xf32>
        tpu.vector_store_idx %arg9[%broadcast_in_dim3A_349, %add3A_56, %select_n3A_78, %add3A_773], %add3A_781 : memref<4x4x8x129xf32, #tpu.memory_space<vmem>>[vector<16xi32>, vector<16xi32>, vector<16xi32>, vector<16xi32>], vector<16xf32>,
        %add3A_782 = arith.constant 384 : i32
        %add3A_783 = arith.addi %add3A_782, %add3A_779 : i32
        %add3A_784 = arith.constant 1 : i32
        %add3A_785 = arith.addi %add3A_783, %add3A_784 : i32
        %get3A_786 = arith.index_cast %add3A_785 : i32 to index
        %get3A_787 = arith.constant 0 : index
        %get3A_788 = tpu.vector_load %arg7[%get3A_786, %get3A_787] {strides = array<i32>} : memref<520x32xf32, #tpu.memory_space<vmem>>, vector<16xf32>,
        %get3A_789 = arith.index_cast %add3A_785 : i32 to index
        %get3A_790 = arith.constant 16 : index
        %get3A_791 = tpu.vector_load %arg7[%get3A_789, %get3A_790] {strides = array<i32>} : memref<520x32xf32, #tpu.memory_space<vmem>>, vector<16xf32>,
        %add3A_792 = arith.constant 1 : i32
        %add3A_793 = vector.broadcast %add3A_792 : i32 to vector<16xi32>
        %add3A_794 = arith.addi %add3A_773, %add3A_793 : vector<16xi32>
        scf.yield %add3A_794, %get3A_788, %get3A_791 : vector<16xi32>, vector<16xf32>, vector<16xf32>
      }
      %scan3A_363 = arith.constant 128 : i32
      %add3A_364 = arith.addi %mul3A_36, %add3A_275 : i32
      %dma_start3A_365 = arith.constant 0 : i32
      %dma_start3A_366 = arith.constant 0 : i32
      %dma_start3A_367 = arith.constant 0 : i32
      %dma_start3A_368 = arith.constant 0 : i32
      %dma_start3A_369 = arith.constant 0 : i32
      %dma_start3A_370 = tpu.memref_slice %arg9[%dma_start3A_367, %dma_start3A_365, %dma_start3A_368, %dma_start3A_369] : memref<4x4x8x129xf32, #tpu.memory_space<vmem>> -> memref<4x1x8x128xf32, #tpu.memory_space<vmem>>
      %dma_start3A_371 = tpu.memref_squeeze %dma_start3A_370 : memref<4x1x8x128xf32, #tpu.memory_space<vmem>> -> memref<4x8x128xf32, #tpu.memory_space<vmem>>
      %dma_start3A_372 = arith.constant 0 : i32
      %dma_start3A_373 = arith.constant 0 : i32
      %dma_start3A_374 = tpu.memref_slice %arg5[%add3A_364, %dma_start3A_366, %mul3A_34, %dma_start3A_372, %dma_start3A_373] : memref<200x4x32x8x128xf32, #tpu.memory_space<hbm>> -> memref<1x1x4x8x128xf32, #tpu.memory_space<hbm>>
      %dma_start3A_375 = tpu.memref_squeeze %dma_start3A_374 : memref<1x1x4x8x128xf32, #tpu.memory_space<hbm>> -> memref<4x8x128xf32, #tpu.memory_space<hbm>>
      %dma_start3A_376 = arith.constant 0 : i32
      %dma_start3A_377 = arith.constant 0 : i32
      %dma_start3A_378 = tpu.memref_slice %arg5[%add3A_364, %dma_start3A_366, %mul3A_34, %dma_start3A_376, %dma_start3A_377] : memref<200x4x32x8x128xf32, #tpu.memory_space<hbm>> -> memref<1x1x4x8x128xf32, #tpu.memory_space<hbm>>
      %dma_start3A_379 = tpu.memref_squeeze %dma_start3A_378 : memref<1x1x4x8x128xf32, #tpu.memory_space<hbm>> -> memref<4x8x128xf32, #tpu.memory_space<hbm>>
      %dma_start3A_380 = arith.constant 0 : i32
      %dma_start3A_381 = arith.constant 0 : i32
      %dma_start3A_382 = arith.constant 0 : i32
      %dma_start3A_383 = tpu.memref_slice %arg9[%dma_start3A_380, %dma_start3A_365, %dma_start3A_381, %dma_start3A_382] : memref<4x4x8x129xf32, #tpu.memory_space<vmem>> -> memref<4x1x8x128xf32, #tpu.memory_space<vmem>>
      %dma_start3A_384 = tpu.memref_squeeze %dma_start3A_383 : memref<4x1x8x128xf32, #tpu.memory_space<vmem>> -> memref<4x8x128xf32, #tpu.memory_space<vmem>>
      tpu.enqueue_dma source(%dma_start3A_384 : memref<4x8x128xf32, #tpu.memory_space<vmem>>) target(%dma_start3A_379 : memref<4x8x128xf32, #tpu.memory_space<hbm>>) target_semaphore(%arg14 : memref<!tpu.dma_semaphore, #tpu.memory_space<semaphore_mem>>)
      %add3A_385 = arith.addi %mul3A_36, %add3A_275 : i32
      %dma_start3A_386 = arith.constant 1 : i32
      %dma_start3A_387 = arith.constant 1 : i32
      %dma_start3A_388 = arith.constant 0 : i32
      %dma_start3A_389 = arith.constant 0 : i32
      %dma_start3A_390 = arith.constant 0 : i32
      %dma_start3A_391 = tpu.memref_slice %arg9[%dma_start3A_388, %dma_start3A_386, %dma_start3A_389, %dma_start3A_390] : memref<4x4x8x129xf32, #tpu.memory_space<vmem>> -> memref<4x1x8x128xf32, #tpu.memory_space<vmem>>
      %dma_start3A_392 = tpu.memref_squeeze %dma_start3A_391 : memref<4x1x8x128xf32, #tpu.memory_space<vmem>> -> memref<4x8x128xf32, #tpu.memory_space<vmem>>
      %dma_start3A_393 = arith.constant 0 : i32
      %dma_start3A_394 = arith.constant 0 : i32
      %dma_start3A_395 = tpu.memref_slice %arg5[%add3A_385, %dma_start3A_387, %mul3A_34, %dma_start3A_393, %dma_start3A_394] : memref<200x4x32x8x128xf32, #tpu.memory_space<hbm>> -> memref<1x1x4x8x128xf32, #tpu.memory_space<hbm>>
      %dma_start3A_396 = tpu.memref_squeeze %dma_start3A_395 : memref<1x1x4x8x128xf32, #tpu.memory_space<hbm>> -> memref<4x8x128xf32, #tpu.memory_space<hbm>>
      %dma_start3A_397 = arith.constant 0 : i32
      %dma_start3A_398 = arith.constant 0 : i32
      %dma_start3A_399 = tpu.memref_slice %arg5[%add3A_385, %dma_start3A_387, %mul3A_34, %dma_start3A_397, %dma_start3A_398] : memref<200x4x32x8x128xf32, #tpu.memory_space<hbm>> -> memref<1x1x4x8x128xf32, #tpu.memory_space<hbm>>
      %dma_start3A_400 = tpu.memref_squeeze %dma_start3A_399 : memref<1x1x4x8x128xf32, #tpu.memory_space<hbm>> -> memref<4x8x128xf32, #tpu.memory_space<hbm>>
      %dma_start3A_401 = arith.constant 0 : i32
      %dma_start3A_402 = arith.constant 0 : i32
      %dma_start3A_403 = arith.constant 0 : i32
      %dma_start3A_404 = tpu.memref_slice %arg9[%dma_start3A_401, %dma_start3A_386, %dma_start3A_402, %dma_start3A_403] : memref<4x4x8x129xf32, #tpu.memory_space<vmem>> -> memref<4x1x8x128xf32, #tpu.memory_space<vmem>>
      %dma_start3A_405 = tpu.memref_squeeze %dma_start3A_404 : memref<4x1x8x128xf32, #tpu.memory_space<vmem>> -> memref<4x8x128xf32, #tpu.memory_space<vmem>>
      tpu.enqueue_dma source(%dma_start3A_405 : memref<4x8x128xf32, #tpu.memory_space<vmem>>) target(%dma_start3A_400 : memref<4x8x128xf32, #tpu.memory_space<hbm>>) target_semaphore(%arg14 : memref<!tpu.dma_semaphore, #tpu.memory_space<semaphore_mem>>)
      %add3A_406 = arith.addi %mul3A_36, %add3A_275 : i32
      %dma_start3A_407 = arith.constant 2 : i32
      %dma_start3A_408 = arith.constant 2 : i32
      %dma_start3A_409 = arith.constant 0 : i32
      %dma_start3A_410 = arith.constant 0 : i32
      %dma_start3A_411 = arith.constant 0 : i32
      %dma_start3A_412 = tpu.memref_slice %arg9[%dma_start3A_409, %dma_start3A_407, %dma_start3A_410, %dma_start3A_411] : memref<4x4x8x129xf32, #tpu.memory_space<vmem>> -> memref<4x1x8x128xf32, #tpu.memory_space<vmem>>
      %dma_start3A_413 = tpu.memref_squeeze %dma_start3A_412 : memref<4x1x8x128xf32, #tpu.memory_space<vmem>> -> memref<4x8x128xf32, #tpu.memory_space<vmem>>
      %dma_start3A_414 = arith.constant 0 : i32
      %dma_start3A_415 = arith.constant 0 : i32
      %dma_start3A_416 = tpu.memref_slice %arg5[%add3A_406, %dma_start3A_408, %mul3A_34, %dma_start3A_414, %dma_start3A_415] : memref<200x4x32x8x128xf32, #tpu.memory_space<hbm>> -> memref<1x1x4x8x128xf32, #tpu.memory_space<hbm>>
      %dma_start3A_417 = tpu.memref_squeeze %dma_start3A_416 : memref<1x1x4x8x128xf32, #tpu.memory_space<hbm>> -> memref<4x8x128xf32, #tpu.memory_space<hbm>>
      %dma_start3A_418 = arith.constant 0 : i32
      %dma_start3A_419 = arith.constant 0 : i32
      %dma_start3A_420 = tpu.memref_slice %arg5[%add3A_406, %dma_start3A_408, %mul3A_34, %dma_start3A_418, %dma_start3A_419] : memref<200x4x32x8x128xf32, #tpu.memory_space<hbm>> -> memref<1x1x4x8x128xf32, #tpu.memory_space<hbm>>
      %dma_start3A_421 = tpu.memref_squeeze %dma_start3A_420 : memref<1x1x4x8x128xf32, #tpu.memory_space<hbm>> -> memref<4x8x128xf32, #tpu.memory_space<hbm>>
      %dma_start3A_422 = arith.constant 0 : i32
      %dma_start3A_423 = arith.constant 0 : i32
      %dma_start3A_424 = arith.constant 0 : i32
      %dma_start3A_425 = tpu.memref_slice %arg9[%dma_start3A_422, %dma_start3A_407, %dma_start3A_423, %dma_start3A_424] : memref<4x4x8x129xf32, #tpu.memory_space<vmem>> -> memref<4x1x8x128xf32, #tpu.memory_space<vmem>>
      %dma_start3A_426 = tpu.memref_squeeze %dma_start3A_425 : memref<4x1x8x128xf32, #tpu.memory_space<vmem>> -> memref<4x8x128xf32, #tpu.memory_space<vmem>>
      tpu.enqueue_dma source(%dma_start3A_426 : memref<4x8x128xf32, #tpu.memory_space<vmem>>) target(%dma_start3A_421 : memref<4x8x128xf32, #tpu.memory_space<hbm>>) target_semaphore(%arg14 : memref<!tpu.dma_semaphore, #tpu.memory_space<semaphore_mem>>)
      %add3A_427 = arith.addi %mul3A_36, %add3A_275 : i32
      %dma_start3A_428 = arith.constant 3 : i32
      %dma_start3A_429 = arith.constant 3 : i32
      %dma_start3A_430 = arith.constant 0 : i32
      %dma_start3A_431 = arith.constant 0 : i32
      %dma_start3A_432 = arith.constant 0 : i32
      %dma_start3A_433 = tpu.memref_slice %arg9[%dma_start3A_430, %dma_start3A_428, %dma_start3A_431, %dma_start3A_432] : memref<4x4x8x129xf32, #tpu.memory_space<vmem>> -> memref<4x1x8x128xf32, #tpu.memory_space<vmem>>
      %dma_start3A_434 = tpu.memref_squeeze %dma_start3A_433 : memref<4x1x8x128xf32, #tpu.memory_space<vmem>> -> memref<4x8x128xf32, #tpu.memory_space<vmem>>
      %dma_start3A_435 = arith.constant 0 : i32
      %dma_start3A_436 = arith.constant 0 : i32
      %dma_start3A_437 = tpu.memref_slice %arg5[%add3A_427, %dma_start3A_429, %mul3A_34, %dma_start3A_435, %dma_start3A_436] : memref<200x4x32x8x128xf32, #tpu.memory_space<hbm>> -> memref<1x1x4x8x128xf32, #tpu.memory_space<hbm>>
      %dma_start3A_438 = tpu.memref_squeeze %dma_start3A_437 : memref<1x1x4x8x128xf32, #tpu.memory_space<hbm>> -> memref<4x8x128xf32, #tpu.memory_space<hbm>>
      %dma_start3A_439 = arith.constant 0 : i32
      %dma_start3A_440 = arith.constant 0 : i32
      %dma_start3A_441 = tpu.memref_slice %arg5[%add3A_427, %dma_start3A_429, %mul3A_34, %dma_start3A_439, %dma_start3A_440] : memref<200x4x32x8x128xf32, #tpu.memory_space<hbm>> -> memref<1x1x4x8x128xf32, #tpu.memory_space<hbm>>
      %dma_start3A_442 = tpu.memref_squeeze %dma_start3A_441 : memref<1x1x4x8x128xf32, #tpu.memory_space<hbm>> -> memref<4x8x128xf32, #tpu.memory_space<hbm>>
      %dma_start3A_443 = arith.constant 0 : i32
      %dma_start3A_444 = arith.constant 0 : i32
      %dma_start3A_445 = arith.constant 0 : i32
      %dma_start3A_446 = tpu.memref_slice %arg9[%dma_start3A_443, %dma_start3A_428, %dma_start3A_444, %dma_start3A_445] : memref<4x4x8x129xf32, #tpu.memory_space<vmem>> -> memref<4x1x8x128xf32, #tpu.memory_space<vmem>>
      %dma_start3A_447 = tpu.memref_squeeze %dma_start3A_446 : memref<4x1x8x128xf32, #tpu.memory_space<vmem>> -> memref<4x8x128xf32, #tpu.memory_space<vmem>>
      tpu.enqueue_dma source(%dma_start3A_447 : memref<4x8x128xf32, #tpu.memory_space<vmem>>) target(%dma_start3A_442 : memref<4x8x128xf32, #tpu.memory_space<hbm>>) target_semaphore(%arg14 : memref<!tpu.dma_semaphore, #tpu.memory_space<semaphore_mem>>)
      %add3A_448 = arith.constant 1 : i32
      %add3A_449 = arith.addi %add3A_273, %add3A_448 : i32
      %add3A_450 = arith.constant 1 : i32
      %add3A_451 = arith.addi %add3A_449, %add3A_450 : i32
      %lt3A_452 = arith.constant 50 : i32
      %lt3A_453 = arith.cmpi slt, %add3A_451, %lt3A_452 : i32
      %convert_element_type3A_454 = arith.extui %lt3A_453 : i1 to i32
      %cond3A_455 = arith.constant 0 : i32
      %cond3A_456 = arith.cmpi ne, %convert_element_type3A_454, %cond3A_455 : i32
      scf.if %cond3A_456 {
        %add3A_625 = arith.constant 1 : i32
        %add3A_626 = arith.addi %add3A_449, %add3A_625 : i32
        %dma_start3A_627 = arith.constant 0 : i32
        %dma_start3A_628 = arith.constant 0 : i32
        %dma_start3A_629 = tpu.memref_slice %arg7[%dma_start3A_627, %dma_start3A_628] : memref<520x32xf32, #tpu.memory_space<vmem>> -> memref<512x32xf32, #tpu.memory_space<vmem>>
        %dma_start3A_630 = arith.constant 0 : i32
        %dma_start3A_631 = tpu.memref_slice %arg6[%add3A_626, %dma_start3A_630] : memref<50x512xi32, #tpu.memory_space<vmem>> -> memref<1x512xi32, #tpu.memory_space<vmem>>
        %dma_start3A_632 = tpu.memref_squeeze %dma_start3A_631 : memref<1x512xi32, #tpu.memory_space<vmem>> -> memref<512xi32, #tpu.memory_space<vmem>>
        %dma_start3A_633 = arith.constant 0 : i32
        %dma_start3A_634 = arith.constant 0 : i32
        %dma_start3A_635 = tpu.memref_slice %arg3[%dma_start3A_633, %dma_start3A_634] : memref<100000x32xf32, #tpu.memory_space<hbm>> -> memref<100000x32xf32, #tpu.memory_space<hbm>>
        tpu.enqueue_indirect_dma source(%dma_start3A_635 : memref<100000x32xf32, #tpu.memory_space<hbm>>) target(%dma_start3A_629 : memref<512x32xf32, #tpu.memory_space<vmem>>) offsets(%dma_start3A_632 : memref<512xi32, #tpu.memory_space<vmem>>) semaphore(%arg12 : memref<!tpu.dma_semaphore, #tpu.memory_space<semaphore_mem>>)
      } else {
      }
      %dma_wait3A_457 = arith.constant 0 : i32
      %dma_wait3A_458 = arith.constant 0 : i32
      %dma_wait3A_459 = tpu.memref_slice %arg8[%dma_wait3A_457, %dma_wait3A_458] : memref<520x32xf32, #tpu.memory_space<vmem>> -> memref<512x32xf32, #tpu.memory_space<vmem>>
      %dma_wait3A_460 = arith.constant 0 : i32
      %dma_wait3A_461 = tpu.memref_slice %arg6[%add3A_449, %dma_wait3A_460] : memref<50x512xi32, #tpu.memory_space<vmem>> -> memref<1x512xi32, #tpu.memory_space<vmem>>
      %dma_wait3A_462 = tpu.memref_squeeze %dma_wait3A_461 : memref<1x512xi32, #tpu.memory_space<vmem>> -> memref<512xi32, #tpu.memory_space<vmem>>
      %dma_wait3A_463 = arith.constant 0 : i32
      %dma_wait3A_464 = arith.constant 0 : i32
      %dma_wait3A_465 = tpu.memref_slice %arg3[%dma_wait3A_463, %dma_wait3A_464] : memref<100000x32xf32, #tpu.memory_space<hbm>> -> memref<100000x32xf32, #tpu.memory_space<hbm>>
      tpu.wait_indirect_dma semaphore(%arg13 : memref<!tpu.dma_semaphore, #tpu.memory_space<semaphore_mem>>) src(%dma_wait3A_465 : memref<100000x32xf32, #tpu.memory_space<hbm>>) dst(%dma_wait3A_459 : memref<512x32xf32, #tpu.memory_space<vmem>>)
      %ge3A_466 = arith.constant 2 : i32
      %ge3A_467 = arith.cmpi sge, %add3A_449, %ge3A_466 : i32
      %convert_element_type3A_468 = arith.extui %ge3A_467 : i1 to i32
      %cond3A_469 = arith.constant 0 : i32
      %cond3A_470 = arith.cmpi ne, %convert_element_type3A_468, %cond3A_469 : i32
      scf.if %cond3A_470 {
        %sub3A_625 = arith.constant 2 : i32
        %sub3A_626 = arith.subi %add3A_449, %sub3A_625 : i32
        %add3A_627 = arith.addi %mul3A_36, %sub3A_626 : i32
        %dma_wait3A_628 = arith.constant 0 : i32
        %dma_wait3A_629 = arith.constant 0 : i32
        %dma_wait3A_630 = arith.constant 0 : i32
        %dma_wait3A_631 = arith.constant 0 : i32
        %dma_wait3A_632 = arith.constant 0 : i32
        %dma_wait3A_633 = tpu.memref_slice %arg10[%dma_wait3A_630, %dma_wait3A_628, %dma_wait3A_631, %dma_wait3A_632] : memref<4x4x8x129xf32, #tpu.memory_space<vmem>> -> memref<4x1x8x128xf32, #tpu.memory_space<vmem>>
        %dma_wait3A_634 = tpu.memref_squeeze %dma_wait3A_633 : memref<4x1x8x128xf32, #tpu.memory_space<vmem>> -> memref<4x8x128xf32, #tpu.memory_space<vmem>>
        %dma_wait3A_635 = arith.constant 0 : i32
        %dma_wait3A_636 = arith.constant 0 : i32
        %dma_wait3A_637 = tpu.memref_slice %arg5[%add3A_627, %dma_wait3A_629, %mul3A_34, %dma_wait3A_635, %dma_wait3A_636] : memref<200x4x32x8x128xf32, #tpu.memory_space<hbm>> -> memref<1x1x4x8x128xf32, #tpu.memory_space<hbm>>
        %dma_wait3A_638 = tpu.memref_squeeze %dma_wait3A_637 : memref<1x1x4x8x128xf32, #tpu.memory_space<hbm>> -> memref<4x8x128xf32, #tpu.memory_space<hbm>>
        %dma_wait3A_639 = arith.constant 0 : i32
        %dma_wait3A_640 = arith.constant 0 : i32
        %dma_wait3A_641 = tpu.memref_slice %arg5[%add3A_627, %dma_wait3A_629, %mul3A_34, %dma_wait3A_639, %dma_wait3A_640] : memref<200x4x32x8x128xf32, #tpu.memory_space<hbm>> -> memref<1x1x4x8x128xf32, #tpu.memory_space<hbm>>
        %dma_wait3A_642 = tpu.memref_squeeze %dma_wait3A_641 : memref<1x1x4x8x128xf32, #tpu.memory_space<hbm>> -> memref<4x8x128xf32, #tpu.memory_space<hbm>>
        %dma_wait3A_643 = arith.constant 0 : i32
        %dma_wait3A_644 = arith.constant 0 : i32
        %dma_wait3A_645 = arith.constant 0 : i32
        %dma_wait3A_646 = tpu.memref_slice %arg10[%dma_wait3A_643, %dma_wait3A_628, %dma_wait3A_644, %dma_wait3A_645] : memref<4x4x8x129xf32, #tpu.memory_space<vmem>> -> memref<4x1x8x128xf32, #tpu.memory_space<vmem>>
        %dma_wait3A_647 = tpu.memref_squeeze %dma_wait3A_646 : memref<4x1x8x128xf32, #tpu.memory_space<vmem>> -> memref<4x8x128xf32, #tpu.memory_space<vmem>>
        tpu.wait_dma2 semaphore(%arg15 : memref<!tpu.dma_semaphore, #tpu.memory_space<semaphore_mem>>) src(%dma_wait3A_647 : memref<4x8x128xf32, #tpu.memory_space<vmem>>) dst(%dma_wait3A_642 : memref<4x8x128xf32, #tpu.memory_space<hbm>>)
        %add3A_648 = arith.addi %mul3A_36, %sub3A_626 : i32
        %dma_wait3A_649 = arith.constant 1 : i32
        %dma_wait3A_650 = arith.constant 1 : i32
        %dma_wait3A_651 = arith.constant 0 : i32
        %dma_wait3A_652 = arith.constant 0 : i32
        %dma_wait3A_653 = arith.constant 0 : i32
        %dma_wait3A_654 = tpu.memref_slice %arg10[%dma_wait3A_651, %dma_wait3A_649, %dma_wait3A_652, %dma_wait3A_653] : memref<4x4x8x129xf32, #tpu.memory_space<vmem>> -> memref<4x1x8x128xf32, #tpu.memory_space<vmem>>
        %dma_wait3A_655 = tpu.memref_squeeze %dma_wait3A_654 : memref<4x1x8x128xf32, #tpu.memory_space<vmem>> -> memref<4x8x128xf32, #tpu.memory_space<vmem>>
        %dma_wait3A_656 = arith.constant 0 : i32
        %dma_wait3A_657 = arith.constant 0 : i32
        %dma_wait3A_658 = tpu.memref_slice %arg5[%add3A_648, %dma_wait3A_650, %mul3A_34, %dma_wait3A_656, %dma_wait3A_657] : memref<200x4x32x8x128xf32, #tpu.memory_space<hbm>> -> memref<1x1x4x8x128xf32, #tpu.memory_space<hbm>>
        %dma_wait3A_659 = tpu.memref_squeeze %dma_wait3A_658 : memref<1x1x4x8x128xf32, #tpu.memory_space<hbm>> -> memref<4x8x128xf32, #tpu.memory_space<hbm>>
        %dma_wait3A_660 = arith.constant 0 : i32
        %dma_wait3A_661 = arith.constant 0 : i32
        %dma_wait3A_662 = tpu.memref_slice %arg5[%add3A_648, %dma_wait3A_650, %mul3A_34, %dma_wait3A_660, %dma_wait3A_661] : memref<200x4x32x8x128xf32, #tpu.memory_space<hbm>> -> memref<1x1x4x8x128xf32, #tpu.memory_space<hbm>>
        %dma_wait3A_663 = tpu.memref_squeeze %dma_wait3A_662 : memref<1x1x4x8x128xf32, #tpu.memory_space<hbm>> -> memref<4x8x128xf32, #tpu.memory_space<hbm>>
        %dma_wait3A_664 = arith.constant 0 : i32
        %dma_wait3A_665 = arith.constant 0 : i32
        %dma_wait3A_666 = arith.constant 0 : i32
        %dma_wait3A_667 = tpu.memref_slice %arg10[%dma_wait3A_664, %dma_wait3A_649, %dma_wait3A_665, %dma_wait3A_666] : memref<4x4x8x129xf32, #tpu.memory_space<vmem>> -> memref<4x1x8x128xf32, #tpu.memory_space<vmem>>
        %dma_wait3A_668 = tpu.memref_squeeze %dma_wait3A_667 : memref<4x1x8x128xf32, #tpu.memory_space<vmem>> -> memref<4x8x128xf32, #tpu.memory_space<vmem>>
        tpu.wait_dma2 semaphore(%arg15 : memref<!tpu.dma_semaphore, #tpu.memory_space<semaphore_mem>>) src(%dma_wait3A_668 : memref<4x8x128xf32, #tpu.memory_space<vmem>>) dst(%dma_wait3A_663 : memref<4x8x128xf32, #tpu.memory_space<hbm>>)
        %add3A_669 = arith.addi %mul3A_36, %sub3A_626 : i32
        %dma_wait3A_670 = arith.constant 2 : i32
        %dma_wait3A_671 = arith.constant 2 : i32
        %dma_wait3A_672 = arith.constant 0 : i32
        %dma_wait3A_673 = arith.constant 0 : i32
        %dma_wait3A_674 = arith.constant 0 : i32
        %dma_wait3A_675 = tpu.memref_slice %arg10[%dma_wait3A_672, %dma_wait3A_670, %dma_wait3A_673, %dma_wait3A_674] : memref<4x4x8x129xf32, #tpu.memory_space<vmem>> -> memref<4x1x8x128xf32, #tpu.memory_space<vmem>>
        %dma_wait3A_676 = tpu.memref_squeeze %dma_wait3A_675 : memref<4x1x8x128xf32, #tpu.memory_space<vmem>> -> memref<4x8x128xf32, #tpu.memory_space<vmem>>
        %dma_wait3A_677 = arith.constant 0 : i32
        %dma_wait3A_678 = arith.constant 0 : i32
        %dma_wait3A_679 = tpu.memref_slice %arg5[%add3A_669, %dma_wait3A_671, %mul3A_34, %dma_wait3A_677, %dma_wait3A_678] : memref<200x4x32x8x128xf32, #tpu.memory_space<hbm>> -> memref<1x1x4x8x128xf32, #tpu.memory_space<hbm>>
        %dma_wait3A_680 = tpu.memref_squeeze %dma_wait3A_679 : memref<1x1x4x8x128xf32, #tpu.memory_space<hbm>> -> memref<4x8x128xf32, #tpu.memory_space<hbm>>
        %dma_wait3A_681 = arith.constant 0 : i32
        %dma_wait3A_682 = arith.constant 0 : i32
        %dma_wait3A_683 = tpu.memref_slice %arg5[%add3A_669, %dma_wait3A_671, %mul3A_34, %dma_wait3A_681, %dma_wait3A_682] : memref<200x4x32x8x128xf32, #tpu.memory_space<hbm>> -> memref<1x1x4x8x128xf32, #tpu.memory_space<hbm>>
        %dma_wait3A_684 = tpu.memref_squeeze %dma_wait3A_683 : memref<1x1x4x8x128xf32, #tpu.memory_space<hbm>> -> memref<4x8x128xf32, #tpu.memory_space<hbm>>
        %dma_wait3A_685 = arith.constant 0 : i32
        %dma_wait3A_686 = arith.constant 0 : i32
        %dma_wait3A_687 = arith.constant 0 : i32
        %dma_wait3A_688 = tpu.memref_slice %arg10[%dma_wait3A_685, %dma_wait3A_670, %dma_wait3A_686, %dma_wait3A_687] : memref<4x4x8x129xf32, #tpu.memory_space<vmem>> -> memref<4x1x8x128xf32, #tpu.memory_space<vmem>>
        %dma_wait3A_689 = tpu.memref_squeeze %dma_wait3A_688 : memref<4x1x8x128xf32, #tpu.memory_space<vmem>> -> memref<4x8x128xf32, #tpu.memory_space<vmem>>
        tpu.wait_dma2 semaphore(%arg15 : memref<!tpu.dma_semaphore, #tpu.memory_space<semaphore_mem>>) src(%dma_wait3A_689 : memref<4x8x128xf32, #tpu.memory_space<vmem>>) dst(%dma_wait3A_684 : memref<4x8x128xf32, #tpu.memory_space<hbm>>)
        %add3A_690 = arith.addi %mul3A_36, %sub3A_626 : i32
        %dma_wait3A_691 = arith.constant 3 : i32
        %dma_wait3A_692 = arith.constant 3 : i32
        %dma_wait3A_693 = arith.constant 0 : i32
        %dma_wait3A_694 = arith.constant 0 : i32
        %dma_wait3A_695 = arith.constant 0 : i32
        %dma_wait3A_696 = tpu.memref_slice %arg10[%dma_wait3A_693, %dma_wait3A_691, %dma_wait3A_694, %dma_wait3A_695] : memref<4x4x8x129xf32, #tpu.memory_space<vmem>> -> memref<4x1x8x128xf32, #tpu.memory_space<vmem>>
        %dma_wait3A_697 = tpu.memref_squeeze %dma_wait3A_696 : memref<4x1x8x128xf32, #tpu.memory_space<vmem>> -> memref<4x8x128xf32, #tpu.memory_space<vmem>>
        %dma_wait3A_698 = arith.constant 0 : i32
        %dma_wait3A_699 = arith.constant 0 : i32
        %dma_wait3A_700 = tpu.memref_slice %arg5[%add3A_690, %dma_wait3A_692, %mul3A_34, %dma_wait3A_698, %dma_wait3A_699] : memref<200x4x32x8x128xf32, #tpu.memory_space<hbm>> -> memref<1x1x4x8x128xf32, #tpu.memory_space<hbm>>
        %dma_wait3A_701 = tpu.memref_squeeze %dma_wait3A_700 : memref<1x1x4x8x128xf32, #tpu.memory_space<hbm>> -> memref<4x8x128xf32, #tpu.memory_space<hbm>>
        %dma_wait3A_702 = arith.constant 0 : i32
        %dma_wait3A_703 = arith.constant 0 : i32
        %dma_wait3A_704 = tpu.memref_slice %arg5[%add3A_690, %dma_wait3A_692, %mul3A_34, %dma_wait3A_702, %dma_wait3A_703] : memref<200x4x32x8x128xf32, #tpu.memory_space<hbm>> -> memref<1x1x4x8x128xf32, #tpu.memory_space<hbm>>
        %dma_wait3A_705 = tpu.memref_squeeze %dma_wait3A_704 : memref<1x1x4x8x128xf32, #tpu.memory_space<hbm>> -> memref<4x8x128xf32, #tpu.memory_space<hbm>>
        %dma_wait3A_706 = arith.constant 0 : i32
        %dma_wait3A_707 = arith.constant 0 : i32
        %dma_wait3A_708 = arith.constant 0 : i32
        %dma_wait3A_709 = tpu.memref_slice %arg10[%dma_wait3A_706, %dma_wait3A_691, %dma_wait3A_707, %dma_wait3A_708] : memref<4x4x8x129xf32, #tpu.memory_space<vmem>> -> memref<4x1x8x128xf32, #tpu.memory_space<vmem>>
        %dma_wait3A_710 = tpu.memref_squeeze %dma_wait3A_709 : memref<4x1x8x128xf32, #tpu.memory_space<vmem>> -> memref<4x8x128xf32, #tpu.memory_space<vmem>>
        tpu.wait_dma2 semaphore(%arg15 : memref<!tpu.dma_semaphore, #tpu.memory_space<semaphore_mem>>) src(%dma_wait3A_710 : memref<4x8x128xf32, #tpu.memory_space<vmem>>) dst(%dma_wait3A_705 : memref<4x8x128xf32, #tpu.memory_space<hbm>>)
      } else {
      }
      %get3A_471 = arith.index_cast %add3A_449 : i32 to index
      %get3A_472 = arith.constant 0 : index
      %get3A_473 = tpu.vector_load %arg11[%get3A_471, %get3A_472] {strides = array<i32>} : memref<50x32xf32, #tpu.memory_space<vmem>>, vector<16xf32>,
      %get3A_474 = arith.index_cast %add3A_449 : i32 to index
      %get3A_475 = arith.constant 16 : index
      %get3A_476 = tpu.vector_load %arg11[%get3A_474, %get3A_475] {strides = array<i32>} : memref<50x32xf32, #tpu.memory_space<vmem>>, vector<16xf32>,
      %broadcast_in_dim3A_477 = arith.constant 0 : i32
      %broadcast_in_dim3A_478 = vector.broadcast %broadcast_in_dim3A_477 : i32 to vector<16xi32>
      %get3A_479 = arith.constant 0 : i32
      %get3A_480 = arith.index_cast %get3A_479 : i32 to index
      %get3A_481 = arith.constant 0 : index
      %get3A_482 = tpu.vector_load %arg8[%get3A_480, %get3A_481] {strides = array<i32>} : memref<520x32xf32, #tpu.memory_space<vmem>>, vector<16xf32>,
      %get3A_483 = arith.constant 0 : i32
      %get3A_484 = arith.index_cast %get3A_483 : i32 to index
      %get3A_485 = arith.constant 16 : index
      %get3A_486 = tpu.vector_load %arg8[%get3A_484, %get3A_485] {strides = array<i32>} : memref<520x32xf32, #tpu.memory_space<vmem>>, vector<16xf32>,
      %scan3A_487 = arith.constant 0 : i32
      %scan3A_488 = arith.constant 128 : i32
      %scan3A_489 = arith.addi %scan3A_487, %scan3A_488 : i32
      %scan3A_490 = arith.constant 8 : i32
      %scan3A_491:3 = scf.for %scan3A_625 = %scan3A_487 to %scan3A_489 step %scan3A_490 iter_args(%scan3A_626 = %broadcast_in_dim3A_80, %scan3A_627 = %get3A_482, %scan3A_628 = %get3A_486) -> (vector<16xi32>, vector<16xf32>, vector<16xf32>)  : i32 {
        %mul3A_629 = arith.constant 1 : i32
        %mul3A_630 = arith.muli %scan3A_625, %mul3A_629 : i32
        %add3A_631 = arith.constant 0 : i32
        %add3A_632 = arith.addi %add3A_631, %mul3A_630 : i32
        %add3A_633 = arith.addf %scan3A_627, %get3A_473 : vector<16xf32>
        tpu.vector_store_idx %arg10[%broadcast_in_dim3A_478, %add3A_45, %select_n3A_78, %scan3A_626], %add3A_633 : memref<4x4x8x129xf32, #tpu.memory_space<vmem>>[vector<16xi32>, vector<16xi32>, vector<16xi32>, vector<16xi32>], vector<16xf32>,
        %add3A_634 = arith.addf %scan3A_628, %get3A_476 : vector<16xf32>
        tpu.vector_store_idx %arg10[%broadcast_in_dim3A_478, %add3A_56, %select_n3A_78, %scan3A_626], %add3A_634 : memref<4x4x8x129xf32, #tpu.memory_space<vmem>>[vector<16xi32>, vector<16xi32>, vector<16xi32>, vector<16xi32>], vector<16xf32>,
        %add3A_635 = arith.constant 0 : i32
        %add3A_636 = arith.addi %add3A_635, %add3A_632 : i32
        %add3A_637 = arith.constant 1 : i32
        %add3A_638 = arith.addi %add3A_636, %add3A_637 : i32
        %get3A_639 = arith.index_cast %add3A_638 : i32 to index
        %get3A_640 = arith.constant 0 : index
        %get3A_641 = tpu.vector_load %arg8[%get3A_639, %get3A_640] {strides = array<i32>} : memref<520x32xf32, #tpu.memory_space<vmem>>, vector<16xf32>,
        %get3A_642 = arith.index_cast %add3A_638 : i32 to index
        %get3A_643 = arith.constant 16 : index
        %get3A_644 = tpu.vector_load %arg8[%get3A_642, %get3A_643] {strides = array<i32>} : memref<520x32xf32, #tpu.memory_space<vmem>>, vector<16xf32>,
        %add3A_645 = arith.constant 1 : i32
        %add3A_646 = vector.broadcast %add3A_645 : i32 to vector<16xi32>
        %add3A_647 = arith.addi %scan3A_626, %add3A_646 : vector<16xi32>
        %scan3A_648 = arith.constant 1 : i32
        %scan3A_649 = arith.addi %scan3A_625, %scan3A_648 : i32
        %mul3A_650 = arith.constant 1 : i32
        %mul3A_651 = arith.muli %scan3A_649, %mul3A_650 : i32
        %add3A_652 = arith.constant 0 : i32
        %add3A_653 = arith.addi %add3A_652, %mul3A_651 : i32
        %add3A_654 = arith.addf %get3A_641, %get3A_473 : vector<16xf32>
        tpu.vector_store_idx %arg10[%broadcast_in_dim3A_478, %add3A_45, %select_n3A_78, %add3A_647], %add3A_654 : memref<4x4x8x129xf32, #tpu.memory_space<vmem>>[vector<16xi32>, vector<16xi32>, vector<16xi32>, vector<16xi32>], vector<16xf32>,
        %add3A_655 = arith.addf %get3A_644, %get3A_476 : vector<16xf32>
        tpu.vector_store_idx %arg10[%broadcast_in_dim3A_478, %add3A_56, %select_n3A_78, %add3A_647], %add3A_655 : memref<4x4x8x129xf32, #tpu.memory_space<vmem>>[vector<16xi32>, vector<16xi32>, vector<16xi32>, vector<16xi32>], vector<16xf32>,
        %add3A_656 = arith.constant 0 : i32
        %add3A_657 = arith.addi %add3A_656, %add3A_653 : i32
        %add3A_658 = arith.constant 1 : i32
        %add3A_659 = arith.addi %add3A_657, %add3A_658 : i32
        %get3A_660 = arith.index_cast %add3A_659 : i32 to index
        %get3A_661 = arith.constant 0 : index
        %get3A_662 = tpu.vector_load %arg8[%get3A_660, %get3A_661] {strides = array<i32>} : memref<520x32xf32, #tpu.memory_space<vmem>>, vector<16xf32>,
        %get3A_663 = arith.index_cast %add3A_659 : i32 to index
        %get3A_664 = arith.constant 16 : index
        %get3A_665 = tpu.vector_load %arg8[%get3A_663, %get3A_664] {strides = array<i32>} : memref<520x32xf32, #tpu.memory_space<vmem>>, vector<16xf32>,
        %add3A_666 = arith.constant 1 : i32
        %add3A_667 = vector.broadcast %add3A_666 : i32 to vector<16xi32>
        %add3A_668 = arith.addi %add3A_647, %add3A_667 : vector<16xi32>
        %scan3A_669 = arith.constant 2 : i32
        %scan3A_670 = arith.addi %scan3A_625, %scan3A_669 : i32
        %mul3A_671 = arith.constant 1 : i32
        %mul3A_672 = arith.muli %scan3A_670, %mul3A_671 : i32
        %add3A_673 = arith.constant 0 : i32
        %add3A_674 = arith.addi %add3A_673, %mul3A_672 : i32
        %add3A_675 = arith.addf %get3A_662, %get3A_473 : vector<16xf32>
        tpu.vector_store_idx %arg10[%broadcast_in_dim3A_478, %add3A_45, %select_n3A_78, %add3A_668], %add3A_675 : memref<4x4x8x129xf32, #tpu.memory_space<vmem>>[vector<16xi32>, vector<16xi32>, vector<16xi32>, vector<16xi32>], vector<16xf32>,
        %add3A_676 = arith.addf %get3A_665, %get3A_476 : vector<16xf32>
        tpu.vector_store_idx %arg10[%broadcast_in_dim3A_478, %add3A_56, %select_n3A_78, %add3A_668], %add3A_676 : memref<4x4x8x129xf32, #tpu.memory_space<vmem>>[vector<16xi32>, vector<16xi32>, vector<16xi32>, vector<16xi32>], vector<16xf32>,
        %add3A_677 = arith.constant 0 : i32
        %add3A_678 = arith.addi %add3A_677, %add3A_674 : i32
        %add3A_679 = arith.constant 1 : i32
        %add3A_680 = arith.addi %add3A_678, %add3A_679 : i32
        %get3A_681 = arith.index_cast %add3A_680 : i32 to index
        %get3A_682 = arith.constant 0 : index
        %get3A_683 = tpu.vector_load %arg8[%get3A_681, %get3A_682] {strides = array<i32>} : memref<520x32xf32, #tpu.memory_space<vmem>>, vector<16xf32>,
        %get3A_684 = arith.index_cast %add3A_680 : i32 to index
        %get3A_685 = arith.constant 16 : index
        %get3A_686 = tpu.vector_load %arg8[%get3A_684, %get3A_685] {strides = array<i32>} : memref<520x32xf32, #tpu.memory_space<vmem>>, vector<16xf32>,
        %add3A_687 = arith.constant 1 : i32
        %add3A_688 = vector.broadcast %add3A_687 : i32 to vector<16xi32>
        %add3A_689 = arith.addi %add3A_668, %add3A_688 : vector<16xi32>
        %scan3A_690 = arith.constant 3 : i32
        %scan3A_691 = arith.addi %scan3A_625, %scan3A_690 : i32
        %mul3A_692 = arith.constant 1 : i32
        %mul3A_693 = arith.muli %scan3A_691, %mul3A_692 : i32
        %add3A_694 = arith.constant 0 : i32
        %add3A_695 = arith.addi %add3A_694, %mul3A_693 : i32
        %add3A_696 = arith.addf %get3A_683, %get3A_473 : vector<16xf32>
        tpu.vector_store_idx %arg10[%broadcast_in_dim3A_478, %add3A_45, %select_n3A_78, %add3A_689], %add3A_696 : memref<4x4x8x129xf32, #tpu.memory_space<vmem>>[vector<16xi32>, vector<16xi32>, vector<16xi32>, vector<16xi32>], vector<16xf32>,
        %add3A_697 = arith.addf %get3A_686, %get3A_476 : vector<16xf32>
        tpu.vector_store_idx %arg10[%broadcast_in_dim3A_478, %add3A_56, %select_n3A_78, %add3A_689], %add3A_697 : memref<4x4x8x129xf32, #tpu.memory_space<vmem>>[vector<16xi32>, vector<16xi32>, vector<16xi32>, vector<16xi32>], vector<16xf32>,
        %add3A_698 = arith.constant 0 : i32
        %add3A_699 = arith.addi %add3A_698, %add3A_695 : i32
        %add3A_700 = arith.constant 1 : i32
        %add3A_701 = arith.addi %add3A_699, %add3A_700 : i32
        %get3A_702 = arith.index_cast %add3A_701 : i32 to index
        %get3A_703 = arith.constant 0 : index
        %get3A_704 = tpu.vector_load %arg8[%get3A_702, %get3A_703] {strides = array<i32>} : memref<520x32xf32, #tpu.memory_space<vmem>>, vector<16xf32>,
        %get3A_705 = arith.index_cast %add3A_701 : i32 to index
        %get3A_706 = arith.constant 16 : index
        %get3A_707 = tpu.vector_load %arg8[%get3A_705, %get3A_706] {strides = array<i32>} : memref<520x32xf32, #tpu.memory_space<vmem>>, vector<16xf32>,
        %add3A_708 = arith.constant 1 : i32
        %add3A_709 = vector.broadcast %add3A_708 : i32 to vector<16xi32>
        %add3A_710 = arith.addi %add3A_689, %add3A_709 : vector<16xi32>
        %scan3A_711 = arith.constant 4 : i32
        %scan3A_712 = arith.addi %scan3A_625, %scan3A_711 : i32
        %mul3A_713 = arith.constant 1 : i32
        %mul3A_714 = arith.muli %scan3A_712, %mul3A_713 : i32
        %add3A_715 = arith.constant 0 : i32
        %add3A_716 = arith.addi %add3A_715, %mul3A_714 : i32
        %add3A_717 = arith.addf %get3A_704, %get3A_473 : vector<16xf32>
        tpu.vector_store_idx %arg10[%broadcast_in_dim3A_478, %add3A_45, %select_n3A_78, %add3A_710], %add3A_717 : memref<4x4x8x129xf32, #tpu.memory_space<vmem>>[vector<16xi32>, vector<16xi32>, vector<16xi32>, vector<16xi32>], vector<16xf32>,
        %add3A_718 = arith.addf %get3A_707, %get3A_476 : vector<16xf32>
        tpu.vector_store_idx %arg10[%broadcast_in_dim3A_478, %add3A_56, %select_n3A_78, %add3A_710], %add3A_718 : memref<4x4x8x129xf32, #tpu.memory_space<vmem>>[vector<16xi32>, vector<16xi32>, vector<16xi32>, vector<16xi32>], vector<16xf32>,
        %add3A_719 = arith.constant 0 : i32
        %add3A_720 = arith.addi %add3A_719, %add3A_716 : i32
        %add3A_721 = arith.constant 1 : i32
        %add3A_722 = arith.addi %add3A_720, %add3A_721 : i32
        %get3A_723 = arith.index_cast %add3A_722 : i32 to index
        %get3A_724 = arith.constant 0 : index
        %get3A_725 = tpu.vector_load %arg8[%get3A_723, %get3A_724] {strides = array<i32>} : memref<520x32xf32, #tpu.memory_space<vmem>>, vector<16xf32>,
        %get3A_726 = arith.index_cast %add3A_722 : i32 to index
        %get3A_727 = arith.constant 16 : index
        %get3A_728 = tpu.vector_load %arg8[%get3A_726, %get3A_727] {strides = array<i32>} : memref<520x32xf32, #tpu.memory_space<vmem>>, vector<16xf32>,
        %add3A_729 = arith.constant 1 : i32
        %add3A_730 = vector.broadcast %add3A_729 : i32 to vector<16xi32>
        %add3A_731 = arith.addi %add3A_710, %add3A_730 : vector<16xi32>
        %scan3A_732 = arith.constant 5 : i32
        %scan3A_733 = arith.addi %scan3A_625, %scan3A_732 : i32
        %mul3A_734 = arith.constant 1 : i32
        %mul3A_735 = arith.muli %scan3A_733, %mul3A_734 : i32
        %add3A_736 = arith.constant 0 : i32
        %add3A_737 = arith.addi %add3A_736, %mul3A_735 : i32
        %add3A_738 = arith.addf %get3A_725, %get3A_473 : vector<16xf32>
        tpu.vector_store_idx %arg10[%broadcast_in_dim3A_478, %add3A_45, %select_n3A_78, %add3A_731], %add3A_738 : memref<4x4x8x129xf32, #tpu.memory_space<vmem>>[vector<16xi32>, vector<16xi32>, vector<16xi32>, vector<16xi32>], vector<16xf32>,
        %add3A_739 = arith.addf %get3A_728, %get3A_476 : vector<16xf32>
        tpu.vector_store_idx %arg10[%broadcast_in_dim3A_478, %add3A_56, %select_n3A_78, %add3A_731], %add3A_739 : memref<4x4x8x129xf32, #tpu.memory_space<vmem>>[vector<16xi32>, vector<16xi32>, vector<16xi32>, vector<16xi32>], vector<16xf32>,
        %add3A_740 = arith.constant 0 : i32
        %add3A_741 = arith.addi %add3A_740, %add3A_737 : i32
        %add3A_742 = arith.constant 1 : i32
        %add3A_743 = arith.addi %add3A_741, %add3A_742 : i32
        %get3A_744 = arith.index_cast %add3A_743 : i32 to index
        %get3A_745 = arith.constant 0 : index
        %get3A_746 = tpu.vector_load %arg8[%get3A_744, %get3A_745] {strides = array<i32>} : memref<520x32xf32, #tpu.memory_space<vmem>>, vector<16xf32>,
        %get3A_747 = arith.index_cast %add3A_743 : i32 to index
        %get3A_748 = arith.constant 16 : index
        %get3A_749 = tpu.vector_load %arg8[%get3A_747, %get3A_748] {strides = array<i32>} : memref<520x32xf32, #tpu.memory_space<vmem>>, vector<16xf32>,
        %add3A_750 = arith.constant 1 : i32
        %add3A_751 = vector.broadcast %add3A_750 : i32 to vector<16xi32>
        %add3A_752 = arith.addi %add3A_731, %add3A_751 : vector<16xi32>
        %scan3A_753 = arith.constant 6 : i32
        %scan3A_754 = arith.addi %scan3A_625, %scan3A_753 : i32
        %mul3A_755 = arith.constant 1 : i32
        %mul3A_756 = arith.muli %scan3A_754, %mul3A_755 : i32
        %add3A_757 = arith.constant 0 : i32
        %add3A_758 = arith.addi %add3A_757, %mul3A_756 : i32
        %add3A_759 = arith.addf %get3A_746, %get3A_473 : vector<16xf32>
        tpu.vector_store_idx %arg10[%broadcast_in_dim3A_478, %add3A_45, %select_n3A_78, %add3A_752], %add3A_759 : memref<4x4x8x129xf32, #tpu.memory_space<vmem>>[vector<16xi32>, vector<16xi32>, vector<16xi32>, vector<16xi32>], vector<16xf32>,
        %add3A_760 = arith.addf %get3A_749, %get3A_476 : vector<16xf32>
        tpu.vector_store_idx %arg10[%broadcast_in_dim3A_478, %add3A_56, %select_n3A_78, %add3A_752], %add3A_760 : memref<4x4x8x129xf32, #tpu.memory_space<vmem>>[vector<16xi32>, vector<16xi32>, vector<16xi32>, vector<16xi32>], vector<16xf32>,
        %add3A_761 = arith.constant 0 : i32
        %add3A_762 = arith.addi %add3A_761, %add3A_758 : i32
        %add3A_763 = arith.constant 1 : i32
        %add3A_764 = arith.addi %add3A_762, %add3A_763 : i32
        %get3A_765 = arith.index_cast %add3A_764 : i32 to index
        %get3A_766 = arith.constant 0 : index
        %get3A_767 = tpu.vector_load %arg8[%get3A_765, %get3A_766] {strides = array<i32>} : memref<520x32xf32, #tpu.memory_space<vmem>>, vector<16xf32>,
        %get3A_768 = arith.index_cast %add3A_764 : i32 to index
        %get3A_769 = arith.constant 16 : index
        %get3A_770 = tpu.vector_load %arg8[%get3A_768, %get3A_769] {strides = array<i32>} : memref<520x32xf32, #tpu.memory_space<vmem>>, vector<16xf32>,
        %add3A_771 = arith.constant 1 : i32
        %add3A_772 = vector.broadcast %add3A_771 : i32 to vector<16xi32>
        %add3A_773 = arith.addi %add3A_752, %add3A_772 : vector<16xi32>
        %scan3A_774 = arith.constant 7 : i32
        %scan3A_775 = arith.addi %scan3A_625, %scan3A_774 : i32
        %mul3A_776 = arith.constant 1 : i32
        %mul3A_777 = arith.muli %scan3A_775, %mul3A_776 : i32
        %add3A_778 = arith.constant 0 : i32
        %add3A_779 = arith.addi %add3A_778, %mul3A_777 : i32
        %add3A_780 = arith.addf %get3A_767, %get3A_473 : vector<16xf32>
        tpu.vector_store_idx %arg10[%broadcast_in_dim3A_478, %add3A_45, %select_n3A_78, %add3A_773], %add3A_780 : memref<4x4x8x129xf32, #tpu.memory_space<vmem>>[vector<16xi32>, vector<16xi32>, vector<16xi32>, vector<16xi32>], vector<16xf32>,
        %add3A_781 = arith.addf %get3A_770, %get3A_476 : vector<16xf32>
        tpu.vector_store_idx %arg10[%broadcast_in_dim3A_478, %add3A_56, %select_n3A_78, %add3A_773], %add3A_781 : memref<4x4x8x129xf32, #tpu.memory_space<vmem>>[vector<16xi32>, vector<16xi32>, vector<16xi32>, vector<16xi32>], vector<16xf32>,
        %add3A_782 = arith.constant 0 : i32
        %add3A_783 = arith.addi %add3A_782, %add3A_779 : i32
        %add3A_784 = arith.constant 1 : i32
        %add3A_785 = arith.addi %add3A_783, %add3A_784 : i32
        %get3A_786 = arith.index_cast %add3A_785 : i32 to index
        %get3A_787 = arith.constant 0 : index
        %get3A_788 = tpu.vector_load %arg8[%get3A_786, %get3A_787] {strides = array<i32>} : memref<520x32xf32, #tpu.memory_space<vmem>>, vector<16xf32>,
        %get3A_789 = arith.index_cast %add3A_785 : i32 to index
        %get3A_790 = arith.constant 16 : index
        %get3A_791 = tpu.vector_load %arg8[%get3A_789, %get3A_790] {strides = array<i32>} : memref<520x32xf32, #tpu.memory_space<vmem>>, vector<16xf32>,
        %add3A_792 = arith.constant 1 : i32
        %add3A_793 = vector.broadcast %add3A_792 : i32 to vector<16xi32>
        %add3A_794 = arith.addi %add3A_773, %add3A_793 : vector<16xi32>
        scf.yield %add3A_794, %get3A_788, %get3A_791 : vector<16xi32>, vector<16xf32>, vector<16xf32>
      }
      %scan3A_492 = arith.constant 128 : i32
      %broadcast_in_dim3A_493 = arith.constant 1 : i32
      %broadcast_in_dim3A_494 = vector.broadcast %broadcast_in_dim3A_493 : i32 to vector<16xi32>
      %get3A_495 = arith.constant 128 : i32
      %get3A_496 = arith.index_cast %get3A_495 : i32 to index
      %get3A_497 = arith.constant 0 : index
      %get3A_498 = tpu.vector_load %arg8[%get3A_496, %get3A_497] {strides = array<i32>} : memref<520x32xf32, #tpu.memory_space<vmem>>, vector<16xf32>,
      %get3A_499 = arith.constant 128 : i32
      %get3A_500 = arith.index_cast %get3A_499 : i32 to index
      %get3A_501 = arith.constant 16 : index
      %get3A_502 = tpu.vector_load %arg8[%get3A_500, %get3A_501] {strides = array<i32>} : memref<520x32xf32, #tpu.memory_space<vmem>>, vector<16xf32>,
      %scan3A_503 = arith.constant 0 : i32
      %scan3A_504 = arith.constant 128 : i32
      %scan3A_505 = arith.addi %scan3A_503, %scan3A_504 : i32
      %scan3A_506 = arith.constant 8 : i32
      %scan3A_507:3 = scf.for %scan3A_625 = %scan3A_503 to %scan3A_505 step %scan3A_506 iter_args(%scan3A_626 = %broadcast_in_dim3A_80, %scan3A_627 = %get3A_498, %scan3A_628 = %get3A_502) -> (vector<16xi32>, vector<16xf32>, vector<16xf32>)  : i32 {
        %mul3A_629 = arith.constant 1 : i32
        %mul3A_630 = arith.muli %scan3A_625, %mul3A_629 : i32
        %add3A_631 = arith.constant 0 : i32
        %add3A_632 = arith.addi %add3A_631, %mul3A_630 : i32
        %add3A_633 = arith.addf %scan3A_627, %get3A_473 : vector<16xf32>
        tpu.vector_store_idx %arg10[%broadcast_in_dim3A_494, %add3A_45, %select_n3A_78, %scan3A_626], %add3A_633 : memref<4x4x8x129xf32, #tpu.memory_space<vmem>>[vector<16xi32>, vector<16xi32>, vector<16xi32>, vector<16xi32>], vector<16xf32>,
        %add3A_634 = arith.addf %scan3A_628, %get3A_476 : vector<16xf32>
        tpu.vector_store_idx %arg10[%broadcast_in_dim3A_494, %add3A_56, %select_n3A_78, %scan3A_626], %add3A_634 : memref<4x4x8x129xf32, #tpu.memory_space<vmem>>[vector<16xi32>, vector<16xi32>, vector<16xi32>, vector<16xi32>], vector<16xf32>,
        %add3A_635 = arith.constant 128 : i32
        %add3A_636 = arith.addi %add3A_635, %add3A_632 : i32
        %add3A_637 = arith.constant 1 : i32
        %add3A_638 = arith.addi %add3A_636, %add3A_637 : i32
        %get3A_639 = arith.index_cast %add3A_638 : i32 to index
        %get3A_640 = arith.constant 0 : index
        %get3A_641 = tpu.vector_load %arg8[%get3A_639, %get3A_640] {strides = array<i32>} : memref<520x32xf32, #tpu.memory_space<vmem>>, vector<16xf32>,
        %get3A_642 = arith.index_cast %add3A_638 : i32 to index
        %get3A_643 = arith.constant 16 : index
        %get3A_644 = tpu.vector_load %arg8[%get3A_642, %get3A_643] {strides = array<i32>} : memref<520x32xf32, #tpu.memory_space<vmem>>, vector<16xf32>,
        %add3A_645 = arith.constant 1 : i32
        %add3A_646 = vector.broadcast %add3A_645 : i32 to vector<16xi32>
        %add3A_647 = arith.addi %scan3A_626, %add3A_646 : vector<16xi32>
        %scan3A_648 = arith.constant 1 : i32
        %scan3A_649 = arith.addi %scan3A_625, %scan3A_648 : i32
        %mul3A_650 = arith.constant 1 : i32
        %mul3A_651 = arith.muli %scan3A_649, %mul3A_650 : i32
        %add3A_652 = arith.constant 0 : i32
        %add3A_653 = arith.addi %add3A_652, %mul3A_651 : i32
        %add3A_654 = arith.addf %get3A_641, %get3A_473 : vector<16xf32>
        tpu.vector_store_idx %arg10[%broadcast_in_dim3A_494, %add3A_45, %select_n3A_78, %add3A_647], %add3A_654 : memref<4x4x8x129xf32, #tpu.memory_space<vmem>>[vector<16xi32>, vector<16xi32>, vector<16xi32>, vector<16xi32>], vector<16xf32>,
        %add3A_655 = arith.addf %get3A_644, %get3A_476 : vector<16xf32>
        tpu.vector_store_idx %arg10[%broadcast_in_dim3A_494, %add3A_56, %select_n3A_78, %add3A_647], %add3A_655 : memref<4x4x8x129xf32, #tpu.memory_space<vmem>>[vector<16xi32>, vector<16xi32>, vector<16xi32>, vector<16xi32>], vector<16xf32>,
        %add3A_656 = arith.constant 128 : i32
        %add3A_657 = arith.addi %add3A_656, %add3A_653 : i32
        %add3A_658 = arith.constant 1 : i32
        %add3A_659 = arith.addi %add3A_657, %add3A_658 : i32
        %get3A_660 = arith.index_cast %add3A_659 : i32 to index
        %get3A_661 = arith.constant 0 : index
        %get3A_662 = tpu.vector_load %arg8[%get3A_660, %get3A_661] {strides = array<i32>} : memref<520x32xf32, #tpu.memory_space<vmem>>, vector<16xf32>,
        %get3A_663 = arith.index_cast %add3A_659 : i32 to index
        %get3A_664 = arith.constant 16 : index
        %get3A_665 = tpu.vector_load %arg8[%get3A_663, %get3A_664] {strides = array<i32>} : memref<520x32xf32, #tpu.memory_space<vmem>>, vector<16xf32>,
        %add3A_666 = arith.constant 1 : i32
        %add3A_667 = vector.broadcast %add3A_666 : i32 to vector<16xi32>
        %add3A_668 = arith.addi %add3A_647, %add3A_667 : vector<16xi32>
        %scan3A_669 = arith.constant 2 : i32
        %scan3A_670 = arith.addi %scan3A_625, %scan3A_669 : i32
        %mul3A_671 = arith.constant 1 : i32
        %mul3A_672 = arith.muli %scan3A_670, %mul3A_671 : i32
        %add3A_673 = arith.constant 0 : i32
        %add3A_674 = arith.addi %add3A_673, %mul3A_672 : i32
        %add3A_675 = arith.addf %get3A_662, %get3A_473 : vector<16xf32>
        tpu.vector_store_idx %arg10[%broadcast_in_dim3A_494, %add3A_45, %select_n3A_78, %add3A_668], %add3A_675 : memref<4x4x8x129xf32, #tpu.memory_space<vmem>>[vector<16xi32>, vector<16xi32>, vector<16xi32>, vector<16xi32>], vector<16xf32>,
        %add3A_676 = arith.addf %get3A_665, %get3A_476 : vector<16xf32>
        tpu.vector_store_idx %arg10[%broadcast_in_dim3A_494, %add3A_56, %select_n3A_78, %add3A_668], %add3A_676 : memref<4x4x8x129xf32, #tpu.memory_space<vmem>>[vector<16xi32>, vector<16xi32>, vector<16xi32>, vector<16xi32>], vector<16xf32>,
        %add3A_677 = arith.constant 128 : i32
        %add3A_678 = arith.addi %add3A_677, %add3A_674 : i32
        %add3A_679 = arith.constant 1 : i32
        %add3A_680 = arith.addi %add3A_678, %add3A_679 : i32
        %get3A_681 = arith.index_cast %add3A_680 : i32 to index
        %get3A_682 = arith.constant 0 : index
        %get3A_683 = tpu.vector_load %arg8[%get3A_681, %get3A_682] {strides = array<i32>} : memref<520x32xf32, #tpu.memory_space<vmem>>, vector<16xf32>,
        %get3A_684 = arith.index_cast %add3A_680 : i32 to index
        %get3A_685 = arith.constant 16 : index
        %get3A_686 = tpu.vector_load %arg8[%get3A_684, %get3A_685] {strides = array<i32>} : memref<520x32xf32, #tpu.memory_space<vmem>>, vector<16xf32>,
        %add3A_687 = arith.constant 1 : i32
        %add3A_688 = vector.broadcast %add3A_687 : i32 to vector<16xi32>
        %add3A_689 = arith.addi %add3A_668, %add3A_688 : vector<16xi32>
        %scan3A_690 = arith.constant 3 : i32
        %scan3A_691 = arith.addi %scan3A_625, %scan3A_690 : i32
        %mul3A_692 = arith.constant 1 : i32
        %mul3A_693 = arith.muli %scan3A_691, %mul3A_692 : i32
        %add3A_694 = arith.constant 0 : i32
        %add3A_695 = arith.addi %add3A_694, %mul3A_693 : i32
        %add3A_696 = arith.addf %get3A_683, %get3A_473 : vector<16xf32>
        tpu.vector_store_idx %arg10[%broadcast_in_dim3A_494, %add3A_45, %select_n3A_78, %add3A_689], %add3A_696 : memref<4x4x8x129xf32, #tpu.memory_space<vmem>>[vector<16xi32>, vector<16xi32>, vector<16xi32>, vector<16xi32>], vector<16xf32>,
        %add3A_697 = arith.addf %get3A_686, %get3A_476 : vector<16xf32>
        tpu.vector_store_idx %arg10[%broadcast_in_dim3A_494, %add3A_56, %select_n3A_78, %add3A_689], %add3A_697 : memref<4x4x8x129xf32, #tpu.memory_space<vmem>>[vector<16xi32>, vector<16xi32>, vector<16xi32>, vector<16xi32>], vector<16xf32>,
        %add3A_698 = arith.constant 128 : i32
        %add3A_699 = arith.addi %add3A_698, %add3A_695 : i32
        %add3A_700 = arith.constant 1 : i32
        %add3A_701 = arith.addi %add3A_699, %add3A_700 : i32
        %get3A_702 = arith.index_cast %add3A_701 : i32 to index
        %get3A_703 = arith.constant 0 : index
        %get3A_704 = tpu.vector_load %arg8[%get3A_702, %get3A_703] {strides = array<i32>} : memref<520x32xf32, #tpu.memory_space<vmem>>, vector<16xf32>,
        %get3A_705 = arith.index_cast %add3A_701 : i32 to index
        %get3A_706 = arith.constant 16 : index
        %get3A_707 = tpu.vector_load %arg8[%get3A_705, %get3A_706] {strides = array<i32>} : memref<520x32xf32, #tpu.memory_space<vmem>>, vector<16xf32>,
        %add3A_708 = arith.constant 1 : i32
        %add3A_709 = vector.broadcast %add3A_708 : i32 to vector<16xi32>
        %add3A_710 = arith.addi %add3A_689, %add3A_709 : vector<16xi32>
        %scan3A_711 = arith.constant 4 : i32
        %scan3A_712 = arith.addi %scan3A_625, %scan3A_711 : i32
        %mul3A_713 = arith.constant 1 : i32
        %mul3A_714 = arith.muli %scan3A_712, %mul3A_713 : i32
        %add3A_715 = arith.constant 0 : i32
        %add3A_716 = arith.addi %add3A_715, %mul3A_714 : i32
        %add3A_717 = arith.addf %get3A_704, %get3A_473 : vector<16xf32>
        tpu.vector_store_idx %arg10[%broadcast_in_dim3A_494, %add3A_45, %select_n3A_78, %add3A_710], %add3A_717 : memref<4x4x8x129xf32, #tpu.memory_space<vmem>>[vector<16xi32>, vector<16xi32>, vector<16xi32>, vector<16xi32>], vector<16xf32>,
        %add3A_718 = arith.addf %get3A_707, %get3A_476 : vector<16xf32>
        tpu.vector_store_idx %arg10[%broadcast_in_dim3A_494, %add3A_56, %select_n3A_78, %add3A_710], %add3A_718 : memref<4x4x8x129xf32, #tpu.memory_space<vmem>>[vector<16xi32>, vector<16xi32>, vector<16xi32>, vector<16xi32>], vector<16xf32>,
        %add3A_719 = arith.constant 128 : i32
        %add3A_720 = arith.addi %add3A_719, %add3A_716 : i32
        %add3A_721 = arith.constant 1 : i32
        %add3A_722 = arith.addi %add3A_720, %add3A_721 : i32
        %get3A_723 = arith.index_cast %add3A_722 : i32 to index
        %get3A_724 = arith.constant 0 : index
        %get3A_725 = tpu.vector_load %arg8[%get3A_723, %get3A_724] {strides = array<i32>} : memref<520x32xf32, #tpu.memory_space<vmem>>, vector<16xf32>,
        %get3A_726 = arith.index_cast %add3A_722 : i32 to index
        %get3A_727 = arith.constant 16 : index
        %get3A_728 = tpu.vector_load %arg8[%get3A_726, %get3A_727] {strides = array<i32>} : memref<520x32xf32, #tpu.memory_space<vmem>>, vector<16xf32>,
        %add3A_729 = arith.constant 1 : i32
        %add3A_730 = vector.broadcast %add3A_729 : i32 to vector<16xi32>
        %add3A_731 = arith.addi %add3A_710, %add3A_730 : vector<16xi32>
        %scan3A_732 = arith.constant 5 : i32
        %scan3A_733 = arith.addi %scan3A_625, %scan3A_732 : i32
        %mul3A_734 = arith.constant 1 : i32
        %mul3A_735 = arith.muli %scan3A_733, %mul3A_734 : i32
        %add3A_736 = arith.constant 0 : i32
        %add3A_737 = arith.addi %add3A_736, %mul3A_735 : i32
        %add3A_738 = arith.addf %get3A_725, %get3A_473 : vector<16xf32>
        tpu.vector_store_idx %arg10[%broadcast_in_dim3A_494, %add3A_45, %select_n3A_78, %add3A_731], %add3A_738 : memref<4x4x8x129xf32, #tpu.memory_space<vmem>>[vector<16xi32>, vector<16xi32>, vector<16xi32>, vector<16xi32>], vector<16xf32>,
        %add3A_739 = arith.addf %get3A_728, %get3A_476 : vector<16xf32>
        tpu.vector_store_idx %arg10[%broadcast_in_dim3A_494, %add3A_56, %select_n3A_78, %add3A_731], %add3A_739 : memref<4x4x8x129xf32, #tpu.memory_space<vmem>>[vector<16xi32>, vector<16xi32>, vector<16xi32>, vector<16xi32>], vector<16xf32>,
        %add3A_740 = arith.constant 128 : i32
        %add3A_741 = arith.addi %add3A_740, %add3A_737 : i32
        %add3A_742 = arith.constant 1 : i32
        %add3A_743 = arith.addi %add3A_741, %add3A_742 : i32
        %get3A_744 = arith.index_cast %add3A_743 : i32 to index
        %get3A_745 = arith.constant 0 : index
        %get3A_746 = tpu.vector_load %arg8[%get3A_744, %get3A_745] {strides = array<i32>} : memref<520x32xf32, #tpu.memory_space<vmem>>, vector<16xf32>,
        %get3A_747 = arith.index_cast %add3A_743 : i32 to index
        %get3A_748 = arith.constant 16 : index
        %get3A_749 = tpu.vector_load %arg8[%get3A_747, %get3A_748] {strides = array<i32>} : memref<520x32xf32, #tpu.memory_space<vmem>>, vector<16xf32>,
        %add3A_750 = arith.constant 1 : i32
        %add3A_751 = vector.broadcast %add3A_750 : i32 to vector<16xi32>
        %add3A_752 = arith.addi %add3A_731, %add3A_751 : vector<16xi32>
        %scan3A_753 = arith.constant 6 : i32
        %scan3A_754 = arith.addi %scan3A_625, %scan3A_753 : i32
        %mul3A_755 = arith.constant 1 : i32
        %mul3A_756 = arith.muli %scan3A_754, %mul3A_755 : i32
        %add3A_757 = arith.constant 0 : i32
        %add3A_758 = arith.addi %add3A_757, %mul3A_756 : i32
        %add3A_759 = arith.addf %get3A_746, %get3A_473 : vector<16xf32>
        tpu.vector_store_idx %arg10[%broadcast_in_dim3A_494, %add3A_45, %select_n3A_78, %add3A_752], %add3A_759 : memref<4x4x8x129xf32, #tpu.memory_space<vmem>>[vector<16xi32>, vector<16xi32>, vector<16xi32>, vector<16xi32>], vector<16xf32>,
        %add3A_760 = arith.addf %get3A_749, %get3A_476 : vector<16xf32>
        tpu.vector_store_idx %arg10[%broadcast_in_dim3A_494, %add3A_56, %select_n3A_78, %add3A_752], %add3A_760 : memref<4x4x8x129xf32, #tpu.memory_space<vmem>>[vector<16xi32>, vector<16xi32>, vector<16xi32>, vector<16xi32>], vector<16xf32>,
        %add3A_761 = arith.constant 128 : i32
        %add3A_762 = arith.addi %add3A_761, %add3A_758 : i32
        %add3A_763 = arith.constant 1 : i32
        %add3A_764 = arith.addi %add3A_762, %add3A_763 : i32
        %get3A_765 = arith.index_cast %add3A_764 : i32 to index
        %get3A_766 = arith.constant 0 : index
        %get3A_767 = tpu.vector_load %arg8[%get3A_765, %get3A_766] {strides = array<i32>} : memref<520x32xf32, #tpu.memory_space<vmem>>, vector<16xf32>,
        %get3A_768 = arith.index_cast %add3A_764 : i32 to index
        %get3A_769 = arith.constant 16 : index
        %get3A_770 = tpu.vector_load %arg8[%get3A_768, %get3A_769] {strides = array<i32>} : memref<520x32xf32, #tpu.memory_space<vmem>>, vector<16xf32>,
        %add3A_771 = arith.constant 1 : i32
        %add3A_772 = vector.broadcast %add3A_771 : i32 to vector<16xi32>
        %add3A_773 = arith.addi %add3A_752, %add3A_772 : vector<16xi32>
        %scan3A_774 = arith.constant 7 : i32
        %scan3A_775 = arith.addi %scan3A_625, %scan3A_774 : i32
        %mul3A_776 = arith.constant 1 : i32
        %mul3A_777 = arith.muli %scan3A_775, %mul3A_776 : i32
        %add3A_778 = arith.constant 0 : i32
        %add3A_779 = arith.addi %add3A_778, %mul3A_777 : i32
        %add3A_780 = arith.addf %get3A_767, %get3A_473 : vector<16xf32>
        tpu.vector_store_idx %arg10[%broadcast_in_dim3A_494, %add3A_45, %select_n3A_78, %add3A_773], %add3A_780 : memref<4x4x8x129xf32, #tpu.memory_space<vmem>>[vector<16xi32>, vector<16xi32>, vector<16xi32>, vector<16xi32>], vector<16xf32>,
        %add3A_781 = arith.addf %get3A_770, %get3A_476 : vector<16xf32>
        tpu.vector_store_idx %arg10[%broadcast_in_dim3A_494, %add3A_56, %select_n3A_78, %add3A_773], %add3A_781 : memref<4x4x8x129xf32, #tpu.memory_space<vmem>>[vector<16xi32>, vector<16xi32>, vector<16xi32>, vector<16xi32>], vector<16xf32>,
        %add3A_782 = arith.constant 128 : i32
        %add3A_783 = arith.addi %add3A_782, %add3A_779 : i32
        %add3A_784 = arith.constant 1 : i32
        %add3A_785 = arith.addi %add3A_783, %add3A_784 : i32
        %get3A_786 = arith.index_cast %add3A_785 : i32 to index
        %get3A_787 = arith.constant 0 : index
        %get3A_788 = tpu.vector_load %arg8[%get3A_786, %get3A_787] {strides = array<i32>} : memref<520x32xf32, #tpu.memory_space<vmem>>, vector<16xf32>,
        %get3A_789 = arith.index_cast %add3A_785 : i32 to index
        %get3A_790 = arith.constant 16 : index
        %get3A_791 = tpu.vector_load %arg8[%get3A_789, %get3A_790] {strides = array<i32>} : memref<520x32xf32, #tpu.memory_space<vmem>>, vector<16xf32>,
        %add3A_792 = arith.constant 1 : i32
        %add3A_793 = vector.broadcast %add3A_792 : i32 to vector<16xi32>
        %add3A_794 = arith.addi %add3A_773, %add3A_793 : vector<16xi32>
        scf.yield %add3A_794, %get3A_788, %get3A_791 : vector<16xi32>, vector<16xf32>, vector<16xf32>
      }
      %scan3A_508 = arith.constant 128 : i32
      %broadcast_in_dim3A_509 = arith.constant 2 : i32
      %broadcast_in_dim3A_510 = vector.broadcast %broadcast_in_dim3A_509 : i32 to vector<16xi32>
      %get3A_511 = arith.constant 256 : i32
      %get3A_512 = arith.index_cast %get3A_511 : i32 to index
      %get3A_513 = arith.constant 0 : index
      %get3A_514 = tpu.vector_load %arg8[%get3A_512, %get3A_513] {strides = array<i32>} : memref<520x32xf32, #tpu.memory_space<vmem>>, vector<16xf32>,
      %get3A_515 = arith.constant 256 : i32
      %get3A_516 = arith.index_cast %get3A_515 : i32 to index
      %get3A_517 = arith.constant 16 : index
      %get3A_518 = tpu.vector_load %arg8[%get3A_516, %get3A_517] {strides = array<i32>} : memref<520x32xf32, #tpu.memory_space<vmem>>, vector<16xf32>,
      %scan3A_519 = arith.constant 0 : i32
      %scan3A_520 = arith.constant 128 : i32
      %scan3A_521 = arith.addi %scan3A_519, %scan3A_520 : i32
      %scan3A_522 = arith.constant 8 : i32
      %scan3A_523:3 = scf.for %scan3A_625 = %scan3A_519 to %scan3A_521 step %scan3A_522 iter_args(%scan3A_626 = %broadcast_in_dim3A_80, %scan3A_627 = %get3A_514, %scan3A_628 = %get3A_518) -> (vector<16xi32>, vector<16xf32>, vector<16xf32>)  : i32 {
        %mul3A_629 = arith.constant 1 : i32
        %mul3A_630 = arith.muli %scan3A_625, %mul3A_629 : i32
        %add3A_631 = arith.constant 0 : i32
        %add3A_632 = arith.addi %add3A_631, %mul3A_630 : i32
        %add3A_633 = arith.addf %scan3A_627, %get3A_473 : vector<16xf32>
        tpu.vector_store_idx %arg10[%broadcast_in_dim3A_510, %add3A_45, %select_n3A_78, %scan3A_626], %add3A_633 : memref<4x4x8x129xf32, #tpu.memory_space<vmem>>[vector<16xi32>, vector<16xi32>, vector<16xi32>, vector<16xi32>], vector<16xf32>,
        %add3A_634 = arith.addf %scan3A_628, %get3A_476 : vector<16xf32>
        tpu.vector_store_idx %arg10[%broadcast_in_dim3A_510, %add3A_56, %select_n3A_78, %scan3A_626], %add3A_634 : memref<4x4x8x129xf32, #tpu.memory_space<vmem>>[vector<16xi32>, vector<16xi32>, vector<16xi32>, vector<16xi32>], vector<16xf32>,
        %add3A_635 = arith.constant 256 : i32
        %add3A_636 = arith.addi %add3A_635, %add3A_632 : i32
        %add3A_637 = arith.constant 1 : i32
        %add3A_638 = arith.addi %add3A_636, %add3A_637 : i32
        %get3A_639 = arith.index_cast %add3A_638 : i32 to index
        %get3A_640 = arith.constant 0 : index
        %get3A_641 = tpu.vector_load %arg8[%get3A_639, %get3A_640] {strides = array<i32>} : memref<520x32xf32, #tpu.memory_space<vmem>>, vector<16xf32>,
        %get3A_642 = arith.index_cast %add3A_638 : i32 to index
        %get3A_643 = arith.constant 16 : index
        %get3A_644 = tpu.vector_load %arg8[%get3A_642, %get3A_643] {strides = array<i32>} : memref<520x32xf32, #tpu.memory_space<vmem>>, vector<16xf32>,
        %add3A_645 = arith.constant 1 : i32
        %add3A_646 = vector.broadcast %add3A_645 : i32 to vector<16xi32>
        %add3A_647 = arith.addi %scan3A_626, %add3A_646 : vector<16xi32>
        %scan3A_648 = arith.constant 1 : i32
        %scan3A_649 = arith.addi %scan3A_625, %scan3A_648 : i32
        %mul3A_650 = arith.constant 1 : i32
        %mul3A_651 = arith.muli %scan3A_649, %mul3A_650 : i32
        %add3A_652 = arith.constant 0 : i32
        %add3A_653 = arith.addi %add3A_652, %mul3A_651 : i32
        %add3A_654 = arith.addf %get3A_641, %get3A_473 : vector<16xf32>
        tpu.vector_store_idx %arg10[%broadcast_in_dim3A_510, %add3A_45, %select_n3A_78, %add3A_647], %add3A_654 : memref<4x4x8x129xf32, #tpu.memory_space<vmem>>[vector<16xi32>, vector<16xi32>, vector<16xi32>, vector<16xi32>], vector<16xf32>,
        %add3A_655 = arith.addf %get3A_644, %get3A_476 : vector<16xf32>
        tpu.vector_store_idx %arg10[%broadcast_in_dim3A_510, %add3A_56, %select_n3A_78, %add3A_647], %add3A_655 : memref<4x4x8x129xf32, #tpu.memory_space<vmem>>[vector<16xi32>, vector<16xi32>, vector<16xi32>, vector<16xi32>], vector<16xf32>,
        %add3A_656 = arith.constant 256 : i32
        %add3A_657 = arith.addi %add3A_656, %add3A_653 : i32
        %add3A_658 = arith.constant 1 : i32
        %add3A_659 = arith.addi %add3A_657, %add3A_658 : i32
        %get3A_660 = arith.index_cast %add3A_659 : i32 to index
        %get3A_661 = arith.constant 0 : index
        %get3A_662 = tpu.vector_load %arg8[%get3A_660, %get3A_661] {strides = array<i32>} : memref<520x32xf32, #tpu.memory_space<vmem>>, vector<16xf32>,
        %get3A_663 = arith.index_cast %add3A_659 : i32 to index
        %get3A_664 = arith.constant 16 : index
        %get3A_665 = tpu.vector_load %arg8[%get3A_663, %get3A_664] {strides = array<i32>} : memref<520x32xf32, #tpu.memory_space<vmem>>, vector<16xf32>,
        %add3A_666 = arith.constant 1 : i32
        %add3A_667 = vector.broadcast %add3A_666 : i32 to vector<16xi32>
        %add3A_668 = arith.addi %add3A_647, %add3A_667 : vector<16xi32>
        %scan3A_669 = arith.constant 2 : i32
        %scan3A_670 = arith.addi %scan3A_625, %scan3A_669 : i32
        %mul3A_671 = arith.constant 1 : i32
        %mul3A_672 = arith.muli %scan3A_670, %mul3A_671 : i32
        %add3A_673 = arith.constant 0 : i32
        %add3A_674 = arith.addi %add3A_673, %mul3A_672 : i32
        %add3A_675 = arith.addf %get3A_662, %get3A_473 : vector<16xf32>
        tpu.vector_store_idx %arg10[%broadcast_in_dim3A_510, %add3A_45, %select_n3A_78, %add3A_668], %add3A_675 : memref<4x4x8x129xf32, #tpu.memory_space<vmem>>[vector<16xi32>, vector<16xi32>, vector<16xi32>, vector<16xi32>], vector<16xf32>,
        %add3A_676 = arith.addf %get3A_665, %get3A_476 : vector<16xf32>
        tpu.vector_store_idx %arg10[%broadcast_in_dim3A_510, %add3A_56, %select_n3A_78, %add3A_668], %add3A_676 : memref<4x4x8x129xf32, #tpu.memory_space<vmem>>[vector<16xi32>, vector<16xi32>, vector<16xi32>, vector<16xi32>], vector<16xf32>,
        %add3A_677 = arith.constant 256 : i32
        %add3A_678 = arith.addi %add3A_677, %add3A_674 : i32
        %add3A_679 = arith.constant 1 : i32
        %add3A_680 = arith.addi %add3A_678, %add3A_679 : i32
        %get3A_681 = arith.index_cast %add3A_680 : i32 to index
        %get3A_682 = arith.constant 0 : index
        %get3A_683 = tpu.vector_load %arg8[%get3A_681, %get3A_682] {strides = array<i32>} : memref<520x32xf32, #tpu.memory_space<vmem>>, vector<16xf32>,
        %get3A_684 = arith.index_cast %add3A_680 : i32 to index
        %get3A_685 = arith.constant 16 : index
        %get3A_686 = tpu.vector_load %arg8[%get3A_684, %get3A_685] {strides = array<i32>} : memref<520x32xf32, #tpu.memory_space<vmem>>, vector<16xf32>,
        %add3A_687 = arith.constant 1 : i32
        %add3A_688 = vector.broadcast %add3A_687 : i32 to vector<16xi32>
        %add3A_689 = arith.addi %add3A_668, %add3A_688 : vector<16xi32>
        %scan3A_690 = arith.constant 3 : i32
        %scan3A_691 = arith.addi %scan3A_625, %scan3A_690 : i32
        %mul3A_692 = arith.constant 1 : i32
        %mul3A_693 = arith.muli %scan3A_691, %mul3A_692 : i32
        %add3A_694 = arith.constant 0 : i32
        %add3A_695 = arith.addi %add3A_694, %mul3A_693 : i32
        %add3A_696 = arith.addf %get3A_683, %get3A_473 : vector<16xf32>
        tpu.vector_store_idx %arg10[%broadcast_in_dim3A_510, %add3A_45, %select_n3A_78, %add3A_689], %add3A_696 : memref<4x4x8x129xf32, #tpu.memory_space<vmem>>[vector<16xi32>, vector<16xi32>, vector<16xi32>, vector<16xi32>], vector<16xf32>,
        %add3A_697 = arith.addf %get3A_686, %get3A_476 : vector<16xf32>
        tpu.vector_store_idx %arg10[%broadcast_in_dim3A_510, %add3A_56, %select_n3A_78, %add3A_689], %add3A_697 : memref<4x4x8x129xf32, #tpu.memory_space<vmem>>[vector<16xi32>, vector<16xi32>, vector<16xi32>, vector<16xi32>], vector<16xf32>,
        %add3A_698 = arith.constant 256 : i32
        %add3A_699 = arith.addi %add3A_698, %add3A_695 : i32
        %add3A_700 = arith.constant 1 : i32
        %add3A_701 = arith.addi %add3A_699, %add3A_700 : i32
        %get3A_702 = arith.index_cast %add3A_701 : i32 to index
        %get3A_703 = arith.constant 0 : index
        %get3A_704 = tpu.vector_load %arg8[%get3A_702, %get3A_703] {strides = array<i32>} : memref<520x32xf32, #tpu.memory_space<vmem>>, vector<16xf32>,
        %get3A_705 = arith.index_cast %add3A_701 : i32 to index
        %get3A_706 = arith.constant 16 : index
        %get3A_707 = tpu.vector_load %arg8[%get3A_705, %get3A_706] {strides = array<i32>} : memref<520x32xf32, #tpu.memory_space<vmem>>, vector<16xf32>,
        %add3A_708 = arith.constant 1 : i32
        %add3A_709 = vector.broadcast %add3A_708 : i32 to vector<16xi32>
        %add3A_710 = arith.addi %add3A_689, %add3A_709 : vector<16xi32>
        %scan3A_711 = arith.constant 4 : i32
        %scan3A_712 = arith.addi %scan3A_625, %scan3A_711 : i32
        %mul3A_713 = arith.constant 1 : i32
        %mul3A_714 = arith.muli %scan3A_712, %mul3A_713 : i32
        %add3A_715 = arith.constant 0 : i32
        %add3A_716 = arith.addi %add3A_715, %mul3A_714 : i32
        %add3A_717 = arith.addf %get3A_704, %get3A_473 : vector<16xf32>
        tpu.vector_store_idx %arg10[%broadcast_in_dim3A_510, %add3A_45, %select_n3A_78, %add3A_710], %add3A_717 : memref<4x4x8x129xf32, #tpu.memory_space<vmem>>[vector<16xi32>, vector<16xi32>, vector<16xi32>, vector<16xi32>], vector<16xf32>,
        %add3A_718 = arith.addf %get3A_707, %get3A_476 : vector<16xf32>
        tpu.vector_store_idx %arg10[%broadcast_in_dim3A_510, %add3A_56, %select_n3A_78, %add3A_710], %add3A_718 : memref<4x4x8x129xf32, #tpu.memory_space<vmem>>[vector<16xi32>, vector<16xi32>, vector<16xi32>, vector<16xi32>], vector<16xf32>,
        %add3A_719 = arith.constant 256 : i32
        %add3A_720 = arith.addi %add3A_719, %add3A_716 : i32
        %add3A_721 = arith.constant 1 : i32
        %add3A_722 = arith.addi %add3A_720, %add3A_721 : i32
        %get3A_723 = arith.index_cast %add3A_722 : i32 to index
        %get3A_724 = arith.constant 0 : index
        %get3A_725 = tpu.vector_load %arg8[%get3A_723, %get3A_724] {strides = array<i32>} : memref<520x32xf32, #tpu.memory_space<vmem>>, vector<16xf32>,
        %get3A_726 = arith.index_cast %add3A_722 : i32 to index
        %get3A_727 = arith.constant 16 : index
        %get3A_728 = tpu.vector_load %arg8[%get3A_726, %get3A_727] {strides = array<i32>} : memref<520x32xf32, #tpu.memory_space<vmem>>, vector<16xf32>,
        %add3A_729 = arith.constant 1 : i32
        %add3A_730 = vector.broadcast %add3A_729 : i32 to vector<16xi32>
        %add3A_731 = arith.addi %add3A_710, %add3A_730 : vector<16xi32>
        %scan3A_732 = arith.constant 5 : i32
        %scan3A_733 = arith.addi %scan3A_625, %scan3A_732 : i32
        %mul3A_734 = arith.constant 1 : i32
        %mul3A_735 = arith.muli %scan3A_733, %mul3A_734 : i32
        %add3A_736 = arith.constant 0 : i32
        %add3A_737 = arith.addi %add3A_736, %mul3A_735 : i32
        %add3A_738 = arith.addf %get3A_725, %get3A_473 : vector<16xf32>
        tpu.vector_store_idx %arg10[%broadcast_in_dim3A_510, %add3A_45, %select_n3A_78, %add3A_731], %add3A_738 : memref<4x4x8x129xf32, #tpu.memory_space<vmem>>[vector<16xi32>, vector<16xi32>, vector<16xi32>, vector<16xi32>], vector<16xf32>,
        %add3A_739 = arith.addf %get3A_728, %get3A_476 : vector<16xf32>
        tpu.vector_store_idx %arg10[%broadcast_in_dim3A_510, %add3A_56, %select_n3A_78, %add3A_731], %add3A_739 : memref<4x4x8x129xf32, #tpu.memory_space<vmem>>[vector<16xi32>, vector<16xi32>, vector<16xi32>, vector<16xi32>], vector<16xf32>,
        %add3A_740 = arith.constant 256 : i32
        %add3A_741 = arith.addi %add3A_740, %add3A_737 : i32
        %add3A_742 = arith.constant 1 : i32
        %add3A_743 = arith.addi %add3A_741, %add3A_742 : i32
        %get3A_744 = arith.index_cast %add3A_743 : i32 to index
        %get3A_745 = arith.constant 0 : index
        %get3A_746 = tpu.vector_load %arg8[%get3A_744, %get3A_745] {strides = array<i32>} : memref<520x32xf32, #tpu.memory_space<vmem>>, vector<16xf32>,
        %get3A_747 = arith.index_cast %add3A_743 : i32 to index
        %get3A_748 = arith.constant 16 : index
        %get3A_749 = tpu.vector_load %arg8[%get3A_747, %get3A_748] {strides = array<i32>} : memref<520x32xf32, #tpu.memory_space<vmem>>, vector<16xf32>,
        %add3A_750 = arith.constant 1 : i32
        %add3A_751 = vector.broadcast %add3A_750 : i32 to vector<16xi32>
        %add3A_752 = arith.addi %add3A_731, %add3A_751 : vector<16xi32>
        %scan3A_753 = arith.constant 6 : i32
        %scan3A_754 = arith.addi %scan3A_625, %scan3A_753 : i32
        %mul3A_755 = arith.constant 1 : i32
        %mul3A_756 = arith.muli %scan3A_754, %mul3A_755 : i32
        %add3A_757 = arith.constant 0 : i32
        %add3A_758 = arith.addi %add3A_757, %mul3A_756 : i32
        %add3A_759 = arith.addf %get3A_746, %get3A_473 : vector<16xf32>
        tpu.vector_store_idx %arg10[%broadcast_in_dim3A_510, %add3A_45, %select_n3A_78, %add3A_752], %add3A_759 : memref<4x4x8x129xf32, #tpu.memory_space<vmem>>[vector<16xi32>, vector<16xi32>, vector<16xi32>, vector<16xi32>], vector<16xf32>,
        %add3A_760 = arith.addf %get3A_749, %get3A_476 : vector<16xf32>
        tpu.vector_store_idx %arg10[%broadcast_in_dim3A_510, %add3A_56, %select_n3A_78, %add3A_752], %add3A_760 : memref<4x4x8x129xf32, #tpu.memory_space<vmem>>[vector<16xi32>, vector<16xi32>, vector<16xi32>, vector<16xi32>], vector<16xf32>,
        %add3A_761 = arith.constant 256 : i32
        %add3A_762 = arith.addi %add3A_761, %add3A_758 : i32
        %add3A_763 = arith.constant 1 : i32
        %add3A_764 = arith.addi %add3A_762, %add3A_763 : i32
        %get3A_765 = arith.index_cast %add3A_764 : i32 to index
        %get3A_766 = arith.constant 0 : index
        %get3A_767 = tpu.vector_load %arg8[%get3A_765, %get3A_766] {strides = array<i32>} : memref<520x32xf32, #tpu.memory_space<vmem>>, vector<16xf32>,
        %get3A_768 = arith.index_cast %add3A_764 : i32 to index
        %get3A_769 = arith.constant 16 : index
        %get3A_770 = tpu.vector_load %arg8[%get3A_768, %get3A_769] {strides = array<i32>} : memref<520x32xf32, #tpu.memory_space<vmem>>, vector<16xf32>,
        %add3A_771 = arith.constant 1 : i32
        %add3A_772 = vector.broadcast %add3A_771 : i32 to vector<16xi32>
        %add3A_773 = arith.addi %add3A_752, %add3A_772 : vector<16xi32>
        %scan3A_774 = arith.constant 7 : i32
        %scan3A_775 = arith.addi %scan3A_625, %scan3A_774 : i32
        %mul3A_776 = arith.constant 1 : i32
        %mul3A_777 = arith.muli %scan3A_775, %mul3A_776 : i32
        %add3A_778 = arith.constant 0 : i32
        %add3A_779 = arith.addi %add3A_778, %mul3A_777 : i32
        %add3A_780 = arith.addf %get3A_767, %get3A_473 : vector<16xf32>
        tpu.vector_store_idx %arg10[%broadcast_in_dim3A_510, %add3A_45, %select_n3A_78, %add3A_773], %add3A_780 : memref<4x4x8x129xf32, #tpu.memory_space<vmem>>[vector<16xi32>, vector<16xi32>, vector<16xi32>, vector<16xi32>], vector<16xf32>,
        %add3A_781 = arith.addf %get3A_770, %get3A_476 : vector<16xf32>
        tpu.vector_store_idx %arg10[%broadcast_in_dim3A_510, %add3A_56, %select_n3A_78, %add3A_773], %add3A_781 : memref<4x4x8x129xf32, #tpu.memory_space<vmem>>[vector<16xi32>, vector<16xi32>, vector<16xi32>, vector<16xi32>], vector<16xf32>,
        %add3A_782 = arith.constant 256 : i32
        %add3A_783 = arith.addi %add3A_782, %add3A_779 : i32
        %add3A_784 = arith.constant 1 : i32
        %add3A_785 = arith.addi %add3A_783, %add3A_784 : i32
        %get3A_786 = arith.index_cast %add3A_785 : i32 to index
        %get3A_787 = arith.constant 0 : index
        %get3A_788 = tpu.vector_load %arg8[%get3A_786, %get3A_787] {strides = array<i32>} : memref<520x32xf32, #tpu.memory_space<vmem>>, vector<16xf32>,
        %get3A_789 = arith.index_cast %add3A_785 : i32 to index
        %get3A_790 = arith.constant 16 : index
        %get3A_791 = tpu.vector_load %arg8[%get3A_789, %get3A_790] {strides = array<i32>} : memref<520x32xf32, #tpu.memory_space<vmem>>, vector<16xf32>,
        %add3A_792 = arith.constant 1 : i32
        %add3A_793 = vector.broadcast %add3A_792 : i32 to vector<16xi32>
        %add3A_794 = arith.addi %add3A_773, %add3A_793 : vector<16xi32>
        scf.yield %add3A_794, %get3A_788, %get3A_791 : vector<16xi32>, vector<16xf32>, vector<16xf32>
      }
      %scan3A_524 = arith.constant 128 : i32
      %broadcast_in_dim3A_525 = arith.constant 3 : i32
      %broadcast_in_dim3A_526 = vector.broadcast %broadcast_in_dim3A_525 : i32 to vector<16xi32>
      %get3A_527 = arith.constant 384 : i32
      %get3A_528 = arith.index_cast %get3A_527 : i32 to index
      %get3A_529 = arith.constant 0 : index
      %get3A_530 = tpu.vector_load %arg8[%get3A_528, %get3A_529] {strides = array<i32>} : memref<520x32xf32, #tpu.memory_space<vmem>>, vector<16xf32>,
      %get3A_531 = arith.constant 384 : i32
      %get3A_532 = arith.index_cast %get3A_531 : i32 to index
      %get3A_533 = arith.constant 16 : index
      %get3A_534 = tpu.vector_load %arg8[%get3A_532, %get3A_533] {strides = array<i32>} : memref<520x32xf32, #tpu.memory_space<vmem>>, vector<16xf32>,
      %scan3A_535 = arith.constant 0 : i32
      %scan3A_536 = arith.constant 128 : i32
      %scan3A_537 = arith.addi %scan3A_535, %scan3A_536 : i32
      %scan3A_538 = arith.constant 8 : i32
      %scan3A_539:3 = scf.for %scan3A_625 = %scan3A_535 to %scan3A_537 step %scan3A_538 iter_args(%scan3A_626 = %broadcast_in_dim3A_80, %scan3A_627 = %get3A_530, %scan3A_628 = %get3A_534) -> (vector<16xi32>, vector<16xf32>, vector<16xf32>)  : i32 {
        %mul3A_629 = arith.constant 1 : i32
        %mul3A_630 = arith.muli %scan3A_625, %mul3A_629 : i32
        %add3A_631 = arith.constant 0 : i32
        %add3A_632 = arith.addi %add3A_631, %mul3A_630 : i32
        %add3A_633 = arith.addf %scan3A_627, %get3A_473 : vector<16xf32>
        tpu.vector_store_idx %arg10[%broadcast_in_dim3A_526, %add3A_45, %select_n3A_78, %scan3A_626], %add3A_633 : memref<4x4x8x129xf32, #tpu.memory_space<vmem>>[vector<16xi32>, vector<16xi32>, vector<16xi32>, vector<16xi32>], vector<16xf32>,
        %add3A_634 = arith.addf %scan3A_628, %get3A_476 : vector<16xf32>
        tpu.vector_store_idx %arg10[%broadcast_in_dim3A_526, %add3A_56, %select_n3A_78, %scan3A_626], %add3A_634 : memref<4x4x8x129xf32, #tpu.memory_space<vmem>>[vector<16xi32>, vector<16xi32>, vector<16xi32>, vector<16xi32>], vector<16xf32>,
        %add3A_635 = arith.constant 384 : i32
        %add3A_636 = arith.addi %add3A_635, %add3A_632 : i32
        %add3A_637 = arith.constant 1 : i32
        %add3A_638 = arith.addi %add3A_636, %add3A_637 : i32
        %get3A_639 = arith.index_cast %add3A_638 : i32 to index
        %get3A_640 = arith.constant 0 : index
        %get3A_641 = tpu.vector_load %arg8[%get3A_639, %get3A_640] {strides = array<i32>} : memref<520x32xf32, #tpu.memory_space<vmem>>, vector<16xf32>,
        %get3A_642 = arith.index_cast %add3A_638 : i32 to index
        %get3A_643 = arith.constant 16 : index
        %get3A_644 = tpu.vector_load %arg8[%get3A_642, %get3A_643] {strides = array<i32>} : memref<520x32xf32, #tpu.memory_space<vmem>>, vector<16xf32>,
        %add3A_645 = arith.constant 1 : i32
        %add3A_646 = vector.broadcast %add3A_645 : i32 to vector<16xi32>
        %add3A_647 = arith.addi %scan3A_626, %add3A_646 : vector<16xi32>
        %scan3A_648 = arith.constant 1 : i32
        %scan3A_649 = arith.addi %scan3A_625, %scan3A_648 : i32
        %mul3A_650 = arith.constant 1 : i32
        %mul3A_651 = arith.muli %scan3A_649, %mul3A_650 : i32
        %add3A_652 = arith.constant 0 : i32
        %add3A_653 = arith.addi %add3A_652, %mul3A_651 : i32
        %add3A_654 = arith.addf %get3A_641, %get3A_473 : vector<16xf32>
        tpu.vector_store_idx %arg10[%broadcast_in_dim3A_526, %add3A_45, %select_n3A_78, %add3A_647], %add3A_654 : memref<4x4x8x129xf32, #tpu.memory_space<vmem>>[vector<16xi32>, vector<16xi32>, vector<16xi32>, vector<16xi32>], vector<16xf32>,
        %add3A_655 = arith.addf %get3A_644, %get3A_476 : vector<16xf32>
        tpu.vector_store_idx %arg10[%broadcast_in_dim3A_526, %add3A_56, %select_n3A_78, %add3A_647], %add3A_655 : memref<4x4x8x129xf32, #tpu.memory_space<vmem>>[vector<16xi32>, vector<16xi32>, vector<16xi32>, vector<16xi32>], vector<16xf32>,
        %add3A_656 = arith.constant 384 : i32
        %add3A_657 = arith.addi %add3A_656, %add3A_653 : i32
        %add3A_658 = arith.constant 1 : i32
        %add3A_659 = arith.addi %add3A_657, %add3A_658 : i32
        %get3A_660 = arith.index_cast %add3A_659 : i32 to index
        %get3A_661 = arith.constant 0 : index
        %get3A_662 = tpu.vector_load %arg8[%get3A_660, %get3A_661] {strides = array<i32>} : memref<520x32xf32, #tpu.memory_space<vmem>>, vector<16xf32>,
        %get3A_663 = arith.index_cast %add3A_659 : i32 to index
        %get3A_664 = arith.constant 16 : index
        %get3A_665 = tpu.vector_load %arg8[%get3A_663, %get3A_664] {strides = array<i32>} : memref<520x32xf32, #tpu.memory_space<vmem>>, vector<16xf32>,
        %add3A_666 = arith.constant 1 : i32
        %add3A_667 = vector.broadcast %add3A_666 : i32 to vector<16xi32>
        %add3A_668 = arith.addi %add3A_647, %add3A_667 : vector<16xi32>
        %scan3A_669 = arith.constant 2 : i32
        %scan3A_670 = arith.addi %scan3A_625, %scan3A_669 : i32
        %mul3A_671 = arith.constant 1 : i32
        %mul3A_672 = arith.muli %scan3A_670, %mul3A_671 : i32
        %add3A_673 = arith.constant 0 : i32
        %add3A_674 = arith.addi %add3A_673, %mul3A_672 : i32
        %add3A_675 = arith.addf %get3A_662, %get3A_473 : vector<16xf32>
        tpu.vector_store_idx %arg10[%broadcast_in_dim3A_526, %add3A_45, %select_n3A_78, %add3A_668], %add3A_675 : memref<4x4x8x129xf32, #tpu.memory_space<vmem>>[vector<16xi32>, vector<16xi32>, vector<16xi32>, vector<16xi32>], vector<16xf32>,
        %add3A_676 = arith.addf %get3A_665, %get3A_476 : vector<16xf32>
        tpu.vector_store_idx %arg10[%broadcast_in_dim3A_526, %add3A_56, %select_n3A_78, %add3A_668], %add3A_676 : memref<4x4x8x129xf32, #tpu.memory_space<vmem>>[vector<16xi32>, vector<16xi32>, vector<16xi32>, vector<16xi32>], vector<16xf32>,
        %add3A_677 = arith.constant 384 : i32
        %add3A_678 = arith.addi %add3A_677, %add3A_674 : i32
        %add3A_679 = arith.constant 1 : i32
        %add3A_680 = arith.addi %add3A_678, %add3A_679 : i32
        %get3A_681 = arith.index_cast %add3A_680 : i32 to index
        %get3A_682 = arith.constant 0 : index
        %get3A_683 = tpu.vector_load %arg8[%get3A_681, %get3A_682] {strides = array<i32>} : memref<520x32xf32, #tpu.memory_space<vmem>>, vector<16xf32>,
        %get3A_684 = arith.index_cast %add3A_680 : i32 to index
        %get3A_685 = arith.constant 16 : index
        %get3A_686 = tpu.vector_load %arg8[%get3A_684, %get3A_685] {strides = array<i32>} : memref<520x32xf32, #tpu.memory_space<vmem>>, vector<16xf32>,
        %add3A_687 = arith.constant 1 : i32
        %add3A_688 = vector.broadcast %add3A_687 : i32 to vector<16xi32>
        %add3A_689 = arith.addi %add3A_668, %add3A_688 : vector<16xi32>
        %scan3A_690 = arith.constant 3 : i32
        %scan3A_691 = arith.addi %scan3A_625, %scan3A_690 : i32
        %mul3A_692 = arith.constant 1 : i32
        %mul3A_693 = arith.muli %scan3A_691, %mul3A_692 : i32
        %add3A_694 = arith.constant 0 : i32
        %add3A_695 = arith.addi %add3A_694, %mul3A_693 : i32
        %add3A_696 = arith.addf %get3A_683, %get3A_473 : vector<16xf32>
        tpu.vector_store_idx %arg10[%broadcast_in_dim3A_526, %add3A_45, %select_n3A_78, %add3A_689], %add3A_696 : memref<4x4x8x129xf32, #tpu.memory_space<vmem>>[vector<16xi32>, vector<16xi32>, vector<16xi32>, vector<16xi32>], vector<16xf32>,
        %add3A_697 = arith.addf %get3A_686, %get3A_476 : vector<16xf32>
        tpu.vector_store_idx %arg10[%broadcast_in_dim3A_526, %add3A_56, %select_n3A_78, %add3A_689], %add3A_697 : memref<4x4x8x129xf32, #tpu.memory_space<vmem>>[vector<16xi32>, vector<16xi32>, vector<16xi32>, vector<16xi32>], vector<16xf32>,
        %add3A_698 = arith.constant 384 : i32
        %add3A_699 = arith.addi %add3A_698, %add3A_695 : i32
        %add3A_700 = arith.constant 1 : i32
        %add3A_701 = arith.addi %add3A_699, %add3A_700 : i32
        %get3A_702 = arith.index_cast %add3A_701 : i32 to index
        %get3A_703 = arith.constant 0 : index
        %get3A_704 = tpu.vector_load %arg8[%get3A_702, %get3A_703] {strides = array<i32>} : memref<520x32xf32, #tpu.memory_space<vmem>>, vector<16xf32>,
        %get3A_705 = arith.index_cast %add3A_701 : i32 to index
        %get3A_706 = arith.constant 16 : index
        %get3A_707 = tpu.vector_load %arg8[%get3A_705, %get3A_706] {strides = array<i32>} : memref<520x32xf32, #tpu.memory_space<vmem>>, vector<16xf32>,
        %add3A_708 = arith.constant 1 : i32
        %add3A_709 = vector.broadcast %add3A_708 : i32 to vector<16xi32>
        %add3A_710 = arith.addi %add3A_689, %add3A_709 : vector<16xi32>
        %scan3A_711 = arith.constant 4 : i32
        %scan3A_712 = arith.addi %scan3A_625, %scan3A_711 : i32
        %mul3A_713 = arith.constant 1 : i32
        %mul3A_714 = arith.muli %scan3A_712, %mul3A_713 : i32
        %add3A_715 = arith.constant 0 : i32
        %add3A_716 = arith.addi %add3A_715, %mul3A_714 : i32
        %add3A_717 = arith.addf %get3A_704, %get3A_473 : vector<16xf32>
        tpu.vector_store_idx %arg10[%broadcast_in_dim3A_526, %add3A_45, %select_n3A_78, %add3A_710], %add3A_717 : memref<4x4x8x129xf32, #tpu.memory_space<vmem>>[vector<16xi32>, vector<16xi32>, vector<16xi32>, vector<16xi32>], vector<16xf32>,
        %add3A_718 = arith.addf %get3A_707, %get3A_476 : vector<16xf32>
        tpu.vector_store_idx %arg10[%broadcast_in_dim3A_526, %add3A_56, %select_n3A_78, %add3A_710], %add3A_718 : memref<4x4x8x129xf32, #tpu.memory_space<vmem>>[vector<16xi32>, vector<16xi32>, vector<16xi32>, vector<16xi32>], vector<16xf32>,
        %add3A_719 = arith.constant 384 : i32
        %add3A_720 = arith.addi %add3A_719, %add3A_716 : i32
        %add3A_721 = arith.constant 1 : i32
        %add3A_722 = arith.addi %add3A_720, %add3A_721 : i32
        %get3A_723 = arith.index_cast %add3A_722 : i32 to index
        %get3A_724 = arith.constant 0 : index
        %get3A_725 = tpu.vector_load %arg8[%get3A_723, %get3A_724] {strides = array<i32>} : memref<520x32xf32, #tpu.memory_space<vmem>>, vector<16xf32>,
        %get3A_726 = arith.index_cast %add3A_722 : i32 to index
        %get3A_727 = arith.constant 16 : index
        %get3A_728 = tpu.vector_load %arg8[%get3A_726, %get3A_727] {strides = array<i32>} : memref<520x32xf32, #tpu.memory_space<vmem>>, vector<16xf32>,
        %add3A_729 = arith.constant 1 : i32
        %add3A_730 = vector.broadcast %add3A_729 : i32 to vector<16xi32>
        %add3A_731 = arith.addi %add3A_710, %add3A_730 : vector<16xi32>
        %scan3A_732 = arith.constant 5 : i32
        %scan3A_733 = arith.addi %scan3A_625, %scan3A_732 : i32
        %mul3A_734 = arith.constant 1 : i32
        %mul3A_735 = arith.muli %scan3A_733, %mul3A_734 : i32
        %add3A_736 = arith.constant 0 : i32
        %add3A_737 = arith.addi %add3A_736, %mul3A_735 : i32
        %add3A_738 = arith.addf %get3A_725, %get3A_473 : vector<16xf32>
        tpu.vector_store_idx %arg10[%broadcast_in_dim3A_526, %add3A_45, %select_n3A_78, %add3A_731], %add3A_738 : memref<4x4x8x129xf32, #tpu.memory_space<vmem>>[vector<16xi32>, vector<16xi32>, vector<16xi32>, vector<16xi32>], vector<16xf32>,
        %add3A_739 = arith.addf %get3A_728, %get3A_476 : vector<16xf32>
        tpu.vector_store_idx %arg10[%broadcast_in_dim3A_526, %add3A_56, %select_n3A_78, %add3A_731], %add3A_739 : memref<4x4x8x129xf32, #tpu.memory_space<vmem>>[vector<16xi32>, vector<16xi32>, vector<16xi32>, vector<16xi32>], vector<16xf32>,
        %add3A_740 = arith.constant 384 : i32
        %add3A_741 = arith.addi %add3A_740, %add3A_737 : i32
        %add3A_742 = arith.constant 1 : i32
        %add3A_743 = arith.addi %add3A_741, %add3A_742 : i32
        %get3A_744 = arith.index_cast %add3A_743 : i32 to index
        %get3A_745 = arith.constant 0 : index
        %get3A_746 = tpu.vector_load %arg8[%get3A_744, %get3A_745] {strides = array<i32>} : memref<520x32xf32, #tpu.memory_space<vmem>>, vector<16xf32>,
        %get3A_747 = arith.index_cast %add3A_743 : i32 to index
        %get3A_748 = arith.constant 16 : index
        %get3A_749 = tpu.vector_load %arg8[%get3A_747, %get3A_748] {strides = array<i32>} : memref<520x32xf32, #tpu.memory_space<vmem>>, vector<16xf32>,
        %add3A_750 = arith.constant 1 : i32
        %add3A_751 = vector.broadcast %add3A_750 : i32 to vector<16xi32>
        %add3A_752 = arith.addi %add3A_731, %add3A_751 : vector<16xi32>
        %scan3A_753 = arith.constant 6 : i32
        %scan3A_754 = arith.addi %scan3A_625, %scan3A_753 : i32
        %mul3A_755 = arith.constant 1 : i32
        %mul3A_756 = arith.muli %scan3A_754, %mul3A_755 : i32
        %add3A_757 = arith.constant 0 : i32
        %add3A_758 = arith.addi %add3A_757, %mul3A_756 : i32
        %add3A_759 = arith.addf %get3A_746, %get3A_473 : vector<16xf32>
        tpu.vector_store_idx %arg10[%broadcast_in_dim3A_526, %add3A_45, %select_n3A_78, %add3A_752], %add3A_759 : memref<4x4x8x129xf32, #tpu.memory_space<vmem>>[vector<16xi32>, vector<16xi32>, vector<16xi32>, vector<16xi32>], vector<16xf32>,
        %add3A_760 = arith.addf %get3A_749, %get3A_476 : vector<16xf32>
        tpu.vector_store_idx %arg10[%broadcast_in_dim3A_526, %add3A_56, %select_n3A_78, %add3A_752], %add3A_760 : memref<4x4x8x129xf32, #tpu.memory_space<vmem>>[vector<16xi32>, vector<16xi32>, vector<16xi32>, vector<16xi32>], vector<16xf32>,
        %add3A_761 = arith.constant 384 : i32
        %add3A_762 = arith.addi %add3A_761, %add3A_758 : i32
        %add3A_763 = arith.constant 1 : i32
        %add3A_764 = arith.addi %add3A_762, %add3A_763 : i32
        %get3A_765 = arith.index_cast %add3A_764 : i32 to index
        %get3A_766 = arith.constant 0 : index
        %get3A_767 = tpu.vector_load %arg8[%get3A_765, %get3A_766] {strides = array<i32>} : memref<520x32xf32, #tpu.memory_space<vmem>>, vector<16xf32>,
        %get3A_768 = arith.index_cast %add3A_764 : i32 to index
        %get3A_769 = arith.constant 16 : index
        %get3A_770 = tpu.vector_load %arg8[%get3A_768, %get3A_769] {strides = array<i32>} : memref<520x32xf32, #tpu.memory_space<vmem>>, vector<16xf32>,
        %add3A_771 = arith.constant 1 : i32
        %add3A_772 = vector.broadcast %add3A_771 : i32 to vector<16xi32>
        %add3A_773 = arith.addi %add3A_752, %add3A_772 : vector<16xi32>
        %scan3A_774 = arith.constant 7 : i32
        %scan3A_775 = arith.addi %scan3A_625, %scan3A_774 : i32
        %mul3A_776 = arith.constant 1 : i32
        %mul3A_777 = arith.muli %scan3A_775, %mul3A_776 : i32
        %add3A_778 = arith.constant 0 : i32
        %add3A_779 = arith.addi %add3A_778, %mul3A_777 : i32
        %add3A_780 = arith.addf %get3A_767, %get3A_473 : vector<16xf32>
        tpu.vector_store_idx %arg10[%broadcast_in_dim3A_526, %add3A_45, %select_n3A_78, %add3A_773], %add3A_780 : memref<4x4x8x129xf32, #tpu.memory_space<vmem>>[vector<16xi32>, vector<16xi32>, vector<16xi32>, vector<16xi32>], vector<16xf32>,
        %add3A_781 = arith.addf %get3A_770, %get3A_476 : vector<16xf32>
        tpu.vector_store_idx %arg10[%broadcast_in_dim3A_526, %add3A_56, %select_n3A_78, %add3A_773], %add3A_781 : memref<4x4x8x129xf32, #tpu.memory_space<vmem>>[vector<16xi32>, vector<16xi32>, vector<16xi32>, vector<16xi32>], vector<16xf32>,
        %add3A_782 = arith.constant 384 : i32
        %add3A_783 = arith.addi %add3A_782, %add3A_779 : i32
        %add3A_784 = arith.constant 1 : i32
        %add3A_785 = arith.addi %add3A_783, %add3A_784 : i32
        %get3A_786 = arith.index_cast %add3A_785 : i32 to index
        %get3A_787 = arith.constant 0 : index
        %get3A_788 = tpu.vector_load %arg8[%get3A_786, %get3A_787] {strides = array<i32>} : memref<520x32xf32, #tpu.memory_space<vmem>>, vector<16xf32>,
        %get3A_789 = arith.index_cast %add3A_785 : i32 to index
        %get3A_790 = arith.constant 16 : index
        %get3A_791 = tpu.vector_load %arg8[%get3A_789, %get3A_790] {strides = array<i32>} : memref<520x32xf32, #tpu.memory_space<vmem>>, vector<16xf32>,
        %add3A_792 = arith.constant 1 : i32
        %add3A_793 = vector.broadcast %add3A_792 : i32 to vector<16xi32>
        %add3A_794 = arith.addi %add3A_773, %add3A_793 : vector<16xi32>
        scf.yield %add3A_794, %get3A_788, %get3A_791 : vector<16xi32>, vector<16xf32>, vector<16xf32>
      }
      %scan3A_540 = arith.constant 128 : i32
      %add3A_541 = arith.addi %mul3A_36, %add3A_449 : i32
      %dma_start3A_542 = arith.constant 0 : i32
      %dma_start3A_543 = arith.constant 0 : i32
      %dma_start3A_544 = arith.constant 0 : i32
      %dma_start3A_545 = arith.constant 0 : i32
      %dma_start3A_546 = arith.constant 0 : i32
      %dma_start3A_547 = tpu.memref_slice %arg10[%dma_start3A_544, %dma_start3A_542, %dma_start3A_545, %dma_start3A_546] : memref<4x4x8x129xf32, #tpu.memory_space<vmem>> -> memref<4x1x8x128xf32, #tpu.memory_space<vmem>>
      %dma_start3A_548 = tpu.memref_squeeze %dma_start3A_547 : memref<4x1x8x128xf32, #tpu.memory_space<vmem>> -> memref<4x8x128xf32, #tpu.memory_space<vmem>>
      %dma_start3A_549 = arith.constant 0 : i32
      %dma_start3A_550 = arith.constant 0 : i32
      %dma_start3A_551 = tpu.memref_slice %arg5[%add3A_541, %dma_start3A_543, %mul3A_34, %dma_start3A_549, %dma_start3A_550] : memref<200x4x32x8x128xf32, #tpu.memory_space<hbm>> -> memref<1x1x4x8x128xf32, #tpu.memory_space<hbm>>
      %dma_start3A_552 = tpu.memref_squeeze %dma_start3A_551 : memref<1x1x4x8x128xf32, #tpu.memory_space<hbm>> -> memref<4x8x128xf32, #tpu.memory_space<hbm>>
      %dma_start3A_553 = arith.constant 0 : i32
      %dma_start3A_554 = arith.constant 0 : i32
      %dma_start3A_555 = tpu.memref_slice %arg5[%add3A_541, %dma_start3A_543, %mul3A_34, %dma_start3A_553, %dma_start3A_554] : memref<200x4x32x8x128xf32, #tpu.memory_space<hbm>> -> memref<1x1x4x8x128xf32, #tpu.memory_space<hbm>>
      %dma_start3A_556 = tpu.memref_squeeze %dma_start3A_555 : memref<1x1x4x8x128xf32, #tpu.memory_space<hbm>> -> memref<4x8x128xf32, #tpu.memory_space<hbm>>
      %dma_start3A_557 = arith.constant 0 : i32
      %dma_start3A_558 = arith.constant 0 : i32
      %dma_start3A_559 = arith.constant 0 : i32
      %dma_start3A_560 = tpu.memref_slice %arg10[%dma_start3A_557, %dma_start3A_542, %dma_start3A_558, %dma_start3A_559] : memref<4x4x8x129xf32, #tpu.memory_space<vmem>> -> memref<4x1x8x128xf32, #tpu.memory_space<vmem>>
      %dma_start3A_561 = tpu.memref_squeeze %dma_start3A_560 : memref<4x1x8x128xf32, #tpu.memory_space<vmem>> -> memref<4x8x128xf32, #tpu.memory_space<vmem>>
      tpu.enqueue_dma source(%dma_start3A_561 : memref<4x8x128xf32, #tpu.memory_space<vmem>>) target(%dma_start3A_556 : memref<4x8x128xf32, #tpu.memory_space<hbm>>) target_semaphore(%arg15 : memref<!tpu.dma_semaphore, #tpu.memory_space<semaphore_mem>>)
      %add3A_562 = arith.addi %mul3A_36, %add3A_449 : i32
      %dma_start3A_563 = arith.constant 1 : i32
      %dma_start3A_564 = arith.constant 1 : i32
      %dma_start3A_565 = arith.constant 0 : i32
      %dma_start3A_566 = arith.constant 0 : i32
      %dma_start3A_567 = arith.constant 0 : i32
      %dma_start3A_568 = tpu.memref_slice %arg10[%dma_start3A_565, %dma_start3A_563, %dma_start3A_566, %dma_start3A_567] : memref<4x4x8x129xf32, #tpu.memory_space<vmem>> -> memref<4x1x8x128xf32, #tpu.memory_space<vmem>>
      %dma_start3A_569 = tpu.memref_squeeze %dma_start3A_568 : memref<4x1x8x128xf32, #tpu.memory_space<vmem>> -> memref<4x8x128xf32, #tpu.memory_space<vmem>>
      %dma_start3A_570 = arith.constant 0 : i32
      %dma_start3A_571 = arith.constant 0 : i32
      %dma_start3A_572 = tpu.memref_slice %arg5[%add3A_562, %dma_start3A_564, %mul3A_34, %dma_start3A_570, %dma_start3A_571] : memref<200x4x32x8x128xf32, #tpu.memory_space<hbm>> -> memref<1x1x4x8x128xf32, #tpu.memory_space<hbm>>
      %dma_start3A_573 = tpu.memref_squeeze %dma_start3A_572 : memref<1x1x4x8x128xf32, #tpu.memory_space<hbm>> -> memref<4x8x128xf32, #tpu.memory_space<hbm>>
      %dma_start3A_574 = arith.constant 0 : i32
      %dma_start3A_575 = arith.constant 0 : i32
      %dma_start3A_576 = tpu.memref_slice %arg5[%add3A_562, %dma_start3A_564, %mul3A_34, %dma_start3A_574, %dma_start3A_575] : memref<200x4x32x8x128xf32, #tpu.memory_space<hbm>> -> memref<1x1x4x8x128xf32, #tpu.memory_space<hbm>>
      %dma_start3A_577 = tpu.memref_squeeze %dma_start3A_576 : memref<1x1x4x8x128xf32, #tpu.memory_space<hbm>> -> memref<4x8x128xf32, #tpu.memory_space<hbm>>
      %dma_start3A_578 = arith.constant 0 : i32
      %dma_start3A_579 = arith.constant 0 : i32
      %dma_start3A_580 = arith.constant 0 : i32
      %dma_start3A_581 = tpu.memref_slice %arg10[%dma_start3A_578, %dma_start3A_563, %dma_start3A_579, %dma_start3A_580] : memref<4x4x8x129xf32, #tpu.memory_space<vmem>> -> memref<4x1x8x128xf32, #tpu.memory_space<vmem>>
      %dma_start3A_582 = tpu.memref_squeeze %dma_start3A_581 : memref<4x1x8x128xf32, #tpu.memory_space<vmem>> -> memref<4x8x128xf32, #tpu.memory_space<vmem>>
      tpu.enqueue_dma source(%dma_start3A_582 : memref<4x8x128xf32, #tpu.memory_space<vmem>>) target(%dma_start3A_577 : memref<4x8x128xf32, #tpu.memory_space<hbm>>) target_semaphore(%arg15 : memref<!tpu.dma_semaphore, #tpu.memory_space<semaphore_mem>>)
      %add3A_583 = arith.addi %mul3A_36, %add3A_449 : i32
      %dma_start3A_584 = arith.constant 2 : i32
      %dma_start3A_585 = arith.constant 2 : i32
      %dma_start3A_586 = arith.constant 0 : i32
      %dma_start3A_587 = arith.constant 0 : i32
      %dma_start3A_588 = arith.constant 0 : i32
      %dma_start3A_589 = tpu.memref_slice %arg10[%dma_start3A_586, %dma_start3A_584, %dma_start3A_587, %dma_start3A_588] : memref<4x4x8x129xf32, #tpu.memory_space<vmem>> -> memref<4x1x8x128xf32, #tpu.memory_space<vmem>>
      %dma_start3A_590 = tpu.memref_squeeze %dma_start3A_589 : memref<4x1x8x128xf32, #tpu.memory_space<vmem>> -> memref<4x8x128xf32, #tpu.memory_space<vmem>>
      %dma_start3A_591 = arith.constant 0 : i32
      %dma_start3A_592 = arith.constant 0 : i32
      %dma_start3A_593 = tpu.memref_slice %arg5[%add3A_583, %dma_start3A_585, %mul3A_34, %dma_start3A_591, %dma_start3A_592] : memref<200x4x32x8x128xf32, #tpu.memory_space<hbm>> -> memref<1x1x4x8x128xf32, #tpu.memory_space<hbm>>
      %dma_start3A_594 = tpu.memref_squeeze %dma_start3A_593 : memref<1x1x4x8x128xf32, #tpu.memory_space<hbm>> -> memref<4x8x128xf32, #tpu.memory_space<hbm>>
      %dma_start3A_595 = arith.constant 0 : i32
      %dma_start3A_596 = arith.constant 0 : i32
      %dma_start3A_597 = tpu.memref_slice %arg5[%add3A_583, %dma_start3A_585, %mul3A_34, %dma_start3A_595, %dma_start3A_596] : memref<200x4x32x8x128xf32, #tpu.memory_space<hbm>> -> memref<1x1x4x8x128xf32, #tpu.memory_space<hbm>>
      %dma_start3A_598 = tpu.memref_squeeze %dma_start3A_597 : memref<1x1x4x8x128xf32, #tpu.memory_space<hbm>> -> memref<4x8x128xf32, #tpu.memory_space<hbm>>
      %dma_start3A_599 = arith.constant 0 : i32
      %dma_start3A_600 = arith.constant 0 : i32
      %dma_start3A_601 = arith.constant 0 : i32
      %dma_start3A_602 = tpu.memref_slice %arg10[%dma_start3A_599, %dma_start3A_584, %dma_start3A_600, %dma_start3A_601] : memref<4x4x8x129xf32, #tpu.memory_space<vmem>> -> memref<4x1x8x128xf32, #tpu.memory_space<vmem>>
      %dma_start3A_603 = tpu.memref_squeeze %dma_start3A_602 : memref<4x1x8x128xf32, #tpu.memory_space<vmem>> -> memref<4x8x128xf32, #tpu.memory_space<vmem>>
      tpu.enqueue_dma source(%dma_start3A_603 : memref<4x8x128xf32, #tpu.memory_space<vmem>>) target(%dma_start3A_598 : memref<4x8x128xf32, #tpu.memory_space<hbm>>) target_semaphore(%arg15 : memref<!tpu.dma_semaphore, #tpu.memory_space<semaphore_mem>>)
      %add3A_604 = arith.addi %mul3A_36, %add3A_449 : i32
      %dma_start3A_605 = arith.constant 3 : i32
      %dma_start3A_606 = arith.constant 3 : i32
      %dma_start3A_607 = arith.constant 0 : i32
      %dma_start3A_608 = arith.constant 0 : i32
      %dma_start3A_609 = arith.constant 0 : i32
      %dma_start3A_610 = tpu.memref_slice %arg10[%dma_start3A_607, %dma_start3A_605, %dma_start3A_608, %dma_start3A_609] : memref<4x4x8x129xf32, #tpu.memory_space<vmem>> -> memref<4x1x8x128xf32, #tpu.memory_space<vmem>>
      %dma_start3A_611 = tpu.memref_squeeze %dma_start3A_610 : memref<4x1x8x128xf32, #tpu.memory_space<vmem>> -> memref<4x8x128xf32, #tpu.memory_space<vmem>>
      %dma_start3A_612 = arith.constant 0 : i32
      %dma_start3A_613 = arith.constant 0 : i32
      %dma_start3A_614 = tpu.memref_slice %arg5[%add3A_604, %dma_start3A_606, %mul3A_34, %dma_start3A_612, %dma_start3A_613] : memref<200x4x32x8x128xf32, #tpu.memory_space<hbm>> -> memref<1x1x4x8x128xf32, #tpu.memory_space<hbm>>
      %dma_start3A_615 = tpu.memref_squeeze %dma_start3A_614 : memref<1x1x4x8x128xf32, #tpu.memory_space<hbm>> -> memref<4x8x128xf32, #tpu.memory_space<hbm>>
      %dma_start3A_616 = arith.constant 0 : i32
      %dma_start3A_617 = arith.constant 0 : i32
      %dma_start3A_618 = tpu.memref_slice %arg5[%add3A_604, %dma_start3A_606, %mul3A_34, %dma_start3A_616, %dma_start3A_617] : memref<200x4x32x8x128xf32, #tpu.memory_space<hbm>> -> memref<1x1x4x8x128xf32, #tpu.memory_space<hbm>>
      %dma_start3A_619 = tpu.memref_squeeze %dma_start3A_618 : memref<1x1x4x8x128xf32, #tpu.memory_space<hbm>> -> memref<4x8x128xf32, #tpu.memory_space<hbm>>
      %dma_start3A_620 = arith.constant 0 : i32
      %dma_start3A_621 = arith.constant 0 : i32
      %dma_start3A_622 = arith.constant 0 : i32
      %dma_start3A_623 = tpu.memref_slice %arg10[%dma_start3A_620, %dma_start3A_605, %dma_start3A_621, %dma_start3A_622] : memref<4x4x8x129xf32, #tpu.memory_space<vmem>> -> memref<4x1x8x128xf32, #tpu.memory_space<vmem>>
      %dma_start3A_624 = tpu.memref_squeeze %dma_start3A_623 : memref<4x1x8x128xf32, #tpu.memory_space<vmem>> -> memref<4x8x128xf32, #tpu.memory_space<vmem>>
      tpu.enqueue_dma source(%dma_start3A_624 : memref<4x8x128xf32, #tpu.memory_space<vmem>>) target(%dma_start3A_619 : memref<4x8x128xf32, #tpu.memory_space<hbm>>) target_semaphore(%arg15 : memref<!tpu.dma_semaphore, #tpu.memory_space<semaphore_mem>>)
    }
    %scan3A_93 = arith.constant 25 : i32
    %add3A_94 = arith.constant 48 : i32
    %add3A_95 = arith.addi %mul3A_36, %add3A_94 : i32
    %dma_wait3A = arith.constant 0 : i32
    %dma_wait3A_96 = arith.constant 0 : i32
    %dma_wait3A_97 = arith.constant 0 : i32
    %dma_wait3A_98 = arith.constant 0 : i32
    %dma_wait3A_99 = arith.constant 0 : i32
    %dma_wait3A_100 = tpu.memref_slice %arg9[%dma_wait3A_97, %dma_wait3A, %dma_wait3A_98, %dma_wait3A_99] : memref<4x4x8x129xf32, #tpu.memory_space<vmem>> -> memref<4x1x8x128xf32, #tpu.memory_space<vmem>>
    %dma_wait3A_101 = tpu.memref_squeeze %dma_wait3A_100 : memref<4x1x8x128xf32, #tpu.memory_space<vmem>> -> memref<4x8x128xf32, #tpu.memory_space<vmem>>
    %dma_wait3A_102 = arith.constant 0 : i32
    %dma_wait3A_103 = arith.constant 0 : i32
    %dma_wait3A_104 = tpu.memref_slice %arg5[%add3A_95, %dma_wait3A_96, %mul3A_34, %dma_wait3A_102, %dma_wait3A_103] : memref<200x4x32x8x128xf32, #tpu.memory_space<hbm>> -> memref<1x1x4x8x128xf32, #tpu.memory_space<hbm>>
    %dma_wait3A_105 = tpu.memref_squeeze %dma_wait3A_104 : memref<1x1x4x8x128xf32, #tpu.memory_space<hbm>> -> memref<4x8x128xf32, #tpu.memory_space<hbm>>
    %dma_wait3A_106 = arith.constant 0 : i32
    %dma_wait3A_107 = arith.constant 0 : i32
    %dma_wait3A_108 = tpu.memref_slice %arg5[%add3A_95, %dma_wait3A_96, %mul3A_34, %dma_wait3A_106, %dma_wait3A_107] : memref<200x4x32x8x128xf32, #tpu.memory_space<hbm>> -> memref<1x1x4x8x128xf32, #tpu.memory_space<hbm>>
    %dma_wait3A_109 = tpu.memref_squeeze %dma_wait3A_108 : memref<1x1x4x8x128xf32, #tpu.memory_space<hbm>> -> memref<4x8x128xf32, #tpu.memory_space<hbm>>
    %dma_wait3A_110 = arith.constant 0 : i32
    %dma_wait3A_111 = arith.constant 0 : i32
    %dma_wait3A_112 = arith.constant 0 : i32
    %dma_wait3A_113 = tpu.memref_slice %arg9[%dma_wait3A_110, %dma_wait3A, %dma_wait3A_111, %dma_wait3A_112] : memref<4x4x8x129xf32, #tpu.memory_space<vmem>> -> memref<4x1x8x128xf32, #tpu.memory_space<vmem>>
    %dma_wait3A_114 = tpu.memref_squeeze %dma_wait3A_113 : memref<4x1x8x128xf32, #tpu.memory_space<vmem>> -> memref<4x8x128xf32, #tpu.memory_space<vmem>>
    tpu.wait_dma2 semaphore(%arg14 : memref<!tpu.dma_semaphore, #tpu.memory_space<semaphore_mem>>) src(%dma_wait3A_114 : memref<4x8x128xf32, #tpu.memory_space<vmem>>) dst(%dma_wait3A_109 : memref<4x8x128xf32, #tpu.memory_space<hbm>>)
    %add3A_115 = arith.constant 48 : i32
    %add3A_116 = arith.addi %mul3A_36, %add3A_115 : i32
    %dma_wait3A_117 = arith.constant 1 : i32
    %dma_wait3A_118 = arith.constant 1 : i32
    %dma_wait3A_119 = arith.constant 0 : i32
    %dma_wait3A_120 = arith.constant 0 : i32
    %dma_wait3A_121 = arith.constant 0 : i32
    %dma_wait3A_122 = tpu.memref_slice %arg9[%dma_wait3A_119, %dma_wait3A_117, %dma_wait3A_120, %dma_wait3A_121] : memref<4x4x8x129xf32, #tpu.memory_space<vmem>> -> memref<4x1x8x128xf32, #tpu.memory_space<vmem>>
    %dma_wait3A_123 = tpu.memref_squeeze %dma_wait3A_122 : memref<4x1x8x128xf32, #tpu.memory_space<vmem>> -> memref<4x8x128xf32, #tpu.memory_space<vmem>>
    %dma_wait3A_124 = arith.constant 0 : i32
    %dma_wait3A_125 = arith.constant 0 : i32
    %dma_wait3A_126 = tpu.memref_slice %arg5[%add3A_116, %dma_wait3A_118, %mul3A_34, %dma_wait3A_124, %dma_wait3A_125] : memref<200x4x32x8x128xf32, #tpu.memory_space<hbm>> -> memref<1x1x4x8x128xf32, #tpu.memory_space<hbm>>
    %dma_wait3A_127 = tpu.memref_squeeze %dma_wait3A_126 : memref<1x1x4x8x128xf32, #tpu.memory_space<hbm>> -> memref<4x8x128xf32, #tpu.memory_space<hbm>>
    %dma_wait3A_128 = arith.constant 0 : i32
    %dma_wait3A_129 = arith.constant 0 : i32
    %dma_wait3A_130 = tpu.memref_slice %arg5[%add3A_116, %dma_wait3A_118, %mul3A_34, %dma_wait3A_128, %dma_wait3A_129] : memref<200x4x32x8x128xf32, #tpu.memory_space<hbm>> -> memref<1x1x4x8x128xf32, #tpu.memory_space<hbm>>
    %dma_wait3A_131 = tpu.memref_squeeze %dma_wait3A_130 : memref<1x1x4x8x128xf32, #tpu.memory_space<hbm>> -> memref<4x8x128xf32, #tpu.memory_space<hbm>>
    %dma_wait3A_132 = arith.constant 0 : i32
    %dma_wait3A_133 = arith.constant 0 : i32
    %dma_wait3A_134 = arith.constant 0 : i32
    %dma_wait3A_135 = tpu.memref_slice %arg9[%dma_wait3A_132, %dma_wait3A_117, %dma_wait3A_133, %dma_wait3A_134] : memref<4x4x8x129xf32, #tpu.memory_space<vmem>> -> memref<4x1x8x128xf32, #tpu.memory_space<vmem>>
    %dma_wait3A_136 = tpu.memref_squeeze %dma_wait3A_135 : memref<4x1x8x128xf32, #tpu.memory_space<vmem>> -> memref<4x8x128xf32, #tpu.memory_space<vmem>>
    tpu.wait_dma2 semaphore(%arg14 : memref<!tpu.dma_semaphore, #tpu.memory_space<semaphore_mem>>) src(%dma_wait3A_136 : memref<4x8x128xf32, #tpu.memory_space<vmem>>) dst(%dma_wait3A_131 : memref<4x8x128xf32, #tpu.memory_space<hbm>>)
    %add3A_137 = arith.constant 48 : i32
    %add3A_138 = arith.addi %mul3A_36, %add3A_137 : i32
    %dma_wait3A_139 = arith.constant 2 : i32
    %dma_wait3A_140 = arith.constant 2 : i32
    %dma_wait3A_141 = arith.constant 0 : i32
    %dma_wait3A_142 = arith.constant 0 : i32
    %dma_wait3A_143 = arith.constant 0 : i32
    %dma_wait3A_144 = tpu.memref_slice %arg9[%dma_wait3A_141, %dma_wait3A_139, %dma_wait3A_142, %dma_wait3A_143] : memref<4x4x8x129xf32, #tpu.memory_space<vmem>> -> memref<4x1x8x128xf32, #tpu.memory_space<vmem>>
    %dma_wait3A_145 = tpu.memref_squeeze %dma_wait3A_144 : memref<4x1x8x128xf32, #tpu.memory_space<vmem>> -> memref<4x8x128xf32, #tpu.memory_space<vmem>>
    %dma_wait3A_146 = arith.constant 0 : i32
    %dma_wait3A_147 = arith.constant 0 : i32
    %dma_wait3A_148 = tpu.memref_slice %arg5[%add3A_138, %dma_wait3A_140, %mul3A_34, %dma_wait3A_146, %dma_wait3A_147] : memref<200x4x32x8x128xf32, #tpu.memory_space<hbm>> -> memref<1x1x4x8x128xf32, #tpu.memory_space<hbm>>
    %dma_wait3A_149 = tpu.memref_squeeze %dma_wait3A_148 : memref<1x1x4x8x128xf32, #tpu.memory_space<hbm>> -> memref<4x8x128xf32, #tpu.memory_space<hbm>>
    %dma_wait3A_150 = arith.constant 0 : i32
    %dma_wait3A_151 = arith.constant 0 : i32
    %dma_wait3A_152 = tpu.memref_slice %arg5[%add3A_138, %dma_wait3A_140, %mul3A_34, %dma_wait3A_150, %dma_wait3A_151] : memref<200x4x32x8x128xf32, #tpu.memory_space<hbm>> -> memref<1x1x4x8x128xf32, #tpu.memory_space<hbm>>
    %dma_wait3A_153 = tpu.memref_squeeze %dma_wait3A_152 : memref<1x1x4x8x128xf32, #tpu.memory_space<hbm>> -> memref<4x8x128xf32, #tpu.memory_space<hbm>>
    %dma_wait3A_154 = arith.constant 0 : i32
    %dma_wait3A_155 = arith.constant 0 : i32
    %dma_wait3A_156 = arith.constant 0 : i32
    %dma_wait3A_157 = tpu.memref_slice %arg9[%dma_wait3A_154, %dma_wait3A_139, %dma_wait3A_155, %dma_wait3A_156] : memref<4x4x8x129xf32, #tpu.memory_space<vmem>> -> memref<4x1x8x128xf32, #tpu.memory_space<vmem>>
    %dma_wait3A_158 = tpu.memref_squeeze %dma_wait3A_157 : memref<4x1x8x128xf32, #tpu.memory_space<vmem>> -> memref<4x8x128xf32, #tpu.memory_space<vmem>>
    tpu.wait_dma2 semaphore(%arg14 : memref<!tpu.dma_semaphore, #tpu.memory_space<semaphore_mem>>) src(%dma_wait3A_158 : memref<4x8x128xf32, #tpu.memory_space<vmem>>) dst(%dma_wait3A_153 : memref<4x8x128xf32, #tpu.memory_space<hbm>>)
    %add3A_159 = arith.constant 48 : i32
    %add3A_160 = arith.addi %mul3A_36, %add3A_159 : i32
    %dma_wait3A_161 = arith.constant 3 : i32
    %dma_wait3A_162 = arith.constant 3 : i32
    %dma_wait3A_163 = arith.constant 0 : i32
    %dma_wait3A_164 = arith.constant 0 : i32
    %dma_wait3A_165 = arith.constant 0 : i32
    %dma_wait3A_166 = tpu.memref_slice %arg9[%dma_wait3A_163, %dma_wait3A_161, %dma_wait3A_164, %dma_wait3A_165] : memref<4x4x8x129xf32, #tpu.memory_space<vmem>> -> memref<4x1x8x128xf32, #tpu.memory_space<vmem>>
    %dma_wait3A_167 = tpu.memref_squeeze %dma_wait3A_166 : memref<4x1x8x128xf32, #tpu.memory_space<vmem>> -> memref<4x8x128xf32, #tpu.memory_space<vmem>>
    %dma_wait3A_168 = arith.constant 0 : i32
    %dma_wait3A_169 = arith.constant 0 : i32
    %dma_wait3A_170 = tpu.memref_slice %arg5[%add3A_160, %dma_wait3A_162, %mul3A_34, %dma_wait3A_168, %dma_wait3A_169] : memref<200x4x32x8x128xf32, #tpu.memory_space<hbm>> -> memref<1x1x4x8x128xf32, #tpu.memory_space<hbm>>
    %dma_wait3A_171 = tpu.memref_squeeze %dma_wait3A_170 : memref<1x1x4x8x128xf32, #tpu.memory_space<hbm>> -> memref<4x8x128xf32, #tpu.memory_space<hbm>>
    %dma_wait3A_172 = arith.constant 0 : i32
    %dma_wait3A_173 = arith.constant 0 : i32
    %dma_wait3A_174 = tpu.memref_slice %arg5[%add3A_160, %dma_wait3A_162, %mul3A_34, %dma_wait3A_172, %dma_wait3A_173] : memref<200x4x32x8x128xf32, #tpu.memory_space<hbm>> -> memref<1x1x4x8x128xf32, #tpu.memory_space<hbm>>
    %dma_wait3A_175 = tpu.memref_squeeze %dma_wait3A_174 : memref<1x1x4x8x128xf32, #tpu.memory_space<hbm>> -> memref<4x8x128xf32, #tpu.memory_space<hbm>>
    %dma_wait3A_176 = arith.constant 0 : i32
    %dma_wait3A_177 = arith.constant 0 : i32
    %dma_wait3A_178 = arith.constant 0 : i32
    %dma_wait3A_179 = tpu.memref_slice %arg9[%dma_wait3A_176, %dma_wait3A_161, %dma_wait3A_177, %dma_wait3A_178] : memref<4x4x8x129xf32, #tpu.memory_space<vmem>> -> memref<4x1x8x128xf32, #tpu.memory_space<vmem>>
    %dma_wait3A_180 = tpu.memref_squeeze %dma_wait3A_179 : memref<4x1x8x128xf32, #tpu.memory_space<vmem>> -> memref<4x8x128xf32, #tpu.memory_space<vmem>>
    tpu.wait_dma2 semaphore(%arg14 : memref<!tpu.dma_semaphore, #tpu.memory_space<semaphore_mem>>) src(%dma_wait3A_180 : memref<4x8x128xf32, #tpu.memory_space<vmem>>) dst(%dma_wait3A_175 : memref<4x8x128xf32, #tpu.memory_space<hbm>>)
    %add3A_181 = arith.constant 49 : i32
    %add3A_182 = arith.addi %mul3A_36, %add3A_181 : i32
    %dma_wait3A_183 = arith.constant 0 : i32
    %dma_wait3A_184 = arith.constant 0 : i32
    %dma_wait3A_185 = arith.constant 0 : i32
    %dma_wait3A_186 = arith.constant 0 : i32
    %dma_wait3A_187 = arith.constant 0 : i32
    %dma_wait3A_188 = tpu.memref_slice %arg10[%dma_wait3A_185, %dma_wait3A_183, %dma_wait3A_186, %dma_wait3A_187] : memref<4x4x8x129xf32, #tpu.memory_space<vmem>> -> memref<4x1x8x128xf32, #tpu.memory_space<vmem>>
    %dma_wait3A_189 = tpu.memref_squeeze %dma_wait3A_188 : memref<4x1x8x128xf32, #tpu.memory_space<vmem>> -> memref<4x8x128xf32, #tpu.memory_space<vmem>>
    %dma_wait3A_190 = arith.constant 0 : i32
    %dma_wait3A_191 = arith.constant 0 : i32
    %dma_wait3A_192 = tpu.memref_slice %arg5[%add3A_182, %dma_wait3A_184, %mul3A_34, %dma_wait3A_190, %dma_wait3A_191] : memref<200x4x32x8x128xf32, #tpu.memory_space<hbm>> -> memref<1x1x4x8x128xf32, #tpu.memory_space<hbm>>
    %dma_wait3A_193 = tpu.memref_squeeze %dma_wait3A_192 : memref<1x1x4x8x128xf32, #tpu.memory_space<hbm>> -> memref<4x8x128xf32, #tpu.memory_space<hbm>>
    %dma_wait3A_194 = arith.constant 0 : i32
    %dma_wait3A_195 = arith.constant 0 : i32
    %dma_wait3A_196 = tpu.memref_slice %arg5[%add3A_182, %dma_wait3A_184, %mul3A_34, %dma_wait3A_194, %dma_wait3A_195] : memref<200x4x32x8x128xf32, #tpu.memory_space<hbm>> -> memref<1x1x4x8x128xf32, #tpu.memory_space<hbm>>
    %dma_wait3A_197 = tpu.memref_squeeze %dma_wait3A_196 : memref<1x1x4x8x128xf32, #tpu.memory_space<hbm>> -> memref<4x8x128xf32, #tpu.memory_space<hbm>>
    %dma_wait3A_198 = arith.constant 0 : i32
    %dma_wait3A_199 = arith.constant 0 : i32
    %dma_wait3A_200 = arith.constant 0 : i32
    %dma_wait3A_201 = tpu.memref_slice %arg10[%dma_wait3A_198, %dma_wait3A_183, %dma_wait3A_199, %dma_wait3A_200] : memref<4x4x8x129xf32, #tpu.memory_space<vmem>> -> memref<4x1x8x128xf32, #tpu.memory_space<vmem>>
    %dma_wait3A_202 = tpu.memref_squeeze %dma_wait3A_201 : memref<4x1x8x128xf32, #tpu.memory_space<vmem>> -> memref<4x8x128xf32, #tpu.memory_space<vmem>>
    tpu.wait_dma2 semaphore(%arg15 : memref<!tpu.dma_semaphore, #tpu.memory_space<semaphore_mem>>) src(%dma_wait3A_202 : memref<4x8x128xf32, #tpu.memory_space<vmem>>) dst(%dma_wait3A_197 : memref<4x8x128xf32, #tpu.memory_space<hbm>>)
    %add3A_203 = arith.constant 49 : i32
    %add3A_204 = arith.addi %mul3A_36, %add3A_203 : i32
    %dma_wait3A_205 = arith.constant 1 : i32
    %dma_wait3A_206 = arith.constant 1 : i32
    %dma_wait3A_207 = arith.constant 0 : i32
    %dma_wait3A_208 = arith.constant 0 : i32
    %dma_wait3A_209 = arith.constant 0 : i32
    %dma_wait3A_210 = tpu.memref_slice %arg10[%dma_wait3A_207, %dma_wait3A_205, %dma_wait3A_208, %dma_wait3A_209] : memref<4x4x8x129xf32, #tpu.memory_space<vmem>> -> memref<4x1x8x128xf32, #tpu.memory_space<vmem>>
    %dma_wait3A_211 = tpu.memref_squeeze %dma_wait3A_210 : memref<4x1x8x128xf32, #tpu.memory_space<vmem>> -> memref<4x8x128xf32, #tpu.memory_space<vmem>>
    %dma_wait3A_212 = arith.constant 0 : i32
    %dma_wait3A_213 = arith.constant 0 : i32
    %dma_wait3A_214 = tpu.memref_slice %arg5[%add3A_204, %dma_wait3A_206, %mul3A_34, %dma_wait3A_212, %dma_wait3A_213] : memref<200x4x32x8x128xf32, #tpu.memory_space<hbm>> -> memref<1x1x4x8x128xf32, #tpu.memory_space<hbm>>
    %dma_wait3A_215 = tpu.memref_squeeze %dma_wait3A_214 : memref<1x1x4x8x128xf32, #tpu.memory_space<hbm>> -> memref<4x8x128xf32, #tpu.memory_space<hbm>>
    %dma_wait3A_216 = arith.constant 0 : i32
    %dma_wait3A_217 = arith.constant 0 : i32
    %dma_wait3A_218 = tpu.memref_slice %arg5[%add3A_204, %dma_wait3A_206, %mul3A_34, %dma_wait3A_216, %dma_wait3A_217] : memref<200x4x32x8x128xf32, #tpu.memory_space<hbm>> -> memref<1x1x4x8x128xf32, #tpu.memory_space<hbm>>
    %dma_wait3A_219 = tpu.memref_squeeze %dma_wait3A_218 : memref<1x1x4x8x128xf32, #tpu.memory_space<hbm>> -> memref<4x8x128xf32, #tpu.memory_space<hbm>>
    %dma_wait3A_220 = arith.constant 0 : i32
    %dma_wait3A_221 = arith.constant 0 : i32
    %dma_wait3A_222 = arith.constant 0 : i32
    %dma_wait3A_223 = tpu.memref_slice %arg10[%dma_wait3A_220, %dma_wait3A_205, %dma_wait3A_221, %dma_wait3A_222] : memref<4x4x8x129xf32, #tpu.memory_space<vmem>> -> memref<4x1x8x128xf32, #tpu.memory_space<vmem>>
    %dma_wait3A_224 = tpu.memref_squeeze %dma_wait3A_223 : memref<4x1x8x128xf32, #tpu.memory_space<vmem>> -> memref<4x8x128xf32, #tpu.memory_space<vmem>>
    tpu.wait_dma2 semaphore(%arg15 : memref<!tpu.dma_semaphore, #tpu.memory_space<semaphore_mem>>) src(%dma_wait3A_224 : memref<4x8x128xf32, #tpu.memory_space<vmem>>) dst(%dma_wait3A_219 : memref<4x8x128xf32, #tpu.memory_space<hbm>>)
    %add3A_225 = arith.constant 49 : i32
    %add3A_226 = arith.addi %mul3A_36, %add3A_225 : i32
    %dma_wait3A_227 = arith.constant 2 : i32
    %dma_wait3A_228 = arith.constant 2 : i32
    %dma_wait3A_229 = arith.constant 0 : i32
    %dma_wait3A_230 = arith.constant 0 : i32
    %dma_wait3A_231 = arith.constant 0 : i32
    %dma_wait3A_232 = tpu.memref_slice %arg10[%dma_wait3A_229, %dma_wait3A_227, %dma_wait3A_230, %dma_wait3A_231] : memref<4x4x8x129xf32, #tpu.memory_space<vmem>> -> memref<4x1x8x128xf32, #tpu.memory_space<vmem>>
    %dma_wait3A_233 = tpu.memref_squeeze %dma_wait3A_232 : memref<4x1x8x128xf32, #tpu.memory_space<vmem>> -> memref<4x8x128xf32, #tpu.memory_space<vmem>>
    %dma_wait3A_234 = arith.constant 0 : i32
    %dma_wait3A_235 = arith.constant 0 : i32
    %dma_wait3A_236 = tpu.memref_slice %arg5[%add3A_226, %dma_wait3A_228, %mul3A_34, %dma_wait3A_234, %dma_wait3A_235] : memref<200x4x32x8x128xf32, #tpu.memory_space<hbm>> -> memref<1x1x4x8x128xf32, #tpu.memory_space<hbm>>
    %dma_wait3A_237 = tpu.memref_squeeze %dma_wait3A_236 : memref<1x1x4x8x128xf32, #tpu.memory_space<hbm>> -> memref<4x8x128xf32, #tpu.memory_space<hbm>>
    %dma_wait3A_238 = arith.constant 0 : i32
    %dma_wait3A_239 = arith.constant 0 : i32
    %dma_wait3A_240 = tpu.memref_slice %arg5[%add3A_226, %dma_wait3A_228, %mul3A_34, %dma_wait3A_238, %dma_wait3A_239] : memref<200x4x32x8x128xf32, #tpu.memory_space<hbm>> -> memref<1x1x4x8x128xf32, #tpu.memory_space<hbm>>
    %dma_wait3A_241 = tpu.memref_squeeze %dma_wait3A_240 : memref<1x1x4x8x128xf32, #tpu.memory_space<hbm>> -> memref<4x8x128xf32, #tpu.memory_space<hbm>>
    %dma_wait3A_242 = arith.constant 0 : i32
    %dma_wait3A_243 = arith.constant 0 : i32
    %dma_wait3A_244 = arith.constant 0 : i32
    %dma_wait3A_245 = tpu.memref_slice %arg10[%dma_wait3A_242, %dma_wait3A_227, %dma_wait3A_243, %dma_wait3A_244] : memref<4x4x8x129xf32, #tpu.memory_space<vmem>> -> memref<4x1x8x128xf32, #tpu.memory_space<vmem>>
    %dma_wait3A_246 = tpu.memref_squeeze %dma_wait3A_245 : memref<4x1x8x128xf32, #tpu.memory_space<vmem>> -> memref<4x8x128xf32, #tpu.memory_space<vmem>>
    tpu.wait_dma2 semaphore(%arg15 : memref<!tpu.dma_semaphore, #tpu.memory_space<semaphore_mem>>) src(%dma_wait3A_246 : memref<4x8x128xf32, #tpu.memory_space<vmem>>) dst(%dma_wait3A_241 : memref<4x8x128xf32, #tpu.memory_space<hbm>>)
    %add3A_247 = arith.constant 49 : i32
    %add3A_248 = arith.addi %mul3A_36, %add3A_247 : i32
    %dma_wait3A_249 = arith.constant 3 : i32
    %dma_wait3A_250 = arith.constant 3 : i32
    %dma_wait3A_251 = arith.constant 0 : i32
    %dma_wait3A_252 = arith.constant 0 : i32
    %dma_wait3A_253 = arith.constant 0 : i32
    %dma_wait3A_254 = tpu.memref_slice %arg10[%dma_wait3A_251, %dma_wait3A_249, %dma_wait3A_252, %dma_wait3A_253] : memref<4x4x8x129xf32, #tpu.memory_space<vmem>> -> memref<4x1x8x128xf32, #tpu.memory_space<vmem>>
    %dma_wait3A_255 = tpu.memref_squeeze %dma_wait3A_254 : memref<4x1x8x128xf32, #tpu.memory_space<vmem>> -> memref<4x8x128xf32, #tpu.memory_space<vmem>>
    %dma_wait3A_256 = arith.constant 0 : i32
    %dma_wait3A_257 = arith.constant 0 : i32
    %dma_wait3A_258 = tpu.memref_slice %arg5[%add3A_248, %dma_wait3A_250, %mul3A_34, %dma_wait3A_256, %dma_wait3A_257] : memref<200x4x32x8x128xf32, #tpu.memory_space<hbm>> -> memref<1x1x4x8x128xf32, #tpu.memory_space<hbm>>
    %dma_wait3A_259 = tpu.memref_squeeze %dma_wait3A_258 : memref<1x1x4x8x128xf32, #tpu.memory_space<hbm>> -> memref<4x8x128xf32, #tpu.memory_space<hbm>>
    %dma_wait3A_260 = arith.constant 0 : i32
    %dma_wait3A_261 = arith.constant 0 : i32
    %dma_wait3A_262 = tpu.memref_slice %arg5[%add3A_248, %dma_wait3A_250, %mul3A_34, %dma_wait3A_260, %dma_wait3A_261] : memref<200x4x32x8x128xf32, #tpu.memory_space<hbm>> -> memref<1x1x4x8x128xf32, #tpu.memory_space<hbm>>
    %dma_wait3A_263 = tpu.memref_squeeze %dma_wait3A_262 : memref<1x1x4x8x128xf32, #tpu.memory_space<hbm>> -> memref<4x8x128xf32, #tpu.memory_space<hbm>>
    %dma_wait3A_264 = arith.constant 0 : i32
    %dma_wait3A_265 = arith.constant 0 : i32
    %dma_wait3A_266 = arith.constant 0 : i32
    %dma_wait3A_267 = tpu.memref_slice %arg10[%dma_wait3A_264, %dma_wait3A_249, %dma_wait3A_265, %dma_wait3A_266] : memref<4x4x8x129xf32, #tpu.memory_space<vmem>> -> memref<4x1x8x128xf32, #tpu.memory_space<vmem>>
    %dma_wait3A_268 = tpu.memref_squeeze %dma_wait3A_267 : memref<4x1x8x128xf32, #tpu.memory_space<vmem>> -> memref<4x8x128xf32, #tpu.memory_space<vmem>>
    tpu.wait_dma2 semaphore(%arg15 : memref<!tpu.dma_semaphore, #tpu.memory_space<semaphore_mem>>) src(%dma_wait3A_268 : memref<4x8x128xf32, #tpu.memory_space<vmem>>) dst(%dma_wait3A_263 : memref<4x8x128xf32, #tpu.memory_space<hbm>>)
    return
  }
}

</mosaic_0001>

<sc_bundles>
// kernel: kernel.3.cloned.1.call-start
scs
__scs_entry_jumppad:
0x0: {  	(pc) =	sbr.rel $0x88, $3  }
0x1: {  	(tag) =	ssettag $0x0;
	lr =	simm.s32 $0x1  }
0x2: {  	[smem:$0x3F9E] =	sst lr;
	_ =	strace $0xD0000000  }
0x3: {  	_ = 	snop  }
0x4: {  	_ = 	snop  }
0x5: {  	_ = 	snop  }
0x6: {  	_ = 	snop  }
0x7: {  	_ = 	snop  }
__scs_overlays_trampoline_lowered:
0x8: {  	[smem:$0x3FAD] =	sst s0  }
0x9: {  	[smem:$0x3FAE] =	sst s1  }
0xa: {  	[smem:$0x3FAF] =	sst s2  }
0xb: {  	[smem:$0x3FB0] =	sst s3  }
0xc: {  	[smem:$0x3FB1] =	sst s4  }
0xd: {  	[smem:$0x3FB2] =	sst s5  }
0xe: {  	[smem:$0x3FB3] =	sst s6  }
0xf: {  	[smem:$0x3FB4] =	sst s7  }
0x10: {  	[smem:$0x3FB5] =	sst s8  }
0x11: {  	[smem:$0x3FB6] =	sst s9;
	s0 =	simm.s32 @!p0 $0x0  }
0x12: {  	s1 =	sld [smem:$0x3F9C];
	s0 =	simm.s32 @p0 $0x1  }
0x13: {  	[smem:$0x3FB7] =	sst s0;
	s0 =	simm.s32 @!p1 $0x0  }
0x14: {  	s2 =	sld [smem:$0x3F9B];
	s0 =	simm.s32 @p1 $0x1  }
0x15: {  	[smem:$0x3FB8] =	sst s0;
	s0 =	simm.s32 @!p2 $0x0  }
0x16: {  	s3 =	sld [smem:$0x3FDB];
	s0 =	simm.s32 @p2 $0x1  }
0x17: {  	s4 =	simm.s32 $0x1BF5;
	[smem:$0x3FBA] =	sst s0  }
0x18: {  	s0 =	sld [smem:$0x3F9D];
	_ =	swait.ge [sflag:s4], $0x0  }
0x19: {  	s7 =	sld [smem:$0x3F9E]  }
0x1a: {  	s8 =	sadd.s32 $0xFFFFE003, lr  }
0x1b: {  	s9 =	sadd.s32 $0xFFFFFEF7, lr;
	s5 =	simm.s32 $0xFFFFFFFF;
	p2 =	slt.u32 s8, $0xFFFFF086  }
0x1c: {  	p1 =	slt.u32 s9, $0xF7A;
	s5 =	simm.s32 @!p2 $0x0  }
0x1d: {  	s5 =	simm.s32 @p1 $0x1;
	p0 =	seq.s32 s7, s2  }
0x1e: {  	s7 =	smul.u32 @!p0 $0xF7A, s2;
	p2 =	seq.s32 @!p0 s5, $0x0  }
0x1f: {  	s9 =	smul.u32 $0xF7A, s1;
	s8 =	simm.s32 @!p0 $0x1BF5;
	p2 =	por !p2, p0  }
0x20: {  	[sflag:s8] =	ssyncset.s32 @!p0 $0xFFFFF086;
	s6 =	sadd.s32 @!p0 s3, s7;
	s7 =	simm.s32 @!p0 $0x108  }
0x21: {  	s3 =	sadd.s32 s3, s9;
	s6 =	sadd.s32 @!p0 $0x88, s6;
	s7 =	simm.s32 @p2 $0x1082  }
0x22: {  	[simem:s7], [sflag:s8] =	dma.local @!p0 [hbm:s6], $0xF7A  }
0x23: {  	s9 =	sor.u32 $0xD0000000, s2;
	s6 =	simm.s32 $0x108;
	_ =	swait.ge @!p0 [sflag:s8], $0x0  }
0x24: {  	s3 =	sadd.s32 $0x88, s3;
	s6 =	simm.s32 @!p1 $0x1082;
	[sflag:s4] =	ssyncset.s32 $0xFFFFF086  }
0x25: {  	[simem:s6], [sflag:s4] =	dma.local [hbm:s3], $0xF7A  }
0x26: {  	[smem:$0x3F9E] =	sst s1;
	(tag) =	ssettag s2;
	_ =	strace s9  }
0x27: {  	s1 =	sld [smem:$0x3FAE]  }
0x28: {  	s2 =	sld [smem:$0x3FAF]  }
0x29: {  	s4 =	sld [smem:$0x3FB1]  }
0x2a: {  	p0 =	seq.s32 s5, $0x0;
	s5 =	sld [smem:$0x3FB2]  }
0x2b: {  	s6 =	sld [smem:$0x3FB3]  }
0x2c: {  	s7 =	sld [smem:$0x3FB4]  }
0x2d: {  	s3 =	simm.s32 $0x108;
	s8 =	sld [smem:$0x3FB5]  }
0x2e: {  	s3 =	simm.s32 @!p0 $0x1082;
	s9 =	sld [smem:$0x3FB6]  }
0x2f: {  	lr =	sadd.s32 s0, s3;
	s0 =	sld [smem:$0x3FAD]  }
0x30: {  	s3 =	sld [smem:$0x3FB0]  }
0x31: {  	[smem:$0x3FB9] =	sst s10  }
0x32: {  	s10 =	sld [smem:$0x3FB7];
	_ =	sdelay $0x3  }
0x33: {  	p0 =	seq.s32 s10, $0x1;
	s10 =	sld [smem:$0x3FB9];
	_ =	sdelay $0x3  }
0x34: {  	[smem:$0x3FB9] =	sst s10  }
0x35: {  	s10 =	sld [smem:$0x3FB8];
	_ =	sdelay $0x3  }
0x36: {  	p1 =	seq.s32 s10, $0x1;
	s10 =	sld [smem:$0x3FB9];
	_ =	sdelay $0x3  }
0x37: {  	[smem:$0x3FB9] =	sst s10  }
0x38: {  	s10 =	sld [smem:$0x3FBA]  }
0x39: {  	_ = 	snop;
	(pc) =	sbr.ind lr, $3  }
0x3a: {  	_ = 	snop  }
0x3b: {  	_ = 	snop  }
0x3c: {  	p2 =	seq.s32 s10, $0x1;
	s10 =	sld [smem:$0x3FB9]  }
0x3d: {  	_ =	shalt  }
0x3e: {  	_ =	shalt  }
0x3f: {  	_ =	shalt  }
0x40: {  	_ =	shalt  }
0x41: {  	_ =	shalt  }
0x42: {  	_ =	shalt  }
0x43: {  	_ =	shalt  }
0x44: {  	_ =	shalt  }
0x45: {  	_ =	shalt  }
0x46: {  	_ =	shalt  }
0x47: {  	_ =	shalt  }
0x48: {  	_ =	shalt  }
0x49: {  	_ =	shalt  }
0x4a: {  	_ =	shalt  }
0x4b: {  	_ =	shalt  }
0x4c: {  	_ =	shalt  }
0x4d: {  	_ =	shalt  }
0x4e: {  	_ =	shalt  }
0x4f: {  	_ =	shalt  }
0x50: {  	_ =	shalt  }
0x51: {  	_ =	shalt  }
0x52: {  	_ =	shalt  }
0x53: {  	_ =	shalt  }
0x54: {  	_ =	shalt  }
0x55: {  	_ =	shalt  }
0x56: {  	_ =	shalt  }
0x57: {  	_ =	shalt  }
0x58: {  	_ =	shalt  }
0x59: {  	_ =	shalt  }
0x5a: {  	_ =	shalt  }
0x5b: {  	_ =	shalt  }
0x5c: {  	_ =	shalt  }
0x5d: {  	_ =	shalt  }
0x5e: {  	_ =	shalt  }
0x5f: {  	_ =	shalt  }
0x60: {  	_ =	shalt  }
0x61: {  	_ =	shalt  }
0x62: {  	_ =	shalt  }
0x63: {  	_ =	shalt  }
0x64: {  	_ =	shalt  }
0x65: {  	_ =	shalt  }
0x66: {  	_ =	shalt  }
0x67: {  	_ =	shalt  }
0x68: {  	_ =	shalt  }
0x69: {  	_ =	shalt  }
0x6a: {  	_ =	shalt  }
0x6b: {  	_ =	shalt  }
0x6c: {  	_ =	shalt  }
0x6d: {  	_ =	shalt  }
0x6e: {  	_ =	shalt  }
0x6f: {  	_ =	shalt  }
0x70: {  	_ =	shalt  }
0x71: {  	_ =	shalt  }
0x72: {  	_ =	shalt  }
0x73: {  	_ =	shalt  }
0x74: {  	_ =	shalt  }
0x75: {  	_ =	shalt  }
0x76: {  	_ =	shalt  }
0x77: {  	_ =	shalt  }
0x78: {  	_ =	shalt  }
0x79: {  	_ =	shalt  }
0x7a: {  	_ =	shalt  }
0x7b: {  	_ =	shalt  }
0x7c: {  	_ =	shalt  }
0x7d: {  	_ =	shalt  }
0x7e: {  	_ =	shalt  }
0x7f: {  	_ =	shalt  }
0x80: {  	_ =	shalt  }
0x81: {  	_ =	shalt  }
0x82: {  	_ =	shalt  }
0x83: {  	_ =	shalt  }
0x84: {  	_ =	shalt  }
0x85: {  	_ =	shalt  }
0x86: {  	_ =	shalt  }
0x87: {  	_ =	shalt  }
.Lfunc_end0:
.L_simem_size_0:
called_computation_lowered:
.L_overlay_start_0:
0x88: {  	s2 =	sld [smem:$0x3FD9]  }
0x89: {  	s3 =	sld [smem:$0x3FFE];
	_ =	sdelay $0x1  }
0x8a: {  	s1 =	srdreg.scid  }
0x8b: {  	s0 =	sand.u32 $0x1, s1  }
0x8c: {  	s17 =	sshll.u32 s0, $0xA;
	s2 =	sadd.s32 s3, s2  }
0x8d: {  	s2 =	sadd.s32 s2, s17  }
0x8e: {  	[smem:$0x3FC5] =	sst s2  }
0x8f: {  	_ = 	snop  }
0x90: {  	s2 =	sld [smem:$0x3FD0];
	(tm) =	ssettm $0x1  }
0x91: {  	s18 =	sld [smem:$0x3FFB];
	_ =	sdelay $0x3  }
0x92: {  	_ =	strace s18  }
0x93: {  	s3 =	sld [smem:$0x3FFC];
	_ =	sdelay $0x3  }
0x94: {  	_ =	strace s3  }
0x95: {  	s3 =	sld [smem:$0x3FFD];
	_ =	sdelay $0x3  }
0x96: {  	_ =	strace s3  }
0x97: {  	_ =	strace $0x8FFFFFFF  }
0x98: {  	s19 =	sld [smem:$0x3FDB];
	_ =	sdelay $0x1  }
0x99: {  	s4 =	simm.s32 $_scs_section_size  }
0x9a: {  	s5 =	simm.s32 $_size__tile_overlayer_lowered;
	s6 =	simm.s32 $_tile_overlayer_lowered  }
0x9b: {  	s22 =	simm.s32 $0x1BFF;
	s21 =	sshll.u32 s6, $0x1;
	s3 =	sadd.s32 s4, s19  }
0x9c: {  	s7 =	simm.s32 $0x0;
	s20 =	sshll.u32 s5, $0x1;
	s5 =	sadd.s32 s21, s3  }
0x9d: {  	[timem:s7], [sflag:s22] =	dma.local [hbm:s5], s20  }
0x9e: {  	_ =	swait.ge [sflag:s22], s20  }
0x9f: {  	s4 =	ssub.s32 $0x0, s20;
	[sflag:s22] =	ssyncset.done $0x0  }
0xa0: {  	[sflag:s22] =	ssyncadd.s32 s4;
	_ =	sdelay $0x1  }
0xa1: {  	s23 =	simm.s32 $0x1B8B  }
0xa2: {  	_ =	swait.ge [sflag:s23], $0x1  }
0xa3: {  	[sflag:s23] =	ssyncset.done $0x0  }
0xa4: {  	s25 =	simm.s32 $0x1B8E;
	s24 =	sld [smem:$0x3FFE];
	[sflag:s23] =	ssyncadd.s32 $0xFFFFFFFF  }
0xa5: {  	s26 =	simm.s32 $execute0_lowered;
	[smem:$0x3FD2] =	sst s25  }
0xa6: {  	s5 =	sshll.u32 s26, $0x1;
	_ =	strace $0x80000046;
	[dreg:$0x1] =	wrdreg $0xFFFFFFFF  }
0xa7: {  	s28 =	simm.s32 $_size_execute0_lowered;
	s3 =	sadd.s32 s3, s5;
	[dreg:$0x0] =	wrdreg $0x0  }
0xa8: {  	s5 =	sshll.u32 s28, $0x1;
	[dreg:$0x2] =	wrdreg s3  }
0xa9: {  	[dreg:$0x3] =	wrdreg s5  }
0xaa: {  	[dreg:$0x4] =	wrdreg $0xC0  }
0xab: {  	_ =	task [dreg:s7], $0x5FFFF  }
0xac: {  	[dreg:$0x1] =	wrdreg $0xFFFFFFFF  }
0xad: {  	[dreg:$0x0] =	wrdreg $0x60  }
0xae: {  	[dreg:$0x2] =	wrdreg s24  }
0xaf: {  	[dreg:$0x3] =	wrdreg s2  }
0xb0: {  	[dreg:$0x4] =	wrdreg $0x9  }
0xb1: {  	_ =	task.clear_ibuf [dreg:s7], $0x5FFFF;
	_ =	strace $0x90000046  }
0xb2: {  	s29 =	simm.s32 $0x9;
	_ =	strace $0x80000048  }
0xb3: {  	_ =	swait.ge [sflag:s29], $0x1  }
0xb4: {  	[sflag:s29] =	ssyncadd.s32 $0xFFFFFFFF  }
0xb5: {  	_ =	strace $0x90000048  }
0xb6: {  	_ =	sfence  }
0xb7: {  	s30 =	sld [smem:$0x0];
	_ =	sdelay $0x2  }
0xb8: {  	s31 =	sshll.u32 s1, $0xD;
	s1 =	sshrl.u32 s1, $0x2  }
0xb9: {  	s3 =	sand.u32 $0x4000, s31;
	s1 =	sadd.s32 s1, s30  }
0xba: {  	s0 =	sor.u32 s3, s0;
	s1 =	sshll.u32 s1, $0x11  }
0xbb: {  	s0 =	sor.u32 s1, s0  }
0xbc: {  	s0 =	sadd.s32 $0x8F2B, s0  }
0xbd: {  	[sflag:s0] =	ssyncadd.remote.s32 $0x1  }
0xbe: {  	_ =	sfence.sel $0xFFFF  }
0xbf: {  	[dreg:$0x0] =	wrdreg $0xFFFFFFFF;
	(pc) =	sbr.abs _section_cstart, $3  }
0xc0: {  	[dreg:$0x1] =	wrdreg $0xFFFFFFFF  }
0xc1: {  	_ =	task.clear_ibuf [dreg:s7], $0x2FFFF;
	_ =	strace $0x9FFFFFFF  }
0xc2: {  	(tm) =	ssettm $0x7FFFFFFF  }
0xc3: {  	_ =	shalt  }
tec
execute0_lowered:
.L_overlay_start_1:
0x0: {  	(tag) =	ssettag $0x1  }
0x1: {  	v0 =	vlaneseq.u32  }
0x2: {  	v8 =	vmul.u32 $0x88, v0  }
0x3: {  	s2 =	stileid.u32;
	s6 =	rddreg [dreg:$0x0];
	s3 =	simm.s32 $0x0  }
0x4: {  	s1 =	sshll.u32 s2, $0x1;
	[smem:$0x7FF] =	sst s3;
	v0 =	vadd.s32 $0x1981, v8  }
0x5: {  	s5 =	sshrl.u32 s2, $0x2;
	s2 =	rddreg [dreg:$0x1];
	_ =	strace $0x80000047;
	v59 =	vadd.s32 $0x1102, v8;
	[tilespmem:$0x1FE80] =	vst v0  }
0x6: {  	v60 =	vadd.s32 $0x1982, v8;
	[tilespmem:$0x1FE90] =	vst v59  }
0x7: {  	v61 =	vadd.s32 $0x1103, v8;
	[tilespmem:$0x1FEA0] =	vst v60  }
0x8: {  	v62 =	vadd.s32 $0x1983, v8;
	[tilespmem:$0x1FEB0] =	vst v61  }
0x9: {  	v63 =	vadd.s32 $0x1104, v8;
	[tilespmem:$0x1FEC0] =	vst v62  }
0xa: {  	v24 =	vadd.s32 $0x1101, v8;
	[tilespmem:$0x1FED0] =	vst v63  }
0xb: {  	v9 =	vadd.s32 $0x880, v8;
	v10 =	vor.u32 $0x1, v8;
	v11 =	vadd.s32 $0x881, v8;
	[tilespmem:$0x1FEE0] =	vst v24  }
0xc: {  	v12 =	vor.u32 $0x2, v8;
	v13 =	vadd.s32 $0x882, v8;
	v14 =	vor.u32 $0x3, v8;
	[tilespmem:$0x1FEF0] =	vst v9  }
0xd: {  	v15 =	vadd.s32 $0x883, v8;
	v16 =	vor.u32 $0x4, v8;
	v17 =	vadd.s32 $0x884, v8;
	[tilespmem:$0x1FF00] =	vst v10  }
0xe: {  	s0 =	srdreg.scid;
	s13 =	simm.s32 $0x200;
	v18 =	vor.u32 $0x5, v8;
	v19 =	vadd.s32 $0x885, v8;
	v20 =	vor.u32 $0x6, v8;
	[tilespmem:$0x1FF10] =	vst v11  }
0xf: {  	s19 =	simm.s32 $0x1;
	s20 =	simm.s32 $0xE600;
	s31 =	simm.s32 $0x12A00;
	v21 =	vadd.s32 $0x886, v8;
	v22 =	vor.u32 $0x7, v8;
	v23 =	vadd.s32 $0x887, v8;
	[tilespmem:$0x1FF20] =	vst v12  }
0x10: {  	s29 =	simm.s32 $0x2;
	s28 =	simm.s32 $0x163E8;
	s14 =	simm.s32 $0x13280;
	v6 =	vadd.s32 $0x1100, v8;
	v7 =	vadd.s32 $0x1980, v8;
	v25 =	vadd.s32 $0x1984, v8;
	[tilespmem:$0x1FF30] =	vst v13  }
0x11: {  	s30 =	simm.s32 $0x4;
	s16 =	simm.s32 $0x13308;
	s12 =	simm.s32 $0x134A0;
	v26 =	vadd.s32 $0x1105, v8;
	v27 =	vadd.s32 $0x1985, v8;
	v28 =	vadd.s32 $0x1106, v8;
	[tilespmem:$0x1FF40] =	vst v14  }
0x12: {  	s15 =	simm.s32 $0x16D78;
	s18 =	simm.s32 $0x0;
	s4 =	smul.u32 $0x32000, s5;
	v29 =	vadd.s32 $0x1986, v8;
	v30 =	vadd.s32 $0x1107, v8;
	v31 =	vadd.s32 $0x1987, v8;
	[tilespmem:$0x1FF50] =	vst v15  }
0x13: {  	s0 =	sand.u32 $0x1, s0;
	s1 =	sand.u32 $0x6, s1;
	s24 =	smul.u32 $0xC8, s5;
	v32 =	vadd.s32 $0x2200, v8;
	v33 =	vadd.s32 $0x2A80, v8;
	v34 =	vadd.s32 $0x2201, v8;
	[tilespmem:$0x1FF60] =	vst v16  }
0x14: {  	s5 =	smul.u32 $0x32, s5;
	s9 =	sadd.s32 $0x1000, s2;
	s1 =	sor.u32 s0, s1;
	v35 =	vadd.s32 $0x2A81, v8;
	v36 =	vadd.s32 $0x2202, v8;
	v37 =	vadd.s32 $0x2A82, v8;
	[tilespmem:$0x1FF70] =	vst v17  }
0x15: {  	s10 =	sadd.s32 $0x2000, s2;
	s0 =	ssub.s32 $0x2, s0;
	v38 =	vadd.s32 $0x2203, v8;
	v39 =	vadd.s32 $0x2A83, v8;
	v40 =	vadd.s32 $0x2204, v8;
	s7 =	sshll.u32 s1, $0x9;
	[tilespmem:$0x1FF80] =	vst v18  }
0x16: {  	s11 =	sadd.s32 $0x3000, s2;
	v41 =	vadd.s32 $0x2A84, v8;
	v42 =	vadd.s32 $0x2205, v8;
	v43 =	vadd.s32 $0x2A85, v8;
	s25 =	sshrl.u32 s0, $0x1;
	[tilespmem:$0x1FF90] =	vst v19;
	s4 =	sor.u32 s4, s7  }
0x17: {  	v44 =	vadd.s32 $0x2206, v8;
	v45 =	vadd.s32 $0x2A86, v8;
	v46 =	vadd.s32 $0x2207, v8;
	[tilespmem:$0x1FFA0] =	vst v20;
	s0 =	ssub.s32 s0, s25;
	s25 =	simm.s32 $0x14408;
	s4 =	sshrl.u32 s4, $0x3  }
0x18: {  	v47 =	vadd.s32 $0x2A87, v8;
	v48 =	vadd.s32 $0x3300, v8;
	v49 =	vadd.s32 $0x3B80, v8;
	[tilespmem:$0x1FFB0] =	vst v21;
	s7 =	simm.s32 $0x13418;
	s0 =	smax.u32 s0, $0x1;
	s8 =	sadd.s32 s4, s6  }
0x19: {  	v50 =	vadd.s32 $0x3301, v8;
	v51 =	vadd.s32 $0x3B81, v8;
	v52 =	vadd.s32 $0x3302, v8;
	[tilespmem:$0x1FFC0] =	vst v22;
	s4 =	sadd.s32 $0x19800, s6;
	s6 =	sadd.s32 s24, s6;
	[dreg:$0x5] =	wrdreg s0  }
0x1a: {  	v53 =	vadd.s32 $0x3B82, v8;
	v54 =	vadd.s32 $0x3303, v8;
	[tilespmem:$0x1FFD0] =	vst v23;
	s0 =	simm.s32 $0x164F8;
	s26 =	sadd.s32 $0x800, s8;
	s6 =	sadd.s32 $0x400, s6  }
0x1b: {  	v55 =	vadd.s32 $0x3B83, v8;
	v56 =	vadd.s32 $0x3304, v8;
	v57 =	vadd.s32 $0x3B84, v8;
	[tilespmem:$0x1FFE0] =	vst v6;
	s8 =	sshll.u32 s1, $0xC;
	s1 =	simm.s32 $0x16470;
	[dreg:$0x3] =	wrdreg s26  }
0x1c: {  	v58 =	vadd.s32 $0x3305, v8;
	v59 =	vadd.s32 $0x3B85, v8;
	v60 =	vadd.s32 $0x3306, v8;
	[tilespmem:$0x1FFF0] =	vst v7;
	[dreg:$0x4] =	wrdreg s6;
	s26 =	simm.s32 $0x13528;
	s6 =	simm.s32 $0x13390  }
.LBB2_1:
0x1d: {  	[dreg:$0x6] =	wrdreg s18  }
0x1e: {  	s17 =	rddreg [dreg:$0x3];
	s21 =	simm.s32 $0x1000;
	s22 =	simm.s32 $0x5  }
0x1f: {  	[tilespmem:s3], [sflag:$0x5] =	stream.strided.gather [hbm4b:s17+s13], $0x6400, s21, s13, $0x38;
	[tilespmem:$0x17440] =	vst v63  }
0x20: {  	_ =	swait.ge [sflag:s22], $0x6400  }
0x21: {  	[sflag:s22] =	ssyncset.done $0x0  }
0x22: {  	s21 =	simm.s32 $0x16E00;
	s23 =	rddreg [dreg:$0x4];
	[sflag:s22] =	ssyncadd.s32 $0xFFFF9C00  }
0x23: {  	[tilespmem:s21], [sflag:$0x5] =	stream.linear.gather [hbm4b:s23+s3], $0x640, $0x38;
	[tilespmem:$0x17440] =	vst v63  }
0x24: {  	_ =	swait.ge [sflag:s22], $0x640  }
0x25: {  	[sflag:s22] =	ssyncset.done $0x0  }
0x26: {  	s24 =	simm.s32 $0x6400;
	s17 =	simm.s32 $0x0;
	[sflag:s22] =	ssyncadd.s32 $0xFFFFF9C0  }
0x27: {  	[tilespmem:s24], [sflag:$0x1] =	stream.indirect.gather [hbm4b:s4+s13], $0x20, s3, s13, $0xb8;
	[tilespmem:$0x17440] =	vst v63  }
.LBB2_2:
0x28: {  	s18 =	sshllo.u32 s17, $0x1  }
0x29: {  	s21 =	sshll.u32 s18, $0x9  }
0x2a: {  	s22 =	simm.s32 $0xA500;
	s21 =	sand.u32 $0x3FFFFE00, s21  }
0x2b: {  	[tilespmem:s22], [sflag:$0x2] =	stream.indirect.gather [hbm4b:s4+s13], $0x20, s21, s13, $0xb8;
	[tilespmem:$0x17440] =	vst v63  }
0x2c: {  	_ =	swait.ge [sflag:s19], $0x4000  }
0x2d: {  	p0 =	seq.s32 s17, $0x0;
	[sflag:s19] =	ssyncset.done $0x0  }
0x2e: {  	s21 =	simm.s32 @!p0 $0x3;
	[sflag:s19] =	ssyncadd.s32 $0xFFFFC000  }
0x2f: {  	_ =	swait.ge @!p0 [sflag:s21], $0x1000  }
0x30: {  	[sflag:s21] =	ssyncset.done @!p0 $0x0  }
0x31: {  	[sflag:s21] =	ssyncadd.s32 @!p0 $0xFFFFF000  }
0x32: {  	_ =	swait.ge @!p0 [sflag:s21], $0x1000  }
0x33: {  	[sflag:s21] =	ssyncset.done @!p0 $0x0  }
0x34: {  	[sflag:s21] =	ssyncadd.s32 @!p0 $0xFFFFF000  }
0x35: {  	_ =	swait.ge @!p0 [sflag:s21], $0x1000  }
0x36: {  	[sflag:s21] =	ssyncset.done @!p0 $0x0  }
0x37: {  	[sflag:s21] =	ssyncadd.s32 @!p0 $0xFFFFF000  }
0x38: {  	_ =	swait.ge @!p0 [sflag:s21], $0x1000  }
0x39: {  	s23 =	sshll.u32 s17, $0x6;
	[sflag:s21] =	ssyncset.done @!p0 $0x0  }
0x3a: {  	s24 =	sand.u32 $0x3FFFFFC0, s23;
	[sflag:s21] =	ssyncadd.s32 @!p0 $0xFFFFF000  }
0x3b: {  	v0 =	vld [tilespmem:s24+$0x16E00]  }
0x3c: {  	s22 =	simm.s32 $0x6480;
	v1 =	vld [tilespmem:s24+$0x16E10]  }
0x3d: {  	v3 =	vld [tilespmem:s22+$0xFFFFFF80]  }
0x3e: {  	v2 =	vimm.s32 $0x0;
	v4 =	vld [tilespmem:s22+$0xFFFFFF90]  }
0x3f: {  	v5 =	vadd.s32 v8, v2  }
0x40: {  	v61 =	vadd.s32 v9, v2;
	_ =	sdelay $0x1  }
0x41: {  	v3 =	vadd.f32 v3, v0  }
0x42: {  	v4 =	vadd.f32 v4, v1  }
0x43: {  	[tilespmem:v5+s20+$0x0] =	vst.idx.msk $0xffff, v3  }
0x44: {  	[tilespmem:v61+s20+$0x0] =	vst.idx.msk $0xffff, v4  }
0x45: {  	v3 =	vld [tilespmem:s22+$0xFFFFFFA0]  }
0x46: {  	v4 =	vld [tilespmem:s22+$0xFFFFFFB0]  }
0x47: {  	v5 =	vadd.s32 v10, v2  }
0x48: {  	v61 =	vadd.s32 v11, v2;
	_ =	sdelay $0x1  }
0x49: {  	v3 =	vadd.f32 v3, v0  }
0x4a: {  	v4 =	vadd.f32 v4, v1  }
0x4b: {  	[tilespmem:v5+s20+$0x0] =	vst.idx.msk $0xffff, v3  }
0x4c: {  	[tilespmem:v61+s20+$0x0] =	vst.idx.msk $0xffff, v4  }
0x4d: {  	v3 =	vld [tilespmem:s22+$0xFFFFFFC0]  }
0x4e: {  	v4 =	vld [tilespmem:s22+$0xFFFFFFD0]  }
0x4f: {  	v5 =	vadd.s32 v12, v2  }
0x50: {  	v61 =	vadd.s32 v13, v2;
	_ =	sdelay $0x1  }
0x51: {  	v3 =	vadd.f32 v3, v0  }
0x52: {  	v4 =	vadd.f32 v4, v1  }
0x53: {  	[tilespmem:v5+s20+$0x0] =	vst.idx.msk $0xffff, v3  }
0x54: {  	[tilespmem:v61+s20+$0x0] =	vst.idx.msk $0xffff, v4  }
0x55: {  	v3 =	vld [tilespmem:s22+$0xFFFFFFE0]  }
0x56: {  	v4 =	vld [tilespmem:s22+$0xFFFFFFF0]  }
0x57: {  	v5 =	vadd.s32 v14, v2  }
0x58: {  	v61 =	vadd.s32 v15, v2;
	_ =	sdelay $0x1  }
0x59: {  	v3 =	vadd.f32 v3, v0  }
0x5a: {  	v4 =	vadd.f32 v4, v1  }
0x5b: {  	[tilespmem:v5+s20+$0x0] =	vst.idx.msk $0xffff, v3  }
0x5c: {  	[tilespmem:v61+s20+$0x0] =	vst.idx.msk $0xffff, v4  }
0x5d: {  	v3 =	vld [tilespmem:s22+$0x0]  }
0x5e: {  	v4 =	vld [tilespmem:s22+$0x10]  }
0x5f: {  	v5 =	vadd.s32 v16, v2  }
0x60: {  	v61 =	vadd.s32 v17, v2;
	_ =	sdelay $0x1  }
0x61: {  	v3 =	vadd.f32 v3, v0  }
0x62: {  	v4 =	vadd.f32 v4, v1  }
0x63: {  	[tilespmem:v5+s20+$0x0] =	vst.idx.msk $0xffff, v3  }
0x64: {  	[tilespmem:v61+s20+$0x0] =	vst.idx.msk $0xffff, v4  }
0x65: {  	v3 =	vld [tilespmem:s22+$0x20]  }
0x66: {  	v4 =	vld [tilespmem:s22+$0x30]  }
0x67: {  	v5 =	vadd.s32 v18, v2  }
0x68: {  	v61 =	vadd.s32 v19, v2;
	_ =	sdelay $0x1  }
0x69: {  	v3 =	vadd.f32 v3, v0  }
0x6a: {  	v4 =	vadd.f32 v4, v1  }
0x6b: {  	[tilespmem:v5+s20+$0x0] =	vst.idx.msk $0xffff, v3  }
0x6c: {  	[tilespmem:v61+s20+$0x0] =	vst.idx.msk $0xffff, v4  }
0x6d: {  	v3 =	vld [tilespmem:s22+$0x40]  }
0x6e: {  	v4 =	vld [tilespmem:s22+$0x50]  }
0x6f: {  	v5 =	vadd.s32 v20, v2  }
0x70: {  	v61 =	vadd.s32 v21, v2;
	_ =	sdelay $0x1  }
0x71: {  	v3 =	vadd.f32 v3, v0  }
0x72: {  	v4 =	vadd.f32 v4, v1  }
0x73: {  	[tilespmem:v5+s20+$0x0] =	vst.idx.msk $0xffff, v3  }
0x74: {  	[tilespmem:v61+s20+$0x0] =	vst.idx.msk $0xffff, v4  }
0x75: {  	v3 =	vld [tilespmem:s22+$0x60];
	_ =	sdelay $0x2  }
0x76: {  	v4 =	vld [tilespmem:s22+$0x70]  }
0x77: {  	v5 =	vadd.s32 v22, v2  }
0x78: {  	v61 =	vadd.f32 v3, v0;
	v3 =	vadd.s32 v23, v2;
	_ =	sdelay $0x2  }
0x79: {  	v4 =	vadd.f32 v4, v1  }
0x7a: {  	s21 =	sshll.u32 s17, $0x1;
	s24 =	simm.s32 $0x0;
	[tilespmem:v5+s20+$0x0] =	vst.idx.msk $0xffff, v61;
	v61 =	vimm.s32 $0x0  }
.LBB2_3:
0x7b: {  	s24 =	sadd.s32 $0x8, s24;
	[tilespmem:v3+s20+$0x0] =	vst.idx.msk $0xffff, v4;
	v61 =	vadd.s32 $0x8, v61;
	s22 =	sadd.s32 $0x100, s22;
	s23 =	simm.s32 $0x7410  }
0x7c: {  	v3 =	vld [tilespmem:s22+$0xFFFFFF80];
	p1 =	slt.u32 s24, $0x78  }
0x7d: {  	v4 =	vld [tilespmem:s22+$0xFFFFFF90]  }
0x7e: {  	v5 =	vadd.s32 v8, v61  }
0x7f: {  	v62 =	vadd.s32 v9, v61;
	_ =	sdelay $0x1  }
0x80: {  	v3 =	vadd.f32 v3, v0  }
0x81: {  	v4 =	vadd.f32 v4, v1  }
0x82: {  	[tilespmem:v5+s20+$0x0] =	vst.idx.msk $0xffff, v3  }
0x83: {  	[tilespmem:v62+s20+$0x0] =	vst.idx.msk $0xffff, v4  }
0x84: {  	v3 =	vld [tilespmem:s22+$0xFFFFFFA0]  }
0x85: {  	v4 =	vld [tilespmem:s22+$0xFFFFFFB0]  }
0x86: {  	v5 =	vadd.s32 v10, v61  }
0x87: {  	v62 =	vadd.s32 v11, v61;
	_ =	sdelay $0x1  }
0x88: {  	v3 =	vadd.f32 v3, v0  }
0x89: {  	v4 =	vadd.f32 v4, v1  }
0x8a: {  	[tilespmem:v5+s20+$0x0] =	vst.idx.msk $0xffff, v3  }
0x8b: {  	[tilespmem:v62+s20+$0x0] =	vst.idx.msk $0xffff, v4  }
0x8c: {  	v3 =	vld [tilespmem:s22+$0xFFFFFFC0]  }
0x8d: {  	v4 =	vld [tilespmem:s22+$0xFFFFFFD0]  }
0x8e: {  	v5 =	vadd.s32 v12, v61  }
0x8f: {  	v62 =	vadd.s32 v13, v61;
	_ =	sdelay $0x1  }
0x90: {  	v3 =	vadd.f32 v3, v0  }
0x91: {  	v4 =	vadd.f32 v4, v1  }
0x92: {  	[tilespmem:v5+s20+$0x0] =	vst.idx.msk $0xffff, v3  }
0x93: {  	[tilespmem:v62+s20+$0x0] =	vst.idx.msk $0xffff, v4  }
0x94: {  	v3 =	vld [tilespmem:s22+$0xFFFFFFE0]  }
0x95: {  	v4 =	vld [tilespmem:s22+$0xFFFFFFF0]  }
0x96: {  	v5 =	vadd.s32 v14, v61  }
0x97: {  	v62 =	vadd.s32 v15, v61;
	_ =	sdelay $0x1  }
0x98: {  	v3 =	vadd.f32 v3, v0  }
0x99: {  	v4 =	vadd.f32 v4, v1  }
0x9a: {  	[tilespmem:v5+s20+$0x0] =	vst.idx.msk $0xffff, v3  }
0x9b: {  	[tilespmem:v62+s20+$0x0] =	vst.idx.msk $0xffff, v4  }
0x9c: {  	v3 =	vld [tilespmem:s22+$0x0]  }
0x9d: {  	v4 =	vld [tilespmem:s22+$0x10]  }
0x9e: {  	v5 =	vadd.s32 v16, v61  }
0x9f: {  	v62 =	vadd.s32 v17, v61;
	_ =	sdelay $0x1  }
0xa0: {  	v3 =	vadd.f32 v3, v0  }
0xa1: {  	v4 =	vadd.f32 v4, v1  }
0xa2: {  	[tilespmem:v5+s20+$0x0] =	vst.idx.msk $0xffff, v3  }
0xa3: {  	[tilespmem:v62+s20+$0x0] =	vst.idx.msk $0xffff, v4  }
0xa4: {  	v3 =	vld [tilespmem:s22+$0x20]  }
0xa5: {  	v4 =	vld [tilespmem:s22+$0x30]  }
0xa6: {  	v5 =	vadd.s32 v18, v61  }
0xa7: {  	v62 =	vadd.s32 v19, v61;
	_ =	sdelay $0x1  }
0xa8: {  	v3 =	vadd.f32 v3, v0  }
0xa9: {  	v4 =	vadd.f32 v4, v1  }
0xaa: {  	[tilespmem:v5+s20+$0x0] =	vst.idx.msk $0xffff, v3  }
0xab: {  	[tilespmem:v62+s20+$0x0] =	vst.idx.msk $0xffff, v4  }
0xac: {  	v3 =	vld [tilespmem:s22+$0x40]  }
0xad: {  	v4 =	vld [tilespmem:s22+$0x50]  }
0xae: {  	v5 =	vadd.s32 v20, v61  }
0xaf: {  	v62 =	vadd.s32 v21, v61;
	_ =	sdelay $0x1  }
0xb0: {  	v3 =	vadd.f32 v3, v0  }
0xb1: {  	v4 =	vadd.f32 v4, v1  }
0xb2: {  	[tilespmem:v5+s20+$0x0] =	vst.idx.msk $0xffff, v3  }
0xb3: {  	[tilespmem:v62+s20+$0x0] =	vst.idx.msk $0xffff, v4  }
0xb4: {  	v4 =	vld [tilespmem:s22+$0x60]  }
0xb5: {  	v5 =	vld [tilespmem:s22+$0x70]  }
0xb6: {  	v62 =	vadd.s32 v22, v61  }
.Ltmp0:
0xb7: {  	v3 =	vadd.s32 v23, v61;
	(pc) =	sbr.rel @p1 .LBB2_3-.Ltmp0, $4  }
0xb8: {  	_ = 	snop  }
0xb9: {  	v63 =	vadd.f32 v4, v0  }
0xba: {  	v4 =	vadd.f32 v5, v1  }
0xbb: {  	[tilespmem:v62+s20+$0x0] =	vst.idx.msk $0xffff, v63  }
0xbc: {  	_ =	sdelay $0x3  }
0xbd: {  	[tilespmem:v3+s20+$0x0] =	vst.idx.msk $0xffff, v4  }
0xbe: {  	v3 =	vld [tilespmem:s23+$0xFFFFFFF0]  }
0xbf: {  	v4 =	vld [tilespmem:s23+$0x0]  }
0xc0: {  	v5 =	vadd.s32 v6, v2  }
0xc1: {  	v61 =	vadd.s32 v7, v2;
	_ =	sdelay $0x1  }
0xc2: {  	v3 =	vadd.f32 v3, v0  }
0xc3: {  	v4 =	vadd.f32 v4, v1  }
0xc4: {  	v63 =	vld [tilespmem:$0x1FE80];
	[tilespmem:v5+s20+$0x0] =	vst.idx.msk $0xffff, v3  }
0xc5: {  	[tilespmem:v61+s20+$0x0] =	vst.idx.msk $0xffff, v4  }
0xc6: {  	v3 =	vld [tilespmem:s23+$0x10]  }
0xc7: {  	v4 =	vld [tilespmem:s23+$0x20]  }
0xc8: {  	v5 =	vadd.s32 v24, v2  }
0xc9: {  	v61 =	vadd.s32 v63, v2;
	_ =	sdelay $0x1  }
0xca: {  	v3 =	vadd.f32 v3, v0  }
0xcb: {  	v9 =	vld [tilespmem:$0x1FE90];
	v4 =	vadd.f32 v4, v1  }
0xcc: {  	v10 =	vld [tilespmem:$0x1FEA0];
	[tilespmem:v5+s20+$0x0] =	vst.idx.msk $0xffff, v3  }
0xcd: {  	[tilespmem:v61+s20+$0x0] =	vst.idx.msk $0xffff, v4  }
0xce: {  	v3 =	vld [tilespmem:s23+$0x30]  }
0xcf: {  	v4 =	vld [tilespmem:s23+$0x40]  }
0xd0: {  	v5 =	vadd.s32 v9, v2  }
0xd1: {  	v61 =	vadd.s32 v10, v2;
	_ =	sdelay $0x1  }
0xd2: {  	v3 =	vadd.f32 v3, v0  }
0xd3: {  	v11 =	vld [tilespmem:$0x1FEB0];
	v4 =	vadd.f32 v4, v1  }
0xd4: {  	v12 =	vld [tilespmem:$0x1FEC0];
	[tilespmem:v5+s20+$0x0] =	vst.idx.msk $0xffff, v3  }
0xd5: {  	[tilespmem:v61+s20+$0x0] =	vst.idx.msk $0xffff, v4  }
0xd6: {  	v3 =	vld [tilespmem:s23+$0x50]  }
0xd7: {  	v4 =	vld [tilespmem:s23+$0x60]  }
0xd8: {  	v5 =	vadd.s32 v11, v2  }
0xd9: {  	v61 =	vadd.s32 v12, v2;
	_ =	sdelay $0x1  }
0xda: {  	v3 =	vadd.f32 v3, v0  }
0xdb: {  	v13 =	vld [tilespmem:$0x1FED0];
	v4 =	vadd.f32 v4, v1  }
0xdc: {  	[tilespmem:v5+s20+$0x0] =	vst.idx.msk $0xffff, v3  }
0xdd: {  	[tilespmem:v61+s20+$0x0] =	vst.idx.msk $0xffff, v4  }
0xde: {  	v3 =	vld [tilespmem:s23+$0x70]  }
0xdf: {  	v4 =	vld [tilespmem:s23+$0x80]  }
0xe0: {  	v5 =	vadd.s32 v13, v2  }
0xe1: {  	v61 =	vadd.s32 v25, v2;
	_ =	sdelay $0x1  }
0xe2: {  	v3 =	vadd.f32 v3, v0  }
0xe3: {  	v4 =	vadd.f32 v4, v1  }
0xe4: {  	[tilespmem:v5+s20+$0x0] =	vst.idx.msk $0xffff, v3  }
0xe5: {  	[tilespmem:v61+s20+$0x0] =	vst.idx.msk $0xffff, v4  }
0xe6: {  	v3 =	vld [tilespmem:s23+$0x90]  }
0xe7: {  	v4 =	vld [tilespmem:s23+$0xA0]  }
0xe8: {  	v5 =	vadd.s32 v26, v2  }
0xe9: {  	v61 =	vadd.s32 v27, v2;
	_ =	sdelay $0x1  }
0xea: {  	v3 =	vadd.f32 v3, v0  }
0xeb: {  	v4 =	vadd.f32 v4, v1  }
0xec: {  	[tilespmem:v5+s20+$0x0] =	vst.idx.msk $0xffff, v3  }
0xed: {  	[tilespmem:v61+s20+$0x0] =	vst.idx.msk $0xffff, v4  }
0xee: {  	v3 =	vld [tilespmem:s23+$0xB0]  }
0xef: {  	v4 =	vld [tilespmem:s23+$0xC0]  }
0xf0: {  	v5 =	vadd.s32 v28, v2  }
0xf1: {  	v61 =	vadd.s32 v29, v2;
	_ =	sdelay $0x1  }
0xf2: {  	v3 =	vadd.f32 v3, v0  }
0xf3: {  	v4 =	vadd.f32 v4, v1  }
0xf4: {  	[tilespmem:v5+s20+$0x0] =	vst.idx.msk $0xffff, v3  }
0xf5: {  	[tilespmem:v61+s20+$0x0] =	vst.idx.msk $0xffff, v4  }
0xf6: {  	v3 =	vld [tilespmem:s23+$0xD0];
	_ =	sdelay $0x2  }
0xf7: {  	v4 =	vld [tilespmem:s23+$0xE0]  }
0xf8: {  	v5 =	vadd.s32 v30, v2  }
0xf9: {  	v61 =	vadd.f32 v3, v0;
	v3 =	vadd.s32 v31, v2;
	_ =	sdelay $0x2  }
0xfa: {  	v4 =	vadd.f32 v4, v1  }
0xfb: {  	s24 =	simm.s32 $0x0;
	[tilespmem:v5+s20+$0x0] =	vst.idx.msk $0xffff, v61  }
.LBB2_5:
0xfc: {  	s24 =	sadd.s32 $0x8, s24;
	[tilespmem:v3+s20+$0x0] =	vst.idx.msk $0xffff, v4;
	v2 =	vadd.s32 $0x8, v2;
	s23 =	sadd.s32 $0x100, s23;
	s22 =	simm.s32 $0x8410  }
0xfd: {  	v3 =	vld [tilespmem:s23+$0xFFFFFFF0];
	p1 =	slt.u32 s24, $0x78  }
0xfe: {  	v4 =	vld [tilespmem:s23+$0x0]  }
0xff: {  	v5 =	vadd.s32 v6, v2  }
0x100: {  	v61 =	vadd.s32 v7, v2;
	_ =	sdelay $0x1  }
0x101: {  	v3 =	vadd.f32 v3, v0  }
0x102: {  	v4 =	vadd.f32 v4, v1  }
0x103: {  	[tilespmem:v5+s20+$0x0] =	vst.idx.msk $0xffff, v3  }
0x104: {  	[tilespmem:v61+s20+$0x0] =	vst.idx.msk $0xffff, v4  }
0x105: {  	v3 =	vld [tilespmem:s23+$0x10]  }
0x106: {  	v4 =	vld [tilespmem:s23+$0x20]  }
0x107: {  	v5 =	vadd.s32 v24, v2  }
0x108: {  	v61 =	vadd.s32 v63, v2;
	_ =	sdelay $0x1  }
0x109: {  	v3 =	vadd.f32 v3, v0  }
0x10a: {  	v4 =	vadd.f32 v4, v1  }
0x10b: {  	[tilespmem:v5+s20+$0x0] =	vst.idx.msk $0xffff, v3  }
0x10c: {  	[tilespmem:v61+s20+$0x0] =	vst.idx.msk $0xffff, v4  }
0x10d: {  	v3 =	vld [tilespmem:s23+$0x30]  }
0x10e: {  	v4 =	vld [tilespmem:s23+$0x40]  }
0x10f: {  	v5 =	vadd.s32 v9, v2  }
0x110: {  	v61 =	vadd.s32 v10, v2;
	_ =	sdelay $0x1  }
0x111: {  	v3 =	vadd.f32 v3, v0  }
0x112: {  	v4 =	vadd.f32 v4, v1  }
0x113: {  	[tilespmem:v5+s20+$0x0] =	vst.idx.msk $0xffff, v3  }
0x114: {  	[tilespmem:v61+s20+$0x0] =	vst.idx.msk $0xffff, v4  }
0x115: {  	v3 =	vld [tilespmem:s23+$0x50]  }
0x116: {  	v4 =	vld [tilespmem:s23+$0x60]  }
0x117: {  	v5 =	vadd.s32 v11, v2  }
0x118: {  	v61 =	vadd.s32 v12, v2;
	_ =	sdelay $0x1  }
0x119: {  	v3 =	vadd.f32 v3, v0  }
0x11a: {  	v4 =	vadd.f32 v4, v1  }
0x11b: {  	[tilespmem:v5+s20+$0x0] =	vst.idx.msk $0xffff, v3  }
0x11c: {  	[tilespmem:v61+s20+$0x0] =	vst.idx.msk $0xffff, v4  }
0x11d: {  	v3 =	vld [tilespmem:s23+$0x70]  }
0x11e: {  	v4 =	vld [tilespmem:s23+$0x80]  }
0x11f: {  	v5 =	vadd.s32 v13, v2  }
0x120: {  	v61 =	vadd.s32 v25, v2;
	_ =	sdelay $0x1  }
0x121: {  	v3 =	vadd.f32 v3, v0  }
0x122: {  	v4 =	vadd.f32 v4, v1  }
0x123: {  	[tilespmem:v5+s20+$0x0] =	vst.idx.msk $0xffff, v3  }
0x124: {  	[tilespmem:v61+s20+$0x0] =	vst.idx.msk $0xffff, v4  }
0x125: {  	v3 =	vld [tilespmem:s23+$0x90]  }
0x126: {  	v4 =	vld [tilespmem:s23+$0xA0]  }
0x127: {  	v5 =	vadd.s32 v26, v2  }
0x128: {  	v61 =	vadd.s32 v27, v2;
	_ =	sdelay $0x1  }
0x129: {  	v3 =	vadd.f32 v3, v0  }
0x12a: {  	v4 =	vadd.f32 v4, v1  }
0x12b: {  	[tilespmem:v5+s20+$0x0] =	vst.idx.msk $0xffff, v3  }
0x12c: {  	[tilespmem:v61+s20+$0x0] =	vst.idx.msk $0xffff, v4  }
0x12d: {  	v3 =	vld [tilespmem:s23+$0xB0]  }
0x12e: {  	v4 =	vld [tilespmem:s23+$0xC0]  }
0x12f: {  	v5 =	vadd.s32 v28, v2  }
0x130: {  	v61 =	vadd.s32 v29, v2;
	_ =	sdelay $0x1  }
0x131: {  	v3 =	vadd.f32 v3, v0  }
0x132: {  	v4 =	vadd.f32 v4, v1  }
0x133: {  	[tilespmem:v5+s20+$0x0] =	vst.idx.msk $0xffff, v3  }
0x134: {  	[tilespmem:v61+s20+$0x0] =	vst.idx.msk $0xffff, v4  }
0x135: {  	v4 =	vld [tilespmem:s23+$0xD0]  }
0x136: {  	v5 =	vld [tilespmem:s23+$0xE0]  }
0x137: {  	v61 =	vadd.s32 v30, v2  }
.Ltmp1:
0x138: {  	v3 =	vadd.s32 v31, v2;
	(pc) =	sbr.rel @p1 .LBB2_5-.Ltmp1, $4  }
0x139: {  	_ = 	snop  }
0x13a: {  	v62 =	vadd.f32 v4, v0  }
0x13b: {  	v4 =	vadd.f32 v5, v1  }
0x13c: {  	[tilespmem:v61+s20+$0x0] =	vst.idx.msk $0xffff, v62  }
0x13d: {  	_ =	sdelay $0x3  }
0x13e: {  	[tilespmem:v3+s20+$0x0] =	vst.idx.msk $0xffff, v4  }
0x13f: {  	v3 =	vld [tilespmem:s22+$0xFFFFFFF0]  }
0x140: {  	v2 =	vimm.s32 $0x0;
	v4 =	vld [tilespmem:s22+$0x0]  }
0x141: {  	v5 =	vadd.s32 v32, v2  }
0x142: {  	v61 =	vadd.s32 v33, v2;
	_ =	sdelay $0x1  }
0x143: {  	v3 =	vadd.f32 v3, v0  }
0x144: {  	v4 =	vadd.f32 v4, v1  }
0x145: {  	[tilespmem:v5+s20+$0x0] =	vst.idx.msk $0xffff, v3  }
0x146: {  	[tilespmem:v61+s20+$0x0] =	vst.idx.msk $0xffff, v4  }
0x147: {  	v3 =	vld [tilespmem:s22+$0x10]  }
0x148: {  	v4 =	vld [tilespmem:s22+$0x20]  }
0x149: {  	v5 =	vadd.s32 v34, v2  }
0x14a: {  	v61 =	vadd.s32 v35, v2;
	_ =	sdelay $0x1  }
0x14b: {  	v3 =	vadd.f32 v3, v0  }
0x14c: {  	v4 =	vadd.f32 v4, v1  }
0x14d: {  	[tilespmem:v5+s20+$0x0] =	vst.idx.msk $0xffff, v3  }
0x14e: {  	[tilespmem:v61+s20+$0x0] =	vst.idx.msk $0xffff, v4  }
0x14f: {  	v3 =	vld [tilespmem:s22+$0x30]  }
0x150: {  	v4 =	vld [tilespmem:s22+$0x40]  }
0x151: {  	v5 =	vadd.s32 v36, v2  }
0x152: {  	v61 =	vadd.s32 v37, v2;
	_ =	sdelay $0x1  }
0x153: {  	v3 =	vadd.f32 v3, v0  }
0x154: {  	v4 =	vadd.f32 v4, v1  }
0x155: {  	[tilespmem:v5+s20+$0x0] =	vst.idx.msk $0xffff, v3  }
0x156: {  	[tilespmem:v61+s20+$0x0] =	vst.idx.msk $0xffff, v4  }
0x157: {  	v3 =	vld [tilespmem:s22+$0x50]  }
0x158: {  	v4 =	vld [tilespmem:s22+$0x60]  }
0x159: {  	v5 =	vadd.s32 v38, v2  }
0x15a: {  	v61 =	vadd.s32 v39, v2;
	_ =	sdelay $0x1  }
0x15b: {  	v3 =	vadd.f32 v3, v0  }
0x15c: {  	v4 =	vadd.f32 v4, v1  }
0x15d: {  	[tilespmem:v5+s20+$0x0] =	vst.idx.msk $0xffff, v3  }
0x15e: {  	[tilespmem:v61+s20+$0x0] =	vst.idx.msk $0xffff, v4  }
0x15f: {  	v3 =	vld [tilespmem:s22+$0x70]  }
0x160: {  	v4 =	vld [tilespmem:s22+$0x80]  }
0x161: {  	v5 =	vadd.s32 v40, v2  }
0x162: {  	v61 =	vadd.s32 v41, v2;
	_ =	sdelay $0x1  }
0x163: {  	v3 =	vadd.f32 v3, v0  }
0x164: {  	v4 =	vadd.f32 v4, v1  }
0x165: {  	[tilespmem:v5+s20+$0x0] =	vst.idx.msk $0xffff, v3  }
0x166: {  	[tilespmem:v61+s20+$0x0] =	vst.idx.msk $0xffff, v4  }
0x167: {  	v3 =	vld [tilespmem:s22+$0x90]  }
0x168: {  	v4 =	vld [tilespmem:s22+$0xA0]  }
0x169: {  	v5 =	vadd.s32 v42, v2  }
0x16a: {  	v61 =	vadd.s32 v43, v2;
	_ =	sdelay $0x1  }
0x16b: {  	v3 =	vadd.f32 v3, v0  }
0x16c: {  	v4 =	vadd.f32 v4, v1  }
0x16d: {  	[tilespmem:v5+s20+$0x0] =	vst.idx.msk $0xffff, v3  }
0x16e: {  	[tilespmem:v61+s20+$0x0] =	vst.idx.msk $0xffff, v4  }
0x16f: {  	v3 =	vld [tilespmem:s22+$0xB0]  }
0x170: {  	v4 =	vld [tilespmem:s22+$0xC0]  }
0x171: {  	v5 =	vadd.s32 v44, v2  }
0x172: {  	v61 =	vadd.s32 v45, v2;
	_ =	sdelay $0x1  }
0x173: {  	v3 =	vadd.f32 v3, v0  }
0x174: {  	v4 =	vadd.f32 v4, v1  }
0x175: {  	[tilespmem:v5+s20+$0x0] =	vst.idx.msk $0xffff, v3  }
0x176: {  	[tilespmem:v61+s20+$0x0] =	vst.idx.msk $0xffff, v4  }
0x177: {  	v3 =	vld [tilespmem:s22+$0xD0];
	_ =	sdelay $0x2  }
0x178: {  	v4 =	vld [tilespmem:s22+$0xE0]  }
0x179: {  	v5 =	vadd.s32 v46, v2  }
0x17a: {  	v61 =	vadd.f32 v3, v0;
	v3 =	vadd.s32 v47, v2;
	_ =	sdelay $0x2  }
0x17b: {  	v4 =	vadd.f32 v4, v1  }
0x17c: {  	s24 =	simm.s32 $0x0;
	[tilespmem:v5+s20+$0x0] =	vst.idx.msk $0xffff, v61;
	v61 =	vimm.s32 $0x0  }
.LBB2_7:
0x17d: {  	s24 =	sadd.s32 $0x8, s24;
	[tilespmem:v3+s20+$0x0] =	vst.idx.msk $0xffff, v4;
	v61 =	vadd.s32 $0x8, v61;
	s22 =	sadd.s32 $0x100, s22;
	s23 =	simm.s32 $0x9410  }
0x17e: {  	v3 =	vld [tilespmem:s22+$0xFFFFFFF0];
	p1 =	slt.u32 s24, $0x78  }
0x17f: {  	v4 =	vld [tilespmem:s22+$0x0]  }
0x180: {  	v5 =	vadd.s32 v32, v61  }
0x181: {  	v62 =	vadd.s32 v33, v61;
	_ =	sdelay $0x1  }
0x182: {  	v3 =	vadd.f32 v3, v0  }
0x183: {  	v4 =	vadd.f32 v4, v1  }
0x184: {  	[tilespmem:v5+s20+$0x0] =	vst.idx.msk $0xffff, v3  }
0x185: {  	[tilespmem:v62+s20+$0x0] =	vst.idx.msk $0xffff, v4  }
0x186: {  	v3 =	vld [tilespmem:s22+$0x10]  }
0x187: {  	v4 =	vld [tilespmem:s22+$0x20]  }
0x188: {  	v5 =	vadd.s32 v34, v61  }
0x189: {  	v62 =	vadd.s32 v35, v61;
	_ =	sdelay $0x1  }
0x18a: {  	v3 =	vadd.f32 v3, v0  }
0x18b: {  	v4 =	vadd.f32 v4, v1  }
0x18c: {  	[tilespmem:v5+s20+$0x0] =	vst.idx.msk $0xffff, v3  }
0x18d: {  	[tilespmem:v62+s20+$0x0] =	vst.idx.msk $0xffff, v4  }
0x18e: {  	v3 =	vld [tilespmem:s22+$0x30]  }
0x18f: {  	v4 =	vld [tilespmem:s22+$0x40]  }
0x190: {  	v5 =	vadd.s32 v36, v61  }
0x191: {  	v62 =	vadd.s32 v37, v61;
	_ =	sdelay $0x1  }
0x192: {  	v3 =	vadd.f32 v3, v0  }
0x193: {  	v4 =	vadd.f32 v4, v1  }
0x194: {  	[tilespmem:v5+s20+$0x0] =	vst.idx.msk $0xffff, v3  }
0x195: {  	[tilespmem:v62+s20+$0x0] =	vst.idx.msk $0xffff, v4  }
0x196: {  	v3 =	vld [tilespmem:s22+$0x50]  }
0x197: {  	v4 =	vld [tilespmem:s22+$0x60]  }
0x198: {  	v5 =	vadd.s32 v38, v61  }
0x199: {  	v62 =	vadd.s32 v39, v61;
	_ =	sdelay $0x1  }
0x19a: {  	v3 =	vadd.f32 v3, v0  }
0x19b: {  	v4 =	vadd.f32 v4, v1  }
0x19c: {  	[tilespmem:v5+s20+$0x0] =	vst.idx.msk $0xffff, v3  }
0x19d: {  	[tilespmem:v62+s20+$0x0] =	vst.idx.msk $0xffff, v4  }
0x19e: {  	v3 =	vld [tilespmem:s22+$0x70]  }
0x19f: {  	v4 =	vld [tilespmem:s22+$0x80]  }
0x1a0: {  	v5 =	vadd.s32 v40, v61  }
0x1a1: {  	v62 =	vadd.s32 v41, v61;
	_ =	sdelay $0x1  }
0x1a2: {  	v3 =	vadd.f32 v3, v0  }
0x1a3: {  	v4 =	vadd.f32 v4, v1  }
0x1a4: {  	[tilespmem:v5+s20+$0x0] =	vst.idx.msk $0xffff, v3  }
0x1a5: {  	[tilespmem:v62+s20+$0x0] =	vst.idx.msk $0xffff, v4  }
0x1a6: {  	v3 =	vld [tilespmem:s22+$0x90]  }
0x1a7: {  	v4 =	vld [tilespmem:s22+$0xA0]  }
0x1a8: {  	v5 =	vadd.s32 v42, v61  }
0x1a9: {  	v62 =	vadd.s32 v43, v61;
	_ =	sdelay $0x1  }
0x1aa: {  	v3 =	vadd.f32 v3, v0  }
0x1ab: {  	v4 =	vadd.f32 v4, v1  }
0x1ac: {  	[tilespmem:v5+s20+$0x0] =	vst.idx.msk $0xffff, v3  }
0x1ad: {  	[tilespmem:v62+s20+$0x0] =	vst.idx.msk $0xffff, v4  }
0x1ae: {  	v3 =	vld [tilespmem:s22+$0xB0]  }
0x1af: {  	v4 =	vld [tilespmem:s22+$0xC0]  }
0x1b0: {  	v5 =	vadd.s32 v44, v61  }
0x1b1: {  	v62 =	vadd.s32 v45, v61;
	_ =	sdelay $0x1  }
0x1b2: {  	v3 =	vadd.f32 v3, v0  }
0x1b3: {  	v4 =	vadd.f32 v4, v1  }
0x1b4: {  	[tilespmem:v5+s20+$0x0] =	vst.idx.msk $0xffff, v3  }
0x1b5: {  	[tilespmem:v62+s20+$0x0] =	vst.idx.msk $0xffff, v4  }
0x1b6: {  	v4 =	vld [tilespmem:s22+$0xD0]  }
0x1b7: {  	v5 =	vld [tilespmem:s22+$0xE0]  }
0x1b8: {  	v62 =	vadd.s32 v46, v61  }
.Ltmp2:
0x1b9: {  	v3 =	vadd.s32 v47, v61;
	(pc) =	sbr.rel @p1 .LBB2_7-.Ltmp2, $4  }
0x1ba: {  	_ = 	snop  }
0x1bb: {  	v63 =	vadd.f32 v4, v0  }
0x1bc: {  	v4 =	vadd.f32 v5, v1  }
0x1bd: {  	[tilespmem:v62+s20+$0x0] =	vst.idx.msk $0xffff, v63  }
0x1be: {  	_ =	sdelay $0x3  }
0x1bf: {  	[tilespmem:v3+s20+$0x0] =	vst.idx.msk $0xffff, v4  }
0x1c0: {  	v3 =	vld [tilespmem:s23+$0xFFFFFFF0]  }
0x1c1: {  	v4 =	vld [tilespmem:s23+$0x0]  }
0x1c2: {  	v5 =	vadd.s32 v48, v2  }
0x1c3: {  	v61 =	vadd.s32 v49, v2;
	_ =	sdelay $0x1  }
0x1c4: {  	v3 =	vadd.f32 v3, v0  }
0x1c5: {  	v4 =	vadd.f32 v4, v1  }
0x1c6: {  	[tilespmem:v5+s20+$0x0] =	vst.idx.msk $0xffff, v3  }
0x1c7: {  	[tilespmem:v61+s20+$0x0] =	vst.idx.msk $0xffff, v4  }
0x1c8: {  	v3 =	vld [tilespmem:s23+$0x10]  }
0x1c9: {  	v4 =	vld [tilespmem:s23+$0x20]  }
0x1ca: {  	v5 =	vadd.s32 v50, v2  }
0x1cb: {  	v61 =	vadd.s32 v51, v2;
	_ =	sdelay $0x1  }
0x1cc: {  	v3 =	vadd.f32 v3, v0  }
0x1cd: {  	v4 =	vadd.f32 v4, v1  }
0x1ce: {  	[tilespmem:v5+s20+$0x0] =	vst.idx.msk $0xffff, v3  }
0x1cf: {  	[tilespmem:v61+s20+$0x0] =	vst.idx.msk $0xffff, v4  }
0x1d0: {  	v3 =	vld [tilespmem:s23+$0x30]  }
0x1d1: {  	v4 =	vld [tilespmem:s23+$0x40]  }
0x1d2: {  	v5 =	vadd.s32 v52, v2  }
0x1d3: {  	v61 =	vadd.s32 v53, v2;
	_ =	sdelay $0x1  }
0x1d4: {  	v3 =	vadd.f32 v3, v0  }
0x1d5: {  	v4 =	vadd.f32 v4, v1  }
0x1d6: {  	[tilespmem:v5+s20+$0x0] =	vst.idx.msk $0xffff, v3  }
0x1d7: {  	[tilespmem:v61+s20+$0x0] =	vst.idx.msk $0xffff, v4  }
0x1d8: {  	v3 =	vld [tilespmem:s23+$0x50]  }
0x1d9: {  	v4 =	vld [tilespmem:s23+$0x60]  }
0x1da: {  	v5 =	vadd.s32 v54, v2  }
0x1db: {  	v61 =	vadd.s32 v55, v2;
	_ =	sdelay $0x1  }
0x1dc: {  	v3 =	vadd.f32 v3, v0  }
0x1dd: {  	v4 =	vadd.f32 v4, v1  }
0x1de: {  	[tilespmem:v5+s20+$0x0] =	vst.idx.msk $0xffff, v3  }
0x1df: {  	[tilespmem:v61+s20+$0x0] =	vst.idx.msk $0xffff, v4  }
0x1e0: {  	v3 =	vld [tilespmem:s23+$0x70]  }
0x1e1: {  	v4 =	vld [tilespmem:s23+$0x80]  }
0x1e2: {  	v5 =	vadd.s32 v56, v2  }
0x1e3: {  	v61 =	vadd.s32 v57, v2;
	_ =	sdelay $0x1  }
0x1e4: {  	v3 =	vadd.f32 v3, v0  }
0x1e5: {  	v4 =	vadd.f32 v4, v1  }
0x1e6: {  	[tilespmem:v5+s20+$0x0] =	vst.idx.msk $0xffff, v3  }
0x1e7: {  	[tilespmem:v61+s20+$0x0] =	vst.idx.msk $0xffff, v4  }
0x1e8: {  	v3 =	vld [tilespmem:s23+$0x90]  }
0x1e9: {  	v4 =	vld [tilespmem:s23+$0xA0]  }
0x1ea: {  	v5 =	vadd.s32 v58, v2  }
0x1eb: {  	v61 =	vadd.s32 v59, v2;
	_ =	sdelay $0x1  }
0x1ec: {  	v3 =	vadd.f32 v3, v0  }
0x1ed: {  	v4 =	vadd.f32 v4, v1  }
0x1ee: {  	[tilespmem:v5+s20+$0x0] =	vst.idx.msk $0xffff, v3  }
0x1ef: {  	[tilespmem:v61+s20+$0x0] =	vst.idx.msk $0xffff, v4  }
0x1f0: {  	v3 =	vld [tilespmem:s23+$0xB0]  }
0x1f1: {  	v4 =	vld [tilespmem:s23+$0xC0]  }
0x1f2: {  	v5 =	vadd.s32 v60, v2;
	v61 =	vadd.s32 $0x3B86, v8  }
0x1f3: {  	v62 =	vadd.s32 v61, v2;
	_ =	sdelay $0x1  }
0x1f4: {  	v3 =	vadd.f32 v3, v0  }
0x1f5: {  	v4 =	vadd.f32 v4, v1  }
0x1f6: {  	[tilespmem:v5+s20+$0x0] =	vst.idx.msk $0xffff, v3  }
0x1f7: {  	[tilespmem:v62+s20+$0x0] =	vst.idx.msk $0xffff, v4  }
0x1f8: {  	v3 =	vld [tilespmem:s23+$0xD0];
	_ =	sdelay $0x2  }
0x1f9: {  	v62 =	vadd.s32 $0x3307, v8;
	v4 =	vld [tilespmem:s23+$0xE0]  }
0x1fa: {  	v63 =	vadd.s32 $0x3B87, v8;
	v6 =	vadd.s32 v62, v2  }
0x1fb: {  	v9 =	vld [tilespmem:$0x1FEF0];
	v5 =	vadd.f32 v3, v0;
	v3 =	vadd.s32 v63, v2  }
0x1fc: {  	v10 =	vld [tilespmem:$0x1FF00]  }
0x1fd: {  	v11 =	vld [tilespmem:$0x1FF10]  }
0x1fe: {  	v12 =	vld [tilespmem:$0x1FF20];
	v4 =	vadd.f32 v4, v1  }
0x1ff: {  	s22 =	simm.s32 $0x0;
	v13 =	vld [tilespmem:$0x1FF30];
	[tilespmem:v6+s20+$0x0] =	vst.idx.msk $0xffff, v5  }
.LBB2_9:
0x200: {  	s22 =	sadd.s32 $0x8, s22;
	[tilespmem:v3+s20+$0x0] =	vst.idx.msk $0xffff, v4;
	v2 =	vadd.s32 $0x8, v2;
	s23 =	sadd.s32 $0x100, s23  }
0x201: {  	v3 =	vld [tilespmem:s23+$0xFFFFFFF0];
	p1 =	slt.u32 s22, $0x78  }
0x202: {  	v4 =	vld [tilespmem:s23+$0x0]  }
0x203: {  	v5 =	vadd.s32 v48, v2  }
0x204: {  	v6 =	vadd.s32 v49, v2;
	_ =	sdelay $0x1  }
0x205: {  	v3 =	vadd.f32 v3, v0  }
0x206: {  	v4 =	vadd.f32 v4, v1  }
0x207: {  	[tilespmem:v5+s20+$0x0] =	vst.idx.msk $0xffff, v3  }
0x208: {  	[tilespmem:v6+s20+$0x0] =	vst.idx.msk $0xffff, v4  }
0x209: {  	v3 =	vld [tilespmem:s23+$0x10]  }
0x20a: {  	v4 =	vld [tilespmem:s23+$0x20]  }
0x20b: {  	v5 =	vadd.s32 v50, v2  }
0x20c: {  	v6 =	vadd.s32 v51, v2;
	_ =	sdelay $0x1  }
0x20d: {  	v3 =	vadd.f32 v3, v0  }
0x20e: {  	v4 =	vadd.f32 v4, v1  }
0x20f: {  	[tilespmem:v5+s20+$0x0] =	vst.idx.msk $0xffff, v3  }
0x210: {  	[tilespmem:v6+s20+$0x0] =	vst.idx.msk $0xffff, v4  }
0x211: {  	v3 =	vld [tilespmem:s23+$0x30]  }
0x212: {  	v4 =	vld [tilespmem:s23+$0x40]  }
0x213: {  	v5 =	vadd.s32 v52, v2  }
0x214: {  	v6 =	vadd.s32 v53, v2;
	_ =	sdelay $0x1  }
0x215: {  	v3 =	vadd.f32 v3, v0  }
0x216: {  	v4 =	vadd.f32 v4, v1  }
0x217: {  	[tilespmem:v5+s20+$0x0] =	vst.idx.msk $0xffff, v3  }
0x218: {  	[tilespmem:v6+s20+$0x0] =	vst.idx.msk $0xffff, v4  }
0x219: {  	v3 =	vld [tilespmem:s23+$0x50]  }
0x21a: {  	v4 =	vld [tilespmem:s23+$0x60]  }
0x21b: {  	v5 =	vadd.s32 v54, v2  }
0x21c: {  	v6 =	vadd.s32 v55, v2;
	_ =	sdelay $0x1  }
0x21d: {  	v3 =	vadd.f32 v3, v0  }
0x21e: {  	v4 =	vadd.f32 v4, v1  }
0x21f: {  	[tilespmem:v5+s20+$0x0] =	vst.idx.msk $0xffff, v3  }
0x220: {  	[tilespmem:v6+s20+$0x0] =	vst.idx.msk $0xffff, v4  }
0x221: {  	v3 =	vld [tilespmem:s23+$0x70]  }
0x222: {  	v4 =	vld [tilespmem:s23+$0x80]  }
0x223: {  	v5 =	vadd.s32 v56, v2  }
0x224: {  	v6 =	vadd.s32 v57, v2;
	_ =	sdelay $0x1  }
0x225: {  	v3 =	vadd.f32 v3, v0  }
0x226: {  	v4 =	vadd.f32 v4, v1  }
0x227: {  	[tilespmem:v5+s20+$0x0] =	vst.idx.msk $0xffff, v3  }
0x228: {  	[tilespmem:v6+s20+$0x0] =	vst.idx.msk $0xffff, v4  }
0x229: {  	v3 =	vld [tilespmem:s23+$0x90]  }
0x22a: {  	v4 =	vld [tilespmem:s23+$0xA0]  }
0x22b: {  	v5 =	vadd.s32 v58, v2  }
0x22c: {  	v6 =	vadd.s32 v59, v2;
	_ =	sdelay $0x1  }
0x22d: {  	v3 =	vadd.f32 v3, v0  }
0x22e: {  	v4 =	vadd.f32 v4, v1  }
0x22f: {  	[tilespmem:v5+s20+$0x0] =	vst.idx.msk $0xffff, v3  }
0x230: {  	[tilespmem:v6+s20+$0x0] =	vst.idx.msk $0xffff, v4  }
0x231: {  	v3 =	vld [tilespmem:s23+$0xB0]  }
0x232: {  	v4 =	vld [tilespmem:s23+$0xC0]  }
0x233: {  	v5 =	vadd.s32 v60, v2  }
0x234: {  	v6 =	vadd.s32 v61, v2;
	_ =	sdelay $0x1  }
0x235: {  	v3 =	vadd.f32 v3, v0  }
0x236: {  	v4 =	vadd.f32 v4, v1  }
0x237: {  	[tilespmem:v5+s20+$0x0] =	vst.idx.msk $0xffff, v3  }
0x238: {  	[tilespmem:v6+s20+$0x0] =	vst.idx.msk $0xffff, v4  }
0x239: {  	v4 =	vld [tilespmem:s23+$0xD0]  }
0x23a: {  	v5 =	vld [tilespmem:s23+$0xE0]  }
0x23b: {  	v6 =	vadd.s32 v62, v2  }
.Ltmp3:
0x23c: {  	v3 =	vadd.s32 v63, v2;
	(pc) =	sbr.rel @p1 .LBB2_9-.Ltmp3, $4  }
0x23d: {  	_ = 	snop  }
0x23e: {  	v7 =	vadd.f32 v4, v0  }
0x23f: {  	v4 =	vadd.f32 v5, v1  }
0x240: {  	[tilespmem:v6+s20+$0x0] =	vst.idx.msk $0xffff, v7  }
0x241: {  	s21 =	sadd.s32 s5, s21  }
0x242: {  	s21 =	sshll.u32 s21, $0x11  }
0x243: {  	s21 =	sor.u32 s8, s21  }
0x244: {  	s21 =	sshrl.u32 s21, $0x3  }
0x245: {  	[tilespmem:v3+s20+$0x0] =	vst.idx.msk $0xffff, v4;
	s22 =	sadd.s32 s2, s21  }
0x246: {  	[hbm4b:s22+s3] =	stream.linear.scatter [tilespmem:s20], [sflag:$0x3], $0x80, $0x38;
	[tilespmem:$0x17440] =	vst v63  }
0x247: {  	s24 =	simm.s32 $0xE688;
	s23 =	sadd.s32 $0x10, s22  }
0x248: {  	[hbm4b:s23+s3] =	stream.linear.scatter [tilespmem:s24], [sflag:$0x3], $0x80, $0x38;
	[tilespmem:$0x17440] =	vst v63  }
0x249: {  	s23 =	sadd.s32 $0x20, s22;
	s24 =	simm.s32 $0xE710  }
0x24a: {  	[hbm4b:s23+s3] =	stream.linear.scatter [tilespmem:s24], [sflag:$0x3], $0x80, $0x38;
	[tilespmem:$0x17440] =	vst v63  }
0x24b: {  	s23 =	sadd.s32 $0x30, s22;
	s24 =	simm.s32 $0xE798  }
0x24c: {  	[hbm4b:s23+s3] =	stream.linear.scatter [tilespmem:s24], [sflag:$0x3], $0x80, $0x38;
	[tilespmem:$0x17440] =	vst v63  }
0x24d: {  	s23 =	sadd.s32 $0x40, s22;
	s24 =	simm.s32 $0xE820  }
0x24e: {  	[hbm4b:s23+s3] =	stream.linear.scatter [tilespmem:s24], [sflag:$0x3], $0x80, $0x38;
	[tilespmem:$0x17440] =	vst v63  }
0x24f: {  	s23 =	sadd.s32 $0x50, s22;
	s24 =	simm.s32 $0xE8A8  }
0x250: {  	[hbm4b:s23+s3] =	stream.linear.scatter [tilespmem:s24], [sflag:$0x3], $0x80, $0x38;
	[tilespmem:$0x17440] =	vst v63  }
0x251: {  	s23 =	sadd.s32 $0x60, s22;
	s24 =	simm.s32 $0xE930  }
0x252: {  	[hbm4b:s23+s3] =	stream.linear.scatter [tilespmem:s24], [sflag:$0x3], $0x80, $0x38;
	[tilespmem:$0x17440] =	vst v63  }
0x253: {  	s23 =	sadd.s32 $0x70, s22;
	s24 =	simm.s32 $0xE9B8  }
0x254: {  	[hbm4b:s23+s3] =	stream.linear.scatter [tilespmem:s24], [sflag:$0x3], $0x80, $0x38;
	[tilespmem:$0x17440] =	vst v63  }
0x255: {  	s23 =	sadd.s32 $0x80, s22;
	s24 =	simm.s32 $0xF700  }
0x256: {  	[hbm4b:s23+s3] =	stream.linear.scatter [tilespmem:s24], [sflag:$0x3], $0x80, $0x38;
	[tilespmem:$0x17440] =	vst v63  }
0x257: {  	s23 =	sadd.s32 $0x90, s22;
	s24 =	simm.s32 $0xF788  }
0x258: {  	[hbm4b:s23+s3] =	stream.linear.scatter [tilespmem:s24], [sflag:$0x3], $0x80, $0x38;
	[tilespmem:$0x17440] =	vst v63  }
0x259: {  	s23 =	sadd.s32 $0xA0, s22;
	s24 =	simm.s32 $0xF810  }
0x25a: {  	[hbm4b:s23+s3] =	stream.linear.scatter [tilespmem:s24], [sflag:$0x3], $0x80, $0x38;
	[tilespmem:$0x17440] =	vst v63  }
0x25b: {  	s23 =	sadd.s32 $0xB0, s22;
	s24 =	simm.s32 $0xF898  }
0x25c: {  	[hbm4b:s23+s3] =	stream.linear.scatter [tilespmem:s24], [sflag:$0x3], $0x80, $0x38;
	[tilespmem:$0x17440] =	vst v63  }
0x25d: {  	s23 =	sadd.s32 $0xC0, s22;
	s24 =	simm.s32 $0xF920  }
0x25e: {  	[hbm4b:s23+s3] =	stream.linear.scatter [tilespmem:s24], [sflag:$0x3], $0x80, $0x38;
	[tilespmem:$0x17440] =	vst v63  }
0x25f: {  	s23 =	sadd.s32 $0xD0, s22;
	s24 =	simm.s32 $0xF9A8  }
0x260: {  	[hbm4b:s23+s3] =	stream.linear.scatter [tilespmem:s24], [sflag:$0x3], $0x80, $0x38;
	[tilespmem:$0x17440] =	vst v63  }
0x261: {  	s23 =	sadd.s32 $0xE0, s22;
	s24 =	simm.s32 $0xFA30  }
0x262: {  	[hbm4b:s23+s3] =	stream.linear.scatter [tilespmem:s24], [sflag:$0x3], $0x80, $0x38;
	[tilespmem:$0x17440] =	vst v63  }
0x263: {  	s23 =	sadd.s32 $0xF0, s22;
	s24 =	simm.s32 $0xFAB8  }
0x264: {  	[hbm4b:s23+s3] =	stream.linear.scatter [tilespmem:s24], [sflag:$0x3], $0x80, $0x38;
	[tilespmem:$0x17440] =	vst v63  }
0x265: {  	s23 =	sadd.s32 $0x100, s22;
	s24 =	simm.s32 $0x10800  }
0x266: {  	[hbm4b:s23+s3] =	stream.linear.scatter [tilespmem:s24], [sflag:$0x3], $0x80, $0x38;
	[tilespmem:$0x17440] =	vst v63  }
0x267: {  	s23 =	sadd.s32 $0x110, s22;
	s24 =	simm.s32 $0x10888  }
0x268: {  	[hbm4b:s23+s3] =	stream.linear.scatter [tilespmem:s24], [sflag:$0x3], $0x80, $0x38;
	[tilespmem:$0x17440] =	vst v63  }
0x269: {  	s23 =	sadd.s32 $0x120, s22;
	s24 =	simm.s32 $0x10910  }
0x26a: {  	[hbm4b:s23+s3] =	stream.linear.scatter [tilespmem:s24], [sflag:$0x3], $0x80, $0x38;
	[tilespmem:$0x17440] =	vst v63  }
0x26b: {  	s23 =	sadd.s32 $0x130, s22;
	s24 =	simm.s32 $0x10998  }
0x26c: {  	[hbm4b:s23+s3] =	stream.linear.scatter [tilespmem:s24], [sflag:$0x3], $0x80, $0x38;
	[tilespmem:$0x17440] =	vst v63  }
0x26d: {  	s23 =	sadd.s32 $0x140, s22;
	s24 =	simm.s32 $0x10A20  }
0x26e: {  	[hbm4b:s23+s3] =	stream.linear.scatter [tilespmem:s24], [sflag:$0x3], $0x80, $0x38;
	[tilespmem:$0x17440] =	vst v63  }
0x26f: {  	s23 =	sadd.s32 $0x150, s22;
	s24 =	simm.s32 $0x10AA8  }
0x270: {  	[hbm4b:s23+s3] =	stream.linear.scatter [tilespmem:s24], [sflag:$0x3], $0x80, $0x38;
	[tilespmem:$0x17440] =	vst v63  }
0x271: {  	s23 =	sadd.s32 $0x160, s22;
	s24 =	simm.s32 $0x10B30  }
0x272: {  	[hbm4b:s23+s3] =	stream.linear.scatter [tilespmem:s24], [sflag:$0x3], $0x80, $0x38;
	[tilespmem:$0x17440] =	vst v63  }
0x273: {  	s23 =	sadd.s32 $0x170, s22;
	s24 =	simm.s32 $0x10BB8  }
0x274: {  	[hbm4b:s23+s3] =	stream.linear.scatter [tilespmem:s24], [sflag:$0x3], $0x80, $0x38;
	[tilespmem:$0x17440] =	vst v63  }
0x275: {  	s23 =	sadd.s32 $0x180, s22;
	s24 =	simm.s32 $0x11900  }
0x276: {  	[hbm4b:s23+s3] =	stream.linear.scatter [tilespmem:s24], [sflag:$0x3], $0x80, $0x38;
	[tilespmem:$0x17440] =	vst v63  }
0x277: {  	s23 =	sadd.s32 $0x190, s22;
	s24 =	simm.s32 $0x11988  }
0x278: {  	[hbm4b:s23+s3] =	stream.linear.scatter [tilespmem:s24], [sflag:$0x3], $0x80, $0x38;
	[tilespmem:$0x17440] =	vst v63  }
0x279: {  	s23 =	sadd.s32 $0x1A0, s22;
	s24 =	simm.s32 $0x11A10  }
0x27a: {  	[hbm4b:s23+s3] =	stream.linear.scatter [tilespmem:s24], [sflag:$0x3], $0x80, $0x38;
	[tilespmem:$0x17440] =	vst v63  }
0x27b: {  	s23 =	sadd.s32 $0x1B0, s22;
	s24 =	simm.s32 $0x11A98  }
0x27c: {  	[hbm4b:s23+s3] =	stream.linear.scatter [tilespmem:s24], [sflag:$0x3], $0x80, $0x38;
	[tilespmem:$0x17440] =	vst v63  }
0x27d: {  	s23 =	sadd.s32 $0x1C0, s22;
	s24 =	simm.s32 $0x11B20  }
0x27e: {  	[hbm4b:s23+s3] =	stream.linear.scatter [tilespmem:s24], [sflag:$0x3], $0x80, $0x38;
	[tilespmem:$0x17440] =	vst v63  }
0x27f: {  	s23 =	sadd.s32 $0x1D0, s22;
	s24 =	simm.s32 $0x11BA8  }
0x280: {  	[hbm4b:s23+s3] =	stream.linear.scatter [tilespmem:s24], [sflag:$0x3], $0x80, $0x38;
	[tilespmem:$0x17440] =	vst v63  }
0x281: {  	s23 =	sadd.s32 $0x1E0, s22;
	s24 =	simm.s32 $0x11C30  }
0x282: {  	[hbm4b:s23+s3] =	stream.linear.scatter [tilespmem:s24], [sflag:$0x3], $0x80, $0x38;
	[tilespmem:$0x17440] =	vst v63  }
0x283: {  	s22 =	sadd.s32 $0x1F0, s22;
	s24 =	simm.s32 $0x11CB8  }
0x284: {  	[hbm4b:s22+s3] =	stream.linear.scatter [tilespmem:s24], [sflag:$0x3], $0x80, $0x38;
	[tilespmem:$0x17440] =	vst v63  }
0x285: {  	s22 =	sadd.s32 s21, s9;
	s24 =	simm.s32 $0xEA40  }
0x286: {  	[hbm4b:s22+s3] =	stream.linear.scatter [tilespmem:s24], [sflag:$0x3], $0x80, $0x38;
	[tilespmem:$0x17440] =	vst v63  }
0x287: {  	s23 =	sadd.s32 $0x10, s22;
	s24 =	simm.s32 $0xEAC8  }
0x288: {  	[hbm4b:s23+s3] =	stream.linear.scatter [tilespmem:s24], [sflag:$0x3], $0x80, $0x38;
	[tilespmem:$0x17440] =	vst v63  }
0x289: {  	s23 =	sadd.s32 $0x20, s22;
	s24 =	simm.s32 $0xEB50  }
0x28a: {  	[hbm4b:s23+s3] =	stream.linear.scatter [tilespmem:s24], [sflag:$0x3], $0x80, $0x38;
	[tilespmem:$0x17440] =	vst v63  }
0x28b: {  	s23 =	sadd.s32 $0x30, s22;
	s24 =	simm.s32 $0xEBD8  }
0x28c: {  	[hbm4b:s23+s3] =	stream.linear.scatter [tilespmem:s24], [sflag:$0x3], $0x80, $0x38;
	[tilespmem:$0x17440] =	vst v63  }
0x28d: {  	s23 =	sadd.s32 $0x40, s22;
	s24 =	simm.s32 $0xEC60  }
0x28e: {  	[hbm4b:s23+s3] =	stream.linear.scatter [tilespmem:s24], [sflag:$0x3], $0x80, $0x38;
	[tilespmem:$0x17440] =	vst v63  }
0x28f: {  	s23 =	sadd.s32 $0x50, s22;
	s24 =	simm.s32 $0xECE8  }
0x290: {  	[hbm4b:s23+s3] =	stream.linear.scatter [tilespmem:s24], [sflag:$0x3], $0x80, $0x38;
	[tilespmem:$0x17440] =	vst v63  }
0x291: {  	s23 =	sadd.s32 $0x60, s22;
	s24 =	simm.s32 $0xED70  }
0x292: {  	[hbm4b:s23+s3] =	stream.linear.scatter [tilespmem:s24], [sflag:$0x3], $0x80, $0x38;
	[tilespmem:$0x17440] =	vst v63  }
0x293: {  	s23 =	sadd.s32 $0x70, s22;
	s24 =	simm.s32 $0xEDF8  }
0x294: {  	[hbm4b:s23+s3] =	stream.linear.scatter [tilespmem:s24], [sflag:$0x3], $0x80, $0x38;
	[tilespmem:$0x17440] =	vst v63  }
0x295: {  	s23 =	sadd.s32 $0x80, s22;
	s24 =	simm.s32 $0xFB40  }
0x296: {  	[hbm4b:s23+s3] =	stream.linear.scatter [tilespmem:s24], [sflag:$0x3], $0x80, $0x38;
	[tilespmem:$0x17440] =	vst v63  }
0x297: {  	s23 =	sadd.s32 $0x90, s22;
	s24 =	simm.s32 $0xFBC8  }
0x298: {  	[hbm4b:s23+s3] =	stream.linear.scatter [tilespmem:s24], [sflag:$0x3], $0x80, $0x38;
	[tilespmem:$0x17440] =	vst v63  }
0x299: {  	s23 =	sadd.s32 $0xA0, s22;
	s24 =	simm.s32 $0xFC50  }
0x29a: {  	[hbm4b:s23+s3] =	stream.linear.scatter [tilespmem:s24], [sflag:$0x3], $0x80, $0x38;
	[tilespmem:$0x17440] =	vst v63  }
0x29b: {  	s23 =	sadd.s32 $0xB0, s22;
	s24 =	simm.s32 $0xFCD8  }
0x29c: {  	[hbm4b:s23+s3] =	stream.linear.scatter [tilespmem:s24], [sflag:$0x3], $0x80, $0x38;
	[tilespmem:$0x17440] =	vst v63  }
0x29d: {  	s23 =	sadd.s32 $0xC0, s22;
	s24 =	simm.s32 $0xFD60  }
0x29e: {  	[hbm4b:s23+s3] =	stream.linear.scatter [tilespmem:s24], [sflag:$0x3], $0x80, $0x38;
	[tilespmem:$0x17440] =	vst v63  }
0x29f: {  	s23 =	sadd.s32 $0xD0, s22;
	s24 =	simm.s32 $0xFDE8  }
0x2a0: {  	[hbm4b:s23+s3] =	stream.linear.scatter [tilespmem:s24], [sflag:$0x3], $0x80, $0x38;
	[tilespmem:$0x17440] =	vst v63  }
0x2a1: {  	s23 =	sadd.s32 $0xE0, s22;
	s24 =	simm.s32 $0xFE70  }
0x2a2: {  	[hbm4b:s23+s3] =	stream.linear.scatter [tilespmem:s24], [sflag:$0x3], $0x80, $0x38;
	[tilespmem:$0x17440] =	vst v63  }
0x2a3: {  	s23 =	sadd.s32 $0xF0, s22;
	s24 =	simm.s32 $0xFEF8  }
0x2a4: {  	[hbm4b:s23+s3] =	stream.linear.scatter [tilespmem:s24], [sflag:$0x3], $0x80, $0x38;
	[tilespmem:$0x17440] =	vst v63  }
0x2a5: {  	s23 =	sadd.s32 $0x100, s22;
	s24 =	simm.s32 $0x10C40  }
0x2a6: {  	[hbm4b:s23+s3] =	stream.linear.scatter [tilespmem:s24], [sflag:$0x3], $0x80, $0x38;
	[tilespmem:$0x17440] =	vst v63  }
0x2a7: {  	s23 =	sadd.s32 $0x110, s22;
	s24 =	simm.s32 $0x10CC8  }
0x2a8: {  	[hbm4b:s23+s3] =	stream.linear.scatter [tilespmem:s24], [sflag:$0x3], $0x80, $0x38;
	[tilespmem:$0x17440] =	vst v63  }
0x2a9: {  	s23 =	sadd.s32 $0x120, s22;
	s24 =	simm.s32 $0x10D50  }
0x2aa: {  	[hbm4b:s23+s3] =	stream.linear.scatter [tilespmem:s24], [sflag:$0x3], $0x80, $0x38;
	[tilespmem:$0x17440] =	vst v63  }
0x2ab: {  	s23 =	sadd.s32 $0x130, s22;
	s24 =	simm.s32 $0x10DD8  }
0x2ac: {  	[hbm4b:s23+s3] =	stream.linear.scatter [tilespmem:s24], [sflag:$0x3], $0x80, $0x38;
	[tilespmem:$0x17440] =	vst v63  }
0x2ad: {  	s23 =	sadd.s32 $0x140, s22;
	s24 =	simm.s32 $0x10E60  }
0x2ae: {  	[hbm4b:s23+s3] =	stream.linear.scatter [tilespmem:s24], [sflag:$0x3], $0x80, $0x38;
	[tilespmem:$0x17440] =	vst v63  }
0x2af: {  	s23 =	sadd.s32 $0x150, s22;
	s24 =	simm.s32 $0x10EE8  }
0x2b0: {  	[hbm4b:s23+s3] =	stream.linear.scatter [tilespmem:s24], [sflag:$0x3], $0x80, $0x38;
	[tilespmem:$0x17440] =	vst v63  }
0x2b1: {  	s23 =	sadd.s32 $0x160, s22;
	s24 =	simm.s32 $0x10F70  }
0x2b2: {  	[hbm4b:s23+s3] =	stream.linear.scatter [tilespmem:s24], [sflag:$0x3], $0x80, $0x38;
	[tilespmem:$0x17440] =	vst v63  }
0x2b3: {  	s23 =	sadd.s32 $0x170, s22;
	s24 =	simm.s32 $0x10FF8  }
0x2b4: {  	[hbm4b:s23+s3] =	stream.linear.scatter [tilespmem:s24], [sflag:$0x3], $0x80, $0x38;
	[tilespmem:$0x17440] =	vst v63  }
0x2b5: {  	s23 =	sadd.s32 $0x180, s22;
	s24 =	simm.s32 $0x11D40  }
0x2b6: {  	[hbm4b:s23+s3] =	stream.linear.scatter [tilespmem:s24], [sflag:$0x3], $0x80, $0x38;
	[tilespmem:$0x17440] =	vst v63  }
0x2b7: {  	s23 =	sadd.s32 $0x190, s22;
	s24 =	simm.s32 $0x11DC8  }
0x2b8: {  	[hbm4b:s23+s3] =	stream.linear.scatter [tilespmem:s24], [sflag:$0x3], $0x80, $0x38;
	[tilespmem:$0x17440] =	vst v63  }
0x2b9: {  	s23 =	sadd.s32 $0x1A0, s22;
	s24 =	simm.s32 $0x11E50  }
0x2ba: {  	[hbm4b:s23+s3] =	stream.linear.scatter [tilespmem:s24], [sflag:$0x3], $0x80, $0x38;
	[tilespmem:$0x17440] =	vst v63  }
0x2bb: {  	s23 =	sadd.s32 $0x1B0, s22;
	s24 =	simm.s32 $0x11ED8  }
0x2bc: {  	[hbm4b:s23+s3] =	stream.linear.scatter [tilespmem:s24], [sflag:$0x3], $0x80, $0x38;
	[tilespmem:$0x17440] =	vst v63  }
0x2bd: {  	s23 =	sadd.s32 $0x1C0, s22;
	s24 =	simm.s32 $0x11F60  }
0x2be: {  	[hbm4b:s23+s3] =	stream.linear.scatter [tilespmem:s24], [sflag:$0x3], $0x80, $0x38;
	[tilespmem:$0x17440] =	vst v63  }
0x2bf: {  	s23 =	sadd.s32 $0x1D0, s22;
	s24 =	simm.s32 $0x11FE8  }
0x2c0: {  	[hbm4b:s23+s3] =	stream.linear.scatter [tilespmem:s24], [sflag:$0x3], $0x80, $0x38;
	[tilespmem:$0x17440] =	vst v63  }
0x2c1: {  	s23 =	sadd.s32 $0x1E0, s22;
	s24 =	simm.s32 $0x12070  }
0x2c2: {  	[hbm4b:s23+s3] =	stream.linear.scatter [tilespmem:s24], [sflag:$0x3], $0x80, $0x38;
	[tilespmem:$0x17440] =	vst v63  }
0x2c3: {  	s22 =	sadd.s32 $0x1F0, s22;
	s24 =	simm.s32 $0x120F8  }
0x2c4: {  	[hbm4b:s22+s3] =	stream.linear.scatter [tilespmem:s24], [sflag:$0x3], $0x80, $0x38;
	[tilespmem:$0x17440] =	vst v63  }
0x2c5: {  	s22 =	sadd.s32 s21, s10;
	s24 =	simm.s32 $0xEE80  }
0x2c6: {  	[hbm4b:s22+s3] =	stream.linear.scatter [tilespmem:s24], [sflag:$0x3], $0x80, $0x38;
	[tilespmem:$0x17440] =	vst v63  }
0x2c7: {  	s23 =	sadd.s32 $0x10, s22;
	s24 =	simm.s32 $0xEF08  }
0x2c8: {  	[hbm4b:s23+s3] =	stream.linear.scatter [tilespmem:s24], [sflag:$0x3], $0x80, $0x38;
	[tilespmem:$0x17440] =	vst v63  }
0x2c9: {  	s23 =	sadd.s32 $0x20, s22;
	s24 =	simm.s32 $0xEF90  }
0x2ca: {  	[hbm4b:s23+s3] =	stream.linear.scatter [tilespmem:s24], [sflag:$0x3], $0x80, $0x38;
	[tilespmem:$0x17440] =	vst v63  }
0x2cb: {  	s23 =	sadd.s32 $0x30, s22;
	s24 =	simm.s32 $0xF018  }
0x2cc: {  	[hbm4b:s23+s3] =	stream.linear.scatter [tilespmem:s24], [sflag:$0x3], $0x80, $0x38;
	[tilespmem:$0x17440] =	vst v63  }
0x2cd: {  	s23 =	sadd.s32 $0x40, s22;
	s24 =	simm.s32 $0xF0A0  }
0x2ce: {  	[hbm4b:s23+s3] =	stream.linear.scatter [tilespmem:s24], [sflag:$0x3], $0x80, $0x38;
	[tilespmem:$0x17440] =	vst v63  }
0x2cf: {  	s23 =	sadd.s32 $0x50, s22;
	s24 =	simm.s32 $0xF128  }
0x2d0: {  	[hbm4b:s23+s3] =	stream.linear.scatter [tilespmem:s24], [sflag:$0x3], $0x80, $0x38;
	[tilespmem:$0x17440] =	vst v63  }
0x2d1: {  	s23 =	sadd.s32 $0x60, s22;
	s24 =	simm.s32 $0xF1B0  }
0x2d2: {  	[hbm4b:s23+s3] =	stream.linear.scatter [tilespmem:s24], [sflag:$0x3], $0x80, $0x38;
	[tilespmem:$0x17440] =	vst v63  }
0x2d3: {  	s23 =	sadd.s32 $0x70, s22;
	s24 =	simm.s32 $0xF238  }
0x2d4: {  	[hbm4b:s23+s3] =	stream.linear.scatter [tilespmem:s24], [sflag:$0x3], $0x80, $0x38;
	[tilespmem:$0x17440] =	vst v63  }
0x2d5: {  	s23 =	sadd.s32 $0x80, s22;
	s24 =	simm.s32 $0xFF80  }
0x2d6: {  	[hbm4b:s23+s3] =	stream.linear.scatter [tilespmem:s24], [sflag:$0x3], $0x80, $0x38;
	[tilespmem:$0x17440] =	vst v63  }
0x2d7: {  	s23 =	sadd.s32 $0x90, s22;
	s24 =	simm.s32 $0x10008  }
0x2d8: {  	[hbm4b:s23+s3] =	stream.linear.scatter [tilespmem:s24], [sflag:$0x3], $0x80, $0x38;
	[tilespmem:$0x17440] =	vst v63  }
0x2d9: {  	s23 =	sadd.s32 $0xA0, s22;
	s24 =	simm.s32 $0x10090  }
0x2da: {  	[hbm4b:s23+s3] =	stream.linear.scatter [tilespmem:s24], [sflag:$0x3], $0x80, $0x38;
	[tilespmem:$0x17440] =	vst v63  }
0x2db: {  	s23 =	sadd.s32 $0xB0, s22;
	s24 =	simm.s32 $0x10118  }
0x2dc: {  	[hbm4b:s23+s3] =	stream.linear.scatter [tilespmem:s24], [sflag:$0x3], $0x80, $0x38;
	[tilespmem:$0x17440] =	vst v63  }
0x2dd: {  	s23 =	sadd.s32 $0xC0, s22;
	s24 =	simm.s32 $0x101A0  }
0x2de: {  	[hbm4b:s23+s3] =	stream.linear.scatter [tilespmem:s24], [sflag:$0x3], $0x80, $0x38;
	[tilespmem:$0x17440] =	vst v63  }
0x2df: {  	s23 =	sadd.s32 $0xD0, s22;
	s24 =	simm.s32 $0x10228  }
0x2e0: {  	[hbm4b:s23+s3] =	stream.linear.scatter [tilespmem:s24], [sflag:$0x3], $0x80, $0x38;
	[tilespmem:$0x17440] =	vst v63  }
0x2e1: {  	s23 =	sadd.s32 $0xE0, s22;
	s24 =	simm.s32 $0x102B0  }
0x2e2: {  	[hbm4b:s23+s3] =	stream.linear.scatter [tilespmem:s24], [sflag:$0x3], $0x80, $0x38;
	[tilespmem:$0x17440] =	vst v63  }
0x2e3: {  	s23 =	sadd.s32 $0xF0, s22;
	s24 =	simm.s32 $0x10338  }
0x2e4: {  	[hbm4b:s23+s3] =	stream.linear.scatter [tilespmem:s24], [sflag:$0x3], $0x80, $0x38;
	[tilespmem:$0x17440] =	vst v63  }
0x2e5: {  	s23 =	sadd.s32 $0x100, s22;
	s24 =	simm.s32 $0x11080  }
0x2e6: {  	[hbm4b:s23+s3] =	stream.linear.scatter [tilespmem:s24], [sflag:$0x3], $0x80, $0x38;
	[tilespmem:$0x17440] =	vst v63  }
0x2e7: {  	s23 =	sadd.s32 $0x110, s22;
	s24 =	simm.s32 $0x11108  }
0x2e8: {  	[hbm4b:s23+s3] =	stream.linear.scatter [tilespmem:s24], [sflag:$0x3], $0x80, $0x38;
	[tilespmem:$0x17440] =	vst v63  }
0x2e9: {  	s23 =	sadd.s32 $0x120, s22;
	s24 =	simm.s32 $0x11190  }
0x2ea: {  	[hbm4b:s23+s3] =	stream.linear.scatter [tilespmem:s24], [sflag:$0x3], $0x80, $0x38;
	[tilespmem:$0x17440] =	vst v63  }
0x2eb: {  	s23 =	sadd.s32 $0x130, s22;
	s24 =	simm.s32 $0x11218  }
0x2ec: {  	[hbm4b:s23+s3] =	stream.linear.scatter [tilespmem:s24], [sflag:$0x3], $0x80, $0x38;
	[tilespmem:$0x17440] =	vst v63  }
0x2ed: {  	s23 =	sadd.s32 $0x140, s22;
	s24 =	simm.s32 $0x112A0  }
0x2ee: {  	[hbm4b:s23+s3] =	stream.linear.scatter [tilespmem:s24], [sflag:$0x3], $0x80, $0x38;
	[tilespmem:$0x17440] =	vst v63  }
0x2ef: {  	s23 =	sadd.s32 $0x150, s22;
	s24 =	simm.s32 $0x11328  }
0x2f0: {  	[hbm4b:s23+s3] =	stream.linear.scatter [tilespmem:s24], [sflag:$0x3], $0x80, $0x38;
	[tilespmem:$0x17440] =	vst v63  }
0x2f1: {  	s23 =	sadd.s32 $0x160, s22;
	s24 =	simm.s32 $0x113B0  }
0x2f2: {  	[hbm4b:s23+s3] =	stream.linear.scatter [tilespmem:s24], [sflag:$0x3], $0x80, $0x38;
	[tilespmem:$0x17440] =	vst v63  }
0x2f3: {  	s23 =	sadd.s32 $0x170, s22;
	s24 =	simm.s32 $0x11438  }
0x2f4: {  	[hbm4b:s23+s3] =	stream.linear.scatter [tilespmem:s24], [sflag:$0x3], $0x80, $0x38;
	[tilespmem:$0x17440] =	vst v63  }
0x2f5: {  	s23 =	sadd.s32 $0x180, s22;
	s24 =	simm.s32 $0x12180  }
0x2f6: {  	[hbm4b:s23+s3] =	stream.linear.scatter [tilespmem:s24], [sflag:$0x3], $0x80, $0x38;
	[tilespmem:$0x17440] =	vst v63  }
0x2f7: {  	s23 =	sadd.s32 $0x190, s22;
	s24 =	simm.s32 $0x12208  }
0x2f8: {  	[hbm4b:s23+s3] =	stream.linear.scatter [tilespmem:s24], [sflag:$0x3], $0x80, $0x38;
	[tilespmem:$0x17440] =	vst v63  }
0x2f9: {  	s23 =	sadd.s32 $0x1A0, s22;
	s24 =	simm.s32 $0x12290  }
0x2fa: {  	[hbm4b:s23+s3] =	stream.linear.scatter [tilespmem:s24], [sflag:$0x3], $0x80, $0x38;
	[tilespmem:$0x17440] =	vst v63  }
0x2fb: {  	s23 =	sadd.s32 $0x1B0, s22;
	s24 =	simm.s32 $0x12318  }
0x2fc: {  	[hbm4b:s23+s3] =	stream.linear.scatter [tilespmem:s24], [sflag:$0x3], $0x80, $0x38;
	[tilespmem:$0x17440] =	vst v63  }
0x2fd: {  	s23 =	sadd.s32 $0x1C0, s22;
	s24 =	simm.s32 $0x123A0  }
0x2fe: {  	[hbm4b:s23+s3] =	stream.linear.scatter [tilespmem:s24], [sflag:$0x3], $0x80, $0x38;
	[tilespmem:$0x17440] =	vst v63  }
0x2ff: {  	s23 =	sadd.s32 $0x1D0, s22;
	s24 =	simm.s32 $0x12428  }
0x300: {  	[hbm4b:s23+s3] =	stream.linear.scatter [tilespmem:s24], [sflag:$0x3], $0x80, $0x38;
	[tilespmem:$0x17440] =	vst v63  }
0x301: {  	s23 =	sadd.s32 $0x1E0, s22;
	s24 =	simm.s32 $0x124B0  }
0x302: {  	[hbm4b:s23+s3] =	stream.linear.scatter [tilespmem:s24], [sflag:$0x3], $0x80, $0x38;
	[tilespmem:$0x17440] =	vst v63  }
0x303: {  	s22 =	sadd.s32 $0x1F0, s22;
	s24 =	simm.s32 $0x12538  }
0x304: {  	[hbm4b:s22+s3] =	stream.linear.scatter [tilespmem:s24], [sflag:$0x3], $0x80, $0x38;
	[tilespmem:$0x17440] =	vst v63  }
0x305: {  	s21 =	sadd.s32 s21, s11;
	s24 =	simm.s32 $0xF2C0  }
0x306: {  	[hbm4b:s21+s3] =	stream.linear.scatter [tilespmem:s24], [sflag:$0x3], $0x80, $0x38;
	[tilespmem:$0x17440] =	vst v63  }
0x307: {  	s23 =	sadd.s32 $0x10, s21;
	s24 =	simm.s32 $0xF348  }
0x308: {  	[hbm4b:s23+s3] =	stream.linear.scatter [tilespmem:s24], [sflag:$0x3], $0x80, $0x38;
	[tilespmem:$0x17440] =	vst v63  }
0x309: {  	s23 =	sadd.s32 $0x20, s21;
	s24 =	simm.s32 $0xF3D0  }
0x30a: {  	[hbm4b:s23+s3] =	stream.linear.scatter [tilespmem:s24], [sflag:$0x3], $0x80, $0x38;
	[tilespmem:$0x17440] =	vst v63  }
0x30b: {  	s23 =	sadd.s32 $0x30, s21;
	s24 =	simm.s32 $0xF458  }
0x30c: {  	[hbm4b:s23+s3] =	stream.linear.scatter [tilespmem:s24], [sflag:$0x3], $0x80, $0x38;
	[tilespmem:$0x17440] =	vst v63  }
0x30d: {  	s23 =	sadd.s32 $0x40, s21;
	s24 =	simm.s32 $0xF4E0  }
0x30e: {  	[hbm4b:s23+s3] =	stream.linear.scatter [tilespmem:s24], [sflag:$0x3], $0x80, $0x38;
	[tilespmem:$0x17440] =	vst v63  }
0x30f: {  	s23 =	sadd.s32 $0x50, s21;
	s24 =	simm.s32 $0xF568  }
0x310: {  	[hbm4b:s23+s3] =	stream.linear.scatter [tilespmem:s24], [sflag:$0x3], $0x80, $0x38;
	[tilespmem:$0x17440] =	vst v63  }
0x311: {  	s23 =	sadd.s32 $0x60, s21;
	s24 =	simm.s32 $0xF5F0  }
0x312: {  	[hbm4b:s23+s3] =	stream.linear.scatter [tilespmem:s24], [sflag:$0x3], $0x80, $0x38;
	[tilespmem:$0x17440] =	vst v63  }
0x313: {  	s23 =	sadd.s32 $0x70, s21;
	s24 =	simm.s32 $0xF678  }
0x314: {  	[hbm4b:s23+s3] =	stream.linear.scatter [tilespmem:s24], [sflag:$0x3], $0x80, $0x38;
	[tilespmem:$0x17440] =	vst v63  }
0x315: {  	s23 =	sadd.s32 $0x80, s21;
	s24 =	simm.s32 $0x103C0  }
0x316: {  	[hbm4b:s23+s3] =	stream.linear.scatter [tilespmem:s24], [sflag:$0x3], $0x80, $0x38;
	[tilespmem:$0x17440] =	vst v63  }
0x317: {  	s23 =	sadd.s32 $0x90, s21;
	s24 =	simm.s32 $0x10448  }
0x318: {  	[hbm4b:s23+s3] =	stream.linear.scatter [tilespmem:s24], [sflag:$0x3], $0x80, $0x38;
	[tilespmem:$0x17440] =	vst v63  }
0x319: {  	s23 =	sadd.s32 $0xA0, s21;
	s24 =	simm.s32 $0x104D0  }
0x31a: {  	[hbm4b:s23+s3] =	stream.linear.scatter [tilespmem:s24], [sflag:$0x3], $0x80, $0x38;
	[tilespmem:$0x17440] =	vst v63  }
0x31b: {  	s23 =	sadd.s32 $0xB0, s21;
	s24 =	simm.s32 $0x10558  }
0x31c: {  	[hbm4b:s23+s3] =	stream.linear.scatter [tilespmem:s24], [sflag:$0x3], $0x80, $0x38;
	[tilespmem:$0x17440] =	vst v63  }
0x31d: {  	s23 =	sadd.s32 $0xC0, s21;
	s24 =	simm.s32 $0x105E0  }
0x31e: {  	[hbm4b:s23+s3] =	stream.linear.scatter [tilespmem:s24], [sflag:$0x3], $0x80, $0x38;
	[tilespmem:$0x17440] =	vst v63  }
0x31f: {  	s23 =	sadd.s32 $0xD0, s21;
	s24 =	simm.s32 $0x10668  }
0x320: {  	[hbm4b:s23+s3] =	stream.linear.scatter [tilespmem:s24], [sflag:$0x3], $0x80, $0x38;
	[tilespmem:$0x17440] =	vst v63  }
0x321: {  	s23 =	sadd.s32 $0xE0, s21;
	s24 =	simm.s32 $0x106F0  }
0x322: {  	[hbm4b:s23+s3] =	stream.linear.scatter [tilespmem:s24], [sflag:$0x3], $0x80, $0x38;
	[tilespmem:$0x17440] =	vst v63  }
0x323: {  	s23 =	sadd.s32 $0xF0, s21;
	s24 =	simm.s32 $0x10778  }
0x324: {  	[hbm4b:s23+s3] =	stream.linear.scatter [tilespmem:s24], [sflag:$0x3], $0x80, $0x38;
	[tilespmem:$0x17440] =	vst v63  }
0x325: {  	s23 =	sadd.s32 $0x100, s21;
	s24 =	simm.s32 $0x114C0  }
0x326: {  	[hbm4b:s23+s3] =	stream.linear.scatter [tilespmem:s24], [sflag:$0x3], $0x80, $0x38;
	[tilespmem:$0x17440] =	vst v63  }
0x327: {  	s23 =	sadd.s32 $0x110, s21;
	s24 =	simm.s32 $0x11548  }
0x328: {  	[hbm4b:s23+s3] =	stream.linear.scatter [tilespmem:s24], [sflag:$0x3], $0x80, $0x38;
	[tilespmem:$0x17440] =	vst v63  }
0x329: {  	s23 =	sadd.s32 $0x120, s21;
	s24 =	simm.s32 $0x115D0  }
0x32a: {  	[hbm4b:s23+s3] =	stream.linear.scatter [tilespmem:s24], [sflag:$0x3], $0x80, $0x38;
	[tilespmem:$0x17440] =	vst v63  }
0x32b: {  	s23 =	sadd.s32 $0x130, s21;
	s24 =	simm.s32 $0x11658  }
0x32c: {  	[hbm4b:s23+s3] =	stream.linear.scatter [tilespmem:s24], [sflag:$0x3], $0x80, $0x38;
	[tilespmem:$0x17440] =	vst v63  }
0x32d: {  	s23 =	sadd.s32 $0x140, s21;
	s24 =	simm.s32 $0x116E0  }
0x32e: {  	[hbm4b:s23+s3] =	stream.linear.scatter [tilespmem:s24], [sflag:$0x3], $0x80, $0x38;
	[tilespmem:$0x17440] =	vst v63  }
0x32f: {  	s23 =	sadd.s32 $0x150, s21;
	s24 =	simm.s32 $0x11768  }
0x330: {  	[hbm4b:s23+s3] =	stream.linear.scatter [tilespmem:s24], [sflag:$0x3], $0x80, $0x38;
	[tilespmem:$0x17440] =	vst v63  }
0x331: {  	s23 =	sadd.s32 $0x160, s21;
	s24 =	simm.s32 $0x117F0  }
0x332: {  	[hbm4b:s23+s3] =	stream.linear.scatter [tilespmem:s24], [sflag:$0x3], $0x80, $0x38;
	[tilespmem:$0x17440] =	vst v63  }
0x333: {  	s23 =	sadd.s32 $0x170, s21;
	s24 =	simm.s32 $0x11878  }
0x334: {  	[hbm4b:s23+s3] =	stream.linear.scatter [tilespmem:s24], [sflag:$0x3], $0x80, $0x38;
	[tilespmem:$0x17440] =	vst v63  }
0x335: {  	s23 =	sadd.s32 $0x180, s21;
	s24 =	simm.s32 $0x125C0  }
0x336: {  	[hbm4b:s23+s3] =	stream.linear.scatter [tilespmem:s24], [sflag:$0x3], $0x80, $0x38;
	[tilespmem:$0x17440] =	vst v63  }
0x337: {  	s23 =	sadd.s32 $0x190, s21;
	s24 =	simm.s32 $0x12648  }
0x338: {  	[hbm4b:s23+s3] =	stream.linear.scatter [tilespmem:s24], [sflag:$0x3], $0x80, $0x38;
	[tilespmem:$0x17440] =	vst v63  }
0x339: {  	s23 =	sadd.s32 $0x1A0, s21;
	s24 =	simm.s32 $0x126D0  }
0x33a: {  	[hbm4b:s23+s3] =	stream.linear.scatter [tilespmem:s24], [sflag:$0x3], $0x80, $0x38;
	[tilespmem:$0x17440] =	vst v63  }
0x33b: {  	s23 =	sadd.s32 $0x1B0, s21;
	s24 =	simm.s32 $0x12758  }
0x33c: {  	[hbm4b:s23+s3] =	stream.linear.scatter [tilespmem:s24], [sflag:$0x3], $0x80, $0x38;
	[tilespmem:$0x17440] =	vst v63  }
0x33d: {  	s23 =	sadd.s32 $0x1C0, s21;
	s24 =	simm.s32 $0x127E0  }
0x33e: {  	[hbm4b:s23+s3] =	stream.linear.scatter [tilespmem:s24], [sflag:$0x3], $0x80, $0x38;
	[tilespmem:$0x17440] =	vst v63  }
0x33f: {  	p1 =	sne.s32 s17, $0x18;
	s23 =	sadd.s32 $0x1D0, s21;
	s24 =	simm.s32 $0x12868  }
0x340: {  	[hbm4b:s23+s3] =	stream.linear.scatter [tilespmem:s24], [sflag:$0x3], $0x80, $0x38;
	[tilespmem:$0x17440] =	vst v63  }
.Ltmp4:
0x341: {  	_ = 	snop;
	(pc) =	sbr.rel @p1 .LBB2_12-.Ltmp4, $4  }
0x342: {  	s23 =	sadd.s32 $0x1E0, s21;
	s24 =	simm.s32 $0x128F0  }
0x343: {  	[hbm4b:s23+s3] =	stream.linear.scatter [tilespmem:s24], [sflag:$0x3], $0x80, $0x38;
	[tilespmem:$0x17440] =	vst v63  }
0x344: {  	s21 =	sadd.s32 $0x1F0, s21;
	s24 =	simm.s32 $0x12978  }
0x345: {  	[hbm4b:s21+s3] =	stream.linear.scatter [tilespmem:s24], [sflag:$0x3], $0x80, $0x38;
	[tilespmem:$0x17440] =	vst v63  }
.Ltmp5:
0x346: {  	(pc) =	sbr.rel .LBB2_13-.Ltmp5, $4  }
0x347: {  	_ = 	snop  }
0x348: {  	_ =	swait.ge [sflag:s29], $0x4000  }
0x349: {  	[sflag:s29] =	ssyncset.done $0x0  }
0x34a: {  	[sflag:s29] =	ssyncadd.s32 $0xFFFFC000  }
.LBB2_12:
0x34b: {  	s21 =	sshll.u32 s17, $0xA  }
0x34c: {  	s21 =	sand.u32 $0x3FFFFC00, s21  }
.Ltmp6:
0x34d: {  	s22 =	simm.s32 $0x6400;
	s21 =	sadd.s32 $0x400, s21;
	(pc) =	sbr.rel @p0 .LBB2_14-.Ltmp6, $4  }
0x34e: {  	[tilespmem:s22], [sflag:$0x1] =	stream.indirect.gather [hbm4b:s4+s13], $0x20, s21, s13, $0xb8;
	[tilespmem:$0x17440] =	vst v63  }
0x34f: {  	_ =	swait.ge [sflag:s29], $0x4000  }
0x350: {  	[sflag:s29] =	ssyncset.done $0x0  }
0x351: {  	[sflag:s29] =	ssyncadd.s32 $0xFFFFC000  }
.LBB2_13:
0x352: {  	_ =	swait.ge [sflag:s30], $0x1000  }
0x353: {  	[sflag:s30] =	ssyncset.done $0x0  }
0x354: {  	[sflag:s30] =	ssyncadd.s32 $0xFFFFF000  }
0x355: {  	_ =	swait.ge [sflag:s30], $0x1000  }
0x356: {  	[sflag:s30] =	ssyncset.done $0x0  }
0x357: {  	[sflag:s30] =	ssyncadd.s32 $0xFFFFF000  }
0x358: {  	_ =	swait.ge [sflag:s30], $0x1000  }
0x359: {  	[sflag:s30] =	ssyncset.done $0x0  }
0x35a: {  	[sflag:s30] =	ssyncadd.s32 $0xFFFFF000  }
0x35b: {  	_ =	swait.ge [sflag:s30], $0x1000  }
0x35c: {  	[sflag:s30] =	ssyncset.done $0x0  }
0x35d: {  	[sflag:s30] =	ssyncadd.s32 $0xFFFFF000  }
.LBB2_14:
0x35e: {  	s21 =	sshll.u32 s18, $0x5  }
0x35f: {  	s21 =	sand.u32 $0x3FFFFFE0, s21  }
0x360: {  	v0 =	vld [tilespmem:s21+$0x16E00]  }
0x361: {  	v1 =	vld [tilespmem:s21+$0x16E10];
	s21 =	simm.s32 $0xA580  }
0x362: {  	v3 =	vld [tilespmem:s21+$0xFFFFFF80]  }
0x363: {  	v2 =	vimm.s32 $0x0;
	v4 =	vld [tilespmem:s21+$0xFFFFFF90]  }
0x364: {  	v5 =	vadd.s32 v8, v2  }
0x365: {  	v6 =	vadd.s32 v9, v2;
	_ =	sdelay $0x1  }
0x366: {  	v3 =	vadd.f32 v3, v0  }
0x367: {  	v4 =	vadd.f32 v4, v1  }
0x368: {  	[tilespmem:v5+s31+$0x0] =	vst.idx.msk $0xffff, v3  }
0x369: {  	[tilespmem:v6+s31+$0x0] =	vst.idx.msk $0xffff, v4  }
0x36a: {  	v3 =	vld [tilespmem:s21+$0xFFFFFFA0]  }
0x36b: {  	v4 =	vld [tilespmem:s21+$0xFFFFFFB0]  }
0x36c: {  	v5 =	vadd.s32 v10, v2  }
0x36d: {  	v6 =	vadd.s32 v11, v2;
	_ =	sdelay $0x1  }
0x36e: {  	v3 =	vadd.f32 v3, v0  }
0x36f: {  	v4 =	vadd.f32 v4, v1  }
0x370: {  	[tilespmem:v5+s31+$0x0] =	vst.idx.msk $0xffff, v3  }
0x371: {  	[tilespmem:v6+s31+$0x0] =	vst.idx.msk $0xffff, v4  }
0x372: {  	v3 =	vld [tilespmem:s21+$0xFFFFFFC0]  }
0x373: {  	v4 =	vld [tilespmem:s21+$0xFFFFFFD0]  }
0x374: {  	v5 =	vadd.s32 v12, v2  }
0x375: {  	v6 =	vadd.s32 v13, v2;
	_ =	sdelay $0x1  }
0x376: {  	v3 =	vadd.f32 v3, v0  }
0x377: {  	v4 =	vadd.f32 v4, v1  }
0x378: {  	[tilespmem:v5+s31+$0x0] =	vst.idx.msk $0xffff, v3  }
0x379: {  	[tilespmem:v6+s31+$0x0] =	vst.idx.msk $0xffff, v4  }
0x37a: {  	v3 =	vld [tilespmem:s21+$0xFFFFFFE0]  }
0x37b: {  	v4 =	vld [tilespmem:s21+$0xFFFFFFF0]  }
0x37c: {  	v5 =	vadd.s32 v14, v2  }
0x37d: {  	v6 =	vadd.s32 v15, v2;
	_ =	sdelay $0x1  }
0x37e: {  	v3 =	vadd.f32 v3, v0  }
0x37f: {  	v4 =	vadd.f32 v4, v1  }
0x380: {  	[tilespmem:v5+s31+$0x0] =	vst.idx.msk $0xffff, v3  }
0x381: {  	[tilespmem:v6+s31+$0x0] =	vst.idx.msk $0xffff, v4  }
0x382: {  	v3 =	vld [tilespmem:s21+$0x0]  }
0x383: {  	v4 =	vld [tilespmem:s21+$0x10]  }
0x384: {  	v5 =	vadd.s32 v16, v2  }
0x385: {  	v6 =	vadd.s32 v17, v2;
	_ =	sdelay $0x1  }
0x386: {  	v3 =	vadd.f32 v3, v0  }
0x387: {  	v4 =	vadd.f32 v4, v1  }
0x388: {  	[tilespmem:v5+s31+$0x0] =	vst.idx.msk $0xffff, v3  }
0x389: {  	[tilespmem:v6+s31+$0x0] =	vst.idx.msk $0xffff, v4  }
0x38a: {  	v3 =	vld [tilespmem:s21+$0x20]  }
0x38b: {  	v4 =	vld [tilespmem:s21+$0x30]  }
0x38c: {  	v5 =	vadd.s32 v18, v2  }
0x38d: {  	v6 =	vadd.s32 v19, v2;
	_ =	sdelay $0x1  }
0x38e: {  	v3 =	vadd.f32 v3, v0  }
0x38f: {  	v4 =	vadd.f32 v4, v1  }
0x390: {  	[tilespmem:v5+s31+$0x0] =	vst.idx.msk $0xffff, v3  }
0x391: {  	[tilespmem:v6+s31+$0x0] =	vst.idx.msk $0xffff, v4  }
0x392: {  	v3 =	vld [tilespmem:s21+$0x40]  }
0x393: {  	v4 =	vld [tilespmem:s21+$0x50]  }
0x394: {  	v5 =	vadd.s32 v20, v2  }
0x395: {  	v6 =	vadd.s32 v21, v2;
	_ =	sdelay $0x1  }
0x396: {  	v3 =	vadd.f32 v3, v0  }
0x397: {  	v4 =	vadd.f32 v4, v1  }
0x398: {  	[tilespmem:v5+s31+$0x0] =	vst.idx.msk $0xffff, v3  }
0x399: {  	[tilespmem:v6+s31+$0x0] =	vst.idx.msk $0xffff, v4  }
0x39a: {  	v3 =	vld [tilespmem:s21+$0x60]  }
0x39b: {  	v5 =	vld [tilespmem:s21+$0x70]  }
0x39c: {  	v6 =	vadd.s32 v22, v2  }
0x39d: {  	v4 =	vadd.s32 v23, v2;
	_ =	sdelay $0x1  }
0x39e: {  	v3 =	vadd.f32 v3, v0  }
0x39f: {  	v5 =	vadd.f32 v5, v1  }
0x3a0: {  	s23 =	simm.s32 $0x0;
	[tilespmem:v6+s31+$0x0] =	vst.idx.msk $0xffff, v3;
	v3 =	vimm.s32 $0x0  }
.LBB2_15:
0x3a1: {  	s23 =	sadd.s32 $0x8, s23;
	[tilespmem:v4+s31+$0x0] =	vst.idx.msk $0xffff, v5;
	v3 =	vadd.s32 $0x8, v3;
	s21 =	sadd.s32 $0x100, s21;
	s22 =	simm.s32 $0xB510  }
0x3a2: {  	v4 =	vld [tilespmem:s21+$0xFFFFFF80];
	p0 =	slt.u32 s23, $0x78  }
0x3a3: {  	v5 =	vld [tilespmem:s21+$0xFFFFFF90]  }
0x3a4: {  	v6 =	vadd.s32 v8, v3  }
0x3a5: {  	v7 =	vadd.s32 v9, v3;
	_ =	sdelay $0x1  }
0x3a6: {  	v4 =	vadd.f32 v4, v0  }
0x3a7: {  	v5 =	vadd.f32 v5, v1  }
0x3a8: {  	[tilespmem:v6+s31+$0x0] =	vst.idx.msk $0xffff, v4  }
0x3a9: {  	[tilespmem:v7+s31+$0x0] =	vst.idx.msk $0xffff, v5  }
0x3aa: {  	v4 =	vld [tilespmem:s21+$0xFFFFFFA0]  }
0x3ab: {  	v5 =	vld [tilespmem:s21+$0xFFFFFFB0]  }
0x3ac: {  	v6 =	vadd.s32 v10, v3  }
0x3ad: {  	v7 =	vadd.s32 v11, v3;
	_ =	sdelay $0x1  }
0x3ae: {  	v4 =	vadd.f32 v4, v0  }
0x3af: {  	v5 =	vadd.f32 v5, v1  }
0x3b0: {  	[tilespmem:v6+s31+$0x0] =	vst.idx.msk $0xffff, v4  }
0x3b1: {  	[tilespmem:v7+s31+$0x0] =	vst.idx.msk $0xffff, v5  }
0x3b2: {  	v4 =	vld [tilespmem:s21+$0xFFFFFFC0]  }
0x3b3: {  	v5 =	vld [tilespmem:s21+$0xFFFFFFD0]  }
0x3b4: {  	v6 =	vadd.s32 v12, v3  }
0x3b5: {  	v7 =	vadd.s32 v13, v3;
	_ =	sdelay $0x1  }
0x3b6: {  	v4 =	vadd.f32 v4, v0  }
0x3b7: {  	v5 =	vadd.f32 v5, v1  }
0x3b8: {  	[tilespmem:v6+s31+$0x0] =	vst.idx.msk $0xffff, v4  }
0x3b9: {  	[tilespmem:v7+s31+$0x0] =	vst.idx.msk $0xffff, v5  }
0x3ba: {  	v4 =	vld [tilespmem:s21+$0xFFFFFFE0]  }
0x3bb: {  	v5 =	vld [tilespmem:s21+$0xFFFFFFF0]  }
0x3bc: {  	v6 =	vadd.s32 v14, v3  }
0x3bd: {  	v7 =	vadd.s32 v15, v3;
	_ =	sdelay $0x1  }
0x3be: {  	v4 =	vadd.f32 v4, v0  }
0x3bf: {  	v5 =	vadd.f32 v5, v1  }
0x3c0: {  	[tilespmem:v6+s31+$0x0] =	vst.idx.msk $0xffff, v4  }
0x3c1: {  	[tilespmem:v7+s31+$0x0] =	vst.idx.msk $0xffff, v5  }
0x3c2: {  	v4 =	vld [tilespmem:s21+$0x0]  }
0x3c3: {  	v5 =	vld [tilespmem:s21+$0x10]  }
0x3c4: {  	v6 =	vadd.s32 v16, v3  }
0x3c5: {  	v7 =	vadd.s32 v17, v3;
	_ =	sdelay $0x1  }
0x3c6: {  	v4 =	vadd.f32 v4, v0  }
0x3c7: {  	v5 =	vadd.f32 v5, v1  }
0x3c8: {  	[tilespmem:v6+s31+$0x0] =	vst.idx.msk $0xffff, v4  }
0x3c9: {  	[tilespmem:v7+s31+$0x0] =	vst.idx.msk $0xffff, v5  }
0x3ca: {  	v4 =	vld [tilespmem:s21+$0x20]  }
0x3cb: {  	v5 =	vld [tilespmem:s21+$0x30]  }
0x3cc: {  	v6 =	vadd.s32 v18, v3  }
0x3cd: {  	v7 =	vadd.s32 v19, v3;
	_ =	sdelay $0x1  }
0x3ce: {  	v4 =	vadd.f32 v4, v0  }
0x3cf: {  	v5 =	vadd.f32 v5, v1  }
0x3d0: {  	[tilespmem:v6+s31+$0x0] =	vst.idx.msk $0xffff, v4  }
0x3d1: {  	[tilespmem:v7+s31+$0x0] =	vst.idx.msk $0xffff, v5  }
0x3d2: {  	v4 =	vld [tilespmem:s21+$0x40]  }
0x3d3: {  	v5 =	vld [tilespmem:s21+$0x50]  }
0x3d4: {  	v6 =	vadd.s32 v20, v3  }
0x3d5: {  	v7 =	vadd.s32 v21, v3;
	_ =	sdelay $0x1  }
0x3d6: {  	v4 =	vadd.f32 v4, v0  }
0x3d7: {  	v5 =	vadd.f32 v5, v1  }
0x3d8: {  	[tilespmem:v6+s31+$0x0] =	vst.idx.msk $0xffff, v4  }
0x3d9: {  	[tilespmem:v7+s31+$0x0] =	vst.idx.msk $0xffff, v5  }
0x3da: {  	v5 =	vld [tilespmem:s21+$0x60];
	_ =	sdelay $0x2  }
0x3db: {  	v6 =	vld [tilespmem:s21+$0x70]  }
0x3dc: {  	v7 =	vadd.s32 v22, v3  }
.Ltmp7:
0x3dd: {  	v24 =	vmov v8;
	v4 =	vadd.s32 v23, v3;
	v8 =	vadd.f32 v5, v0;
	(pc) =	sbr.rel @p0 .LBB2_15-.Ltmp7, $3  }
0x3de: {  	_ =	sdelay $0x1  }
0x3df: {  	v5 =	vadd.f32 v6, v1  }
0x3e0: {  	[tilespmem:v7+s31+$0x0] =	vst.idx.msk $0xffff, v8;
	v8 =	vmov v24  }
0x3e1: {  	_ =	sdelay $0x1  }
0x3e2: {  	v8 =	vld [tilespmem:$0x1FFE0]  }
0x3e3: {  	v9 =	vld [tilespmem:$0x1FFF0]  }
0x3e4: {  	[tilespmem:v4+s31+$0x0] =	vst.idx.msk $0xffff, v5  }
0x3e5: {  	v3 =	vld [tilespmem:s22+$0xFFFFFFF0]  }
0x3e6: {  	v4 =	vld [tilespmem:s22+$0x0]  }
0x3e7: {  	v5 =	vadd.s32 v8, v2  }
0x3e8: {  	v6 =	vadd.s32 v9, v2;
	_ =	sdelay $0x1  }
0x3e9: {  	v3 =	vadd.f32 v3, v0  }
0x3ea: {  	v10 =	vld [tilespmem:$0x1FEE0];
	v4 =	vadd.f32 v4, v1  }
0x3eb: {  	v11 =	vld [tilespmem:$0x1FE80];
	[tilespmem:v5+s31+$0x0] =	vst.idx.msk $0xffff, v3  }
0x3ec: {  	[tilespmem:v6+s31+$0x0] =	vst.idx.msk $0xffff, v4  }
0x3ed: {  	v3 =	vld [tilespmem:s22+$0x10]  }
0x3ee: {  	v4 =	vld [tilespmem:s22+$0x20]  }
0x3ef: {  	v5 =	vadd.s32 v10, v2  }
0x3f0: {  	v6 =	vadd.s32 v11, v2;
	_ =	sdelay $0x1  }
0x3f1: {  	v3 =	vadd.f32 v3, v0  }
0x3f2: {  	v12 =	vld [tilespmem:$0x1FE90];
	v4 =	vadd.f32 v4, v1  }
0x3f3: {  	v13 =	vld [tilespmem:$0x1FEA0];
	[tilespmem:v5+s31+$0x0] =	vst.idx.msk $0xffff, v3  }
0x3f4: {  	[tilespmem:v6+s31+$0x0] =	vst.idx.msk $0xffff, v4  }
0x3f5: {  	v3 =	vld [tilespmem:s22+$0x30]  }
0x3f6: {  	v4 =	vld [tilespmem:s22+$0x40]  }
0x3f7: {  	v5 =	vadd.s32 v12, v2  }
0x3f8: {  	v6 =	vadd.s32 v13, v2;
	_ =	sdelay $0x1  }
0x3f9: {  	v3 =	vadd.f32 v3, v0  }
0x3fa: {  	v14 =	vld [tilespmem:$0x1FEB0];
	v4 =	vadd.f32 v4, v1  }
0x3fb: {  	v15 =	vld [tilespmem:$0x1FEC0];
	[tilespmem:v5+s31+$0x0] =	vst.idx.msk $0xffff, v3  }
0x3fc: {  	[tilespmem:v6+s31+$0x0] =	vst.idx.msk $0xffff, v4  }
0x3fd: {  	v3 =	vld [tilespmem:s22+$0x50]  }
0x3fe: {  	v4 =	vld [tilespmem:s22+$0x60]  }
0x3ff: {  	v5 =	vadd.s32 v14, v2  }
0x400: {  	v6 =	vadd.s32 v15, v2;
	_ =	sdelay $0x1  }
0x401: {  	v3 =	vadd.f32 v3, v0  }
0x402: {  	v16 =	vld [tilespmem:$0x1FED0];
	v4 =	vadd.f32 v4, v1  }
0x403: {  	[tilespmem:v5+s31+$0x0] =	vst.idx.msk $0xffff, v3  }
0x404: {  	[tilespmem:v6+s31+$0x0] =	vst.idx.msk $0xffff, v4  }
0x405: {  	v3 =	vld [tilespmem:s22+$0x70]  }
0x406: {  	v4 =	vld [tilespmem:s22+$0x80]  }
0x407: {  	v5 =	vadd.s32 v16, v2  }
0x408: {  	v6 =	vadd.s32 v25, v2;
	_ =	sdelay $0x1  }
0x409: {  	v3 =	vadd.f32 v3, v0  }
0x40a: {  	v4 =	vadd.f32 v4, v1  }
0x40b: {  	[tilespmem:v5+s31+$0x0] =	vst.idx.msk $0xffff, v3  }
0x40c: {  	[tilespmem:v6+s31+$0x0] =	vst.idx.msk $0xffff, v4  }
0x40d: {  	v3 =	vld [tilespmem:s22+$0x90]  }
0x40e: {  	v4 =	vld [tilespmem:s22+$0xA0]  }
0x40f: {  	v5 =	vadd.s32 v26, v2  }
0x410: {  	v6 =	vadd.s32 v27, v2;
	_ =	sdelay $0x1  }
0x411: {  	v3 =	vadd.f32 v3, v0  }
0x412: {  	v4 =	vadd.f32 v4, v1  }
0x413: {  	[tilespmem:v5+s31+$0x0] =	vst.idx.msk $0xffff, v3  }
0x414: {  	[tilespmem:v6+s31+$0x0] =	vst.idx.msk $0xffff, v4  }
0x415: {  	v3 =	vld [tilespmem:s22+$0xB0]  }
0x416: {  	v4 =	vld [tilespmem:s22+$0xC0]  }
0x417: {  	v5 =	vadd.s32 v28, v2  }
0x418: {  	v6 =	vadd.s32 v29, v2;
	_ =	sdelay $0x1  }
0x419: {  	v3 =	vadd.f32 v3, v0  }
0x41a: {  	v4 =	vadd.f32 v4, v1  }
0x41b: {  	[tilespmem:v5+s31+$0x0] =	vst.idx.msk $0xffff, v3  }
0x41c: {  	[tilespmem:v6+s31+$0x0] =	vst.idx.msk $0xffff, v4  }
0x41d: {  	v3 =	vld [tilespmem:s22+$0xD0];
	_ =	sdelay $0x2  }
0x41e: {  	v4 =	vld [tilespmem:s22+$0xE0]  }
0x41f: {  	v5 =	vadd.s32 v30, v2  }
0x420: {  	v6 =	vadd.f32 v3, v0;
	v3 =	vadd.s32 v31, v2;
	_ =	sdelay $0x2  }
0x421: {  	v4 =	vadd.f32 v4, v1  }
0x422: {  	s23 =	simm.s32 $0x0;
	[tilespmem:v5+s31+$0x0] =	vst.idx.msk $0xffff, v6  }
.LBB2_17:
0x423: {  	s23 =	sadd.s32 $0x8, s23;
	[tilespmem:v3+s31+$0x0] =	vst.idx.msk $0xffff, v4;
	v2 =	vadd.s32 $0x8, v2;
	s22 =	sadd.s32 $0x100, s22;
	s21 =	simm.s32 $0xC510  }
0x424: {  	v3 =	vld [tilespmem:s22+$0xFFFFFFF0];
	p0 =	slt.u32 s23, $0x78  }
0x425: {  	v4 =	vld [tilespmem:s22+$0x0]  }
0x426: {  	v5 =	vadd.s32 v8, v2  }
0x427: {  	v6 =	vadd.s32 v9, v2;
	_ =	sdelay $0x1  }
0x428: {  	v3 =	vadd.f32 v3, v0  }
0x429: {  	v4 =	vadd.f32 v4, v1  }
0x42a: {  	[tilespmem:v5+s31+$0x0] =	vst.idx.msk $0xffff, v3  }
0x42b: {  	[tilespmem:v6+s31+$0x0] =	vst.idx.msk $0xffff, v4  }
0x42c: {  	v3 =	vld [tilespmem:s22+$0x10]  }
0x42d: {  	v4 =	vld [tilespmem:s22+$0x20]  }
0x42e: {  	v5 =	vadd.s32 v10, v2  }
0x42f: {  	v6 =	vadd.s32 v11, v2;
	_ =	sdelay $0x1  }
0x430: {  	v3 =	vadd.f32 v3, v0  }
0x431: {  	v4 =	vadd.f32 v4, v1  }
0x432: {  	[tilespmem:v5+s31+$0x0] =	vst.idx.msk $0xffff, v3  }
0x433: {  	[tilespmem:v6+s31+$0x0] =	vst.idx.msk $0xffff, v4  }
0x434: {  	v3 =	vld [tilespmem:s22+$0x30]  }
0x435: {  	v4 =	vld [tilespmem:s22+$0x40]  }
0x436: {  	v5 =	vadd.s32 v12, v2  }
0x437: {  	v6 =	vadd.s32 v13, v2;
	_ =	sdelay $0x1  }
0x438: {  	v3 =	vadd.f32 v3, v0  }
0x439: {  	v4 =	vadd.f32 v4, v1  }
0x43a: {  	[tilespmem:v5+s31+$0x0] =	vst.idx.msk $0xffff, v3  }
0x43b: {  	[tilespmem:v6+s31+$0x0] =	vst.idx.msk $0xffff, v4  }
0x43c: {  	v3 =	vld [tilespmem:s22+$0x50]  }
0x43d: {  	v4 =	vld [tilespmem:s22+$0x60]  }
0x43e: {  	v5 =	vadd.s32 v14, v2  }
0x43f: {  	v6 =	vadd.s32 v15, v2;
	_ =	sdelay $0x1  }
0x440: {  	v3 =	vadd.f32 v3, v0  }
0x441: {  	v4 =	vadd.f32 v4, v1  }
0x442: {  	[tilespmem:v5+s31+$0x0] =	vst.idx.msk $0xffff, v3  }
0x443: {  	[tilespmem:v6+s31+$0x0] =	vst.idx.msk $0xffff, v4  }
0x444: {  	v3 =	vld [tilespmem:s22+$0x70]  }
0x445: {  	v4 =	vld [tilespmem:s22+$0x80]  }
0x446: {  	v5 =	vadd.s32 v16, v2  }
0x447: {  	v6 =	vadd.s32 v25, v2;
	_ =	sdelay $0x1  }
0x448: {  	v3 =	vadd.f32 v3, v0  }
0x449: {  	v4 =	vadd.f32 v4, v1  }
0x44a: {  	[tilespmem:v5+s31+$0x0] =	vst.idx.msk $0xffff, v3  }
0x44b: {  	[tilespmem:v6+s31+$0x0] =	vst.idx.msk $0xffff, v4  }
0x44c: {  	v3 =	vld [tilespmem:s22+$0x90]  }
0x44d: {  	v4 =	vld [tilespmem:s22+$0xA0]  }
0x44e: {  	v5 =	vadd.s32 v26, v2  }
0x44f: {  	v6 =	vadd.s32 v27, v2;
	_ =	sdelay $0x1  }
0x450: {  	v3 =	vadd.f32 v3, v0  }
0x451: {  	v4 =	vadd.f32 v4, v1  }
0x452: {  	[tilespmem:v5+s31+$0x0] =	vst.idx.msk $0xffff, v3  }
0x453: {  	[tilespmem:v6+s31+$0x0] =	vst.idx.msk $0xffff, v4  }
0x454: {  	v3 =	vld [tilespmem:s22+$0xB0]  }
0x455: {  	v4 =	vld [tilespmem:s22+$0xC0]  }
0x456: {  	v5 =	vadd.s32 v28, v2  }
0x457: {  	v6 =	vadd.s32 v29, v2;
	_ =	sdelay $0x1  }
0x458: {  	v3 =	vadd.f32 v3, v0  }
0x459: {  	v4 =	vadd.f32 v4, v1  }
0x45a: {  	[tilespmem:v5+s31+$0x0] =	vst.idx.msk $0xffff, v3  }
0x45b: {  	[tilespmem:v6+s31+$0x0] =	vst.idx.msk $0xffff, v4  }
0x45c: {  	v4 =	vld [tilespmem:s22+$0xD0]  }
0x45d: {  	v5 =	vld [tilespmem:s22+$0xE0]  }
0x45e: {  	v6 =	vadd.s32 v30, v2  }
.Ltmp8:
0x45f: {  	v3 =	vadd.s32 v31, v2;
	(pc) =	sbr.rel @p0 .LBB2_17-.Ltmp8, $4  }
0x460: {  	_ = 	snop  }
0x461: {  	v7 =	vadd.f32 v4, v0  }
0x462: {  	v4 =	vadd.f32 v5, v1  }
0x463: {  	[tilespmem:v6+s31+$0x0] =	vst.idx.msk $0xffff, v7  }
0x464: {  	_ =	sdelay $0x3  }
0x465: {  	[tilespmem:v3+s31+$0x0] =	vst.idx.msk $0xffff, v4  }
0x466: {  	v3 =	vld [tilespmem:s21+$0xFFFFFFF0]  }
0x467: {  	v2 =	vimm.s32 $0x0;
	v4 =	vld [tilespmem:s21+$0x0]  }
0x468: {  	v5 =	vadd.s32 v32, v2  }
0x469: {  	v6 =	vadd.s32 v33, v2;
	_ =	sdelay $0x1  }
0x46a: {  	v3 =	vadd.f32 v3, v0  }
0x46b: {  	v4 =	vadd.f32 v4, v1  }
0x46c: {  	[tilespmem:v5+s31+$0x0] =	vst.idx.msk $0xffff, v3  }
0x46d: {  	[tilespmem:v6+s31+$0x0] =	vst.idx.msk $0xffff, v4  }
0x46e: {  	v3 =	vld [tilespmem:s21+$0x10]  }
0x46f: {  	v4 =	vld [tilespmem:s21+$0x20]  }
0x470: {  	v5 =	vadd.s32 v34, v2  }
0x471: {  	v6 =	vadd.s32 v35, v2;
	_ =	sdelay $0x1  }
0x472: {  	v3 =	vadd.f32 v3, v0  }
0x473: {  	v4 =	vadd.f32 v4, v1  }
0x474: {  	[tilespmem:v5+s31+$0x0] =	vst.idx.msk $0xffff, v3  }
0x475: {  	[tilespmem:v6+s31+$0x0] =	vst.idx.msk $0xffff, v4  }
0x476: {  	v3 =	vld [tilespmem:s21+$0x30]  }
0x477: {  	v4 =	vld [tilespmem:s21+$0x40]  }
0x478: {  	v5 =	vadd.s32 v36, v2  }
0x479: {  	v6 =	vadd.s32 v37, v2;
	_ =	sdelay $0x1  }
0x47a: {  	v3 =	vadd.f32 v3, v0  }
0x47b: {  	v4 =	vadd.f32 v4, v1  }
0x47c: {  	[tilespmem:v5+s31+$0x0] =	vst.idx.msk $0xffff, v3  }
0x47d: {  	[tilespmem:v6+s31+$0x0] =	vst.idx.msk $0xffff, v4  }
0x47e: {  	v3 =	vld [tilespmem:s21+$0x50]  }
0x47f: {  	v4 =	vld [tilespmem:s21+$0x60]  }
0x480: {  	v5 =	vadd.s32 v38, v2  }
0x481: {  	v6 =	vadd.s32 v39, v2;
	_ =	sdelay $0x1  }
0x482: {  	v3 =	vadd.f32 v3, v0  }
0x483: {  	v4 =	vadd.f32 v4, v1  }
0x484: {  	[tilespmem:v5+s31+$0x0] =	vst.idx.msk $0xffff, v3  }
0x485: {  	[tilespmem:v6+s31+$0x0] =	vst.idx.msk $0xffff, v4  }
0x486: {  	v3 =	vld [tilespmem:s21+$0x70]  }
0x487: {  	v4 =	vld [tilespmem:s21+$0x80]  }
0x488: {  	v5 =	vadd.s32 v40, v2  }
0x489: {  	v6 =	vadd.s32 v41, v2;
	_ =	sdelay $0x1  }
0x48a: {  	v3 =	vadd.f32 v3, v0  }
0x48b: {  	v4 =	vadd.f32 v4, v1  }
0x48c: {  	[tilespmem:v5+s31+$0x0] =	vst.idx.msk $0xffff, v3  }
0x48d: {  	[tilespmem:v6+s31+$0x0] =	vst.idx.msk $0xffff, v4  }
0x48e: {  	v3 =	vld [tilespmem:s21+$0x90]  }
0x48f: {  	v4 =	vld [tilespmem:s21+$0xA0]  }
0x490: {  	v5 =	vadd.s32 v42, v2  }
0x491: {  	v6 =	vadd.s32 v43, v2;
	_ =	sdelay $0x1  }
0x492: {  	v3 =	vadd.f32 v3, v0  }
0x493: {  	v4 =	vadd.f32 v4, v1  }
0x494: {  	[tilespmem:v5+s31+$0x0] =	vst.idx.msk $0xffff, v3  }
0x495: {  	[tilespmem:v6+s31+$0x0] =	vst.idx.msk $0xffff, v4  }
0x496: {  	v3 =	vld [tilespmem:s21+$0xB0]  }
0x497: {  	v4 =	vld [tilespmem:s21+$0xC0]  }
0x498: {  	v5 =	vadd.s32 v44, v2  }
0x499: {  	v6 =	vadd.s32 v45, v2;
	_ =	sdelay $0x1  }
0x49a: {  	v3 =	vadd.f32 v3, v0  }
0x49b: {  	v4 =	vadd.f32 v4, v1  }
0x49c: {  	[tilespmem:v5+s31+$0x0] =	vst.idx.msk $0xffff, v3  }
0x49d: {  	[tilespmem:v6+s31+$0x0] =	vst.idx.msk $0xffff, v4  }
0x49e: {  	v3 =	vld [tilespmem:s21+$0xD0]  }
0x49f: {  	v5 =	vld [tilespmem:s21+$0xE0]  }
0x4a0: {  	v6 =	vadd.s32 v46, v2  }
0x4a1: {  	v4 =	vadd.s32 v47, v2;
	_ =	sdelay $0x1  }
0x4a2: {  	v3 =	vadd.f32 v3, v0  }
0x4a3: {  	v5 =	vadd.f32 v5, v1  }
0x4a4: {  	s23 =	simm.s32 $0x0;
	[tilespmem:v6+s31+$0x0] =	vst.idx.msk $0xffff, v3;
	v3 =	vimm.s32 $0x0  }
.LBB2_19:
0x4a5: {  	s23 =	sadd.s32 $0x8, s23;
	[tilespmem:v4+s31+$0x0] =	vst.idx.msk $0xffff, v5;
	v3 =	vadd.s32 $0x8, v3;
	s21 =	sadd.s32 $0x100, s21;
	s22 =	simm.s32 $0xD510  }
0x4a6: {  	v4 =	vld [tilespmem:s21+$0xFFFFFFF0];
	p0 =	slt.u32 s23, $0x78  }
0x4a7: {  	v5 =	vld [tilespmem:s21+$0x0]  }
0x4a8: {  	v6 =	vadd.s32 v32, v3  }
0x4a9: {  	v7 =	vadd.s32 v33, v3;
	_ =	sdelay $0x1  }
0x4aa: {  	v4 =	vadd.f32 v4, v0  }
0x4ab: {  	v5 =	vadd.f32 v5, v1  }
0x4ac: {  	[tilespmem:v6+s31+$0x0] =	vst.idx.msk $0xffff, v4  }
0x4ad: {  	[tilespmem:v7+s31+$0x0] =	vst.idx.msk $0xffff, v5  }
0x4ae: {  	v4 =	vld [tilespmem:s21+$0x10]  }
0x4af: {  	v5 =	vld [tilespmem:s21+$0x20]  }
0x4b0: {  	v6 =	vadd.s32 v34, v3  }
0x4b1: {  	v7 =	vadd.s32 v35, v3;
	_ =	sdelay $0x1  }
0x4b2: {  	v4 =	vadd.f32 v4, v0  }
0x4b3: {  	v5 =	vadd.f32 v5, v1  }
0x4b4: {  	[tilespmem:v6+s31+$0x0] =	vst.idx.msk $0xffff, v4  }
0x4b5: {  	[tilespmem:v7+s31+$0x0] =	vst.idx.msk $0xffff, v5  }
0x4b6: {  	v4 =	vld [tilespmem:s21+$0x30]  }
0x4b7: {  	v5 =	vld [tilespmem:s21+$0x40]  }
0x4b8: {  	v6 =	vadd.s32 v36, v3  }
0x4b9: {  	v7 =	vadd.s32 v37, v3;
	_ =	sdelay $0x1  }
0x4ba: {  	v4 =	vadd.f32 v4, v0  }
0x4bb: {  	v5 =	vadd.f32 v5, v1  }
0x4bc: {  	[tilespmem:v6+s31+$0x0] =	vst.idx.msk $0xffff, v4  }
0x4bd: {  	[tilespmem:v7+s31+$0x0] =	vst.idx.msk $0xffff, v5  }
0x4be: {  	v4 =	vld [tilespmem:s21+$0x50]  }
0x4bf: {  	v5 =	vld [tilespmem:s21+$0x60]  }
0x4c0: {  	v6 =	vadd.s32 v38, v3  }
0x4c1: {  	v7 =	vadd.s32 v39, v3;
	_ =	sdelay $0x1  }
0x4c2: {  	v4 =	vadd.f32 v4, v0  }
0x4c3: {  	v5 =	vadd.f32 v5, v1  }
0x4c4: {  	[tilespmem:v6+s31+$0x0] =	vst.idx.msk $0xffff, v4  }
0x4c5: {  	[tilespmem:v7+s31+$0x0] =	vst.idx.msk $0xffff, v5  }
0x4c6: {  	v4 =	vld [tilespmem:s21+$0x70]  }
0x4c7: {  	v5 =	vld [tilespmem:s21+$0x80]  }
0x4c8: {  	v6 =	vadd.s32 v40, v3  }
0x4c9: {  	v7 =	vadd.s32 v41, v3;
	_ =	sdelay $0x1  }
0x4ca: {  	v4 =	vadd.f32 v4, v0  }
0x4cb: {  	v5 =	vadd.f32 v5, v1  }
0x4cc: {  	[tilespmem:v6+s31+$0x0] =	vst.idx.msk $0xffff, v4  }
0x4cd: {  	[tilespmem:v7+s31+$0x0] =	vst.idx.msk $0xffff, v5  }
0x4ce: {  	v4 =	vld [tilespmem:s21+$0x90]  }
0x4cf: {  	v5 =	vld [tilespmem:s21+$0xA0]  }
0x4d0: {  	v6 =	vadd.s32 v42, v3  }
0x4d1: {  	v7 =	vadd.s32 v43, v3;
	_ =	sdelay $0x1  }
0x4d2: {  	v4 =	vadd.f32 v4, v0  }
0x4d3: {  	v5 =	vadd.f32 v5, v1  }
0x4d4: {  	[tilespmem:v6+s31+$0x0] =	vst.idx.msk $0xffff, v4  }
0x4d5: {  	[tilespmem:v7+s31+$0x0] =	vst.idx.msk $0xffff, v5  }
0x4d6: {  	v4 =	vld [tilespmem:s21+$0xB0]  }
0x4d7: {  	v5 =	vld [tilespmem:s21+$0xC0]  }
0x4d8: {  	v6 =	vadd.s32 v44, v3  }
0x4d9: {  	v7 =	vadd.s32 v45, v3;
	_ =	sdelay $0x1  }
0x4da: {  	v4 =	vadd.f32 v4, v0  }
0x4db: {  	v5 =	vadd.f32 v5, v1  }
0x4dc: {  	[tilespmem:v6+s31+$0x0] =	vst.idx.msk $0xffff, v4  }
0x4dd: {  	[tilespmem:v7+s31+$0x0] =	vst.idx.msk $0xffff, v5  }
0x4de: {  	v5 =	vld [tilespmem:s21+$0xD0]  }
0x4df: {  	v6 =	vld [tilespmem:s21+$0xE0]  }
0x4e0: {  	v7 =	vadd.s32 v46, v3  }
.Ltmp9:
0x4e1: {  	v4 =	vadd.s32 v47, v3;
	(pc) =	sbr.rel @p0 .LBB2_19-.Ltmp9, $4  }
0x4e2: {  	_ = 	snop  }
0x4e3: {  	v8 =	vadd.f32 v5, v0  }
0x4e4: {  	v5 =	vadd.f32 v6, v1  }
0x4e5: {  	[tilespmem:v7+s31+$0x0] =	vst.idx.msk $0xffff, v8  }
0x4e6: {  	_ =	sdelay $0x3  }
0x4e7: {  	[tilespmem:v4+s31+$0x0] =	vst.idx.msk $0xffff, v5  }
0x4e8: {  	v3 =	vld [tilespmem:s22+$0xFFFFFFF0]  }
0x4e9: {  	v4 =	vld [tilespmem:s22+$0x0]  }
0x4ea: {  	v5 =	vadd.s32 v48, v2  }
0x4eb: {  	v6 =	vadd.s32 v49, v2;
	_ =	sdelay $0x1  }
0x4ec: {  	v3 =	vadd.f32 v3, v0  }
0x4ed: {  	v4 =	vadd.f32 v4, v1  }
0x4ee: {  	[tilespmem:v5+s31+$0x0] =	vst.idx.msk $0xffff, v3  }
0x4ef: {  	[tilespmem:v6+s31+$0x0] =	vst.idx.msk $0xffff, v4  }
0x4f0: {  	v3 =	vld [tilespmem:s22+$0x10]  }
0x4f1: {  	v4 =	vld [tilespmem:s22+$0x20]  }
0x4f2: {  	v5 =	vadd.s32 v50, v2  }
0x4f3: {  	v6 =	vadd.s32 v51, v2;
	_ =	sdelay $0x1  }
0x4f4: {  	v3 =	vadd.f32 v3, v0  }
0x4f5: {  	v4 =	vadd.f32 v4, v1  }
0x4f6: {  	[tilespmem:v5+s31+$0x0] =	vst.idx.msk $0xffff, v3  }
0x4f7: {  	[tilespmem:v6+s31+$0x0] =	vst.idx.msk $0xffff, v4  }
0x4f8: {  	v3 =	vld [tilespmem:s22+$0x30]  }
0x4f9: {  	v4 =	vld [tilespmem:s22+$0x40]  }
0x4fa: {  	v5 =	vadd.s32 v52, v2  }
0x4fb: {  	v6 =	vadd.s32 v53, v2;
	_ =	sdelay $0x1  }
0x4fc: {  	v3 =	vadd.f32 v3, v0  }
0x4fd: {  	v4 =	vadd.f32 v4, v1  }
0x4fe: {  	[tilespmem:v5+s31+$0x0] =	vst.idx.msk $0xffff, v3  }
0x4ff: {  	[tilespmem:v6+s31+$0x0] =	vst.idx.msk $0xffff, v4  }
0x500: {  	v3 =	vld [tilespmem:s22+$0x50]  }
0x501: {  	v4 =	vld [tilespmem:s22+$0x60]  }
0x502: {  	v5 =	vadd.s32 v54, v2  }
0x503: {  	v6 =	vadd.s32 v55, v2;
	_ =	sdelay $0x1  }
0x504: {  	v3 =	vadd.f32 v3, v0  }
0x505: {  	v4 =	vadd.f32 v4, v1  }
0x506: {  	[tilespmem:v5+s31+$0x0] =	vst.idx.msk $0xffff, v3  }
0x507: {  	[tilespmem:v6+s31+$0x0] =	vst.idx.msk $0xffff, v4  }
0x508: {  	v3 =	vld [tilespmem:s22+$0x70]  }
0x509: {  	v4 =	vld [tilespmem:s22+$0x80]  }
0x50a: {  	v5 =	vadd.s32 v56, v2  }
0x50b: {  	v6 =	vadd.s32 v57, v2;
	_ =	sdelay $0x1  }
0x50c: {  	v3 =	vadd.f32 v3, v0  }
0x50d: {  	v4 =	vadd.f32 v4, v1  }
0x50e: {  	[tilespmem:v5+s31+$0x0] =	vst.idx.msk $0xffff, v3  }
0x50f: {  	[tilespmem:v6+s31+$0x0] =	vst.idx.msk $0xffff, v4  }
0x510: {  	v3 =	vld [tilespmem:s22+$0x90]  }
0x511: {  	v4 =	vld [tilespmem:s22+$0xA0]  }
0x512: {  	v5 =	vadd.s32 v58, v2  }
0x513: {  	v6 =	vadd.s32 v59, v2;
	_ =	sdelay $0x1  }
0x514: {  	v3 =	vadd.f32 v3, v0  }
0x515: {  	v4 =	vadd.f32 v4, v1  }
0x516: {  	[tilespmem:v5+s31+$0x0] =	vst.idx.msk $0xffff, v3  }
0x517: {  	[tilespmem:v6+s31+$0x0] =	vst.idx.msk $0xffff, v4  }
0x518: {  	v3 =	vld [tilespmem:s22+$0xB0]  }
0x519: {  	v4 =	vld [tilespmem:s22+$0xC0]  }
0x51a: {  	v5 =	vadd.s32 v60, v2  }
0x51b: {  	v6 =	vadd.s32 v61, v2;
	_ =	sdelay $0x1  }
0x51c: {  	v3 =	vadd.f32 v3, v0  }
0x51d: {  	v4 =	vadd.f32 v4, v1  }
0x51e: {  	[tilespmem:v5+s31+$0x0] =	vst.idx.msk $0xffff, v3  }
0x51f: {  	[tilespmem:v6+s31+$0x0] =	vst.idx.msk $0xffff, v4  }
0x520: {  	v3 =	vld [tilespmem:s22+$0xD0];
	_ =	sdelay $0x2  }
0x521: {  	v4 =	vld [tilespmem:s22+$0xE0]  }
0x522: {  	v5 =	vadd.s32 v62, v2  }
0x523: {  	v6 =	vadd.f32 v3, v0;
	v3 =	vadd.s32 v63, v2;
	_ =	sdelay $0x2  }
0x524: {  	v4 =	vadd.f32 v4, v1  }
0x525: {  	s21 =	simm.s32 $0x0;
	[tilespmem:v5+s31+$0x0] =	vst.idx.msk $0xffff, v6  }
.LBB2_21:
0x526: {  	s21 =	sadd.s32 $0x8, s21;
	[tilespmem:v3+s31+$0x0] =	vst.idx.msk $0xffff, v4;
	v2 =	vadd.s32 $0x8, v2;
	s22 =	sadd.s32 $0x100, s22  }
0x527: {  	v3 =	vld [tilespmem:s22+$0xFFFFFFF0];
	p0 =	slt.u32 s21, $0x78  }
0x528: {  	v4 =	vld [tilespmem:s22+$0x0]  }
0x529: {  	v5 =	vadd.s32 v48, v2  }
0x52a: {  	v6 =	vadd.s32 v49, v2;
	_ =	sdelay $0x1  }
0x52b: {  	v3 =	vadd.f32 v3, v0  }
0x52c: {  	v4 =	vadd.f32 v4, v1  }
0x52d: {  	[tilespmem:v5+s31+$0x0] =	vst.idx.msk $0xffff, v3  }
0x52e: {  	[tilespmem:v6+s31+$0x0] =	vst.idx.msk $0xffff, v4  }
0x52f: {  	v3 =	vld [tilespmem:s22+$0x10]  }
0x530: {  	v4 =	vld [tilespmem:s22+$0x20]  }
0x531: {  	v5 =	vadd.s32 v50, v2  }
0x532: {  	v6 =	vadd.s32 v51, v2;
	_ =	sdelay $0x1  }
0x533: {  	v3 =	vadd.f32 v3, v0  }
0x534: {  	v4 =	vadd.f32 v4, v1  }
0x535: {  	[tilespmem:v5+s31+$0x0] =	vst.idx.msk $0xffff, v3  }
0x536: {  	[tilespmem:v6+s31+$0x0] =	vst.idx.msk $0xffff, v4  }
0x537: {  	v3 =	vld [tilespmem:s22+$0x30]  }
0x538: {  	v4 =	vld [tilespmem:s22+$0x40]  }
0x539: {  	v5 =	vadd.s32 v52, v2  }
0x53a: {  	v6 =	vadd.s32 v53, v2;
	_ =	sdelay $0x1  }
0x53b: {  	v3 =	vadd.f32 v3, v0  }
0x53c: {  	v4 =	vadd.f32 v4, v1  }
0x53d: {  	[tilespmem:v5+s31+$0x0] =	vst.idx.msk $0xffff, v3  }
0x53e: {  	[tilespmem:v6+s31+$0x0] =	vst.idx.msk $0xffff, v4  }
0x53f: {  	v3 =	vld [tilespmem:s22+$0x50]  }
0x540: {  	v4 =	vld [tilespmem:s22+$0x60]  }
0x541: {  	v5 =	vadd.s32 v54, v2  }
0x542: {  	v6 =	vadd.s32 v55, v2;
	_ =	sdelay $0x1  }
0x543: {  	v3 =	vadd.f32 v3, v0  }
0x544: {  	v4 =	vadd.f32 v4, v1  }
0x545: {  	[tilespmem:v5+s31+$0x0] =	vst.idx.msk $0xffff, v3  }
0x546: {  	[tilespmem:v6+s31+$0x0] =	vst.idx.msk $0xffff, v4  }
0x547: {  	v3 =	vld [tilespmem:s22+$0x70]  }
0x548: {  	v4 =	vld [tilespmem:s22+$0x80]  }
0x549: {  	v5 =	vadd.s32 v56, v2  }
0x54a: {  	v6 =	vadd.s32 v57, v2;
	_ =	sdelay $0x1  }
0x54b: {  	v3 =	vadd.f32 v3, v0  }
0x54c: {  	v4 =	vadd.f32 v4, v1  }
0x54d: {  	[tilespmem:v5+s31+$0x0] =	vst.idx.msk $0xffff, v3  }
0x54e: {  	[tilespmem:v6+s31+$0x0] =	vst.idx.msk $0xffff, v4  }
0x54f: {  	v3 =	vld [tilespmem:s22+$0x90]  }
0x550: {  	v4 =	vld [tilespmem:s22+$0xA0]  }
0x551: {  	v5 =	vadd.s32 v58, v2  }
0x552: {  	v6 =	vadd.s32 v59, v2;
	_ =	sdelay $0x1  }
0x553: {  	v3 =	vadd.f32 v3, v0  }
0x554: {  	v4 =	vadd.f32 v4, v1  }
0x555: {  	[tilespmem:v5+s31+$0x0] =	vst.idx.msk $0xffff, v3  }
0x556: {  	[tilespmem:v6+s31+$0x0] =	vst.idx.msk $0xffff, v4  }
0x557: {  	v3 =	vld [tilespmem:s22+$0xB0]  }
0x558: {  	v4 =	vld [tilespmem:s22+$0xC0]  }
0x559: {  	v5 =	vadd.s32 v60, v2  }
0x55a: {  	v6 =	vadd.s32 v61, v2;
	_ =	sdelay $0x1  }
0x55b: {  	v3 =	vadd.f32 v3, v0  }
0x55c: {  	v4 =	vadd.f32 v4, v1  }
0x55d: {  	[tilespmem:v5+s31+$0x0] =	vst.idx.msk $0xffff, v3  }
0x55e: {  	[tilespmem:v6+s31+$0x0] =	vst.idx.msk $0xffff, v4  }
0x55f: {  	v4 =	vld [tilespmem:s22+$0xD0]  }
0x560: {  	v5 =	vld [tilespmem:s22+$0xE0]  }
0x561: {  	v6 =	vadd.s32 v62, v2  }
.Ltmp10:
0x562: {  	v3 =	vadd.s32 v63, v2;
	(pc) =	sbr.rel @p0 .LBB2_21-.Ltmp10, $4  }
0x563: {  	_ = 	snop  }
0x564: {  	v7 =	vadd.f32 v4, v0  }
0x565: {  	v4 =	vadd.f32 v5, v1  }
0x566: {  	[tilespmem:v6+s31+$0x0] =	vst.idx.msk $0xffff, v7  }
0x567: {  	s18 =	sadd.s32 s5, s18  }
0x568: {  	s18 =	sshll.u32 s18, $0x11  }
0x569: {  	s18 =	sor.u32 s8, s18  }
0x56a: {  	s18 =	sshrl.u32 s18, $0x3  }
0x56b: {  	[tilespmem:v3+s31+$0x0] =	vst.idx.msk $0xffff, v4;
	s21 =	sadd.s32 s2, s18  }
0x56c: {  	[hbm4b:s21+s3] =	stream.linear.scatter [tilespmem:s31], [sflag:$0x4], $0x80, $0x38;
	[tilespmem:$0x17440] =	vst v63  }
0x56d: {  	s23 =	simm.s32 $0x12A88;
	s22 =	sadd.s32 $0x10, s21  }
0x56e: {  	[hbm4b:s22+s3] =	stream.linear.scatter [tilespmem:s23], [sflag:$0x4], $0x80, $0x38;
	[tilespmem:$0x17440] =	vst v63  }
0x56f: {  	s24 =	simm.s32 $0x12B10;
	s23 =	sadd.s32 $0x20, s21  }
0x570: {  	[hbm4b:s23+s3] =	stream.linear.scatter [tilespmem:s24], [sflag:$0x4], $0x80, $0x38;
	[tilespmem:$0x17440] =	vst v63  }
0x571: {  	s23 =	sadd.s32 $0x30, s21;
	s24 =	simm.s32 $0x12B98  }
0x572: {  	[hbm4b:s23+s3] =	stream.linear.scatter [tilespmem:s24], [sflag:$0x4], $0x80, $0x38;
	[tilespmem:$0x17440] =	vst v63  }
0x573: {  	s23 =	sadd.s32 $0x40, s21;
	s24 =	simm.s32 $0x12C20  }
0x574: {  	[hbm4b:s23+s3] =	stream.linear.scatter [tilespmem:s24], [sflag:$0x4], $0x80, $0x38;
	[tilespmem:$0x17440] =	vst v63  }
0x575: {  	s23 =	sadd.s32 $0x50, s21;
	s24 =	simm.s32 $0x12CA8  }
0x576: {  	[hbm4b:s23+s3] =	stream.linear.scatter [tilespmem:s24], [sflag:$0x4], $0x80, $0x38;
	[tilespmem:$0x17440] =	vst v63  }
0x577: {  	s23 =	sadd.s32 $0x60, s21;
	s24 =	simm.s32 $0x12D30  }
0x578: {  	[hbm4b:s23+s3] =	stream.linear.scatter [tilespmem:s24], [sflag:$0x4], $0x80, $0x38;
	[tilespmem:$0x17440] =	vst v63  }
0x579: {  	s23 =	sadd.s32 $0x70, s21;
	s24 =	simm.s32 $0x12DB8  }
0x57a: {  	[hbm4b:s23+s3] =	stream.linear.scatter [tilespmem:s24], [sflag:$0x4], $0x80, $0x38;
	[tilespmem:$0x17440] =	vst v63  }
0x57b: {  	s23 =	sadd.s32 $0x80, s21;
	s24 =	simm.s32 $0x13B00  }
0x57c: {  	[hbm4b:s23+s3] =	stream.linear.scatter [tilespmem:s24], [sflag:$0x4], $0x80, $0x38;
	[tilespmem:$0x17440] =	vst v63  }
0x57d: {  	s23 =	sadd.s32 $0x90, s21;
	s24 =	simm.s32 $0x13B88  }
0x57e: {  	[hbm4b:s23+s3] =	stream.linear.scatter [tilespmem:s24], [sflag:$0x4], $0x80, $0x38;
	[tilespmem:$0x17440] =	vst v63  }
0x57f: {  	s23 =	sadd.s32 $0xA0, s21;
	s24 =	simm.s32 $0x13C10  }
0x580: {  	[hbm4b:s23+s3] =	stream.linear.scatter [tilespmem:s24], [sflag:$0x4], $0x80, $0x38;
	[tilespmem:$0x17440] =	vst v63  }
0x581: {  	s23 =	sadd.s32 $0xB0, s21;
	s24 =	simm.s32 $0x13C98  }
0x582: {  	[hbm4b:s23+s3] =	stream.linear.scatter [tilespmem:s24], [sflag:$0x4], $0x80, $0x38;
	[tilespmem:$0x17440] =	vst v63  }
0x583: {  	s23 =	sadd.s32 $0xC0, s21;
	s24 =	simm.s32 $0x13D20  }
0x584: {  	[hbm4b:s23+s3] =	stream.linear.scatter [tilespmem:s24], [sflag:$0x4], $0x80, $0x38;
	[tilespmem:$0x17440] =	vst v63  }
0x585: {  	s23 =	sadd.s32 $0xD0, s21;
	s24 =	simm.s32 $0x13DA8  }
0x586: {  	[hbm4b:s23+s3] =	stream.linear.scatter [tilespmem:s24], [sflag:$0x4], $0x80, $0x38;
	[tilespmem:$0x17440] =	vst v63  }
0x587: {  	s23 =	sadd.s32 $0xE0, s21;
	s24 =	simm.s32 $0x13E30  }
0x588: {  	[hbm4b:s23+s3] =	stream.linear.scatter [tilespmem:s24], [sflag:$0x4], $0x80, $0x38;
	[tilespmem:$0x17440] =	vst v63  }
0x589: {  	s23 =	sadd.s32 $0xF0, s21;
	s24 =	simm.s32 $0x13EB8  }
0x58a: {  	[hbm4b:s23+s3] =	stream.linear.scatter [tilespmem:s24], [sflag:$0x4], $0x80, $0x38;
	[tilespmem:$0x17440] =	vst v63  }
0x58b: {  	s23 =	sadd.s32 $0x100, s21;
	s24 =	simm.s32 $0x14C00  }
0x58c: {  	[hbm4b:s23+s3] =	stream.linear.scatter [tilespmem:s24], [sflag:$0x4], $0x80, $0x38;
	[tilespmem:$0x17440] =	vst v63  }
0x58d: {  	s23 =	sadd.s32 $0x110, s21;
	s24 =	simm.s32 $0x14C88  }
0x58e: {  	[hbm4b:s23+s3] =	stream.linear.scatter [tilespmem:s24], [sflag:$0x4], $0x80, $0x38;
	[tilespmem:$0x17440] =	vst v63  }
0x58f: {  	s23 =	sadd.s32 $0x120, s21;
	s24 =	simm.s32 $0x14D10  }
0x590: {  	[hbm4b:s23+s3] =	stream.linear.scatter [tilespmem:s24], [sflag:$0x4], $0x80, $0x38;
	[tilespmem:$0x17440] =	vst v63  }
0x591: {  	s23 =	sadd.s32 $0x130, s21;
	s24 =	simm.s32 $0x14D98  }
0x592: {  	[hbm4b:s23+s3] =	stream.linear.scatter [tilespmem:s24], [sflag:$0x4], $0x80, $0x38;
	[tilespmem:$0x17440] =	vst v63  }
0x593: {  	s23 =	sadd.s32 $0x140, s21;
	s24 =	simm.s32 $0x14E20  }
0x594: {  	[hbm4b:s23+s3] =	stream.linear.scatter [tilespmem:s24], [sflag:$0x4], $0x80, $0x38;
	[tilespmem:$0x17440] =	vst v63  }
0x595: {  	s23 =	sadd.s32 $0x150, s21;
	s24 =	simm.s32 $0x14EA8  }
0x596: {  	[hbm4b:s23+s3] =	stream.linear.scatter [tilespmem:s24], [sflag:$0x4], $0x80, $0x38;
	[tilespmem:$0x17440] =	vst v63  }
0x597: {  	s23 =	sadd.s32 $0x160, s21;
	s24 =	simm.s32 $0x14F30  }
0x598: {  	[hbm4b:s23+s3] =	stream.linear.scatter [tilespmem:s24], [sflag:$0x4], $0x80, $0x38;
	[tilespmem:$0x17440] =	vst v63  }
0x599: {  	s23 =	sadd.s32 $0x170, s21;
	s24 =	simm.s32 $0x14FB8  }
0x59a: {  	[hbm4b:s23+s3] =	stream.linear.scatter [tilespmem:s24], [sflag:$0x4], $0x80, $0x38;
	[tilespmem:$0x17440] =	vst v63  }
0x59b: {  	s23 =	sadd.s32 $0x180, s21;
	s24 =	simm.s32 $0x15D00  }
0x59c: {  	[hbm4b:s23+s3] =	stream.linear.scatter [tilespmem:s24], [sflag:$0x4], $0x80, $0x38;
	[tilespmem:$0x17440] =	vst v63  }
0x59d: {  	s23 =	sadd.s32 $0x190, s21;
	s24 =	simm.s32 $0x15D88  }
0x59e: {  	[hbm4b:s23+s3] =	stream.linear.scatter [tilespmem:s24], [sflag:$0x4], $0x80, $0x38;
	[tilespmem:$0x17440] =	vst v63  }
0x59f: {  	s23 =	sadd.s32 $0x1A0, s21;
	s24 =	simm.s32 $0x15E10  }
0x5a0: {  	[hbm4b:s23+s3] =	stream.linear.scatter [tilespmem:s24], [sflag:$0x4], $0x80, $0x38;
	[tilespmem:$0x17440] =	vst v63  }
0x5a1: {  	s23 =	sadd.s32 $0x1B0, s21;
	s24 =	simm.s32 $0x15E98  }
0x5a2: {  	[hbm4b:s23+s3] =	stream.linear.scatter [tilespmem:s24], [sflag:$0x4], $0x80, $0x38;
	[tilespmem:$0x17440] =	vst v63  }
0x5a3: {  	s23 =	sadd.s32 $0x1C0, s21;
	s24 =	simm.s32 $0x15F20  }
0x5a4: {  	[hbm4b:s23+s3] =	stream.linear.scatter [tilespmem:s24], [sflag:$0x4], $0x80, $0x38;
	[tilespmem:$0x17440] =	vst v63  }
0x5a5: {  	s23 =	sadd.s32 $0x1D0, s21;
	s24 =	simm.s32 $0x15FA8  }
0x5a6: {  	[hbm4b:s23+s3] =	stream.linear.scatter [tilespmem:s24], [sflag:$0x4], $0x80, $0x38;
	[tilespmem:$0x17440] =	vst v63  }
0x5a7: {  	s23 =	sadd.s32 $0x1E0, s21;
	s24 =	simm.s32 $0x16030  }
0x5a8: {  	[hbm4b:s23+s3] =	stream.linear.scatter [tilespmem:s24], [sflag:$0x4], $0x80, $0x38;
	[tilespmem:$0x17440] =	vst v63  }
0x5a9: {  	s21 =	sadd.s32 $0x1F0, s21;
	s23 =	simm.s32 $0x160B8  }
0x5aa: {  	[hbm4b:s21+s3] =	stream.linear.scatter [tilespmem:s23], [sflag:$0x4], $0x80, $0x38;
	[tilespmem:$0x17440] =	vst v63  }
0x5ab: {  	s24 =	simm.s32 $0x12E40;
	s21 =	sadd.s32 s18, s9  }
0x5ac: {  	[hbm4b:s21+s3] =	stream.linear.scatter [tilespmem:s24], [sflag:$0x4], $0x80, $0x38;
	[tilespmem:$0x17440] =	vst v63  }
0x5ad: {  	s23 =	sadd.s32 $0x10, s21;
	s24 =	simm.s32 $0x12EC8  }
0x5ae: {  	[hbm4b:s23+s3] =	stream.linear.scatter [tilespmem:s24], [sflag:$0x4], $0x80, $0x38;
	[tilespmem:$0x17440] =	vst v63  }
0x5af: {  	s23 =	sadd.s32 $0x20, s21;
	s24 =	simm.s32 $0x12F50  }
0x5b0: {  	[hbm4b:s23+s3] =	stream.linear.scatter [tilespmem:s24], [sflag:$0x4], $0x80, $0x38;
	[tilespmem:$0x17440] =	vst v63  }
0x5b1: {  	s23 =	sadd.s32 $0x30, s21;
	s24 =	simm.s32 $0x12FD8  }
0x5b2: {  	[hbm4b:s23+s3] =	stream.linear.scatter [tilespmem:s24], [sflag:$0x4], $0x80, $0x38;
	[tilespmem:$0x17440] =	vst v63  }
0x5b3: {  	s23 =	sadd.s32 $0x40, s21;
	s24 =	simm.s32 $0x13060  }
0x5b4: {  	[hbm4b:s23+s3] =	stream.linear.scatter [tilespmem:s24], [sflag:$0x4], $0x80, $0x38;
	[tilespmem:$0x17440] =	vst v63  }
0x5b5: {  	s23 =	sadd.s32 $0x50, s21;
	s24 =	simm.s32 $0x130E8  }
0x5b6: {  	[hbm4b:s23+s3] =	stream.linear.scatter [tilespmem:s24], [sflag:$0x4], $0x80, $0x38;
	[tilespmem:$0x17440] =	vst v63  }
0x5b7: {  	s23 =	sadd.s32 $0x60, s21;
	s24 =	simm.s32 $0x13170  }
0x5b8: {  	[hbm4b:s23+s3] =	stream.linear.scatter [tilespmem:s24], [sflag:$0x4], $0x80, $0x38;
	[tilespmem:$0x17440] =	vst v63  }
0x5b9: {  	s23 =	sadd.s32 $0x70, s21;
	s24 =	simm.s32 $0x131F8  }
0x5ba: {  	[hbm4b:s23+s3] =	stream.linear.scatter [tilespmem:s24], [sflag:$0x4], $0x80, $0x38;
	[tilespmem:$0x17440] =	vst v63  }
0x5bb: {  	s23 =	sadd.s32 $0x80, s21;
	s24 =	simm.s32 $0x13F40  }
0x5bc: {  	[hbm4b:s23+s3] =	stream.linear.scatter [tilespmem:s24], [sflag:$0x4], $0x80, $0x38;
	[tilespmem:$0x17440] =	vst v63  }
0x5bd: {  	s23 =	sadd.s32 $0x90, s21;
	s24 =	simm.s32 $0x13FC8  }
0x5be: {  	[hbm4b:s23+s3] =	stream.linear.scatter [tilespmem:s24], [sflag:$0x4], $0x80, $0x38;
	[tilespmem:$0x17440] =	vst v63  }
0x5bf: {  	s23 =	sadd.s32 $0xA0, s21;
	s24 =	simm.s32 $0x14050  }
0x5c0: {  	[hbm4b:s23+s3] =	stream.linear.scatter [tilespmem:s24], [sflag:$0x4], $0x80, $0x38;
	[tilespmem:$0x17440] =	vst v63  }
0x5c1: {  	s23 =	sadd.s32 $0xB0, s21;
	s24 =	simm.s32 $0x140D8  }
0x5c2: {  	[hbm4b:s23+s3] =	stream.linear.scatter [tilespmem:s24], [sflag:$0x4], $0x80, $0x38;
	[tilespmem:$0x17440] =	vst v63  }
0x5c3: {  	s23 =	sadd.s32 $0xC0, s21;
	s24 =	simm.s32 $0x14160  }
0x5c4: {  	[hbm4b:s23+s3] =	stream.linear.scatter [tilespmem:s24], [sflag:$0x4], $0x80, $0x38;
	[tilespmem:$0x17440] =	vst v63  }
0x5c5: {  	s23 =	sadd.s32 $0xD0, s21;
	s24 =	simm.s32 $0x141E8  }
0x5c6: {  	[hbm4b:s23+s3] =	stream.linear.scatter [tilespmem:s24], [sflag:$0x4], $0x80, $0x38;
	[tilespmem:$0x17440] =	vst v63  }
0x5c7: {  	s23 =	sadd.s32 $0xE0, s21;
	s24 =	simm.s32 $0x14270  }
0x5c8: {  	[hbm4b:s23+s3] =	stream.linear.scatter [tilespmem:s24], [sflag:$0x4], $0x80, $0x38;
	[tilespmem:$0x17440] =	vst v63  }
0x5c9: {  	s23 =	sadd.s32 $0xF0, s21;
	s24 =	simm.s32 $0x142F8  }
0x5ca: {  	[hbm4b:s23+s3] =	stream.linear.scatter [tilespmem:s24], [sflag:$0x4], $0x80, $0x38;
	[tilespmem:$0x17440] =	vst v63  }
0x5cb: {  	s23 =	sadd.s32 $0x100, s21;
	s24 =	simm.s32 $0x15040  }
0x5cc: {  	[hbm4b:s23+s3] =	stream.linear.scatter [tilespmem:s24], [sflag:$0x4], $0x80, $0x38;
	[tilespmem:$0x17440] =	vst v63  }
0x5cd: {  	s23 =	sadd.s32 $0x110, s21;
	s24 =	simm.s32 $0x150C8  }
0x5ce: {  	[hbm4b:s23+s3] =	stream.linear.scatter [tilespmem:s24], [sflag:$0x4], $0x80, $0x38;
	[tilespmem:$0x17440] =	vst v63  }
0x5cf: {  	s23 =	sadd.s32 $0x120, s21;
	s24 =	simm.s32 $0x15150  }
0x5d0: {  	[hbm4b:s23+s3] =	stream.linear.scatter [tilespmem:s24], [sflag:$0x4], $0x80, $0x38;
	[tilespmem:$0x17440] =	vst v63  }
0x5d1: {  	s23 =	sadd.s32 $0x130, s21;
	s24 =	simm.s32 $0x151D8  }
0x5d2: {  	[hbm4b:s23+s3] =	stream.linear.scatter [tilespmem:s24], [sflag:$0x4], $0x80, $0x38;
	[tilespmem:$0x17440] =	vst v63  }
0x5d3: {  	s23 =	sadd.s32 $0x140, s21;
	s24 =	simm.s32 $0x15260  }
0x5d4: {  	[hbm4b:s23+s3] =	stream.linear.scatter [tilespmem:s24], [sflag:$0x4], $0x80, $0x38;
	[tilespmem:$0x17440] =	vst v63  }
0x5d5: {  	s23 =	sadd.s32 $0x150, s21;
	s24 =	simm.s32 $0x152E8  }
0x5d6: {  	[hbm4b:s23+s3] =	stream.linear.scatter [tilespmem:s24], [sflag:$0x4], $0x80, $0x38;
	[tilespmem:$0x17440] =	vst v63  }
0x5d7: {  	s23 =	sadd.s32 $0x160, s21;
	s24 =	simm.s32 $0x15370  }
0x5d8: {  	[hbm4b:s23+s3] =	stream.linear.scatter [tilespmem:s24], [sflag:$0x4], $0x80, $0x38;
	[tilespmem:$0x17440] =	vst v63  }
0x5d9: {  	s23 =	sadd.s32 $0x170, s21;
	s24 =	simm.s32 $0x153F8  }
0x5da: {  	[hbm4b:s23+s3] =	stream.linear.scatter [tilespmem:s24], [sflag:$0x4], $0x80, $0x38;
	[tilespmem:$0x17440] =	vst v63  }
0x5db: {  	s23 =	sadd.s32 $0x180, s21;
	s24 =	simm.s32 $0x16140  }
0x5dc: {  	[hbm4b:s23+s3] =	stream.linear.scatter [tilespmem:s24], [sflag:$0x4], $0x80, $0x38;
	[tilespmem:$0x17440] =	vst v63  }
0x5dd: {  	s23 =	sadd.s32 $0x190, s21;
	s24 =	simm.s32 $0x161C8  }
0x5de: {  	[hbm4b:s23+s3] =	stream.linear.scatter [tilespmem:s24], [sflag:$0x4], $0x80, $0x38;
	[tilespmem:$0x17440] =	vst v63  }
0x5df: {  	s23 =	sadd.s32 $0x1A0, s21;
	s24 =	simm.s32 $0x16250  }
0x5e0: {  	[hbm4b:s23+s3] =	stream.linear.scatter [tilespmem:s24], [sflag:$0x4], $0x80, $0x38;
	[tilespmem:$0x17440] =	vst v63  }
0x5e1: {  	s23 =	sadd.s32 $0x1B0, s21;
	s24 =	simm.s32 $0x162D8  }
0x5e2: {  	[hbm4b:s23+s3] =	stream.linear.scatter [tilespmem:s24], [sflag:$0x4], $0x80, $0x38;
	[tilespmem:$0x17440] =	vst v63  }
0x5e3: {  	s23 =	sadd.s32 $0x1C0, s21;
	s24 =	simm.s32 $0x16360  }
0x5e4: {  	[hbm4b:s23+s3] =	stream.linear.scatter [tilespmem:s24], [sflag:$0x4], $0x80, $0x38;
	[tilespmem:$0x17440] =	vst v63  }
0x5e5: {  	s24 =	sadd.s32 $0x1D0, s21  }
0x5e6: {  	[hbm4b:s24+s3] =	stream.linear.scatter [tilespmem:s28], [sflag:$0x4], $0x80, $0x38;
	[tilespmem:$0x17440] =	vst v63  }
0x5e7: {  	s23 =	sadd.s32 $0x1E0, s21  }
0x5e8: {  	[hbm4b:s23+s3] =	stream.linear.scatter [tilespmem:s1], [sflag:$0x4], $0x80, $0x38;
	[tilespmem:$0x17440] =	vst v63  }
0x5e9: {  	s21 =	sadd.s32 $0x1F0, s21  }
0x5ea: {  	[hbm4b:s21+s3] =	stream.linear.scatter [tilespmem:s0], [sflag:$0x4], $0x80, $0x38;
	[tilespmem:$0x17440] =	vst v63  }
0x5eb: {  	s21 =	sadd.s32 s18, s10  }
0x5ec: {  	[hbm4b:s21+s3] =	stream.linear.scatter [tilespmem:s14], [sflag:$0x4], $0x80, $0x38;
	[tilespmem:$0x17440] =	vst v63  }
0x5ed: {  	s24 =	sadd.s32 $0x10, s21  }
0x5ee: {  	[hbm4b:s24+s3] =	stream.linear.scatter [tilespmem:s16], [sflag:$0x4], $0x80, $0x38;
	[tilespmem:$0x17440] =	vst v63  }
0x5ef: {  	s23 =	sadd.s32 $0x20, s21  }
0x5f0: {  	[hbm4b:s23+s3] =	stream.linear.scatter [tilespmem:s6], [sflag:$0x4], $0x80, $0x38;
	[tilespmem:$0x17440] =	vst v63  }
0x5f1: {  	s24 =	sadd.s32 $0x30, s21  }
0x5f2: {  	[hbm4b:s24+s3] =	stream.linear.scatter [tilespmem:s7], [sflag:$0x4], $0x80, $0x38;
	[tilespmem:$0x17440] =	vst v63  }
0x5f3: {  	s23 =	sadd.s32 $0x40, s21  }
0x5f4: {  	[hbm4b:s23+s3] =	stream.linear.scatter [tilespmem:s12], [sflag:$0x4], $0x80, $0x38;
	[tilespmem:$0x17440] =	vst v63  }
0x5f5: {  	s24 =	sadd.s32 $0x50, s21  }
0x5f6: {  	[hbm4b:s24+s3] =	stream.linear.scatter [tilespmem:s26], [sflag:$0x4], $0x80, $0x38;
	[tilespmem:$0x17440] =	vst v63  }
0x5f7: {  	s23 =	sadd.s32 $0x60, s21;
	s24 =	simm.s32 $0x135B0  }
0x5f8: {  	[hbm4b:s23+s3] =	stream.linear.scatter [tilespmem:s24], [sflag:$0x4], $0x80, $0x38;
	[tilespmem:$0x17440] =	vst v63  }
0x5f9: {  	s23 =	sadd.s32 $0x70, s21;
	s24 =	simm.s32 $0x13638  }
0x5fa: {  	[hbm4b:s23+s3] =	stream.linear.scatter [tilespmem:s24], [sflag:$0x4], $0x80, $0x38;
	[tilespmem:$0x17440] =	vst v63  }
0x5fb: {  	s23 =	sadd.s32 $0x80, s21;
	s24 =	simm.s32 $0x14380  }
0x5fc: {  	[hbm4b:s23+s3] =	stream.linear.scatter [tilespmem:s24], [sflag:$0x4], $0x80, $0x38;
	[tilespmem:$0x17440] =	vst v63  }
0x5fd: {  	s24 =	sadd.s32 $0x90, s21  }
0x5fe: {  	[hbm4b:s24+s3] =	stream.linear.scatter [tilespmem:s25], [sflag:$0x4], $0x80, $0x38;
	[tilespmem:$0x17440] =	vst v63  }
0x5ff: {  	s23 =	sadd.s32 $0xA0, s21;
	s24 =	simm.s32 $0x14490  }
0x600: {  	[hbm4b:s23+s3] =	stream.linear.scatter [tilespmem:s24], [sflag:$0x4], $0x80, $0x38;
	[tilespmem:$0x17440] =	vst v63  }
0x601: {  	s23 =	sadd.s32 $0xB0, s21;
	s24 =	simm.s32 $0x14518  }
0x602: {  	[hbm4b:s23+s3] =	stream.linear.scatter [tilespmem:s24], [sflag:$0x4], $0x80, $0x38;
	[tilespmem:$0x17440] =	vst v63  }
0x603: {  	s23 =	sadd.s32 $0xC0, s21;
	s24 =	simm.s32 $0x145A0  }
0x604: {  	[hbm4b:s23+s3] =	stream.linear.scatter [tilespmem:s24], [sflag:$0x4], $0x80, $0x38;
	[tilespmem:$0x17440] =	vst v63  }
0x605: {  	s23 =	sadd.s32 $0xD0, s21;
	s24 =	simm.s32 $0x14628  }
0x606: {  	[hbm4b:s23+s3] =	stream.linear.scatter [tilespmem:s24], [sflag:$0x4], $0x80, $0x38;
	[tilespmem:$0x17440] =	vst v63  }
0x607: {  	s23 =	sadd.s32 $0xE0, s21;
	s24 =	simm.s32 $0x146B0  }
0x608: {  	[hbm4b:s23+s3] =	stream.linear.scatter [tilespmem:s24], [sflag:$0x4], $0x80, $0x38;
	[tilespmem:$0x17440] =	vst v63  }
0x609: {  	s23 =	sadd.s32 $0xF0, s21;
	s24 =	simm.s32 $0x14738  }
0x60a: {  	[hbm4b:s23+s3] =	stream.linear.scatter [tilespmem:s24], [sflag:$0x4], $0x80, $0x38;
	[tilespmem:$0x17440] =	vst v63  }
0x60b: {  	s23 =	sadd.s32 $0x100, s21;
	s24 =	simm.s32 $0x15480  }
0x60c: {  	[hbm4b:s23+s3] =	stream.linear.scatter [tilespmem:s24], [sflag:$0x4], $0x80, $0x38;
	[tilespmem:$0x17440] =	vst v63  }
0x60d: {  	s23 =	sadd.s32 $0x110, s21;
	s24 =	simm.s32 $0x15508  }
0x60e: {  	[hbm4b:s23+s3] =	stream.linear.scatter [tilespmem:s24], [sflag:$0x4], $0x80, $0x38;
	[tilespmem:$0x17440] =	vst v63  }
0x60f: {  	s23 =	sadd.s32 $0x120, s21;
	s24 =	simm.s32 $0x15590  }
0x610: {  	[hbm4b:s23+s3] =	stream.linear.scatter [tilespmem:s24], [sflag:$0x4], $0x80, $0x38;
	[tilespmem:$0x17440] =	vst v63  }
0x611: {  	s23 =	sadd.s32 $0x130, s21;
	s24 =	simm.s32 $0x15618  }
0x612: {  	[hbm4b:s23+s3] =	stream.linear.scatter [tilespmem:s24], [sflag:$0x4], $0x80, $0x38;
	[tilespmem:$0x17440] =	vst v63  }
0x613: {  	s23 =	sadd.s32 $0x140, s21;
	s24 =	simm.s32 $0x156A0  }
0x614: {  	[hbm4b:s23+s3] =	stream.linear.scatter [tilespmem:s24], [sflag:$0x4], $0x80, $0x38;
	[tilespmem:$0x17440] =	vst v63  }
0x615: {  	s23 =	sadd.s32 $0x150, s21;
	s24 =	simm.s32 $0x15728  }
0x616: {  	[hbm4b:s23+s3] =	stream.linear.scatter [tilespmem:s24], [sflag:$0x4], $0x80, $0x38;
	[tilespmem:$0x17440] =	vst v63  }
0x617: {  	s23 =	sadd.s32 $0x160, s21;
	s24 =	simm.s32 $0x157B0  }
0x618: {  	[hbm4b:s23+s3] =	stream.linear.scatter [tilespmem:s24], [sflag:$0x4], $0x80, $0x38;
	[tilespmem:$0x17440] =	vst v63  }
0x619: {  	s23 =	sadd.s32 $0x170, s21;
	s24 =	simm.s32 $0x15838  }
0x61a: {  	[hbm4b:s23+s3] =	stream.linear.scatter [tilespmem:s24], [sflag:$0x4], $0x80, $0x38;
	[tilespmem:$0x17440] =	vst v63  }
0x61b: {  	s23 =	sadd.s32 $0x180, s21;
	s24 =	simm.s32 $0x16580  }
0x61c: {  	[hbm4b:s23+s3] =	stream.linear.scatter [tilespmem:s24], [sflag:$0x4], $0x80, $0x38;
	[tilespmem:$0x17440] =	vst v63  }
0x61d: {  	s23 =	sadd.s32 $0x190, s21;
	s24 =	simm.s32 $0x16608  }
0x61e: {  	[hbm4b:s23+s3] =	stream.linear.scatter [tilespmem:s24], [sflag:$0x4], $0x80, $0x38;
	[tilespmem:$0x17440] =	vst v63  }
0x61f: {  	s23 =	sadd.s32 $0x1A0, s21;
	s24 =	simm.s32 $0x16690  }
0x620: {  	[hbm4b:s23+s3] =	stream.linear.scatter [tilespmem:s24], [sflag:$0x4], $0x80, $0x38;
	[tilespmem:$0x17440] =	vst v63  }
0x621: {  	s23 =	sadd.s32 $0x1B0, s21;
	s24 =	simm.s32 $0x16718  }
0x622: {  	[hbm4b:s23+s3] =	stream.linear.scatter [tilespmem:s24], [sflag:$0x4], $0x80, $0x38;
	[tilespmem:$0x17440] =	vst v63  }
0x623: {  	s23 =	sadd.s32 $0x1C0, s21;
	s24 =	simm.s32 $0x167A0  }
0x624: {  	[hbm4b:s23+s3] =	stream.linear.scatter [tilespmem:s24], [sflag:$0x4], $0x80, $0x38;
	[tilespmem:$0x17440] =	vst v63  }
0x625: {  	s23 =	sadd.s32 $0x1D0, s21;
	s24 =	simm.s32 $0x16828  }
0x626: {  	[hbm4b:s23+s3] =	stream.linear.scatter [tilespmem:s24], [sflag:$0x4], $0x80, $0x38;
	[tilespmem:$0x17440] =	vst v63  }
0x627: {  	s23 =	sadd.s32 $0x1E0, s21;
	s24 =	simm.s32 $0x168B0  }
0x628: {  	[hbm4b:s23+s3] =	stream.linear.scatter [tilespmem:s24], [sflag:$0x4], $0x80, $0x38;
	[tilespmem:$0x17440] =	vst v63  }
0x629: {  	s21 =	sadd.s32 $0x1F0, s21;
	s24 =	simm.s32 $0x16938  }
0x62a: {  	[hbm4b:s21+s3] =	stream.linear.scatter [tilespmem:s24], [sflag:$0x4], $0x80, $0x38;
	[tilespmem:$0x17440] =	vst v63  }
0x62b: {  	s22 =	simm.s32 $0x136C0;
	s18 =	sadd.s32 s18, s11  }
0x62c: {  	[hbm4b:s18+s3] =	stream.linear.scatter [tilespmem:s22], [sflag:$0x4], $0x80, $0x38;
	[tilespmem:$0x17440] =	vst v63  }
0x62d: {  	s23 =	sadd.s32 $0x10, s18;
	s24 =	simm.s32 $0x13748  }
0x62e: {  	[hbm4b:s23+s3] =	stream.linear.scatter [tilespmem:s24], [sflag:$0x4], $0x80, $0x38;
	[tilespmem:$0x17440] =	vst v63  }
0x62f: {  	s23 =	sadd.s32 $0x20, s18;
	s24 =	simm.s32 $0x137D0  }
0x630: {  	[hbm4b:s23+s3] =	stream.linear.scatter [tilespmem:s24], [sflag:$0x4], $0x80, $0x38;
	[tilespmem:$0x17440] =	vst v63  }
0x631: {  	s23 =	sadd.s32 $0x30, s18;
	s24 =	simm.s32 $0x13858  }
0x632: {  	[hbm4b:s23+s3] =	stream.linear.scatter [tilespmem:s24], [sflag:$0x4], $0x80, $0x38;
	[tilespmem:$0x17440] =	vst v63  }
0x633: {  	s23 =	sadd.s32 $0x40, s18;
	s24 =	simm.s32 $0x138E0  }
0x634: {  	[hbm4b:s23+s3] =	stream.linear.scatter [tilespmem:s24], [sflag:$0x4], $0x80, $0x38;
	[tilespmem:$0x17440] =	vst v63  }
0x635: {  	s23 =	sadd.s32 $0x50, s18;
	s24 =	simm.s32 $0x13968  }
0x636: {  	[hbm4b:s23+s3] =	stream.linear.scatter [tilespmem:s24], [sflag:$0x4], $0x80, $0x38;
	[tilespmem:$0x17440] =	vst v63  }
0x637: {  	s23 =	sadd.s32 $0x60, s18;
	s24 =	simm.s32 $0x139F0  }
0x638: {  	[hbm4b:s23+s3] =	stream.linear.scatter [tilespmem:s24], [sflag:$0x4], $0x80, $0x38;
	[tilespmem:$0x17440] =	vst v63  }
0x639: {  	s23 =	sadd.s32 $0x70, s18;
	s24 =	simm.s32 $0x13A78  }
0x63a: {  	[hbm4b:s23+s3] =	stream.linear.scatter [tilespmem:s24], [sflag:$0x4], $0x80, $0x38;
	[tilespmem:$0x17440] =	vst v63  }
0x63b: {  	s23 =	sadd.s32 $0x80, s18;
	s24 =	simm.s32 $0x147C0  }
0x63c: {  	[hbm4b:s23+s3] =	stream.linear.scatter [tilespmem:s24], [sflag:$0x4], $0x80, $0x38;
	[tilespmem:$0x17440] =	vst v63  }
0x63d: {  	s23 =	sadd.s32 $0x90, s18;
	s24 =	simm.s32 $0x14848  }
0x63e: {  	[hbm4b:s23+s3] =	stream.linear.scatter [tilespmem:s24], [sflag:$0x4], $0x80, $0x38;
	[tilespmem:$0x17440] =	vst v63  }
0x63f: {  	s23 =	sadd.s32 $0xA0, s18;
	s24 =	simm.s32 $0x148D0  }
0x640: {  	[hbm4b:s23+s3] =	stream.linear.scatter [tilespmem:s24], [sflag:$0x4], $0x80, $0x38;
	[tilespmem:$0x17440] =	vst v63  }
0x641: {  	s23 =	sadd.s32 $0xB0, s18;
	s24 =	simm.s32 $0x14958  }
0x642: {  	[hbm4b:s23+s3] =	stream.linear.scatter [tilespmem:s24], [sflag:$0x4], $0x80, $0x38;
	[tilespmem:$0x17440] =	vst v63  }
0x643: {  	s23 =	sadd.s32 $0xC0, s18;
	s24 =	simm.s32 $0x149E0  }
0x644: {  	[hbm4b:s23+s3] =	stream.linear.scatter [tilespmem:s24], [sflag:$0x4], $0x80, $0x38;
	[tilespmem:$0x17440] =	vst v63  }
0x645: {  	s23 =	sadd.s32 $0xD0, s18;
	s24 =	simm.s32 $0x14A68  }
0x646: {  	[hbm4b:s23+s3] =	stream.linear.scatter [tilespmem:s24], [sflag:$0x4], $0x80, $0x38;
	[tilespmem:$0x17440] =	vst v63  }
0x647: {  	s23 =	sadd.s32 $0xE0, s18;
	s24 =	simm.s32 $0x14AF0  }
0x648: {  	[hbm4b:s23+s3] =	stream.linear.scatter [tilespmem:s24], [sflag:$0x4], $0x80, $0x38;
	[tilespmem:$0x17440] =	vst v63  }
0x649: {  	s23 =	sadd.s32 $0xF0, s18;
	s24 =	simm.s32 $0x14B78  }
0x64a: {  	[hbm4b:s23+s3] =	stream.linear.scatter [tilespmem:s24], [sflag:$0x4], $0x80, $0x38;
	[tilespmem:$0x17440] =	vst v63  }
0x64b: {  	s23 =	sadd.s32 $0x100, s18;
	s24 =	simm.s32 $0x158C0  }
0x64c: {  	[hbm4b:s23+s3] =	stream.linear.scatter [tilespmem:s24], [sflag:$0x4], $0x80, $0x38;
	[tilespmem:$0x17440] =	vst v63  }
0x64d: {  	s23 =	sadd.s32 $0x110, s18;
	s24 =	simm.s32 $0x15948  }
0x64e: {  	[hbm4b:s23+s3] =	stream.linear.scatter [tilespmem:s24], [sflag:$0x4], $0x80, $0x38;
	[tilespmem:$0x17440] =	vst v63  }
0x64f: {  	s23 =	sadd.s32 $0x120, s18;
	s24 =	simm.s32 $0x159D0  }
0x650: {  	[hbm4b:s23+s3] =	stream.linear.scatter [tilespmem:s24], [sflag:$0x4], $0x80, $0x38;
	[tilespmem:$0x17440] =	vst v63  }
0x651: {  	s23 =	sadd.s32 $0x130, s18;
	s24 =	simm.s32 $0x15A58  }
0x652: {  	[hbm4b:s23+s3] =	stream.linear.scatter [tilespmem:s24], [sflag:$0x4], $0x80, $0x38;
	[tilespmem:$0x17440] =	vst v63  }
0x653: {  	s23 =	sadd.s32 $0x140, s18;
	s24 =	simm.s32 $0x15AE0  }
0x654: {  	[hbm4b:s23+s3] =	stream.linear.scatter [tilespmem:s24], [sflag:$0x4], $0x80, $0x38;
	[tilespmem:$0x17440] =	vst v63  }
0x655: {  	s23 =	sadd.s32 $0x150, s18;
	s24 =	simm.s32 $0x15B68  }
0x656: {  	[hbm4b:s23+s3] =	stream.linear.scatter [tilespmem:s24], [sflag:$0x4], $0x80, $0x38;
	[tilespmem:$0x17440] =	vst v63  }
0x657: {  	s23 =	sadd.s32 $0x160, s18;
	s24 =	simm.s32 $0x15BF0  }
0x658: {  	[hbm4b:s23+s3] =	stream.linear.scatter [tilespmem:s24], [sflag:$0x4], $0x80, $0x38;
	[tilespmem:$0x17440] =	vst v63  }
0x659: {  	s23 =	sadd.s32 $0x170, s18;
	s24 =	simm.s32 $0x15C78  }
0x65a: {  	v9 =	vld [tilespmem:$0x1FEF0];
	[hbm4b:s23+s3] =	stream.linear.scatter [tilespmem:s24], [sflag:$0x4], $0x80, $0x38  }
0x65b: {  	v10 =	vld [tilespmem:$0x1FF00];
	s23 =	sadd.s32 $0x180, s18;
	s24 =	simm.s32 $0x169C0  }
0x65c: {  	v11 =	vld [tilespmem:$0x1FF10];
	[hbm4b:s23+s3] =	stream.linear.scatter [tilespmem:s24], [sflag:$0x4], $0x80, $0x38  }
0x65d: {  	v12 =	vld [tilespmem:$0x1FF20];
	s23 =	sadd.s32 $0x190, s18;
	s24 =	simm.s32 $0x16A48  }
0x65e: {  	v13 =	vld [tilespmem:$0x1FF30];
	[hbm4b:s23+s3] =	stream.linear.scatter [tilespmem:s24], [sflag:$0x4], $0x80, $0x38  }
0x65f: {  	v14 =	vld [tilespmem:$0x1FF40];
	s23 =	sadd.s32 $0x1A0, s18;
	s24 =	simm.s32 $0x16AD0  }
0x660: {  	v15 =	vld [tilespmem:$0x1FF50];
	[hbm4b:s23+s3] =	stream.linear.scatter [tilespmem:s24], [sflag:$0x4], $0x80, $0x38  }
0x661: {  	v16 =	vld [tilespmem:$0x1FF60];
	s23 =	sadd.s32 $0x1B0, s18;
	s24 =	simm.s32 $0x16B58  }
0x662: {  	v17 =	vld [tilespmem:$0x1FF70];
	[hbm4b:s23+s3] =	stream.linear.scatter [tilespmem:s24], [sflag:$0x4], $0x80, $0x38  }
0x663: {  	s17 =	sadd.s32 $0x1, s17;
	v18 =	vld [tilespmem:$0x1FF80];
	s23 =	sadd.s32 $0x1C0, s18;
	s24 =	simm.s32 $0x16BE0  }
0x664: {  	v19 =	vld [tilespmem:$0x1FF90];
	[hbm4b:s23+s3] =	stream.linear.scatter [tilespmem:s24], [sflag:$0x4], $0x80, $0x38  }
0x665: {  	v20 =	vld [tilespmem:$0x1FFA0];
	p0 =	sne.s32 s17, $0x19;
	s23 =	sadd.s32 $0x1D0, s18;
	s24 =	simm.s32 $0x16C68  }
0x666: {  	v21 =	vld [tilespmem:$0x1FFB0];
	[hbm4b:s23+s3] =	stream.linear.scatter [tilespmem:s24], [sflag:$0x4], $0x80, $0x38  }
.Ltmp11:
0x667: {  	v22 =	vld [tilespmem:$0x1FFC0];
	(pc) =	sbr.rel @p0 .LBB2_2-.Ltmp11, $4  }
0x668: {  	v23 =	vld [tilespmem:$0x1FFD0];
	s23 =	sadd.s32 $0x1E0, s18;
	s24 =	simm.s32 $0x16CF0  }
0x669: {  	v6 =	vld [tilespmem:$0x1FFE0];
	[hbm4b:s23+s3] =	stream.linear.scatter [tilespmem:s24], [sflag:$0x4], $0x80, $0x38  }
0x66a: {  	v7 =	vld [tilespmem:$0x1FFF0];
	s18 =	sadd.s32 $0x1F0, s18  }
0x66b: {  	v8 =	vmov v24;
	v24 =	vld [tilespmem:$0x1FEE0];
	[hbm4b:s18+s3] =	stream.linear.scatter [tilespmem:s15], [sflag:$0x4], $0x80, $0x38  }
0x66c: {  	s17 =	simm.s32 $0x3  }
0x66d: {  	_ =	swait.ge [sflag:s17], $0x1000  }
0x66e: {  	[sflag:s17] =	ssyncset.done $0x0  }
0x66f: {  	[sflag:s17] =	ssyncadd.s32 $0xFFFFF000  }
0x670: {  	_ =	swait.ge [sflag:s17], $0x1000  }
0x671: {  	[sflag:s17] =	ssyncset.done $0x0  }
0x672: {  	[sflag:s17] =	ssyncadd.s32 $0xFFFFF000  }
0x673: {  	_ =	swait.ge [sflag:s17], $0x1000  }
0x674: {  	[sflag:s17] =	ssyncset.done $0x0  }
0x675: {  	[sflag:s17] =	ssyncadd.s32 $0xFFFFF000  }
0x676: {  	_ =	swait.ge [sflag:s17], $0x1000  }
0x677: {  	[sflag:s17] =	ssyncset.done $0x0  }
0x678: {  	[sflag:s17] =	ssyncadd.s32 $0xFFFFF000  }
0x679: {  	_ =	swait.ge [sflag:s30], $0x1000  }
0x67a: {  	[sflag:s30] =	ssyncset.done $0x0  }
0x67b: {  	[sflag:s30] =	ssyncadd.s32 $0xFFFFF000  }
0x67c: {  	_ =	swait.ge [sflag:s30], $0x1000  }
0x67d: {  	[sflag:s30] =	ssyncset.done $0x0  }
0x67e: {  	[sflag:s30] =	ssyncadd.s32 $0xFFFFF000  }
0x67f: {  	_ =	swait.ge [sflag:s30], $0x1000  }
0x680: {  	[sflag:s30] =	ssyncset.done $0x0  }
0x681: {  	[sflag:s30] =	ssyncadd.s32 $0xFFFFF000  }
0x682: {  	_ =	swait.ge [sflag:s30], $0x1000  }
0x683: {  	s18 =	rddreg [dreg:$0x6]  }
0x684: {  	s24 =	rddreg [dreg:$0x5];
	s18 =	sadd.s32 $0x1, s18  }
0x685: {  	p0 =	sne.s32 s18, s24  }
.Ltmp12:
0x686: {  	_ = 	snop;
	(pc) =	sbr.rel @p0 .LBB2_1-.Ltmp12, $3  }
0x687: {  	_ =	sdelay $0x1  }
0x688: {  	[sflag:s30] =	ssyncset.done $0x0  }
0x689: {  	[sflag:s30] =	ssyncadd.s32 $0xFFFFF000  }
0x68a: {  	_ =	sfence.sel $0x180000  }
0x68b: {  	[bflag:$0x0] =	sbarrier.arrive $0xFFFF  }
0x68c: {  	_ =	strace $0x90000047  }
0x68d: {  	s0 =	stileid.u32;
	[bflag:$0x2] =	sbarrier.arrive $0xFFFF  }
0x68e: {  	p0 =	sne.s32 s0, $0x0;
	s0 =	rddreg [dreg:$0x2]  }
0x68f: {  	s0 =	sadd.s32 @!p0 $0x100000, s0  }
0x690: {  	[sflag:s0] =	ssyncadd.tile.s32 @!p0 $0x1;
	_ =	shalt  }
.Lfunc_end2:
_tile_overlayer_lowered:
.L_overlay_start_2:
0x691: {  	(tag) =	ssettag $0x2  }
0x692: {  	s0 =	rddreg [dreg:$0x0];
	s2 =	stileid.u32  }
0x693: {  	s1 =	rddreg [dreg:$0x1];
	p0 =	sne.s32 s2, $0x0  }
0x694: {  	s3 =	rddreg [dreg:$0x2];
	[bflag:$0x3] =	sbarrier.arrive $0xFFFF;
	s2 =	simm.s32 @!p0 $0x1C05  }
0x695: {  	[timem:s3], [sflag:s2] =	dma.local @!p0 [hbm:s0], s1  }
0x696: {  	s0 =	simm.s32 @!p0 $0x5  }
0x697: {  	_ =	swait.ge @!p0 [sflag:s0], s1  }
0x698: {  	s1 =	ssub.s32 @!p0 $0x0, s1;
	[sflag:s0] =	ssyncset.done @!p0 $0x0  }
0x699: {  	[sflag:s0] =	ssyncadd.s32 @!p0 s1  }
0x69a: {  	[bflag:$0x3] =	sbarrier.arrive $0xFFFF  }
0x69b: {  	_ =	shalt  }

</sc_bundles>
